<compile_context>
chip_gen: v7x
topology: tpu7x:2x2x1
jax: 0.10.2.dev20260603
libtpu: 0.0.44.dev20260713+nightly
codegen_flags: <defaults>
</compile_context>

<pallas_src>
import functools

import jax
import jax.numpy as jnp
from jax import lax
from jax.experimental import pallas as pl
from jax.experimental.pallas import tpu as pltpu
from jax.experimental.pallas import tpu_sc as plsc

_N = 10000
_D = 128
_E = 320000
_NC = 2
_NS = 16
_NW = _NC * _NS
_EPT = _E // _NW
_CH = 80
_NCH = _EPT // _CH
_NPAD = 10240
_RPT = _NPAD // _NS
_NSC = 5
_SCH = 25
_DW = 128

_mesh = plsc.VectorSubcoreMesh(core_axis_name="c", subcore_axis_name="s")



@functools.partial(
    pl.kernel,
    out_type=jax.ShapeDtypeStruct((_NC, _NPAD, _DW), jnp.float32),
    mesh=_mesh,
    scratch_types=[
        pltpu.VMEM((_NCH, _CH), jnp.int32),
        pltpu.VMEM((_CH, _DW), jnp.float32),
        pltpu.VMEM_SHARED((_NPAD, _DW), jnp.float32),
    ],
)
def _sc_degree(dst_hbm, ones_hbm, zrow_hbm, out_hbm, dst_v, ones_v, acc):
    c = lax.axis_index("c")
    s = lax.axis_index("s")
    wid = c * _NS + s
    pltpu.sync_copy(zrow_hbm, acc.at[pl.ds(s * _RPT, _RPT)])
    pltpu.sync_copy(ones_hbm, ones_v)
    pltpu.sync_copy(dst_hbm.at[wid], dst_v)
    plsc.subcore_barrier()

    def body(j, carry):
        pltpu.sync_copy(ones_v, acc.at[dst_v.at[j]], add=True)
        return carry

    lax.fori_loop(0, _NCH, body, 0)
    plsc.subcore_barrier()
    pltpu.sync_copy(acc.at[pl.ds(s * _RPT, _RPT)],
                    out_hbm.at[c, pl.ds(s * _RPT, _RPT)])


@functools.partial(
    pl.kernel,
    out_type=jax.ShapeDtypeStruct((_NC, _NPAD, _D), jnp.float32),
    mesh=_mesh,
    scratch_types=[
        pltpu.VMEM((_SCH, _CH), jnp.int32),
        pltpu.VMEM((_SCH, _CH), jnp.int32),
        pltpu.VMEM((_CH, _D), jnp.float32),
        pltpu.VMEM((_CH, _D), jnp.float32),
        pltpu.VMEM((_CH, _D), jnp.float32),
        pltpu.VMEM((_CH, _D), jnp.float32),
        pltpu.VMEM_SHARED((_NPAD, _D), jnp.float32),
        pltpu.SemaphoreType.DMA,
    ],
)
def _sc_scatter(g_hbm, src_hbm, dst_hbm, zeros_hbm, out_hbm,
                src_v, dst_v, buf0, buf1, buf2, buf3, acc, sem):
    c = lax.axis_index("c")
    s = lax.axis_index("s")
    wid = c * _NS + s
    pltpu.sync_copy(zeros_hbm, acc.at[pl.ds(s * _RPT, _RPT)])
    plsc.subcore_barrier()

    def outer(o, carry):
        pltpu.sync_copy(src_hbm.at[wid, o], src_v)
        pltpu.sync_copy(dst_hbm.at[wid, o], dst_v)

        def body(i, carry2):
            j0 = 4 * i
            pltpu.async_copy(g_hbm.at[src_v.at[j0]], buf0, sem)
            pltpu.async_copy(g_hbm.at[src_v.at[j0 + 1]], buf1, sem)
            pltpu.async_copy(g_hbm.at[src_v.at[j0 + 2]], buf2, sem)
            pltpu.async_copy(g_hbm.at[src_v.at[j0 + 3]], buf3, sem)
            pltpu.make_async_copy(g_hbm.at[src_v.at[j0]], buf0, sem).wait()
            pltpu.sync_copy(buf0, acc.at[dst_v.at[j0]], add=True)
            pltpu.make_async_copy(g_hbm.at[src_v.at[j0 + 1]], buf1, sem).wait()
            pltpu.sync_copy(buf1, acc.at[dst_v.at[j0 + 1]], add=True)
            pltpu.make_async_copy(g_hbm.at[src_v.at[j0 + 2]], buf2, sem).wait()
            pltpu.sync_copy(buf2, acc.at[dst_v.at[j0 + 2]], add=True)
            pltpu.make_async_copy(g_hbm.at[src_v.at[j0 + 3]], buf3, sem).wait()
            pltpu.sync_copy(buf3, acc.at[dst_v.at[j0 + 3]], add=True)
            return carry2

        lax.fori_loop(0, _SCH // 4, body, 0)
        pltpu.async_copy(g_hbm.at[src_v.at[_SCH - 1]], buf0, sem).wait()
        pltpu.sync_copy(buf0, acc.at[dst_v.at[_SCH - 1]], add=True)
        return carry

    lax.fori_loop(0, _NSC, outer, 0)
    plsc.subcore_barrier()
    pltpu.sync_copy(acc.at[pl.ds(s * _RPT, _RPT)],
                    out_hbm.at[c, pl.ds(s * _RPT, _RPT)])



_BN = 2000


def _dinv_of(degp):
    deg = degp[0, :, 0] + degp[1, :, 0] + 1.0
    return lax.rsqrt(deg)[:, None]


def _tc_h0_body(x, in_W, in_b, h_out):
    h_out[...] = jnp.maximum(
        jnp.dot(x[...], in_W[...], preferred_element_type=jnp.float32)
        + in_b[...], 0.0)


def _tc_g0_body(h, degp, W0, g_out, dinv_out):
    dinv = _dinv_of(degp[...])
    dinv_out[...] = dinv
    g_out[...] = jnp.dot(h[...], W0[...], preferred_element_type=jnp.float32) \
        * dinv


def _tc_mid_body(h, p, g, dinv_in, b, Wn, h_out, g_out):
    dinv = dinv_in[...]
    sfull = (p[0] + p[1] + g[...]) * dinv
    h_new = h[...] + jnp.maximum(sfull + b[...], 0.0)
    h_out[...] = h_new
    g_out[...] = jnp.dot(h_new, Wn[...], preferred_element_type=jnp.float32) \
        * dinv


def _tc_out_body(h, p, g, dinv_in, b, ln_g, ln_b, oW1, ob1, oW2, ob2, y_out):
    dinv = dinv_in[...]
    sfull = (p[0] + p[1] + g[...]) * dinv
    hh = h[...] + jnp.maximum(sfull + b[...], 0.0)
    mu = jnp.mean(hh, axis=-1, keepdims=True)
    var = jnp.mean((hh - mu) ** 2, axis=-1, keepdims=True)
    hh = (hh - mu) / jnp.sqrt(var + 1e-5) * ln_g[...] + ln_b[...]
    hh = jnp.maximum(
        jnp.dot(hh, oW1[...], preferred_element_type=jnp.float32) + ob1[...],
        0.0)
    y_out[...] = jnp.dot(hh, oW2[...], preferred_element_type=jnp.float32) \
        + ob2[...]


_row_spec = pl.BlockSpec((_BN, _D), lambda i: (i, 0))
_p_spec = pl.BlockSpec((_NC, _BN, _D), lambda i: (0, i, 0))
_degp_spec = pl.BlockSpec((_NC, _BN, _DW), lambda i: (0, i, 0))
_w_spec = pl.BlockSpec((_D, _D), lambda i: (0, 0))
_b_spec = pl.BlockSpec((1, _D), lambda i: (0, 0))

_f32 = jnp.float32
_GRID = (_N // _BN,)

_dinv_spec = pl.BlockSpec((_BN, 1), lambda i: (i, 0))

_tc_h0 = pl.pallas_call(
    _tc_h0_body,
    grid=_GRID,
    in_specs=[_row_spec, _w_spec, _b_spec],
    out_specs=_row_spec,
    out_shape=jax.ShapeDtypeStruct((_N, _D), _f32),
)

_tc_g0 = pl.pallas_call(
    _tc_g0_body,
    grid=_GRID,
    in_specs=[_row_spec, _degp_spec, _w_spec],
    out_specs=[_row_spec, _dinv_spec],
    out_shape=[jax.ShapeDtypeStruct((_N, _D), _f32),
               jax.ShapeDtypeStruct((_N, 1), _f32)],
)

_tc_mid = pl.pallas_call(
    _tc_mid_body,
    grid=_GRID,
    in_specs=[_row_spec, _p_spec, _row_spec, _dinv_spec, _b_spec, _w_spec],
    out_specs=[_row_spec, _row_spec],
    out_shape=[jax.ShapeDtypeStruct((_N, _D), _f32)] * 2,
)

_tc_out = pl.pallas_call(
    _tc_out_body,
    grid=_GRID,
    in_specs=[_row_spec, _p_spec, _row_spec, _dinv_spec, _b_spec,
              _b_spec, _b_spec, _w_spec, _b_spec,
              pl.BlockSpec((_D, 1), lambda i: (0, 0)),
              pl.BlockSpec((1, 1), lambda i: (0, 0))],
    out_specs=pl.BlockSpec((_BN, 1), lambda i: (i, 0)),
    out_shape=jax.ShapeDtypeStruct((_N, 1), _f32),
)



def kernel(x, edge_index, in_W, in_b, W0, b0, W1, b1, W2, b2, W3, b3,
           ln_g, ln_b, oW1, ob1, oW2, ob2):
    src3 = edge_index[0].astype(jnp.int32).reshape(_NW, _NCH, _CH)
    dst3 = edge_index[1].astype(jnp.int32).reshape(_NW, _NCH, _CH)
    src4 = src3.reshape(_NW, _NSC, _SCH, _CH)
    dst4 = dst3.reshape(_NW, _NSC, _SCH, _CH)
    ones_rows = jnp.ones((_CH, _DW), _f32)
    zrow = jnp.zeros((_RPT, _DW), _f32)
    zeros_slab = jnp.zeros((_RPT, _D), _f32)

    degp = _sc_degree(dst3, ones_rows, zrow)
    h = _tc_h0(x, in_W, in_b.reshape(1, _D))
    g, dinv = _tc_g0(h, degp, W0)
    for b, Wn in ((b0, W1), (b1, W2), (b2, W3)):
        p = _sc_scatter(g, src4, dst4, zeros_slab)
        h, g = _tc_mid(h, p, g, dinv, b.reshape(1, _D), Wn)
    p = _sc_scatter(g, src4, dst4, zeros_slab)
    y = _tc_out(h, p, g, dinv, b3.reshape(1, _D), ln_g.reshape(1, _D),
                ln_b.reshape(1, _D), oW1, ob1.reshape(1, _D),
                oW2, ob2.reshape(1, 1))
    return y[:, 0]

# --- scband reference (transcript-rebuilt; emitter-appended) ---
"""Pipeline reference for scband-resgnn-5394478923809 (READ-ONLY COPY).

The authoritative reference and input builder live on the scoring server;
editing this copy changes nothing except your own understanding.
"""

import jax, jax.numpy as jnp
import numpy as np

N = 10000
D = 128
E = 320000

def _gcn(h_in, src, dst, W, b):
    h = h_in @ W
    deg = jnp.zeros((N,), h.dtype).at[dst].add(1.0)
    dinv = jnp.where(deg > 0, 1.0 / jnp.sqrt(deg), 0.0)
    norm = dinv[src] * dinv[dst]
    msg = h[src] * norm[:, None]
    out = jnp.zeros((N, h.shape[1]), h.dtype).at[dst].add(msg)
    return out + b

def setup_inputs(seed: int = 0):
    key = jax.random.key(seed)
    ks = jax.random.split(key, 20)
    s = 0.05
    inp = {}
    inp['x'] = jax.random.normal(ks[0], (N, D), dtype=jnp.float32)
    inp['edge_index'] = jax.random.randint(ks[1], (2, E), 0, N)
    inp['in_W'] = jax.random.normal(ks[2], (D, D), dtype=jnp.float32) * s
    inp['in_b'] = jnp.zeros((D,), dtype=jnp.float32)
    inp['W0'] = jax.random.normal(ks[3], (D, D), dtype=jnp.float32) * s
    inp['b0'] = jnp.zeros((D,), dtype=jnp.float32)
    inp['W1'] = jax.random.normal(ks[4], (D, D), dtype=jnp.float32) * s
    inp['b1'] = jnp.zeros((D,), dtype=jnp.float32)
    inp['W2'] = jax.random.normal(ks[5], (D, D), dtype=jnp.float32) * s
    inp['b2'] = jnp.zeros((D,), dtype=jnp.float32)
    inp['W3'] = jax.random.normal(ks[6], (D, D), dtype=jnp.float32) * s
    inp['b3'] = jnp.zeros((D,), dtype=jnp.float32)
    inp['ln_g'] = jnp.ones((D,), dtype=jnp.float32)
    inp['ln_b'] = jnp.zeros((D,), dtype=jnp.float32)
    inp['oW1'] = jax.random.normal(ks[7], (D, D), dtype=jnp.float32) * s
    inp['ob1'] = jnp.zeros((D,), dtype=jnp.float32)
    inp['oW2'] = jax.random.normal(ks[8], (D, 1), dtype=jnp.float32) * s
    inp['ob2'] = jnp.zeros((1,), dtype=jnp.float32)
    return inp

def reference(x, edge_index, in_W, in_b, W0, b0, W1, b1, W2, b2, W3, b3, ln_g, ln_b, oW1, ob1, oW2, ob2):
    loops = jnp.arange(N, dtype=edge_index.dtype)
    src = jnp.concatenate([edge_index[0], loops])
    dst = jnp.concatenate([edge_index[1], loops])
    h = jnp.maximum(x @ in_W + in_b, 0.0)
    for W, b in ((W0, b0), (W1, b1), (W2, b2), (W3, b3)):
        Fx = jnp.maximum(_gcn(h, src, dst, W, b), 0.0)
        h = h + Fx
    mu = jnp.mean(h, axis=-1, keepdims=True)
    var = jnp.mean((h - mu) ** 2, axis=-1, keepdims=True)
    h = (h - mu) / jnp.sqrt(var + 1e-5) * ln_g + ln_b
    h = jnp.maximum(h @ oW1 + ob1, 0.0)
    h = h @ oW2 + ob2
    return jnp.squeeze(h, axis=1)

if __name__ == "__main__":
    import jax
    _d = setup_inputs()
    print(jax.jit(kernel)(*tuple(_d.values())))

</pallas_src>

<mosaic_0001>
#map = affine_map<(d0, d1) -> (0, 0, 0)>
#map1 = affine_map<(d0, d1) -> (0, 0)>
module attributes {stable_mosaic.version = 14 : i64} {
  func.func @_sc_degree(%arg0: i32, %arg1: i32, %arg2: memref<32x125x80xi32, #tpu.memory_space<hbm>>, %arg3: memref<80x128xf32, #tpu.memory_space<hbm>>, %arg4: memref<640x128xf32, #tpu.memory_space<hbm>>, %arg5: memref<2x10240x128xf32, #tpu.memory_space<hbm>>, %arg6: memref<125x80xi32, #tpu.memory_space<vmem>>, %arg7: memref<80x128xf32, #tpu.memory_space<vmem>>, %arg8: memref<10240x128xf32, #tpu.memory_space<vmem_shared>>) attributes {dimension_semantics = [#tpu.dimension_semantics<core_parallel>, #tpu.dimension_semantics<subcore_parallel>], iteration_bounds = array<i64: 2, 16>, scalar_prefetch = 0 : i64, scratch_operands = 3 : i64, tpu.core_type = #tpu.core_type<sc_vector_subcore>, window_params = [{transform_indices = #map}, {transform_indices = #map1}, {transform_indices = #map1}, {transform_indices = #map}]} {
    %mul3A = arith.constant 16 : i32
    %mul3A_0 = arith.muli %arg0, %mul3A : i32
    %add3A = arith.addi %mul3A_0, %arg1 : i32
    %mul3A_1 = arith.constant 640 : i32
    %mul3A_2 = arith.muli %arg1, %mul3A_1 : i32
    "tpu.region"() ({
      %run_scoped3A = tpu.sem_alloc : memref<!tpu.dma_semaphore, #tpu.memory_space<semaphore_mem>>
      %dma_start3A = arith.constant 0 : i32
      %dma_start3A_13 = tpu.memref_slice %arg8[%mul3A_2, %dma_start3A] : memref<10240x128xf32, #tpu.memory_space<vmem_shared>> -> memref<640x128xf32, #tpu.memory_space<vmem_shared>>
      tpu.enqueue_dma source(%arg4 : memref<640x128xf32, #tpu.memory_space<hbm>>) target(%dma_start3A_13 : memref<640x128xf32, #tpu.memory_space<vmem_shared>>) target_semaphore(%run_scoped3A : memref<!tpu.dma_semaphore, #tpu.memory_space<semaphore_mem>>)
      %dma_wait3A = arith.constant 0 : i32
      %dma_wait3A_14 = tpu.memref_slice %arg8[%mul3A_2, %dma_wait3A] : memref<10240x128xf32, #tpu.memory_space<vmem_shared>> -> memref<640x128xf32, #tpu.memory_space<vmem_shared>>
      tpu.wait_dma2 semaphore(%run_scoped3A : memref<!tpu.dma_semaphore, #tpu.memory_space<semaphore_mem>>) src(%arg4 : memref<640x128xf32, #tpu.memory_space<hbm>>) dst(%dma_wait3A_14 : memref<640x128xf32, #tpu.memory_space<vmem_shared>>)
      tpu.yield
    }) : () -> ()
    "tpu.region"() ({
      %run_scoped3A = tpu.sem_alloc : memref<!tpu.dma_semaphore, #tpu.memory_space<semaphore_mem>>
      tpu.enqueue_dma source(%arg3 : memref<80x128xf32, #tpu.memory_space<hbm>>) target(%arg7 : memref<80x128xf32, #tpu.memory_space<vmem>>) target_semaphore(%run_scoped3A : memref<!tpu.dma_semaphore, #tpu.memory_space<semaphore_mem>>)
      tpu.wait_dma2 semaphore(%run_scoped3A : memref<!tpu.dma_semaphore, #tpu.memory_space<semaphore_mem>>) src(%arg3 : memref<80x128xf32, #tpu.memory_space<hbm>>) dst(%arg7 : memref<80x128xf32, #tpu.memory_space<vmem>>)
      tpu.yield
    }) : () -> ()
    "tpu.region"() ({
      %run_scoped3A = tpu.sem_alloc : memref<!tpu.dma_semaphore, #tpu.memory_space<semaphore_mem>>
      %dma_start3A = arith.constant 0 : i32
      %dma_start3A_13 = arith.constant 0 : i32
      %dma_start3A_14 = tpu.memref_slice %arg2[%add3A, %dma_start3A, %dma_start3A_13] : memref<32x125x80xi32, #tpu.memory_space<hbm>> -> memref<1x125x80xi32, #tpu.memory_space<hbm>>
      %dma_start3A_15 = tpu.memref_squeeze %dma_start3A_14 : memref<1x125x80xi32, #tpu.memory_space<hbm>> -> memref<125x80xi32, #tpu.memory_space<hbm>>
      %dma_start3A_16 = arith.constant 0 : i32
      %dma_start3A_17 = arith.constant 0 : i32
      %dma_start3A_18 = tpu.memref_slice %arg2[%add3A, %dma_start3A_16, %dma_start3A_17] : memref<32x125x80xi32, #tpu.memory_space<hbm>> -> memref<1x125x80xi32, #tpu.memory_space<hbm>>
      %dma_start3A_19 = tpu.memref_squeeze %dma_start3A_18 : memref<1x125x80xi32, #tpu.memory_space<hbm>> -> memref<125x80xi32, #tpu.memory_space<hbm>>
      tpu.enqueue_dma source(%dma_start3A_19 : memref<125x80xi32, #tpu.memory_space<hbm>>) target(%arg6 : memref<125x80xi32, #tpu.memory_space<vmem>>) target_semaphore(%run_scoped3A : memref<!tpu.dma_semaphore, #tpu.memory_space<semaphore_mem>>)
      %dma_wait3A = arith.constant 0 : i32
      %dma_wait3A_20 = arith.constant 0 : i32
      %dma_wait3A_21 = tpu.memref_slice %arg2[%add3A, %dma_wait3A, %dma_wait3A_20] : memref<32x125x80xi32, #tpu.memory_space<hbm>> -> memref<1x125x80xi32, #tpu.memory_space<hbm>>
      %dma_wait3A_22 = tpu.memref_squeeze %dma_wait3A_21 : memref<1x125x80xi32, #tpu.memory_space<hbm>> -> memref<125x80xi32, #tpu.memory_space<hbm>>
      %dma_wait3A_23 = arith.constant 0 : i32
      %dma_wait3A_24 = arith.constant 0 : i32
      %dma_wait3A_25 = tpu.memref_slice %arg2[%add3A, %dma_wait3A_23, %dma_wait3A_24] : memref<32x125x80xi32, #tpu.memory_space<hbm>> -> memref<1x125x80xi32, #tpu.memory_space<hbm>>
      %dma_wait3A_26 = tpu.memref_squeeze %dma_wait3A_25 : memref<1x125x80xi32, #tpu.memory_space<hbm>> -> memref<125x80xi32, #tpu.memory_space<hbm>>
      tpu.wait_dma2 semaphore(%run_scoped3A : memref<!tpu.dma_semaphore, #tpu.memory_space<semaphore_mem>>) src(%dma_wait3A_26 : memref<125x80xi32, #tpu.memory_space<hbm>>) dst(%arg6 : memref<125x80xi32, #tpu.memory_space<vmem>>)
      tpu.yield
    }) : () -> ()
    %barrier3A = arith.constant 0 : index
    tpu.barrier barrier_id(%barrier3A)
    %scan3A = arith.constant 0 : i32
    %scan3A_3 = arith.constant 0 : i32
    %scan3A_4 = arith.constant 125 : i32
    %scan3A_5 = arith.addi %scan3A_3, %scan3A_4 : i32
    %scan3A_6 = arith.constant 1 : i32
    scf.for %scan3A_13 = %scan3A_3 to %scan3A_5 step %scan3A_6  : i32 {
      "tpu.region"() ({
        %run_scoped3A = tpu.sem_alloc : memref<!tpu.dma_semaphore, #tpu.memory_space<semaphore_mem>>
        %dma_start3A = arith.constant 0 : i32
        %dma_start3A_14 = tpu.memref_slice %arg6[%scan3A_13, %dma_start3A] : memref<125x80xi32, #tpu.memory_space<vmem>> -> memref<1x80xi32, #tpu.memory_space<vmem>>
        %dma_start3A_15 = tpu.memref_squeeze %dma_start3A_14 : memref<1x80xi32, #tpu.memory_space<vmem>> -> memref<80xi32, #tpu.memory_space<vmem>>
        %dma_start3A_16 = arith.constant 0 : i32
        %dma_start3A_17 = arith.constant 0 : i32
        %dma_start3A_18 = tpu.memref_slice %arg8[%dma_start3A_16, %dma_start3A_17] : memref<10240x128xf32, #tpu.memory_space<vmem_shared>> -> memref<10240x128xf32, #tpu.memory_space<vmem_shared>>
        tpu.enqueue_indirect_dma source(%arg7 : memref<80x128xf32, #tpu.memory_space<vmem>>) target(%dma_start3A_18 : memref<10240x128xf32, #tpu.memory_space<vmem_shared>>) offsets(%dma_start3A_15 : memref<80xi32, #tpu.memory_space<vmem>>) semaphore(%run_scoped3A : memref<!tpu.dma_semaphore, #tpu.memory_space<semaphore_mem>>) {add = true}
        %dma_wait3A = arith.constant 0 : i32
        %dma_wait3A_19 = tpu.memref_slice %arg6[%scan3A_13, %dma_wait3A] : memref<125x80xi32, #tpu.memory_space<vmem>> -> memref<1x80xi32, #tpu.memory_space<vmem>>
        %dma_wait3A_20 = tpu.memref_squeeze %dma_wait3A_19 : memref<1x80xi32, #tpu.memory_space<vmem>> -> memref<80xi32, #tpu.memory_space<vmem>>
        %dma_wait3A_21 = arith.constant 0 : i32
        %dma_wait3A_22 = arith.constant 0 : i32
        %dma_wait3A_23 = tpu.memref_slice %arg8[%dma_wait3A_21, %dma_wait3A_22] : memref<10240x128xf32, #tpu.memory_space<vmem_shared>> -> memref<10240x128xf32, #tpu.memory_space<vmem_shared>>
        tpu.wait_indirect_dma semaphore(%run_scoped3A : memref<!tpu.dma_semaphore, #tpu.memory_space<semaphore_mem>>) src(%arg7 : memref<80x128xf32, #tpu.memory_space<vmem>>) dst(%dma_wait3A_23 : memref<10240x128xf32, #tpu.memory_space<vmem_shared>>)
        tpu.yield
      }) : () -> ()
    }
    %scan3A_7 = arith.constant 125 : i32
    %barrier3A_8 = arith.constant 0 : index
    tpu.barrier barrier_id(%barrier3A_8)
    %mul3A_9 = arith.constant 640 : i32
    %mul3A_10 = arith.muli %arg1, %mul3A_9 : i32
    %mul3A_11 = arith.constant 640 : i32
    %mul3A_12 = arith.muli %arg1, %mul3A_11 : i32
    "tpu.region"() ({
      %run_scoped3A = tpu.sem_alloc : memref<!tpu.dma_semaphore, #tpu.memory_space<semaphore_mem>>
      %dma_start3A = arith.constant 0 : i32
      %dma_start3A_13 = tpu.memref_slice %arg5[%arg0, %mul3A_12, %dma_start3A] : memref<2x10240x128xf32, #tpu.memory_space<hbm>> -> memref<1x640x128xf32, #tpu.memory_space<hbm>>
      %dma_start3A_14 = tpu.memref_squeeze %dma_start3A_13 : memref<1x640x128xf32, #tpu.memory_space<hbm>> -> memref<640x128xf32, #tpu.memory_space<hbm>>
      %dma_start3A_15 = arith.constant 0 : i32
      %dma_start3A_16 = tpu.memref_slice %arg8[%mul3A_10, %dma_start3A_15] : memref<10240x128xf32, #tpu.memory_space<vmem_shared>> -> memref<640x128xf32, #tpu.memory_space<vmem_shared>>
      tpu.enqueue_dma source(%dma_start3A_16 : memref<640x128xf32, #tpu.memory_space<vmem_shared>>) target(%dma_start3A_14 : memref<640x128xf32, #tpu.memory_space<hbm>>) target_semaphore(%run_scoped3A : memref<!tpu.dma_semaphore, #tpu.memory_space<semaphore_mem>>)
      %dma_wait3A = arith.constant 0 : i32
      %dma_wait3A_17 = tpu.memref_slice %arg5[%arg0, %mul3A_12, %dma_wait3A] : memref<2x10240x128xf32, #tpu.memory_space<hbm>> -> memref<1x640x128xf32, #tpu.memory_space<hbm>>
      %dma_wait3A_18 = tpu.memref_squeeze %dma_wait3A_17 : memref<1x640x128xf32, #tpu.memory_space<hbm>> -> memref<640x128xf32, #tpu.memory_space<hbm>>
      %dma_wait3A_19 = arith.constant 0 : i32
      %dma_wait3A_20 = tpu.memref_slice %arg8[%mul3A_10, %dma_wait3A_19] : memref<10240x128xf32, #tpu.memory_space<vmem_shared>> -> memref<640x128xf32, #tpu.memory_space<vmem_shared>>
      tpu.wait_dma2 semaphore(%run_scoped3A : memref<!tpu.dma_semaphore, #tpu.memory_space<semaphore_mem>>) src(%dma_wait3A_20 : memref<640x128xf32, #tpu.memory_space<vmem_shared>>) dst(%dma_wait3A_18 : memref<640x128xf32, #tpu.memory_space<hbm>>)
      tpu.yield
    }) : () -> ()
    return
  }
}

#map = affine_map<(d0, d1) -> (0, 0)>
#map1 = affine_map<(d0, d1) -> (0, 0, 0, 0)>
#map2 = affine_map<(d0, d1) -> (0, 0, 0)>
module attributes {stable_mosaic.version = 14 : i64} {
  func.func @_sc_scatter(%arg0: i32, %arg1: i32, %arg2: memref<10000x128xf32, #tpu.memory_space<hbm>>, %arg3: memref<32x5x25x80xi32, #tpu.memory_space<hbm>>, %arg4: memref<32x5x25x80xi32, #tpu.memory_space<hbm>>, %arg5: memref<640x128xf32, #tpu.memory_space<hbm>>, %arg6: memref<2x10240x128xf32, #tpu.memory_space<hbm>>, %arg7: memref<25x80xi32, #tpu.memory_space<vmem>>, %arg8: memref<25x80xi32, #tpu.memory_space<vmem>>, %arg9: memref<80x128xf32, #tpu.memory_space<vmem>>, %arg10: memref<80x128xf32, #tpu.memory_space<vmem>>, %arg11: memref<80x128xf32, #tpu.memory_space<vmem>>, %arg12: memref<80x128xf32, #tpu.memory_space<vmem>>, %arg13: memref<10240x128xf32, #tpu.memory_space<vmem_shared>>, %arg14: memref<!tpu.dma_semaphore, #tpu.memory_space<semaphore_mem>>) attributes {dimension_semantics = [#tpu.dimension_semantics<core_parallel>, #tpu.dimension_semantics<subcore_parallel>], iteration_bounds = array<i64: 2, 16>, scalar_prefetch = 0 : i64, scratch_operands = 8 : i64, tpu.core_type = #tpu.core_type<sc_vector_subcore>, window_params = [{transform_indices = #map}, {transform_indices = #map1}, {transform_indices = #map1}, {transform_indices = #map}, {transform_indices = #map2}]} {
    %mul3A = arith.constant 16 : i32
    %mul3A_0 = arith.muli %arg0, %mul3A : i32
    %add3A = arith.addi %mul3A_0, %arg1 : i32
    %mul3A_1 = arith.constant 640 : i32
    %mul3A_2 = arith.muli %arg1, %mul3A_1 : i32
    "tpu.region"() ({
      %run_scoped3A = tpu.sem_alloc : memref<!tpu.dma_semaphore, #tpu.memory_space<semaphore_mem>>
      %dma_start3A = arith.constant 0 : i32
      %dma_start3A_13 = tpu.memref_slice %arg13[%mul3A_2, %dma_start3A] : memref<10240x128xf32, #tpu.memory_space<vmem_shared>> -> memref<640x128xf32, #tpu.memory_space<vmem_shared>>
      tpu.enqueue_dma source(%arg5 : memref<640x128xf32, #tpu.memory_space<hbm>>) target(%dma_start3A_13 : memref<640x128xf32, #tpu.memory_space<vmem_shared>>) target_semaphore(%run_scoped3A : memref<!tpu.dma_semaphore, #tpu.memory_space<semaphore_mem>>)
      %dma_wait3A = arith.constant 0 : i32
      %dma_wait3A_14 = tpu.memref_slice %arg13[%mul3A_2, %dma_wait3A] : memref<10240x128xf32, #tpu.memory_space<vmem_shared>> -> memref<640x128xf32, #tpu.memory_space<vmem_shared>>
      tpu.wait_dma2 semaphore(%run_scoped3A : memref<!tpu.dma_semaphore, #tpu.memory_space<semaphore_mem>>) src(%arg5 : memref<640x128xf32, #tpu.memory_space<hbm>>) dst(%dma_wait3A_14 : memref<640x128xf32, #tpu.memory_space<vmem_shared>>)
      tpu.yield
    }) : () -> ()
    %barrier3A = arith.constant 0 : index
    tpu.barrier barrier_id(%barrier3A)
    %scan3A = arith.constant 0 : i32
    %scan3A_3 = arith.constant 0 : i32
    %scan3A_4 = arith.constant 5 : i32
    %scan3A_5 = arith.addi %scan3A_3, %scan3A_4 : i32
    %scan3A_6 = arith.constant 1 : i32
    scf.for %scan3A_13 = %scan3A_3 to %scan3A_5 step %scan3A_6  : i32 {
      "tpu.region"() ({
        %run_scoped3A_32 = tpu.sem_alloc : memref<!tpu.dma_semaphore, #tpu.memory_space<semaphore_mem>>
        %dma_start3A_33 = arith.constant 0 : i32
        %dma_start3A_34 = arith.constant 0 : i32
        %dma_start3A_35 = tpu.memref_slice %arg3[%add3A, %scan3A_13, %dma_start3A_33, %dma_start3A_34] : memref<32x5x25x80xi32, #tpu.memory_space<hbm>> -> memref<1x1x25x80xi32, #tpu.memory_space<hbm>>
        %dma_start3A_36 = tpu.memref_squeeze %dma_start3A_35 : memref<1x1x25x80xi32, #tpu.memory_space<hbm>> -> memref<25x80xi32, #tpu.memory_space<hbm>>
        %dma_start3A_37 = arith.constant 0 : i32
        %dma_start3A_38 = arith.constant 0 : i32
        %dma_start3A_39 = tpu.memref_slice %arg3[%add3A, %scan3A_13, %dma_start3A_37, %dma_start3A_38] : memref<32x5x25x80xi32, #tpu.memory_space<hbm>> -> memref<1x1x25x80xi32, #tpu.memory_space<hbm>>
        %dma_start3A_40 = tpu.memref_squeeze %dma_start3A_39 : memref<1x1x25x80xi32, #tpu.memory_space<hbm>> -> memref<25x80xi32, #tpu.memory_space<hbm>>
        tpu.enqueue_dma source(%dma_start3A_40 : memref<25x80xi32, #tpu.memory_space<hbm>>) target(%arg7 : memref<25x80xi32, #tpu.memory_space<vmem>>) target_semaphore(%run_scoped3A_32 : memref<!tpu.dma_semaphore, #tpu.memory_space<semaphore_mem>>)
        %dma_wait3A_41 = arith.constant 0 : i32
        %dma_wait3A_42 = arith.constant 0 : i32
        %dma_wait3A_43 = tpu.memref_slice %arg3[%add3A, %scan3A_13, %dma_wait3A_41, %dma_wait3A_42] : memref<32x5x25x80xi32, #tpu.memory_space<hbm>> -> memref<1x1x25x80xi32, #tpu.memory_space<hbm>>
        %dma_wait3A_44 = tpu.memref_squeeze %dma_wait3A_43 : memref<1x1x25x80xi32, #tpu.memory_space<hbm>> -> memref<25x80xi32, #tpu.memory_space<hbm>>
        %dma_wait3A_45 = arith.constant 0 : i32
        %dma_wait3A_46 = arith.constant 0 : i32
        %dma_wait3A_47 = tpu.memref_slice %arg3[%add3A, %scan3A_13, %dma_wait3A_45, %dma_wait3A_46] : memref<32x5x25x80xi32, #tpu.memory_space<hbm>> -> memref<1x1x25x80xi32, #tpu.memory_space<hbm>>
        %dma_wait3A_48 = tpu.memref_squeeze %dma_wait3A_47 : memref<1x1x25x80xi32, #tpu.memory_space<hbm>> -> memref<25x80xi32, #tpu.memory_space<hbm>>
        tpu.wait_dma2 semaphore(%run_scoped3A_32 : memref<!tpu.dma_semaphore, #tpu.memory_space<semaphore_mem>>) src(%dma_wait3A_48 : memref<25x80xi32, #tpu.memory_space<hbm>>) dst(%arg7 : memref<25x80xi32, #tpu.memory_space<vmem>>)
        tpu.yield
      }) : () -> ()
      "tpu.region"() ({
        %run_scoped3A_32 = tpu.sem_alloc : memref<!tpu.dma_semaphore, #tpu.memory_space<semaphore_mem>>
        %dma_start3A_33 = arith.constant 0 : i32
        %dma_start3A_34 = arith.constant 0 : i32
        %dma_start3A_35 = tpu.memref_slice %arg4[%add3A, %scan3A_13, %dma_start3A_33, %dma_start3A_34] : memref<32x5x25x80xi32, #tpu.memory_space<hbm>> -> memref<1x1x25x80xi32, #tpu.memory_space<hbm>>
        %dma_start3A_36 = tpu.memref_squeeze %dma_start3A_35 : memref<1x1x25x80xi32, #tpu.memory_space<hbm>> -> memref<25x80xi32, #tpu.memory_space<hbm>>
        %dma_start3A_37 = arith.constant 0 : i32
        %dma_start3A_38 = arith.constant 0 : i32
        %dma_start3A_39 = tpu.memref_slice %arg4[%add3A, %scan3A_13, %dma_start3A_37, %dma_start3A_38] : memref<32x5x25x80xi32, #tpu.memory_space<hbm>> -> memref<1x1x25x80xi32, #tpu.memory_space<hbm>>
        %dma_start3A_40 = tpu.memref_squeeze %dma_start3A_39 : memref<1x1x25x80xi32, #tpu.memory_space<hbm>> -> memref<25x80xi32, #tpu.memory_space<hbm>>
        tpu.enqueue_dma source(%dma_start3A_40 : memref<25x80xi32, #tpu.memory_space<hbm>>) target(%arg8 : memref<25x80xi32, #tpu.memory_space<vmem>>) target_semaphore(%run_scoped3A_32 : memref<!tpu.dma_semaphore, #tpu.memory_space<semaphore_mem>>)
        %dma_wait3A_41 = arith.constant 0 : i32
        %dma_wait3A_42 = arith.constant 0 : i32
        %dma_wait3A_43 = tpu.memref_slice %arg4[%add3A, %scan3A_13, %dma_wait3A_41, %dma_wait3A_42] : memref<32x5x25x80xi32, #tpu.memory_space<hbm>> -> memref<1x1x25x80xi32, #tpu.memory_space<hbm>>
        %dma_wait3A_44 = tpu.memref_squeeze %dma_wait3A_43 : memref<1x1x25x80xi32, #tpu.memory_space<hbm>> -> memref<25x80xi32, #tpu.memory_space<hbm>>
        %dma_wait3A_45 = arith.constant 0 : i32
        %dma_wait3A_46 = arith.constant 0 : i32
        %dma_wait3A_47 = tpu.memref_slice %arg4[%add3A, %scan3A_13, %dma_wait3A_45, %dma_wait3A_46] : memref<32x5x25x80xi32, #tpu.memory_space<hbm>> -> memref<1x1x25x80xi32, #tpu.memory_space<hbm>>
        %dma_wait3A_48 = tpu.memref_squeeze %dma_wait3A_47 : memref<1x1x25x80xi32, #tpu.memory_space<hbm>> -> memref<25x80xi32, #tpu.memory_space<hbm>>
        tpu.wait_dma2 semaphore(%run_scoped3A_32 : memref<!tpu.dma_semaphore, #tpu.memory_space<semaphore_mem>>) src(%dma_wait3A_48 : memref<25x80xi32, #tpu.memory_space<hbm>>) dst(%arg8 : memref<25x80xi32, #tpu.memory_space<vmem>>)
        tpu.yield
      }) : () -> ()
      %scan3A_14 = arith.constant 0 : i32
      %scan3A_15 = arith.constant 0 : i32
      %scan3A_16 = arith.constant 6 : i32
      %scan3A_17 = arith.addi %scan3A_15, %scan3A_16 : i32
      %scan3A_18 = arith.constant 1 : i32
      scf.for %scan3A_32 = %scan3A_15 to %scan3A_17 step %scan3A_18  : i32 {
        %mul3A_33 = arith.constant 4 : i32
        %mul3A_34 = arith.muli %mul3A_33, %scan3A_32 : i32
        %dma_start3A_35 = arith.constant 0 : i32
        %dma_start3A_36 = tpu.memref_slice %arg7[%mul3A_34, %dma_start3A_35] : memref<25x80xi32, #tpu.memory_space<vmem>> -> memref<1x80xi32, #tpu.memory_space<vmem>>
        %dma_start3A_37 = tpu.memref_squeeze %dma_start3A_36 : memref<1x80xi32, #tpu.memory_space<vmem>> -> memref<80xi32, #tpu.memory_space<vmem>>
        %dma_start3A_38 = arith.constant 0 : i32
        %dma_start3A_39 = arith.constant 0 : i32
        %dma_start3A_40 = tpu.memref_slice %arg2[%dma_start3A_38, %dma_start3A_39] : memref<10000x128xf32, #tpu.memory_space<hbm>> -> memref<10000x128xf32, #tpu.memory_space<hbm>>
        tpu.enqueue_indirect_dma source(%dma_start3A_40 : memref<10000x128xf32, #tpu.memory_space<hbm>>) target(%arg9 : memref<80x128xf32, #tpu.memory_space<vmem>>) offsets(%dma_start3A_37 : memref<80xi32, #tpu.memory_space<vmem>>) semaphore(%arg14 : memref<!tpu.dma_semaphore, #tpu.memory_space<semaphore_mem>>)
        %add3A_41 = arith.constant 1 : i32
        %add3A_42 = arith.addi %mul3A_34, %add3A_41 : i32
        %dma_start3A_43 = arith.constant 0 : i32
        %dma_start3A_44 = tpu.memref_slice %arg7[%add3A_42, %dma_start3A_43] : memref<25x80xi32, #tpu.memory_space<vmem>> -> memref<1x80xi32, #tpu.memory_space<vmem>>
        %dma_start3A_45 = tpu.memref_squeeze %dma_start3A_44 : memref<1x80xi32, #tpu.memory_space<vmem>> -> memref<80xi32, #tpu.memory_space<vmem>>
        %dma_start3A_46 = arith.constant 0 : i32
        %dma_start3A_47 = arith.constant 0 : i32
        %dma_start3A_48 = tpu.memref_slice %arg2[%dma_start3A_46, %dma_start3A_47] : memref<10000x128xf32, #tpu.memory_space<hbm>> -> memref<10000x128xf32, #tpu.memory_space<hbm>>
        tpu.enqueue_indirect_dma source(%dma_start3A_48 : memref<10000x128xf32, #tpu.memory_space<hbm>>) target(%arg10 : memref<80x128xf32, #tpu.memory_space<vmem>>) offsets(%dma_start3A_45 : memref<80xi32, #tpu.memory_space<vmem>>) semaphore(%arg14 : memref<!tpu.dma_semaphore, #tpu.memory_space<semaphore_mem>>)
        %add3A_49 = arith.constant 2 : i32
        %add3A_50 = arith.addi %mul3A_34, %add3A_49 : i32
        %dma_start3A_51 = arith.constant 0 : i32
        %dma_start3A_52 = tpu.memref_slice %arg7[%add3A_50, %dma_start3A_51] : memref<25x80xi32, #tpu.memory_space<vmem>> -> memref<1x80xi32, #tpu.memory_space<vmem>>
        %dma_start3A_53 = tpu.memref_squeeze %dma_start3A_52 : memref<1x80xi32, #tpu.memory_space<vmem>> -> memref<80xi32, #tpu.memory_space<vmem>>
        %dma_start3A_54 = arith.constant 0 : i32
        %dma_start3A_55 = arith.constant 0 : i32
        %dma_start3A_56 = tpu.memref_slice %arg2[%dma_start3A_54, %dma_start3A_55] : memref<10000x128xf32, #tpu.memory_space<hbm>> -> memref<10000x128xf32, #tpu.memory_space<hbm>>
        tpu.enqueue_indirect_dma source(%dma_start3A_56 : memref<10000x128xf32, #tpu.memory_space<hbm>>) target(%arg11 : memref<80x128xf32, #tpu.memory_space<vmem>>) offsets(%dma_start3A_53 : memref<80xi32, #tpu.memory_space<vmem>>) semaphore(%arg14 : memref<!tpu.dma_semaphore, #tpu.memory_space<semaphore_mem>>)
        %add3A_57 = arith.constant 3 : i32
        %add3A_58 = arith.addi %mul3A_34, %add3A_57 : i32
        %dma_start3A_59 = arith.constant 0 : i32
        %dma_start3A_60 = tpu.memref_slice %arg7[%add3A_58, %dma_start3A_59] : memref<25x80xi32, #tpu.memory_space<vmem>> -> memref<1x80xi32, #tpu.memory_space<vmem>>
        %dma_start3A_61 = tpu.memref_squeeze %dma_start3A_60 : memref<1x80xi32, #tpu.memory_space<vmem>> -> memref<80xi32, #tpu.memory_space<vmem>>
        %dma_start3A_62 = arith.constant 0 : i32
        %dma_start3A_63 = arith.constant 0 : i32
        %dma_start3A_64 = tpu.memref_slice %arg2[%dma_start3A_62, %dma_start3A_63] : memref<10000x128xf32, #tpu.memory_space<hbm>> -> memref<10000x128xf32, #tpu.memory_space<hbm>>
        tpu.enqueue_indirect_dma source(%dma_start3A_64 : memref<10000x128xf32, #tpu.memory_space<hbm>>) target(%arg12 : memref<80x128xf32, #tpu.memory_space<vmem>>) offsets(%dma_start3A_61 : memref<80xi32, #tpu.memory_space<vmem>>) semaphore(%arg14 : memref<!tpu.dma_semaphore, #tpu.memory_space<semaphore_mem>>)
        %dma_wait3A_65 = arith.constant 0 : i32
        %dma_wait3A_66 = tpu.memref_slice %arg7[%mul3A_34, %dma_wait3A_65] : memref<25x80xi32, #tpu.memory_space<vmem>> -> memref<1x80xi32, #tpu.memory_space<vmem>>
        %dma_wait3A_67 = tpu.memref_squeeze %dma_wait3A_66 : memref<1x80xi32, #tpu.memory_space<vmem>> -> memref<80xi32, #tpu.memory_space<vmem>>
        %dma_wait3A_68 = arith.constant 0 : i32
        %dma_wait3A_69 = arith.constant 0 : i32
        %dma_wait3A_70 = tpu.memref_slice %arg2[%dma_wait3A_68, %dma_wait3A_69] : memref<10000x128xf32, #tpu.memory_space<hbm>> -> memref<10000x128xf32, #tpu.memory_space<hbm>>
        tpu.wait_indirect_dma semaphore(%arg14 : memref<!tpu.dma_semaphore, #tpu.memory_space<semaphore_mem>>) src(%dma_wait3A_70 : memref<10000x128xf32, #tpu.memory_space<hbm>>) dst(%arg9 : memref<80x128xf32, #tpu.memory_space<vmem>>)
        "tpu.region"() ({
          %run_scoped3A_101 = tpu.sem_alloc : memref<!tpu.dma_semaphore, #tpu.memory_space<semaphore_mem>>
          %dma_start3A_102 = arith.constant 0 : i32
          %dma_start3A_103 = tpu.memref_slice %arg8[%mul3A_34, %dma_start3A_102] : memref<25x80xi32, #tpu.memory_space<vmem>> -> memref<1x80xi32, #tpu.memory_space<vmem>>
          %dma_start3A_104 = tpu.memref_squeeze %dma_start3A_103 : memref<1x80xi32, #tpu.memory_space<vmem>> -> memref<80xi32, #tpu.memory_space<vmem>>
          %dma_start3A_105 = arith.constant 0 : i32
          %dma_start3A_106 = arith.constant 0 : i32
          %dma_start3A_107 = tpu.memref_slice %arg13[%dma_start3A_105, %dma_start3A_106] : memref<10240x128xf32, #tpu.memory_space<vmem_shared>> -> memref<10240x128xf32, #tpu.memory_space<vmem_shared>>
          tpu.enqueue_indirect_dma source(%arg9 : memref<80x128xf32, #tpu.memory_space<vmem>>) target(%dma_start3A_107 : memref<10240x128xf32, #tpu.memory_space<vmem_shared>>) offsets(%dma_start3A_104 : memref<80xi32, #tpu.memory_space<vmem>>) semaphore(%run_scoped3A_101 : memref<!tpu.dma_semaphore, #tpu.memory_space<semaphore_mem>>) {add = true}
          %dma_wait3A_108 = arith.constant 0 : i32
          %dma_wait3A_109 = tpu.memref_slice %arg8[%mul3A_34, %dma_wait3A_108] : memref<25x80xi32, #tpu.memory_space<vmem>> -> memref<1x80xi32, #tpu.memory_space<vmem>>
          %dma_wait3A_110 = tpu.memref_squeeze %dma_wait3A_109 : memref<1x80xi32, #tpu.memory_space<vmem>> -> memref<80xi32, #tpu.memory_space<vmem>>
          %dma_wait3A_111 = arith.constant 0 : i32
          %dma_wait3A_112 = arith.constant 0 : i32
          %dma_wait3A_113 = tpu.memref_slice %arg13[%dma_wait3A_111, %dma_wait3A_112] : memref<10240x128xf32, #tpu.memory_space<vmem_shared>> -> memref<10240x128xf32, #tpu.memory_space<vmem_shared>>
          tpu.wait_indirect_dma semaphore(%run_scoped3A_101 : memref<!tpu.dma_semaphore, #tpu.memory_space<semaphore_mem>>) src(%arg9 : memref<80x128xf32, #tpu.memory_space<vmem>>) dst(%dma_wait3A_113 : memref<10240x128xf32, #tpu.memory_space<vmem_shared>>)
          tpu.yield
        }) : () -> ()
        %add3A_71 = arith.constant 1 : i32
        %add3A_72 = arith.addi %mul3A_34, %add3A_71 : i32
        %dma_wait3A_73 = arith.constant 0 : i32
        %dma_wait3A_74 = tpu.memref_slice %arg7[%add3A_72, %dma_wait3A_73] : memref<25x80xi32, #tpu.memory_space<vmem>> -> memref<1x80xi32, #tpu.memory_space<vmem>>
        %dma_wait3A_75 = tpu.memref_squeeze %dma_wait3A_74 : memref<1x80xi32, #tpu.memory_space<vmem>> -> memref<80xi32, #tpu.memory_space<vmem>>
        %dma_wait3A_76 = arith.constant 0 : i32
        %dma_wait3A_77 = arith.constant 0 : i32
        %dma_wait3A_78 = tpu.memref_slice %arg2[%dma_wait3A_76, %dma_wait3A_77] : memref<10000x128xf32, #tpu.memory_space<hbm>> -> memref<10000x128xf32, #tpu.memory_space<hbm>>
        tpu.wait_indirect_dma semaphore(%arg14 : memref<!tpu.dma_semaphore, #tpu.memory_space<semaphore_mem>>) src(%dma_wait3A_78 : memref<10000x128xf32, #tpu.memory_space<hbm>>) dst(%arg10 : memref<80x128xf32, #tpu.memory_space<vmem>>)
        %add3A_79 = arith.constant 1 : i32
        %add3A_80 = arith.addi %mul3A_34, %add3A_79 : i32
        "tpu.region"() ({
          %run_scoped3A_101 = tpu.sem_alloc : memref<!tpu.dma_semaphore, #tpu.memory_space<semaphore_mem>>
          %dma_start3A_102 = arith.constant 0 : i32
          %dma_start3A_103 = tpu.memref_slice %arg8[%add3A_80, %dma_start3A_102] : memref<25x80xi32, #tpu.memory_space<vmem>> -> memref<1x80xi32, #tpu.memory_space<vmem>>
          %dma_start3A_104 = tpu.memref_squeeze %dma_start3A_103 : memref<1x80xi32, #tpu.memory_space<vmem>> -> memref<80xi32, #tpu.memory_space<vmem>>
          %dma_start3A_105 = arith.constant 0 : i32
          %dma_start3A_106 = arith.constant 0 : i32
          %dma_start3A_107 = tpu.memref_slice %arg13[%dma_start3A_105, %dma_start3A_106] : memref<10240x128xf32, #tpu.memory_space<vmem_shared>> -> memref<10240x128xf32, #tpu.memory_space<vmem_shared>>
          tpu.enqueue_indirect_dma source(%arg10 : memref<80x128xf32, #tpu.memory_space<vmem>>) target(%dma_start3A_107 : memref<10240x128xf32, #tpu.memory_space<vmem_shared>>) offsets(%dma_start3A_104 : memref<80xi32, #tpu.memory_space<vmem>>) semaphore(%run_scoped3A_101 : memref<!tpu.dma_semaphore, #tpu.memory_space<semaphore_mem>>) {add = true}
          %dma_wait3A_108 = arith.constant 0 : i32
          %dma_wait3A_109 = tpu.memref_slice %arg8[%add3A_80, %dma_wait3A_108] : memref<25x80xi32, #tpu.memory_space<vmem>> -> memref<1x80xi32, #tpu.memory_space<vmem>>
          %dma_wait3A_110 = tpu.memref_squeeze %dma_wait3A_109 : memref<1x80xi32, #tpu.memory_space<vmem>> -> memref<80xi32, #tpu.memory_space<vmem>>
          %dma_wait3A_111 = arith.constant 0 : i32
          %dma_wait3A_112 = arith.constant 0 : i32
          %dma_wait3A_113 = tpu.memref_slice %arg13[%dma_wait3A_111, %dma_wait3A_112] : memref<10240x128xf32, #tpu.memory_space<vmem_shared>> -> memref<10240x128xf32, #tpu.memory_space<vmem_shared>>
          tpu.wait_indirect_dma semaphore(%run_scoped3A_101 : memref<!tpu.dma_semaphore, #tpu.memory_space<semaphore_mem>>) src(%arg10 : memref<80x128xf32, #tpu.memory_space<vmem>>) dst(%dma_wait3A_113 : memref<10240x128xf32, #tpu.memory_space<vmem_shared>>)
          tpu.yield
        }) : () -> ()
        %add3A_81 = arith.constant 2 : i32
        %add3A_82 = arith.addi %mul3A_34, %add3A_81 : i32
        %dma_wait3A_83 = arith.constant 0 : i32
        %dma_wait3A_84 = tpu.memref_slice %arg7[%add3A_82, %dma_wait3A_83] : memref<25x80xi32, #tpu.memory_space<vmem>> -> memref<1x80xi32, #tpu.memory_space<vmem>>
        %dma_wait3A_85 = tpu.memref_squeeze %dma_wait3A_84 : memref<1x80xi32, #tpu.memory_space<vmem>> -> memref<80xi32, #tpu.memory_space<vmem>>
        %dma_wait3A_86 = arith.constant 0 : i32
        %dma_wait3A_87 = arith.constant 0 : i32
        %dma_wait3A_88 = tpu.memref_slice %arg2[%dma_wait3A_86, %dma_wait3A_87] : memref<10000x128xf32, #tpu.memory_space<hbm>> -> memref<10000x128xf32, #tpu.memory_space<hbm>>
        tpu.wait_indirect_dma semaphore(%arg14 : memref<!tpu.dma_semaphore, #tpu.memory_space<semaphore_mem>>) src(%dma_wait3A_88 : memref<10000x128xf32, #tpu.memory_space<hbm>>) dst(%arg11 : memref<80x128xf32, #tpu.memory_space<vmem>>)
        %add3A_89 = arith.constant 2 : i32
        %add3A_90 = arith.addi %mul3A_34, %add3A_89 : i32
        "tpu.region"() ({
          %run_scoped3A_101 = tpu.sem_alloc : memref<!tpu.dma_semaphore, #tpu.memory_space<semaphore_mem>>
          %dma_start3A_102 = arith.constant 0 : i32
          %dma_start3A_103 = tpu.memref_slice %arg8[%add3A_90, %dma_start3A_102] : memref<25x80xi32, #tpu.memory_space<vmem>> -> memref<1x80xi32, #tpu.memory_space<vmem>>
          %dma_start3A_104 = tpu.memref_squeeze %dma_start3A_103 : memref<1x80xi32, #tpu.memory_space<vmem>> -> memref<80xi32, #tpu.memory_space<vmem>>
          %dma_start3A_105 = arith.constant 0 : i32
          %dma_start3A_106 = arith.constant 0 : i32
          %dma_start3A_107 = tpu.memref_slice %arg13[%dma_start3A_105, %dma_start3A_106] : memref<10240x128xf32, #tpu.memory_space<vmem_shared>> -> memref<10240x128xf32, #tpu.memory_space<vmem_shared>>
          tpu.enqueue_indirect_dma source(%arg11 : memref<80x128xf32, #tpu.memory_space<vmem>>) target(%dma_start3A_107 : memref<10240x128xf32, #tpu.memory_space<vmem_shared>>) offsets(%dma_start3A_104 : memref<80xi32, #tpu.memory_space<vmem>>) semaphore(%run_scoped3A_101 : memref<!tpu.dma_semaphore, #tpu.memory_space<semaphore_mem>>) {add = true}
          %dma_wait3A_108 = arith.constant 0 : i32
          %dma_wait3A_109 = tpu.memref_slice %arg8[%add3A_90, %dma_wait3A_108] : memref<25x80xi32, #tpu.memory_space<vmem>> -> memref<1x80xi32, #tpu.memory_space<vmem>>
          %dma_wait3A_110 = tpu.memref_squeeze %dma_wait3A_109 : memref<1x80xi32, #tpu.memory_space<vmem>> -> memref<80xi32, #tpu.memory_space<vmem>>
          %dma_wait3A_111 = arith.constant 0 : i32
          %dma_wait3A_112 = arith.constant 0 : i32
          %dma_wait3A_113 = tpu.memref_slice %arg13[%dma_wait3A_111, %dma_wait3A_112] : memref<10240x128xf32, #tpu.memory_space<vmem_shared>> -> memref<10240x128xf32, #tpu.memory_space<vmem_shared>>
          tpu.wait_indirect_dma semaphore(%run_scoped3A_101 : memref<!tpu.dma_semaphore, #tpu.memory_space<semaphore_mem>>) src(%arg11 : memref<80x128xf32, #tpu.memory_space<vmem>>) dst(%dma_wait3A_113 : memref<10240x128xf32, #tpu.memory_space<vmem_shared>>)
          tpu.yield
        }) : () -> ()
        %add3A_91 = arith.constant 3 : i32
        %add3A_92 = arith.addi %mul3A_34, %add3A_91 : i32
        %dma_wait3A_93 = arith.constant 0 : i32
        %dma_wait3A_94 = tpu.memref_slice %arg7[%add3A_92, %dma_wait3A_93] : memref<25x80xi32, #tpu.memory_space<vmem>> -> memref<1x80xi32, #tpu.memory_space<vmem>>
        %dma_wait3A_95 = tpu.memref_squeeze %dma_wait3A_94 : memref<1x80xi32, #tpu.memory_space<vmem>> -> memref<80xi32, #tpu.memory_space<vmem>>
        %dma_wait3A_96 = arith.constant 0 : i32
        %dma_wait3A_97 = arith.constant 0 : i32
        %dma_wait3A_98 = tpu.memref_slice %arg2[%dma_wait3A_96, %dma_wait3A_97] : memref<10000x128xf32, #tpu.memory_space<hbm>> -> memref<10000x128xf32, #tpu.memory_space<hbm>>
        tpu.wait_indirect_dma semaphore(%arg14 : memref<!tpu.dma_semaphore, #tpu.memory_space<semaphore_mem>>) src(%dma_wait3A_98 : memref<10000x128xf32, #tpu.memory_space<hbm>>) dst(%arg12 : memref<80x128xf32, #tpu.memory_space<vmem>>)
        %add3A_99 = arith.constant 3 : i32
        %add3A_100 = arith.addi %mul3A_34, %add3A_99 : i32
        "tpu.region"() ({
          %run_scoped3A_101 = tpu.sem_alloc : memref<!tpu.dma_semaphore, #tpu.memory_space<semaphore_mem>>
          %dma_start3A_102 = arith.constant 0 : i32
          %dma_start3A_103 = tpu.memref_slice %arg8[%add3A_100, %dma_start3A_102] : memref<25x80xi32, #tpu.memory_space<vmem>> -> memref<1x80xi32, #tpu.memory_space<vmem>>
          %dma_start3A_104 = tpu.memref_squeeze %dma_start3A_103 : memref<1x80xi32, #tpu.memory_space<vmem>> -> memref<80xi32, #tpu.memory_space<vmem>>
          %dma_start3A_105 = arith.constant 0 : i32
          %dma_start3A_106 = arith.constant 0 : i32
          %dma_start3A_107 = tpu.memref_slice %arg13[%dma_start3A_105, %dma_start3A_106] : memref<10240x128xf32, #tpu.memory_space<vmem_shared>> -> memref<10240x128xf32, #tpu.memory_space<vmem_shared>>
          tpu.enqueue_indirect_dma source(%arg12 : memref<80x128xf32, #tpu.memory_space<vmem>>) target(%dma_start3A_107 : memref<10240x128xf32, #tpu.memory_space<vmem_shared>>) offsets(%dma_start3A_104 : memref<80xi32, #tpu.memory_space<vmem>>) semaphore(%run_scoped3A_101 : memref<!tpu.dma_semaphore, #tpu.memory_space<semaphore_mem>>) {add = true}
          %dma_wait3A_108 = arith.constant 0 : i32
          %dma_wait3A_109 = tpu.memref_slice %arg8[%add3A_100, %dma_wait3A_108] : memref<25x80xi32, #tpu.memory_space<vmem>> -> memref<1x80xi32, #tpu.memory_space<vmem>>
          %dma_wait3A_110 = tpu.memref_squeeze %dma_wait3A_109 : memref<1x80xi32, #tpu.memory_space<vmem>> -> memref<80xi32, #tpu.memory_space<vmem>>
          %dma_wait3A_111 = arith.constant 0 : i32
          %dma_wait3A_112 = arith.constant 0 : i32
          %dma_wait3A_113 = tpu.memref_slice %arg13[%dma_wait3A_111, %dma_wait3A_112] : memref<10240x128xf32, #tpu.memory_space<vmem_shared>> -> memref<10240x128xf32, #tpu.memory_space<vmem_shared>>
          tpu.wait_indirect_dma semaphore(%run_scoped3A_101 : memref<!tpu.dma_semaphore, #tpu.memory_space<semaphore_mem>>) src(%arg12 : memref<80x128xf32, #tpu.memory_space<vmem>>) dst(%dma_wait3A_113 : memref<10240x128xf32, #tpu.memory_space<vmem_shared>>)
          tpu.yield
        }) : () -> ()
      }
      %scan3A_19 = arith.constant 6 : i32
      %dma_start3A = arith.constant 24 : i32
      %dma_start3A_20 = arith.constant 0 : i32
      %dma_start3A_21 = tpu.memref_slice %arg7[%dma_start3A, %dma_start3A_20] : memref<25x80xi32, #tpu.memory_space<vmem>> -> memref<1x80xi32, #tpu.memory_space<vmem>>
      %dma_start3A_22 = tpu.memref_squeeze %dma_start3A_21 : memref<1x80xi32, #tpu.memory_space<vmem>> -> memref<80xi32, #tpu.memory_space<vmem>>
      %dma_start3A_23 = arith.constant 0 : i32
      %dma_start3A_24 = arith.constant 0 : i32
      %dma_start3A_25 = tpu.memref_slice %arg2[%dma_start3A_23, %dma_start3A_24] : memref<10000x128xf32, #tpu.memory_space<hbm>> -> memref<10000x128xf32, #tpu.memory_space<hbm>>
      tpu.enqueue_indirect_dma source(%dma_start3A_25 : memref<10000x128xf32, #tpu.memory_space<hbm>>) target(%arg9 : memref<80x128xf32, #tpu.memory_space<vmem>>) offsets(%dma_start3A_22 : memref<80xi32, #tpu.memory_space<vmem>>) semaphore(%arg14 : memref<!tpu.dma_semaphore, #tpu.memory_space<semaphore_mem>>)
      %dma_wait3A = arith.constant 24 : i32
      %dma_wait3A_26 = arith.constant 0 : i32
      %dma_wait3A_27 = tpu.memref_slice %arg7[%dma_wait3A, %dma_wait3A_26] : memref<25x80xi32, #tpu.memory_space<vmem>> -> memref<1x80xi32, #tpu.memory_space<vmem>>
      %dma_wait3A_28 = tpu.memref_squeeze %dma_wait3A_27 : memref<1x80xi32, #tpu.memory_space<vmem>> -> memref<80xi32, #tpu.memory_space<vmem>>
      %dma_wait3A_29 = arith.constant 0 : i32
      %dma_wait3A_30 = arith.constant 0 : i32
      %dma_wait3A_31 = tpu.memref_slice %arg2[%dma_wait3A_29, %dma_wait3A_30] : memref<10000x128xf32, #tpu.memory_space<hbm>> -> memref<10000x128xf32, #tpu.memory_space<hbm>>
      tpu.wait_indirect_dma semaphore(%arg14 : memref<!tpu.dma_semaphore, #tpu.memory_space<semaphore_mem>>) src(%dma_wait3A_31 : memref<10000x128xf32, #tpu.memory_space<hbm>>) dst(%arg9 : memref<80x128xf32, #tpu.memory_space<vmem>>)
      %run_scoped3A = arith.constant 24 : i32
      "tpu.region"() ({
        %run_scoped3A_32 = tpu.sem_alloc : memref<!tpu.dma_semaphore, #tpu.memory_space<semaphore_mem>>
        %dma_start3A_33 = arith.constant 0 : i32
        %dma_start3A_34 = tpu.memref_slice %arg8[%run_scoped3A, %dma_start3A_33] : memref<25x80xi32, #tpu.memory_space<vmem>> -> memref<1x80xi32, #tpu.memory_space<vmem>>
        %dma_start3A_35 = tpu.memref_squeeze %dma_start3A_34 : memref<1x80xi32, #tpu.memory_space<vmem>> -> memref<80xi32, #tpu.memory_space<vmem>>
        %dma_start3A_36 = arith.constant 0 : i32
        %dma_start3A_37 = arith.constant 0 : i32
        %dma_start3A_38 = tpu.memref_slice %arg13[%dma_start3A_36, %dma_start3A_37] : memref<10240x128xf32, #tpu.memory_space<vmem_shared>> -> memref<10240x128xf32, #tpu.memory_space<vmem_shared>>
        tpu.enqueue_indirect_dma source(%arg9 : memref<80x128xf32, #tpu.memory_space<vmem>>) target(%dma_start3A_38 : memref<10240x128xf32, #tpu.memory_space<vmem_shared>>) offsets(%dma_start3A_35 : memref<80xi32, #tpu.memory_space<vmem>>) semaphore(%run_scoped3A_32 : memref<!tpu.dma_semaphore, #tpu.memory_space<semaphore_mem>>) {add = true}
        %dma_wait3A_39 = arith.constant 0 : i32
        %dma_wait3A_40 = tpu.memref_slice %arg8[%run_scoped3A, %dma_wait3A_39] : memref<25x80xi32, #tpu.memory_space<vmem>> -> memref<1x80xi32, #tpu.memory_space<vmem>>
        %dma_wait3A_41 = tpu.memref_squeeze %dma_wait3A_40 : memref<1x80xi32, #tpu.memory_space<vmem>> -> memref<80xi32, #tpu.memory_space<vmem>>
        %dma_wait3A_42 = arith.constant 0 : i32
        %dma_wait3A_43 = arith.constant 0 : i32
        %dma_wait3A_44 = tpu.memref_slice %arg13[%dma_wait3A_42, %dma_wait3A_43] : memref<10240x128xf32, #tpu.memory_space<vmem_shared>> -> memref<10240x128xf32, #tpu.memory_space<vmem_shared>>
        tpu.wait_indirect_dma semaphore(%run_scoped3A_32 : memref<!tpu.dma_semaphore, #tpu.memory_space<semaphore_mem>>) src(%arg9 : memref<80x128xf32, #tpu.memory_space<vmem>>) dst(%dma_wait3A_44 : memref<10240x128xf32, #tpu.memory_space<vmem_shared>>)
        tpu.yield
      }) : () -> ()
    }
    %scan3A_7 = arith.constant 5 : i32
    %barrier3A_8 = arith.constant 0 : index
    tpu.barrier barrier_id(%barrier3A_8)
    %mul3A_9 = arith.constant 640 : i32
    %mul3A_10 = arith.muli %arg1, %mul3A_9 : i32
    %mul3A_11 = arith.constant 640 : i32
    %mul3A_12 = arith.muli %arg1, %mul3A_11 : i32
    "tpu.region"() ({
      %run_scoped3A = tpu.sem_alloc : memref<!tpu.dma_semaphore, #tpu.memory_space<semaphore_mem>>
      %dma_start3A = arith.constant 0 : i32
      %dma_start3A_13 = tpu.memref_slice %arg6[%arg0, %mul3A_12, %dma_start3A] : memref<2x10240x128xf32, #tpu.memory_space<hbm>> -> memref<1x640x128xf32, #tpu.memory_space<hbm>>
      %dma_start3A_14 = tpu.memref_squeeze %dma_start3A_13 : memref<1x640x128xf32, #tpu.memory_space<hbm>> -> memref<640x128xf32, #tpu.memory_space<hbm>>
      %dma_start3A_15 = arith.constant 0 : i32
      %dma_start3A_16 = tpu.memref_slice %arg13[%mul3A_10, %dma_start3A_15] : memref<10240x128xf32, #tpu.memory_space<vmem_shared>> -> memref<640x128xf32, #tpu.memory_space<vmem_shared>>
      tpu.enqueue_dma source(%dma_start3A_16 : memref<640x128xf32, #tpu.memory_space<vmem_shared>>) target(%dma_start3A_14 : memref<640x128xf32, #tpu.memory_space<hbm>>) target_semaphore(%run_scoped3A : memref<!tpu.dma_semaphore, #tpu.memory_space<semaphore_mem>>)
      %dma_wait3A = arith.constant 0 : i32
      %dma_wait3A_17 = tpu.memref_slice %arg6[%arg0, %mul3A_12, %dma_wait3A] : memref<2x10240x128xf32, #tpu.memory_space<hbm>> -> memref<1x640x128xf32, #tpu.memory_space<hbm>>
      %dma_wait3A_18 = tpu.memref_squeeze %dma_wait3A_17 : memref<1x640x128xf32, #tpu.memory_space<hbm>> -> memref<640x128xf32, #tpu.memory_space<hbm>>
      %dma_wait3A_19 = arith.constant 0 : i32
      %dma_wait3A_20 = tpu.memref_slice %arg13[%mul3A_10, %dma_wait3A_19] : memref<10240x128xf32, #tpu.memory_space<vmem_shared>> -> memref<640x128xf32, #tpu.memory_space<vmem_shared>>
      tpu.wait_dma2 semaphore(%run_scoped3A : memref<!tpu.dma_semaphore, #tpu.memory_space<semaphore_mem>>) src(%dma_wait3A_20 : memref<640x128xf32, #tpu.memory_space<vmem_shared>>) dst(%dma_wait3A_18 : memref<640x128xf32, #tpu.memory_space<hbm>>)
      tpu.yield
    }) : () -> ()
    return
  }
}

#map = affine_map<(d0, d1) -> (0, 0)>
#map1 = affine_map<(d0, d1) -> (0, 0, 0, 0)>
#map2 = affine_map<(d0, d1) -> (0, 0, 0)>
module attributes {stable_mosaic.version = 14 : i64} {
  func.func @_sc_scatter(%arg0: i32, %arg1: i32, %arg2: memref<10000x128xf32, #tpu.memory_space<hbm>>, %arg3: memref<32x5x25x80xi32, #tpu.memory_space<hbm>>, %arg4: memref<32x5x25x80xi32, #tpu.memory_space<hbm>>, %arg5: memref<640x128xf32, #tpu.memory_space<hbm>>, %arg6: memref<2x10240x128xf32, #tpu.memory_space<hbm>>, %arg7: memref<25x80xi32, #tpu.memory_space<vmem>>, %arg8: memref<25x80xi32, #tpu.memory_space<vmem>>, %arg9: memref<80x128xf32, #tpu.memory_space<vmem>>, %arg10: memref<80x128xf32, #tpu.memory_space<vmem>>, %arg11: memref<80x128xf32, #tpu.memory_space<vmem>>, %arg12: memref<80x128xf32, #tpu.memory_space<vmem>>, %arg13: memref<10240x128xf32, #tpu.memory_space<vmem_shared>>, %arg14: memref<!tpu.dma_semaphore, #tpu.memory_space<semaphore_mem>>) attributes {dimension_semantics = [#tpu.dimension_semantics<core_parallel>, #tpu.dimension_semantics<subcore_parallel>], iteration_bounds = array<i64: 2, 16>, scalar_prefetch = 0 : i64, scratch_operands = 8 : i64, tpu.core_type = #tpu.core_type<sc_vector_subcore>, window_params = [{transform_indices = #map}, {transform_indices = #map1}, {transform_indices = #map1}, {transform_indices = #map}, {transform_indices = #map2}]} {
    %mul3A = arith.constant 16 : i32
    %mul3A_0 = arith.muli %arg0, %mul3A : i32
    %add3A = arith.addi %mul3A_0, %arg1 : i32
    %mul3A_1 = arith.constant 640 : i32
    %mul3A_2 = arith.muli %arg1, %mul3A_1 : i32
    "tpu.region"() ({
      %run_scoped3A = tpu.sem_alloc : memref<!tpu.dma_semaphore, #tpu.memory_space<semaphore_mem>>
      %dma_start3A = arith.constant 0 : i32
      %dma_start3A_13 = tpu.memref_slice %arg13[%mul3A_2, %dma_start3A] : memref<10240x128xf32, #tpu.memory_space<vmem_shared>> -> memref<640x128xf32, #tpu.memory_space<vmem_shared>>
      tpu.enqueue_dma source(%arg5 : memref<640x128xf32, #tpu.memory_space<hbm>>) target(%dma_start3A_13 : memref<640x128xf32, #tpu.memory_space<vmem_shared>>) target_semaphore(%run_scoped3A : memref<!tpu.dma_semaphore, #tpu.memory_space<semaphore_mem>>)
      %dma_wait3A = arith.constant 0 : i32
      %dma_wait3A_14 = tpu.memref_slice %arg13[%mul3A_2, %dma_wait3A] : memref<10240x128xf32, #tpu.memory_space<vmem_shared>> -> memref<640x128xf32, #tpu.memory_space<vmem_shared>>
      tpu.wait_dma2 semaphore(%run_scoped3A : memref<!tpu.dma_semaphore, #tpu.memory_space<semaphore_mem>>) src(%arg5 : memref<640x128xf32, #tpu.memory_space<hbm>>) dst(%dma_wait3A_14 : memref<640x128xf32, #tpu.memory_space<vmem_shared>>)
      tpu.yield
    }) : () -> ()
    %barrier3A = arith.constant 0 : index
    tpu.barrier barrier_id(%barrier3A)
    %scan3A = arith.constant 0 : i32
    %scan3A_3 = arith.constant 0 : i32
    %scan3A_4 = arith.constant 5 : i32
    %scan3A_5 = arith.addi %scan3A_3, %scan3A_4 : i32
    %scan3A_6 = arith.constant 1 : i32
    scf.for %scan3A_13 = %scan3A_3 to %scan3A_5 step %scan3A_6  : i32 {
      "tpu.region"() ({
        %run_scoped3A_32 = tpu.sem_alloc : memref<!tpu.dma_semaphore, #tpu.memory_space<semaphore_mem>>
        %dma_start3A_33 = arith.constant 0 : i32
        %dma_start3A_34 = arith.constant 0 : i32
        %dma_start3A_35 = tpu.memref_slice %arg3[%add3A, %scan3A_13, %dma_start3A_33, %dma_start3A_34] : memref<32x5x25x80xi32, #tpu.memory_space<hbm>> -> memref<1x1x25x80xi32, #tpu.memory_space<hbm>>
        %dma_start3A_36 = tpu.memref_squeeze %dma_start3A_35 : memref<1x1x25x80xi32, #tpu.memory_space<hbm>> -> memref<25x80xi32, #tpu.memory_space<hbm>>
        %dma_start3A_37 = arith.constant 0 : i32
        %dma_start3A_38 = arith.constant 0 : i32
        %dma_start3A_39 = tpu.memref_slice %arg3[%add3A, %scan3A_13, %dma_start3A_37, %dma_start3A_38] : memref<32x5x25x80xi32, #tpu.memory_space<hbm>> -> memref<1x1x25x80xi32, #tpu.memory_space<hbm>>
        %dma_start3A_40 = tpu.memref_squeeze %dma_start3A_39 : memref<1x1x25x80xi32, #tpu.memory_space<hbm>> -> memref<25x80xi32, #tpu.memory_space<hbm>>
        tpu.enqueue_dma source(%dma_start3A_40 : memref<25x80xi32, #tpu.memory_space<hbm>>) target(%arg7 : memref<25x80xi32, #tpu.memory_space<vmem>>) target_semaphore(%run_scoped3A_32 : memref<!tpu.dma_semaphore, #tpu.memory_space<semaphore_mem>>)
        %dma_wait3A_41 = arith.constant 0 : i32
        %dma_wait3A_42 = arith.constant 0 : i32
        %dma_wait3A_43 = tpu.memref_slice %arg3[%add3A, %scan3A_13, %dma_wait3A_41, %dma_wait3A_42] : memref<32x5x25x80xi32, #tpu.memory_space<hbm>> -> memref<1x1x25x80xi32, #tpu.memory_space<hbm>>
        %dma_wait3A_44 = tpu.memref_squeeze %dma_wait3A_43 : memref<1x1x25x80xi32, #tpu.memory_space<hbm>> -> memref<25x80xi32, #tpu.memory_space<hbm>>
        %dma_wait3A_45 = arith.constant 0 : i32
        %dma_wait3A_46 = arith.constant 0 : i32
        %dma_wait3A_47 = tpu.memref_slice %arg3[%add3A, %scan3A_13, %dma_wait3A_45, %dma_wait3A_46] : memref<32x5x25x80xi32, #tpu.memory_space<hbm>> -> memref<1x1x25x80xi32, #tpu.memory_space<hbm>>
        %dma_wait3A_48 = tpu.memref_squeeze %dma_wait3A_47 : memref<1x1x25x80xi32, #tpu.memory_space<hbm>> -> memref<25x80xi32, #tpu.memory_space<hbm>>
        tpu.wait_dma2 semaphore(%run_scoped3A_32 : memref<!tpu.dma_semaphore, #tpu.memory_space<semaphore_mem>>) src(%dma_wait3A_48 : memref<25x80xi32, #tpu.memory_space<hbm>>) dst(%arg7 : memref<25x80xi32, #tpu.memory_space<vmem>>)
        tpu.yield
      }) : () -> ()
      "tpu.region"() ({
        %run_scoped3A_32 = tpu.sem_alloc : memref<!tpu.dma_semaphore, #tpu.memory_space<semaphore_mem>>
        %dma_start3A_33 = arith.constant 0 : i32
        %dma_start3A_34 = arith.constant 0 : i32
        %dma_start3A_35 = tpu.memref_slice %arg4[%add3A, %scan3A_13, %dma_start3A_33, %dma_start3A_34] : memref<32x5x25x80xi32, #tpu.memory_space<hbm>> -> memref<1x1x25x80xi32, #tpu.memory_space<hbm>>
        %dma_start3A_36 = tpu.memref_squeeze %dma_start3A_35 : memref<1x1x25x80xi32, #tpu.memory_space<hbm>> -> memref<25x80xi32, #tpu.memory_space<hbm>>
        %dma_start3A_37 = arith.constant 0 : i32
        %dma_start3A_38 = arith.constant 0 : i32
        %dma_start3A_39 = tpu.memref_slice %arg4[%add3A, %scan3A_13, %dma_start3A_37, %dma_start3A_38] : memref<32x5x25x80xi32, #tpu.memory_space<hbm>> -> memref<1x1x25x80xi32, #tpu.memory_space<hbm>>
        %dma_start3A_40 = tpu.memref_squeeze %dma_start3A_39 : memref<1x1x25x80xi32, #tpu.memory_space<hbm>> -> memref<25x80xi32, #tpu.memory_space<hbm>>
        tpu.enqueue_dma source(%dma_start3A_40 : memref<25x80xi32, #tpu.memory_space<hbm>>) target(%arg8 : memref<25x80xi32, #tpu.memory_space<vmem>>) target_semaphore(%run_scoped3A_32 : memref<!tpu.dma_semaphore, #tpu.memory_space<semaphore_mem>>)
        %dma_wait3A_41 = arith.constant 0 : i32
        %dma_wait3A_42 = arith.constant 0 : i32
        %dma_wait3A_43 = tpu.memref_slice %arg4[%add3A, %scan3A_13, %dma_wait3A_41, %dma_wait3A_42] : memref<32x5x25x80xi32, #tpu.memory_space<hbm>> -> memref<1x1x25x80xi32, #tpu.memory_space<hbm>>
        %dma_wait3A_44 = tpu.memref_squeeze %dma_wait3A_43 : memref<1x1x25x80xi32, #tpu.memory_space<hbm>> -> memref<25x80xi32, #tpu.memory_space<hbm>>
        %dma_wait3A_45 = arith.constant 0 : i32
        %dma_wait3A_46 = arith.constant 0 : i32
        %dma_wait3A_47 = tpu.memref_slice %arg4[%add3A, %scan3A_13, %dma_wait3A_45, %dma_wait3A_46] : memref<32x5x25x80xi32, #tpu.memory_space<hbm>> -> memref<1x1x25x80xi32, #tpu.memory_space<hbm>>
        %dma_wait3A_48 = tpu.memref_squeeze %dma_wait3A_47 : memref<1x1x25x80xi32, #tpu.memory_space<hbm>> -> memref<25x80xi32, #tpu.memory_space<hbm>>
        tpu.wait_dma2 semaphore(%run_scoped3A_32 : memref<!tpu.dma_semaphore, #tpu.memory_space<semaphore_mem>>) src(%dma_wait3A_48 : memref<25x80xi32, #tpu.memory_space<hbm>>) dst(%arg8 : memref<25x80xi32, #tpu.memory_space<vmem>>)
        tpu.yield
      }) : () -> ()
      %scan3A_14 = arith.constant 0 : i32
      %scan3A_15 = arith.constant 0 : i32
      %scan3A_16 = arith.constant 6 : i32
      %scan3A_17 = arith.addi %scan3A_15, %scan3A_16 : i32
      %scan3A_18 = arith.constant 1 : i32
      scf.for %scan3A_32 = %scan3A_15 to %scan3A_17 step %scan3A_18  : i32 {
        %mul3A_33 = arith.constant 4 : i32
        %mul3A_34 = arith.muli %mul3A_33, %scan3A_32 : i32
        %dma_start3A_35 = arith.constant 0 : i32
        %dma_start3A_36 = tpu.memref_slice %arg7[%mul3A_34, %dma_start3A_35] : memref<25x80xi32, #tpu.memory_space<vmem>> -> memref<1x80xi32, #tpu.memory_space<vmem>>
        %dma_start3A_37 = tpu.memref_squeeze %dma_start3A_36 : memref<1x80xi32, #tpu.memory_space<vmem>> -> memref<80xi32, #tpu.memory_space<vmem>>
        %dma_start3A_38 = arith.constant 0 : i32
        %dma_start3A_39 = arith.constant 0 : i32
        %dma_start3A_40 = tpu.memref_slice %arg2[%dma_start3A_38, %dma_start3A_39] : memref<10000x128xf32, #tpu.memory_space<hbm>> -> memref<10000x128xf32, #tpu.memory_space<hbm>>
        tpu.enqueue_indirect_dma source(%dma_start3A_40 : memref<10000x128xf32, #tpu.memory_space<hbm>>) target(%arg9 : memref<80x128xf32, #tpu.memory_space<vmem>>) offsets(%dma_start3A_37 : memref<80xi32, #tpu.memory_space<vmem>>) semaphore(%arg14 : memref<!tpu.dma_semaphore, #tpu.memory_space<semaphore_mem>>)
        %add3A_41 = arith.constant 1 : i32
        %add3A_42 = arith.addi %mul3A_34, %add3A_41 : i32
        %dma_start3A_43 = arith.constant 0 : i32
        %dma_start3A_44 = tpu.memref_slice %arg7[%add3A_42, %dma_start3A_43] : memref<25x80xi32, #tpu.memory_space<vmem>> -> memref<1x80xi32, #tpu.memory_space<vmem>>
        %dma_start3A_45 = tpu.memref_squeeze %dma_start3A_44 : memref<1x80xi32, #tpu.memory_space<vmem>> -> memref<80xi32, #tpu.memory_space<vmem>>
        %dma_start3A_46 = arith.constant 0 : i32
        %dma_start3A_47 = arith.constant 0 : i32
        %dma_start3A_48 = tpu.memref_slice %arg2[%dma_start3A_46, %dma_start3A_47] : memref<10000x128xf32, #tpu.memory_space<hbm>> -> memref<10000x128xf32, #tpu.memory_space<hbm>>
        tpu.enqueue_indirect_dma source(%dma_start3A_48 : memref<10000x128xf32, #tpu.memory_space<hbm>>) target(%arg10 : memref<80x128xf32, #tpu.memory_space<vmem>>) offsets(%dma_start3A_45 : memref<80xi32, #tpu.memory_space<vmem>>) semaphore(%arg14 : memref<!tpu.dma_semaphore, #tpu.memory_space<semaphore_mem>>)
        %add3A_49 = arith.constant 2 : i32
        %add3A_50 = arith.addi %mul3A_34, %add3A_49 : i32
        %dma_start3A_51 = arith.constant 0 : i32
        %dma_start3A_52 = tpu.memref_slice %arg7[%add3A_50, %dma_start3A_51] : memref<25x80xi32, #tpu.memory_space<vmem>> -> memref<1x80xi32, #tpu.memory_space<vmem>>
        %dma_start3A_53 = tpu.memref_squeeze %dma_start3A_52 : memref<1x80xi32, #tpu.memory_space<vmem>> -> memref<80xi32, #tpu.memory_space<vmem>>
        %dma_start3A_54 = arith.constant 0 : i32
        %dma_start3A_55 = arith.constant 0 : i32
        %dma_start3A_56 = tpu.memref_slice %arg2[%dma_start3A_54, %dma_start3A_55] : memref<10000x128xf32, #tpu.memory_space<hbm>> -> memref<10000x128xf32, #tpu.memory_space<hbm>>
        tpu.enqueue_indirect_dma source(%dma_start3A_56 : memref<10000x128xf32, #tpu.memory_space<hbm>>) target(%arg11 : memref<80x128xf32, #tpu.memory_space<vmem>>) offsets(%dma_start3A_53 : memref<80xi32, #tpu.memory_space<vmem>>) semaphore(%arg14 : memref<!tpu.dma_semaphore, #tpu.memory_space<semaphore_mem>>)
        %add3A_57 = arith.constant 3 : i32
        %add3A_58 = arith.addi %mul3A_34, %add3A_57 : i32
        %dma_start3A_59 = arith.constant 0 : i32
        %dma_start3A_60 = tpu.memref_slice %arg7[%add3A_58, %dma_start3A_59] : memref<25x80xi32, #tpu.memory_space<vmem>> -> memref<1x80xi32, #tpu.memory_space<vmem>>
        %dma_start3A_61 = tpu.memref_squeeze %dma_start3A_60 : memref<1x80xi32, #tpu.memory_space<vmem>> -> memref<80xi32, #tpu.memory_space<vmem>>
        %dma_start3A_62 = arith.constant 0 : i32
        %dma_start3A_63 = arith.constant 0 : i32
        %dma_start3A_64 = tpu.memref_slice %arg2[%dma_start3A_62, %dma_start3A_63] : memref<10000x128xf32, #tpu.memory_space<hbm>> -> memref<10000x128xf32, #tpu.memory_space<hbm>>
        tpu.enqueue_indirect_dma source(%dma_start3A_64 : memref<10000x128xf32, #tpu.memory_space<hbm>>) target(%arg12 : memref<80x128xf32, #tpu.memory_space<vmem>>) offsets(%dma_start3A_61 : memref<80xi32, #tpu.memory_space<vmem>>) semaphore(%arg14 : memref<!tpu.dma_semaphore, #tpu.memory_space<semaphore_mem>>)
        %dma_wait3A_65 = arith.constant 0 : i32
        %dma_wait3A_66 = tpu.memref_slice %arg7[%mul3A_34, %dma_wait3A_65] : memref<25x80xi32, #tpu.memory_space<vmem>> -> memref<1x80xi32, #tpu.memory_space<vmem>>
        %dma_wait3A_67 = tpu.memref_squeeze %dma_wait3A_66 : memref<1x80xi32, #tpu.memory_space<vmem>> -> memref<80xi32, #tpu.memory_space<vmem>>
        %dma_wait3A_68 = arith.constant 0 : i32
        %dma_wait3A_69 = arith.constant 0 : i32
        %dma_wait3A_70 = tpu.memref_slice %arg2[%dma_wait3A_68, %dma_wait3A_69] : memref<10000x128xf32, #tpu.memory_space<hbm>> -> memref<10000x128xf32, #tpu.memory_space<hbm>>
        tpu.wait_indirect_dma semaphore(%arg14 : memref<!tpu.dma_semaphore, #tpu.memory_space<semaphore_mem>>) src(%dma_wait3A_70 : memref<10000x128xf32, #tpu.memory_space<hbm>>) dst(%arg9 : memref<80x128xf32, #tpu.memory_space<vmem>>)
        "tpu.region"() ({
          %run_scoped3A_101 = tpu.sem_alloc : memref<!tpu.dma_semaphore, #tpu.memory_space<semaphore_mem>>
          %dma_start3A_102 = arith.constant 0 : i32
          %dma_start3A_103 = tpu.memref_slice %arg8[%mul3A_34, %dma_start3A_102] : memref<25x80xi32, #tpu.memory_space<vmem>> -> memref<1x80xi32, #tpu.memory_space<vmem>>
          %dma_start3A_104 = tpu.memref_squeeze %dma_start3A_103 : memref<1x80xi32, #tpu.memory_space<vmem>> -> memref<80xi32, #tpu.memory_space<vmem>>
          %dma_start3A_105 = arith.constant 0 : i32
          %dma_start3A_106 = arith.constant 0 : i32
          %dma_start3A_107 = tpu.memref_slice %arg13[%dma_start3A_105, %dma_start3A_106] : memref<10240x128xf32, #tpu.memory_space<vmem_shared>> -> memref<10240x128xf32, #tpu.memory_space<vmem_shared>>
          tpu.enqueue_indirect_dma source(%arg9 : memref<80x128xf32, #tpu.memory_space<vmem>>) target(%dma_start3A_107 : memref<10240x128xf32, #tpu.memory_space<vmem_shared>>) offsets(%dma_start3A_104 : memref<80xi32, #tpu.memory_space<vmem>>) semaphore(%run_scoped3A_101 : memref<!tpu.dma_semaphore, #tpu.memory_space<semaphore_mem>>) {add = true}
          %dma_wait3A_108 = arith.constant 0 : i32
          %dma_wait3A_109 = tpu.memref_slice %arg8[%mul3A_34, %dma_wait3A_108] : memref<25x80xi32, #tpu.memory_space<vmem>> -> memref<1x80xi32, #tpu.memory_space<vmem>>
          %dma_wait3A_110 = tpu.memref_squeeze %dma_wait3A_109 : memref<1x80xi32, #tpu.memory_space<vmem>> -> memref<80xi32, #tpu.memory_space<vmem>>
          %dma_wait3A_111 = arith.constant 0 : i32
          %dma_wait3A_112 = arith.constant 0 : i32
          %dma_wait3A_113 = tpu.memref_slice %arg13[%dma_wait3A_111, %dma_wait3A_112] : memref<10240x128xf32, #tpu.memory_space<vmem_shared>> -> memref<10240x128xf32, #tpu.memory_space<vmem_shared>>
          tpu.wait_indirect_dma semaphore(%run_scoped3A_101 : memref<!tpu.dma_semaphore, #tpu.memory_space<semaphore_mem>>) src(%arg9 : memref<80x128xf32, #tpu.memory_space<vmem>>) dst(%dma_wait3A_113 : memref<10240x128xf32, #tpu.memory_space<vmem_shared>>)
          tpu.yield
        }) : () -> ()
        %add3A_71 = arith.constant 1 : i32
        %add3A_72 = arith.addi %mul3A_34, %add3A_71 : i32
        %dma_wait3A_73 = arith.constant 0 : i32
        %dma_wait3A_74 = tpu.memref_slice %arg7[%add3A_72, %dma_wait3A_73] : memref<25x80xi32, #tpu.memory_space<vmem>> -> memref<1x80xi32, #tpu.memory_space<vmem>>
        %dma_wait3A_75 = tpu.memref_squeeze %dma_wait3A_74 : memref<1x80xi32, #tpu.memory_space<vmem>> -> memref<80xi32, #tpu.memory_space<vmem>>
        %dma_wait3A_76 = arith.constant 0 : i32
        %dma_wait3A_77 = arith.constant 0 : i32
        %dma_wait3A_78 = tpu.memref_slice %arg2[%dma_wait3A_76, %dma_wait3A_77] : memref<10000x128xf32, #tpu.memory_space<hbm>> -> memref<10000x128xf32, #tpu.memory_space<hbm>>
        tpu.wait_indirect_dma semaphore(%arg14 : memref<!tpu.dma_semaphore, #tpu.memory_space<semaphore_mem>>) src(%dma_wait3A_78 : memref<10000x128xf32, #tpu.memory_space<hbm>>) dst(%arg10 : memref<80x128xf32, #tpu.memory_space<vmem>>)
        %add3A_79 = arith.constant 1 : i32
        %add3A_80 = arith.addi %mul3A_34, %add3A_79 : i32
        "tpu.region"() ({
          %run_scoped3A_101 = tpu.sem_alloc : memref<!tpu.dma_semaphore, #tpu.memory_space<semaphore_mem>>
          %dma_start3A_102 = arith.constant 0 : i32
          %dma_start3A_103 = tpu.memref_slice %arg8[%add3A_80, %dma_start3A_102] : memref<25x80xi32, #tpu.memory_space<vmem>> -> memref<1x80xi32, #tpu.memory_space<vmem>>
          %dma_start3A_104 = tpu.memref_squeeze %dma_start3A_103 : memref<1x80xi32, #tpu.memory_space<vmem>> -> memref<80xi32, #tpu.memory_space<vmem>>
          %dma_start3A_105 = arith.constant 0 : i32
          %dma_start3A_106 = arith.constant 0 : i32
          %dma_start3A_107 = tpu.memref_slice %arg13[%dma_start3A_105, %dma_start3A_106] : memref<10240x128xf32, #tpu.memory_space<vmem_shared>> -> memref<10240x128xf32, #tpu.memory_space<vmem_shared>>
          tpu.enqueue_indirect_dma source(%arg10 : memref<80x128xf32, #tpu.memory_space<vmem>>) target(%dma_start3A_107 : memref<10240x128xf32, #tpu.memory_space<vmem_shared>>) offsets(%dma_start3A_104 : memref<80xi32, #tpu.memory_space<vmem>>) semaphore(%run_scoped3A_101 : memref<!tpu.dma_semaphore, #tpu.memory_space<semaphore_mem>>) {add = true}
          %dma_wait3A_108 = arith.constant 0 : i32
          %dma_wait3A_109 = tpu.memref_slice %arg8[%add3A_80, %dma_wait3A_108] : memref<25x80xi32, #tpu.memory_space<vmem>> -> memref<1x80xi32, #tpu.memory_space<vmem>>
          %dma_wait3A_110 = tpu.memref_squeeze %dma_wait3A_109 : memref<1x80xi32, #tpu.memory_space<vmem>> -> memref<80xi32, #tpu.memory_space<vmem>>
          %dma_wait3A_111 = arith.constant 0 : i32
          %dma_wait3A_112 = arith.constant 0 : i32
          %dma_wait3A_113 = tpu.memref_slice %arg13[%dma_wait3A_111, %dma_wait3A_112] : memref<10240x128xf32, #tpu.memory_space<vmem_shared>> -> memref<10240x128xf32, #tpu.memory_space<vmem_shared>>
          tpu.wait_indirect_dma semaphore(%run_scoped3A_101 : memref<!tpu.dma_semaphore, #tpu.memory_space<semaphore_mem>>) src(%arg10 : memref<80x128xf32, #tpu.memory_space<vmem>>) dst(%dma_wait3A_113 : memref<10240x128xf32, #tpu.memory_space<vmem_shared>>)
          tpu.yield
        }) : () -> ()
        %add3A_81 = arith.constant 2 : i32
        %add3A_82 = arith.addi %mul3A_34, %add3A_81 : i32
        %dma_wait3A_83 = arith.constant 0 : i32
        %dma_wait3A_84 = tpu.memref_slice %arg7[%add3A_82, %dma_wait3A_83] : memref<25x80xi32, #tpu.memory_space<vmem>> -> memref<1x80xi32, #tpu.memory_space<vmem>>
        %dma_wait3A_85 = tpu.memref_squeeze %dma_wait3A_84 : memref<1x80xi32, #tpu.memory_space<vmem>> -> memref<80xi32, #tpu.memory_space<vmem>>
        %dma_wait3A_86 = arith.constant 0 : i32
        %dma_wait3A_87 = arith.constant 0 : i32
        %dma_wait3A_88 = tpu.memref_slice %arg2[%dma_wait3A_86, %dma_wait3A_87] : memref<10000x128xf32, #tpu.memory_space<hbm>> -> memref<10000x128xf32, #tpu.memory_space<hbm>>
        tpu.wait_indirect_dma semaphore(%arg14 : memref<!tpu.dma_semaphore, #tpu.memory_space<semaphore_mem>>) src(%dma_wait3A_88 : memref<10000x128xf32, #tpu.memory_space<hbm>>) dst(%arg11 : memref<80x128xf32, #tpu.memory_space<vmem>>)
        %add3A_89 = arith.constant 2 : i32
        %add3A_90 = arith.addi %mul3A_34, %add3A_89 : i32
        "tpu.region"() ({
          %run_scoped3A_101 = tpu.sem_alloc : memref<!tpu.dma_semaphore, #tpu.memory_space<semaphore_mem>>
          %dma_start3A_102 = arith.constant 0 : i32
          %dma_start3A_103 = tpu.memref_slice %arg8[%add3A_90, %dma_start3A_102] : memref<25x80xi32, #tpu.memory_space<vmem>> -> memref<1x80xi32, #tpu.memory_space<vmem>>
          %dma_start3A_104 = tpu.memref_squeeze %dma_start3A_103 : memref<1x80xi32, #tpu.memory_space<vmem>> -> memref<80xi32, #tpu.memory_space<vmem>>
          %dma_start3A_105 = arith.constant 0 : i32
          %dma_start3A_106 = arith.constant 0 : i32
          %dma_start3A_107 = tpu.memref_slice %arg13[%dma_start3A_105, %dma_start3A_106] : memref<10240x128xf32, #tpu.memory_space<vmem_shared>> -> memref<10240x128xf32, #tpu.memory_space<vmem_shared>>
          tpu.enqueue_indirect_dma source(%arg11 : memref<80x128xf32, #tpu.memory_space<vmem>>) target(%dma_start3A_107 : memref<10240x128xf32, #tpu.memory_space<vmem_shared>>) offsets(%dma_start3A_104 : memref<80xi32, #tpu.memory_space<vmem>>) semaphore(%run_scoped3A_101 : memref<!tpu.dma_semaphore, #tpu.memory_space<semaphore_mem>>) {add = true}
          %dma_wait3A_108 = arith.constant 0 : i32
          %dma_wait3A_109 = tpu.memref_slice %arg8[%add3A_90, %dma_wait3A_108] : memref<25x80xi32, #tpu.memory_space<vmem>> -> memref<1x80xi32, #tpu.memory_space<vmem>>
          %dma_wait3A_110 = tpu.memref_squeeze %dma_wait3A_109 : memref<1x80xi32, #tpu.memory_space<vmem>> -> memref<80xi32, #tpu.memory_space<vmem>>
          %dma_wait3A_111 = arith.constant 0 : i32
          %dma_wait3A_112 = arith.constant 0 : i32
          %dma_wait3A_113 = tpu.memref_slice %arg13[%dma_wait3A_111, %dma_wait3A_112] : memref<10240x128xf32, #tpu.memory_space<vmem_shared>> -> memref<10240x128xf32, #tpu.memory_space<vmem_shared>>
          tpu.wait_indirect_dma semaphore(%run_scoped3A_101 : memref<!tpu.dma_semaphore, #tpu.memory_space<semaphore_mem>>) src(%arg11 : memref<80x128xf32, #tpu.memory_space<vmem>>) dst(%dma_wait3A_113 : memref<10240x128xf32, #tpu.memory_space<vmem_shared>>)
          tpu.yield
        }) : () -> ()
        %add3A_91 = arith.constant 3 : i32
        %add3A_92 = arith.addi %mul3A_34, %add3A_91 : i32
        %dma_wait3A_93 = arith.constant 0 : i32
        %dma_wait3A_94 = tpu.memref_slice %arg7[%add3A_92, %dma_wait3A_93] : memref<25x80xi32, #tpu.memory_space<vmem>> -> memref<1x80xi32, #tpu.memory_space<vmem>>
        %dma_wait3A_95 = tpu.memref_squeeze %dma_wait3A_94 : memref<1x80xi32, #tpu.memory_space<vmem>> -> memref<80xi32, #tpu.memory_space<vmem>>
        %dma_wait3A_96 = arith.constant 0 : i32
        %dma_wait3A_97 = arith.constant 0 : i32
        %dma_wait3A_98 = tpu.memref_slice %arg2[%dma_wait3A_96, %dma_wait3A_97] : memref<10000x128xf32, #tpu.memory_space<hbm>> -> memref<10000x128xf32, #tpu.memory_space<hbm>>
        tpu.wait_indirect_dma semaphore(%arg14 : memref<!tpu.dma_semaphore, #tpu.memory_space<semaphore_mem>>) src(%dma_wait3A_98 : memref<10000x128xf32, #tpu.memory_space<hbm>>) dst(%arg12 : memref<80x128xf32, #tpu.memory_space<vmem>>)
        %add3A_99 = arith.constant 3 : i32
        %add3A_100 = arith.addi %mul3A_34, %add3A_99 : i32
        "tpu.region"() ({
          %run_scoped3A_101 = tpu.sem_alloc : memref<!tpu.dma_semaphore, #tpu.memory_space<semaphore_mem>>
          %dma_start3A_102 = arith.constant 0 : i32
          %dma_start3A_103 = tpu.memref_slice %arg8[%add3A_100, %dma_start3A_102] : memref<25x80xi32, #tpu.memory_space<vmem>> -> memref<1x80xi32, #tpu.memory_space<vmem>>
          %dma_start3A_104 = tpu.memref_squeeze %dma_start3A_103 : memref<1x80xi32, #tpu.memory_space<vmem>> -> memref<80xi32, #tpu.memory_space<vmem>>
          %dma_start3A_105 = arith.constant 0 : i32
          %dma_start3A_106 = arith.constant 0 : i32
          %dma_start3A_107 = tpu.memref_slice %arg13[%dma_start3A_105, %dma_start3A_106] : memref<10240x128xf32, #tpu.memory_space<vmem_shared>> -> memref<10240x128xf32, #tpu.memory_space<vmem_shared>>
          tpu.enqueue_indirect_dma source(%arg12 : memref<80x128xf32, #tpu.memory_space<vmem>>) target(%dma_start3A_107 : memref<10240x128xf32, #tpu.memory_space<vmem_shared>>) offsets(%dma_start3A_104 : memref<80xi32, #tpu.memory_space<vmem>>) semaphore(%run_scoped3A_101 : memref<!tpu.dma_semaphore, #tpu.memory_space<semaphore_mem>>) {add = true}
          %dma_wait3A_108 = arith.constant 0 : i32
          %dma_wait3A_109 = tpu.memref_slice %arg8[%add3A_100, %dma_wait3A_108] : memref<25x80xi32, #tpu.memory_space<vmem>> -> memref<1x80xi32, #tpu.memory_space<vmem>>
          %dma_wait3A_110 = tpu.memref_squeeze %dma_wait3A_109 : memref<1x80xi32, #tpu.memory_space<vmem>> -> memref<80xi32, #tpu.memory_space<vmem>>
          %dma_wait3A_111 = arith.constant 0 : i32
          %dma_wait3A_112 = arith.constant 0 : i32
          %dma_wait3A_113 = tpu.memref_slice %arg13[%dma_wait3A_111, %dma_wait3A_112] : memref<10240x128xf32, #tpu.memory_space<vmem_shared>> -> memref<10240x128xf32, #tpu.memory_space<vmem_shared>>
          tpu.wait_indirect_dma semaphore(%run_scoped3A_101 : memref<!tpu.dma_semaphore, #tpu.memory_space<semaphore_mem>>) src(%arg12 : memref<80x128xf32, #tpu.memory_space<vmem>>) dst(%dma_wait3A_113 : memref<10240x128xf32, #tpu.memory_space<vmem_shared>>)
          tpu.yield
        }) : () -> ()
      }
      %scan3A_19 = arith.constant 6 : i32
      %dma_start3A = arith.constant 24 : i32
      %dma_start3A_20 = arith.constant 0 : i32
      %dma_start3A_21 = tpu.memref_slice %arg7[%dma_start3A, %dma_start3A_20] : memref<25x80xi32, #tpu.memory_space<vmem>> -> memref<1x80xi32, #tpu.memory_space<vmem>>
      %dma_start3A_22 = tpu.memref_squeeze %dma_start3A_21 : memref<1x80xi32, #tpu.memory_space<vmem>> -> memref<80xi32, #tpu.memory_space<vmem>>
      %dma_start3A_23 = arith.constant 0 : i32
      %dma_start3A_24 = arith.constant 0 : i32
      %dma_start3A_25 = tpu.memref_slice %arg2[%dma_start3A_23, %dma_start3A_24] : memref<10000x128xf32, #tpu.memory_space<hbm>> -> memref<10000x128xf32, #tpu.memory_space<hbm>>
      tpu.enqueue_indirect_dma source(%dma_start3A_25 : memref<10000x128xf32, #tpu.memory_space<hbm>>) target(%arg9 : memref<80x128xf32, #tpu.memory_space<vmem>>) offsets(%dma_start3A_22 : memref<80xi32, #tpu.memory_space<vmem>>) semaphore(%arg14 : memref<!tpu.dma_semaphore, #tpu.memory_space<semaphore_mem>>)
      %dma_wait3A = arith.constant 24 : i32
      %dma_wait3A_26 = arith.constant 0 : i32
      %dma_wait3A_27 = tpu.memref_slice %arg7[%dma_wait3A, %dma_wait3A_26] : memref<25x80xi32, #tpu.memory_space<vmem>> -> memref<1x80xi32, #tpu.memory_space<vmem>>
      %dma_wait3A_28 = tpu.memref_squeeze %dma_wait3A_27 : memref<1x80xi32, #tpu.memory_space<vmem>> -> memref<80xi32, #tpu.memory_space<vmem>>
      %dma_wait3A_29 = arith.constant 0 : i32
      %dma_wait3A_30 = arith.constant 0 : i32
      %dma_wait3A_31 = tpu.memref_slice %arg2[%dma_wait3A_29, %dma_wait3A_30] : memref<10000x128xf32, #tpu.memory_space<hbm>> -> memref<10000x128xf32, #tpu.memory_space<hbm>>
      tpu.wait_indirect_dma semaphore(%arg14 : memref<!tpu.dma_semaphore, #tpu.memory_space<semaphore_mem>>) src(%dma_wait3A_31 : memref<10000x128xf32, #tpu.memory_space<hbm>>) dst(%arg9 : memref<80x128xf32, #tpu.memory_space<vmem>>)
      %run_scoped3A = arith.constant 24 : i32
      "tpu.region"() ({
        %run_scoped3A_32 = tpu.sem_alloc : memref<!tpu.dma_semaphore, #tpu.memory_space<semaphore_mem>>
        %dma_start3A_33 = arith.constant 0 : i32
        %dma_start3A_34 = tpu.memref_slice %arg8[%run_scoped3A, %dma_start3A_33] : memref<25x80xi32, #tpu.memory_space<vmem>> -> memref<1x80xi32, #tpu.memory_space<vmem>>
        %dma_start3A_35 = tpu.memref_squeeze %dma_start3A_34 : memref<1x80xi32, #tpu.memory_space<vmem>> -> memref<80xi32, #tpu.memory_space<vmem>>
        %dma_start3A_36 = arith.constant 0 : i32
        %dma_start3A_37 = arith.constant 0 : i32
        %dma_start3A_38 = tpu.memref_slice %arg13[%dma_start3A_36, %dma_start3A_37] : memref<10240x128xf32, #tpu.memory_space<vmem_shared>> -> memref<10240x128xf32, #tpu.memory_space<vmem_shared>>
        tpu.enqueue_indirect_dma source(%arg9 : memref<80x128xf32, #tpu.memory_space<vmem>>) target(%dma_start3A_38 : memref<10240x128xf32, #tpu.memory_space<vmem_shared>>) offsets(%dma_start3A_35 : memref<80xi32, #tpu.memory_space<vmem>>) semaphore(%run_scoped3A_32 : memref<!tpu.dma_semaphore, #tpu.memory_space<semaphore_mem>>) {add = true}
        %dma_wait3A_39 = arith.constant 0 : i32
        %dma_wait3A_40 = tpu.memref_slice %arg8[%run_scoped3A, %dma_wait3A_39] : memref<25x80xi32, #tpu.memory_space<vmem>> -> memref<1x80xi32, #tpu.memory_space<vmem>>
        %dma_wait3A_41 = tpu.memref_squeeze %dma_wait3A_40 : memref<1x80xi32, #tpu.memory_space<vmem>> -> memref<80xi32, #tpu.memory_space<vmem>>
        %dma_wait3A_42 = arith.constant 0 : i32
        %dma_wait3A_43 = arith.constant 0 : i32
        %dma_wait3A_44 = tpu.memref_slice %arg13[%dma_wait3A_42, %dma_wait3A_43] : memref<10240x128xf32, #tpu.memory_space<vmem_shared>> -> memref<10240x128xf32, #tpu.memory_space<vmem_shared>>
        tpu.wait_indirect_dma semaphore(%run_scoped3A_32 : memref<!tpu.dma_semaphore, #tpu.memory_space<semaphore_mem>>) src(%arg9 : memref<80x128xf32, #tpu.memory_space<vmem>>) dst(%dma_wait3A_44 : memref<10240x128xf32, #tpu.memory_space<vmem_shared>>)
        tpu.yield
      }) : () -> ()
    }
    %scan3A_7 = arith.constant 5 : i32
    %barrier3A_8 = arith.constant 0 : index
    tpu.barrier barrier_id(%barrier3A_8)
    %mul3A_9 = arith.constant 640 : i32
    %mul3A_10 = arith.muli %arg1, %mul3A_9 : i32
    %mul3A_11 = arith.constant 640 : i32
    %mul3A_12 = arith.muli %arg1, %mul3A_11 : i32
    "tpu.region"() ({
      %run_scoped3A = tpu.sem_alloc : memref<!tpu.dma_semaphore, #tpu.memory_space<semaphore_mem>>
      %dma_start3A = arith.constant 0 : i32
      %dma_start3A_13 = tpu.memref_slice %arg6[%arg0, %mul3A_12, %dma_start3A] : memref<2x10240x128xf32, #tpu.memory_space<hbm>> -> memref<1x640x128xf32, #tpu.memory_space<hbm>>
      %dma_start3A_14 = tpu.memref_squeeze %dma_start3A_13 : memref<1x640x128xf32, #tpu.memory_space<hbm>> -> memref<640x128xf32, #tpu.memory_space<hbm>>
      %dma_start3A_15 = arith.constant 0 : i32
      %dma_start3A_16 = tpu.memref_slice %arg13[%mul3A_10, %dma_start3A_15] : memref<10240x128xf32, #tpu.memory_space<vmem_shared>> -> memref<640x128xf32, #tpu.memory_space<vmem_shared>>
      tpu.enqueue_dma source(%dma_start3A_16 : memref<640x128xf32, #tpu.memory_space<vmem_shared>>) target(%dma_start3A_14 : memref<640x128xf32, #tpu.memory_space<hbm>>) target_semaphore(%run_scoped3A : memref<!tpu.dma_semaphore, #tpu.memory_space<semaphore_mem>>)
      %dma_wait3A = arith.constant 0 : i32
      %dma_wait3A_17 = tpu.memref_slice %arg6[%arg0, %mul3A_12, %dma_wait3A] : memref<2x10240x128xf32, #tpu.memory_space<hbm>> -> memref<1x640x128xf32, #tpu.memory_space<hbm>>
      %dma_wait3A_18 = tpu.memref_squeeze %dma_wait3A_17 : memref<1x640x128xf32, #tpu.memory_space<hbm>> -> memref<640x128xf32, #tpu.memory_space<hbm>>
      %dma_wait3A_19 = arith.constant 0 : i32
      %dma_wait3A_20 = tpu.memref_slice %arg13[%mul3A_10, %dma_wait3A_19] : memref<10240x128xf32, #tpu.memory_space<vmem_shared>> -> memref<640x128xf32, #tpu.memory_space<vmem_shared>>
      tpu.wait_dma2 semaphore(%run_scoped3A : memref<!tpu.dma_semaphore, #tpu.memory_space<semaphore_mem>>) src(%dma_wait3A_20 : memref<640x128xf32, #tpu.memory_space<vmem_shared>>) dst(%dma_wait3A_18 : memref<640x128xf32, #tpu.memory_space<hbm>>)
      tpu.yield
    }) : () -> ()
    return
  }
}

#map = affine_map<(d0, d1) -> (0, 0)>
#map1 = affine_map<(d0, d1) -> (0, 0, 0, 0)>
#map2 = affine_map<(d0, d1) -> (0, 0, 0)>
module attributes {stable_mosaic.version = 14 : i64} {
  func.func @_sc_scatter(%arg0: i32, %arg1: i32, %arg2: memref<10000x128xf32, #tpu.memory_space<hbm>>, %arg3: memref<32x5x25x80xi32, #tpu.memory_space<hbm>>, %arg4: memref<32x5x25x80xi32, #tpu.memory_space<hbm>>, %arg5: memref<640x128xf32, #tpu.memory_space<hbm>>, %arg6: memref<2x10240x128xf32, #tpu.memory_space<hbm>>, %arg7: memref<25x80xi32, #tpu.memory_space<vmem>>, %arg8: memref<25x80xi32, #tpu.memory_space<vmem>>, %arg9: memref<80x128xf32, #tpu.memory_space<vmem>>, %arg10: memref<80x128xf32, #tpu.memory_space<vmem>>, %arg11: memref<80x128xf32, #tpu.memory_space<vmem>>, %arg12: memref<80x128xf32, #tpu.memory_space<vmem>>, %arg13: memref<10240x128xf32, #tpu.memory_space<vmem_shared>>, %arg14: memref<!tpu.dma_semaphore, #tpu.memory_space<semaphore_mem>>) attributes {dimension_semantics = [#tpu.dimension_semantics<core_parallel>, #tpu.dimension_semantics<subcore_parallel>], iteration_bounds = array<i64: 2, 16>, scalar_prefetch = 0 : i64, scratch_operands = 8 : i64, tpu.core_type = #tpu.core_type<sc_vector_subcore>, window_params = [{transform_indices = #map}, {transform_indices = #map1}, {transform_indices = #map1}, {transform_indices = #map}, {transform_indices = #map2}]} {
    %mul3A = arith.constant 16 : i32
    %mul3A_0 = arith.muli %arg0, %mul3A : i32
    %add3A = arith.addi %mul3A_0, %arg1 : i32
    %mul3A_1 = arith.constant 640 : i32
    %mul3A_2 = arith.muli %arg1, %mul3A_1 : i32
    "tpu.region"() ({
      %run_scoped3A = tpu.sem_alloc : memref<!tpu.dma_semaphore, #tpu.memory_space<semaphore_mem>>
      %dma_start3A = arith.constant 0 : i32
      %dma_start3A_13 = tpu.memref_slice %arg13[%mul3A_2, %dma_start3A] : memref<10240x128xf32, #tpu.memory_space<vmem_shared>> -> memref<640x128xf32, #tpu.memory_space<vmem_shared>>
      tpu.enqueue_dma source(%arg5 : memref<640x128xf32, #tpu.memory_space<hbm>>) target(%dma_start3A_13 : memref<640x128xf32, #tpu.memory_space<vmem_shared>>) target_semaphore(%run_scoped3A : memref<!tpu.dma_semaphore, #tpu.memory_space<semaphore_mem>>)
      %dma_wait3A = arith.constant 0 : i32
      %dma_wait3A_14 = tpu.memref_slice %arg13[%mul3A_2, %dma_wait3A] : memref<10240x128xf32, #tpu.memory_space<vmem_shared>> -> memref<640x128xf32, #tpu.memory_space<vmem_shared>>
      tpu.wait_dma2 semaphore(%run_scoped3A : memref<!tpu.dma_semaphore, #tpu.memory_space<semaphore_mem>>) src(%arg5 : memref<640x128xf32, #tpu.memory_space<hbm>>) dst(%dma_wait3A_14 : memref<640x128xf32, #tpu.memory_space<vmem_shared>>)
      tpu.yield
    }) : () -> ()
    %barrier3A = arith.constant 0 : index
    tpu.barrier barrier_id(%barrier3A)
    %scan3A = arith.constant 0 : i32
    %scan3A_3 = arith.constant 0 : i32
    %scan3A_4 = arith.constant 5 : i32
    %scan3A_5 = arith.addi %scan3A_3, %scan3A_4 : i32
    %scan3A_6 = arith.constant 1 : i32
    scf.for %scan3A_13 = %scan3A_3 to %scan3A_5 step %scan3A_6  : i32 {
      "tpu.region"() ({
        %run_scoped3A_32 = tpu.sem_alloc : memref<!tpu.dma_semaphore, #tpu.memory_space<semaphore_mem>>
        %dma_start3A_33 = arith.constant 0 : i32
        %dma_start3A_34 = arith.constant 0 : i32
        %dma_start3A_35 = tpu.memref_slice %arg3[%add3A, %scan3A_13, %dma_start3A_33, %dma_start3A_34] : memref<32x5x25x80xi32, #tpu.memory_space<hbm>> -> memref<1x1x25x80xi32, #tpu.memory_space<hbm>>
        %dma_start3A_36 = tpu.memref_squeeze %dma_start3A_35 : memref<1x1x25x80xi32, #tpu.memory_space<hbm>> -> memref<25x80xi32, #tpu.memory_space<hbm>>
        %dma_start3A_37 = arith.constant 0 : i32
        %dma_start3A_38 = arith.constant 0 : i32
        %dma_start3A_39 = tpu.memref_slice %arg3[%add3A, %scan3A_13, %dma_start3A_37, %dma_start3A_38] : memref<32x5x25x80xi32, #tpu.memory_space<hbm>> -> memref<1x1x25x80xi32, #tpu.memory_space<hbm>>
        %dma_start3A_40 = tpu.memref_squeeze %dma_start3A_39 : memref<1x1x25x80xi32, #tpu.memory_space<hbm>> -> memref<25x80xi32, #tpu.memory_space<hbm>>
        tpu.enqueue_dma source(%dma_start3A_40 : memref<25x80xi32, #tpu.memory_space<hbm>>) target(%arg7 : memref<25x80xi32, #tpu.memory_space<vmem>>) target_semaphore(%run_scoped3A_32 : memref<!tpu.dma_semaphore, #tpu.memory_space<semaphore_mem>>)
        %dma_wait3A_41 = arith.constant 0 : i32
        %dma_wait3A_42 = arith.constant 0 : i32
        %dma_wait3A_43 = tpu.memref_slice %arg3[%add3A, %scan3A_13, %dma_wait3A_41, %dma_wait3A_42] : memref<32x5x25x80xi32, #tpu.memory_space<hbm>> -> memref<1x1x25x80xi32, #tpu.memory_space<hbm>>
        %dma_wait3A_44 = tpu.memref_squeeze %dma_wait3A_43 : memref<1x1x25x80xi32, #tpu.memory_space<hbm>> -> memref<25x80xi32, #tpu.memory_space<hbm>>
        %dma_wait3A_45 = arith.constant 0 : i32
        %dma_wait3A_46 = arith.constant 0 : i32
        %dma_wait3A_47 = tpu.memref_slice %arg3[%add3A, %scan3A_13, %dma_wait3A_45, %dma_wait3A_46] : memref<32x5x25x80xi32, #tpu.memory_space<hbm>> -> memref<1x1x25x80xi32, #tpu.memory_space<hbm>>
        %dma_wait3A_48 = tpu.memref_squeeze %dma_wait3A_47 : memref<1x1x25x80xi32, #tpu.memory_space<hbm>> -> memref<25x80xi32, #tpu.memory_space<hbm>>
        tpu.wait_dma2 semaphore(%run_scoped3A_32 : memref<!tpu.dma_semaphore, #tpu.memory_space<semaphore_mem>>) src(%dma_wait3A_48 : memref<25x80xi32, #tpu.memory_space<hbm>>) dst(%arg7 : memref<25x80xi32, #tpu.memory_space<vmem>>)
        tpu.yield
      }) : () -> ()
      "tpu.region"() ({
        %run_scoped3A_32 = tpu.sem_alloc : memref<!tpu.dma_semaphore, #tpu.memory_space<semaphore_mem>>
        %dma_start3A_33 = arith.constant 0 : i32
        %dma_start3A_34 = arith.constant 0 : i32
        %dma_start3A_35 = tpu.memref_slice %arg4[%add3A, %scan3A_13, %dma_start3A_33, %dma_start3A_34] : memref<32x5x25x80xi32, #tpu.memory_space<hbm>> -> memref<1x1x25x80xi32, #tpu.memory_space<hbm>>
        %dma_start3A_36 = tpu.memref_squeeze %dma_start3A_35 : memref<1x1x25x80xi32, #tpu.memory_space<hbm>> -> memref<25x80xi32, #tpu.memory_space<hbm>>
        %dma_start3A_37 = arith.constant 0 : i32
        %dma_start3A_38 = arith.constant 0 : i32
        %dma_start3A_39 = tpu.memref_slice %arg4[%add3A, %scan3A_13, %dma_start3A_37, %dma_start3A_38] : memref<32x5x25x80xi32, #tpu.memory_space<hbm>> -> memref<1x1x25x80xi32, #tpu.memory_space<hbm>>
        %dma_start3A_40 = tpu.memref_squeeze %dma_start3A_39 : memref<1x1x25x80xi32, #tpu.memory_space<hbm>> -> memref<25x80xi32, #tpu.memory_space<hbm>>
        tpu.enqueue_dma source(%dma_start3A_40 : memref<25x80xi32, #tpu.memory_space<hbm>>) target(%arg8 : memref<25x80xi32, #tpu.memory_space<vmem>>) target_semaphore(%run_scoped3A_32 : memref<!tpu.dma_semaphore, #tpu.memory_space<semaphore_mem>>)
        %dma_wait3A_41 = arith.constant 0 : i32
        %dma_wait3A_42 = arith.constant 0 : i32
        %dma_wait3A_43 = tpu.memref_slice %arg4[%add3A, %scan3A_13, %dma_wait3A_41, %dma_wait3A_42] : memref<32x5x25x80xi32, #tpu.memory_space<hbm>> -> memref<1x1x25x80xi32, #tpu.memory_space<hbm>>
        %dma_wait3A_44 = tpu.memref_squeeze %dma_wait3A_43 : memref<1x1x25x80xi32, #tpu.memory_space<hbm>> -> memref<25x80xi32, #tpu.memory_space<hbm>>
        %dma_wait3A_45 = arith.constant 0 : i32
        %dma_wait3A_46 = arith.constant 0 : i32
        %dma_wait3A_47 = tpu.memref_slice %arg4[%add3A, %scan3A_13, %dma_wait3A_45, %dma_wait3A_46] : memref<32x5x25x80xi32, #tpu.memory_space<hbm>> -> memref<1x1x25x80xi32, #tpu.memory_space<hbm>>
        %dma_wait3A_48 = tpu.memref_squeeze %dma_wait3A_47 : memref<1x1x25x80xi32, #tpu.memory_space<hbm>> -> memref<25x80xi32, #tpu.memory_space<hbm>>
        tpu.wait_dma2 semaphore(%run_scoped3A_32 : memref<!tpu.dma_semaphore, #tpu.memory_space<semaphore_mem>>) src(%dma_wait3A_48 : memref<25x80xi32, #tpu.memory_space<hbm>>) dst(%arg8 : memref<25x80xi32, #tpu.memory_space<vmem>>)
        tpu.yield
      }) : () -> ()
      %scan3A_14 = arith.constant 0 : i32
      %scan3A_15 = arith.constant 0 : i32
      %scan3A_16 = arith.constant 6 : i32
      %scan3A_17 = arith.addi %scan3A_15, %scan3A_16 : i32
      %scan3A_18 = arith.constant 1 : i32
      scf.for %scan3A_32 = %scan3A_15 to %scan3A_17 step %scan3A_18  : i32 {
        %mul3A_33 = arith.constant 4 : i32
        %mul3A_34 = arith.muli %mul3A_33, %scan3A_32 : i32
        %dma_start3A_35 = arith.constant 0 : i32
        %dma_start3A_36 = tpu.memref_slice %arg7[%mul3A_34, %dma_start3A_35] : memref<25x80xi32, #tpu.memory_space<vmem>> -> memref<1x80xi32, #tpu.memory_space<vmem>>
        %dma_start3A_37 = tpu.memref_squeeze %dma_start3A_36 : memref<1x80xi32, #tpu.memory_space<vmem>> -> memref<80xi32, #tpu.memory_space<vmem>>
        %dma_start3A_38 = arith.constant 0 : i32
        %dma_start3A_39 = arith.constant 0 : i32
        %dma_start3A_40 = tpu.memref_slice %arg2[%dma_start3A_38, %dma_start3A_39] : memref<10000x128xf32, #tpu.memory_space<hbm>> -> memref<10000x128xf32, #tpu.memory_space<hbm>>
        tpu.enqueue_indirect_dma source(%dma_start3A_40 : memref<10000x128xf32, #tpu.memory_space<hbm>>) target(%arg9 : memref<80x128xf32, #tpu.memory_space<vmem>>) offsets(%dma_start3A_37 : memref<80xi32, #tpu.memory_space<vmem>>) semaphore(%arg14 : memref<!tpu.dma_semaphore, #tpu.memory_space<semaphore_mem>>)
        %add3A_41 = arith.constant 1 : i32
        %add3A_42 = arith.addi %mul3A_34, %add3A_41 : i32
        %dma_start3A_43 = arith.constant 0 : i32
        %dma_start3A_44 = tpu.memref_slice %arg7[%add3A_42, %dma_start3A_43] : memref<25x80xi32, #tpu.memory_space<vmem>> -> memref<1x80xi32, #tpu.memory_space<vmem>>
        %dma_start3A_45 = tpu.memref_squeeze %dma_start3A_44 : memref<1x80xi32, #tpu.memory_space<vmem>> -> memref<80xi32, #tpu.memory_space<vmem>>
        %dma_start3A_46 = arith.constant 0 : i32
        %dma_start3A_47 = arith.constant 0 : i32
        %dma_start3A_48 = tpu.memref_slice %arg2[%dma_start3A_46, %dma_start3A_47] : memref<10000x128xf32, #tpu.memory_space<hbm>> -> memref<10000x128xf32, #tpu.memory_space<hbm>>
        tpu.enqueue_indirect_dma source(%dma_start3A_48 : memref<10000x128xf32, #tpu.memory_space<hbm>>) target(%arg10 : memref<80x128xf32, #tpu.memory_space<vmem>>) offsets(%dma_start3A_45 : memref<80xi32, #tpu.memory_space<vmem>>) semaphore(%arg14 : memref<!tpu.dma_semaphore, #tpu.memory_space<semaphore_mem>>)
        %add3A_49 = arith.constant 2 : i32
        %add3A_50 = arith.addi %mul3A_34, %add3A_49 : i32
        %dma_start3A_51 = arith.constant 0 : i32
        %dma_start3A_52 = tpu.memref_slice %arg7[%add3A_50, %dma_start3A_51] : memref<25x80xi32, #tpu.memory_space<vmem>> -> memref<1x80xi32, #tpu.memory_space<vmem>>
        %dma_start3A_53 = tpu.memref_squeeze %dma_start3A_52 : memref<1x80xi32, #tpu.memory_space<vmem>> -> memref<80xi32, #tpu.memory_space<vmem>>
        %dma_start3A_54 = arith.constant 0 : i32
        %dma_start3A_55 = arith.constant 0 : i32
        %dma_start3A_56 = tpu.memref_slice %arg2[%dma_start3A_54, %dma_start3A_55] : memref<10000x128xf32, #tpu.memory_space<hbm>> -> memref<10000x128xf32, #tpu.memory_space<hbm>>
        tpu.enqueue_indirect_dma source(%dma_start3A_56 : memref<10000x128xf32, #tpu.memory_space<hbm>>) target(%arg11 : memref<80x128xf32, #tpu.memory_space<vmem>>) offsets(%dma_start3A_53 : memref<80xi32, #tpu.memory_space<vmem>>) semaphore(%arg14 : memref<!tpu.dma_semaphore, #tpu.memory_space<semaphore_mem>>)
        %add3A_57 = arith.constant 3 : i32
        %add3A_58 = arith.addi %mul3A_34, %add3A_57 : i32
        %dma_start3A_59 = arith.constant 0 : i32
        %dma_start3A_60 = tpu.memref_slice %arg7[%add3A_58, %dma_start3A_59] : memref<25x80xi32, #tpu.memory_space<vmem>> -> memref<1x80xi32, #tpu.memory_space<vmem>>
        %dma_start3A_61 = tpu.memref_squeeze %dma_start3A_60 : memref<1x80xi32, #tpu.memory_space<vmem>> -> memref<80xi32, #tpu.memory_space<vmem>>
        %dma_start3A_62 = arith.constant 0 : i32
        %dma_start3A_63 = arith.constant 0 : i32
        %dma_start3A_64 = tpu.memref_slice %arg2[%dma_start3A_62, %dma_start3A_63] : memref<10000x128xf32, #tpu.memory_space<hbm>> -> memref<10000x128xf32, #tpu.memory_space<hbm>>
        tpu.enqueue_indirect_dma source(%dma_start3A_64 : memref<10000x128xf32, #tpu.memory_space<hbm>>) target(%arg12 : memref<80x128xf32, #tpu.memory_space<vmem>>) offsets(%dma_start3A_61 : memref<80xi32, #tpu.memory_space<vmem>>) semaphore(%arg14 : memref<!tpu.dma_semaphore, #tpu.memory_space<semaphore_mem>>)
        %dma_wait3A_65 = arith.constant 0 : i32
        %dma_wait3A_66 = tpu.memref_slice %arg7[%mul3A_34, %dma_wait3A_65] : memref<25x80xi32, #tpu.memory_space<vmem>> -> memref<1x80xi32, #tpu.memory_space<vmem>>
        %dma_wait3A_67 = tpu.memref_squeeze %dma_wait3A_66 : memref<1x80xi32, #tpu.memory_space<vmem>> -> memref<80xi32, #tpu.memory_space<vmem>>
        %dma_wait3A_68 = arith.constant 0 : i32
        %dma_wait3A_69 = arith.constant 0 : i32
        %dma_wait3A_70 = tpu.memref_slice %arg2[%dma_wait3A_68, %dma_wait3A_69] : memref<10000x128xf32, #tpu.memory_space<hbm>> -> memref<10000x128xf32, #tpu.memory_space<hbm>>
        tpu.wait_indirect_dma semaphore(%arg14 : memref<!tpu.dma_semaphore, #tpu.memory_space<semaphore_mem>>) src(%dma_wait3A_70 : memref<10000x128xf32, #tpu.memory_space<hbm>>) dst(%arg9 : memref<80x128xf32, #tpu.memory_space<vmem>>)
        "tpu.region"() ({
          %run_scoped3A_101 = tpu.sem_alloc : memref<!tpu.dma_semaphore, #tpu.memory_space<semaphore_mem>>
          %dma_start3A_102 = arith.constant 0 : i32
          %dma_start3A_103 = tpu.memref_slice %arg8[%mul3A_34, %dma_start3A_102] : memref<25x80xi32, #tpu.memory_space<vmem>> -> memref<1x80xi32, #tpu.memory_space<vmem>>
          %dma_start3A_104 = tpu.memref_squeeze %dma_start3A_103 : memref<1x80xi32, #tpu.memory_space<vmem>> -> memref<80xi32, #tpu.memory_space<vmem>>
          %dma_start3A_105 = arith.constant 0 : i32
          %dma_start3A_106 = arith.constant 0 : i32
          %dma_start3A_107 = tpu.memref_slice %arg13[%dma_start3A_105, %dma_start3A_106] : memref<10240x128xf32, #tpu.memory_space<vmem_shared>> -> memref<10240x128xf32, #tpu.memory_space<vmem_shared>>
          tpu.enqueue_indirect_dma source(%arg9 : memref<80x128xf32, #tpu.memory_space<vmem>>) target(%dma_start3A_107 : memref<10240x128xf32, #tpu.memory_space<vmem_shared>>) offsets(%dma_start3A_104 : memref<80xi32, #tpu.memory_space<vmem>>) semaphore(%run_scoped3A_101 : memref<!tpu.dma_semaphore, #tpu.memory_space<semaphore_mem>>) {add = true}
          %dma_wait3A_108 = arith.constant 0 : i32
          %dma_wait3A_109 = tpu.memref_slice %arg8[%mul3A_34, %dma_wait3A_108] : memref<25x80xi32, #tpu.memory_space<vmem>> -> memref<1x80xi32, #tpu.memory_space<vmem>>
          %dma_wait3A_110 = tpu.memref_squeeze %dma_wait3A_109 : memref<1x80xi32, #tpu.memory_space<vmem>> -> memref<80xi32, #tpu.memory_space<vmem>>
          %dma_wait3A_111 = arith.constant 0 : i32
          %dma_wait3A_112 = arith.constant 0 : i32
          %dma_wait3A_113 = tpu.memref_slice %arg13[%dma_wait3A_111, %dma_wait3A_112] : memref<10240x128xf32, #tpu.memory_space<vmem_shared>> -> memref<10240x128xf32, #tpu.memory_space<vmem_shared>>
          tpu.wait_indirect_dma semaphore(%run_scoped3A_101 : memref<!tpu.dma_semaphore, #tpu.memory_space<semaphore_mem>>) src(%arg9 : memref<80x128xf32, #tpu.memory_space<vmem>>) dst(%dma_wait3A_113 : memref<10240x128xf32, #tpu.memory_space<vmem_shared>>)
          tpu.yield
        }) : () -> ()
        %add3A_71 = arith.constant 1 : i32
        %add3A_72 = arith.addi %mul3A_34, %add3A_71 : i32
        %dma_wait3A_73 = arith.constant 0 : i32
        %dma_wait3A_74 = tpu.memref_slice %arg7[%add3A_72, %dma_wait3A_73] : memref<25x80xi32, #tpu.memory_space<vmem>> -> memref<1x80xi32, #tpu.memory_space<vmem>>
        %dma_wait3A_75 = tpu.memref_squeeze %dma_wait3A_74 : memref<1x80xi32, #tpu.memory_space<vmem>> -> memref<80xi32, #tpu.memory_space<vmem>>
        %dma_wait3A_76 = arith.constant 0 : i32
        %dma_wait3A_77 = arith.constant 0 : i32
        %dma_wait3A_78 = tpu.memref_slice %arg2[%dma_wait3A_76, %dma_wait3A_77] : memref<10000x128xf32, #tpu.memory_space<hbm>> -> memref<10000x128xf32, #tpu.memory_space<hbm>>
        tpu.wait_indirect_dma semaphore(%arg14 : memref<!tpu.dma_semaphore, #tpu.memory_space<semaphore_mem>>) src(%dma_wait3A_78 : memref<10000x128xf32, #tpu.memory_space<hbm>>) dst(%arg10 : memref<80x128xf32, #tpu.memory_space<vmem>>)
        %add3A_79 = arith.constant 1 : i32
        %add3A_80 = arith.addi %mul3A_34, %add3A_79 : i32
        "tpu.region"() ({
          %run_scoped3A_101 = tpu.sem_alloc : memref<!tpu.dma_semaphore, #tpu.memory_space<semaphore_mem>>
          %dma_start3A_102 = arith.constant 0 : i32
          %dma_start3A_103 = tpu.memref_slice %arg8[%add3A_80, %dma_start3A_102] : memref<25x80xi32, #tpu.memory_space<vmem>> -> memref<1x80xi32, #tpu.memory_space<vmem>>
          %dma_start3A_104 = tpu.memref_squeeze %dma_start3A_103 : memref<1x80xi32, #tpu.memory_space<vmem>> -> memref<80xi32, #tpu.memory_space<vmem>>
          %dma_start3A_105 = arith.constant 0 : i32
          %dma_start3A_106 = arith.constant 0 : i32
          %dma_start3A_107 = tpu.memref_slice %arg13[%dma_start3A_105, %dma_start3A_106] : memref<10240x128xf32, #tpu.memory_space<vmem_shared>> -> memref<10240x128xf32, #tpu.memory_space<vmem_shared>>
          tpu.enqueue_indirect_dma source(%arg10 : memref<80x128xf32, #tpu.memory_space<vmem>>) target(%dma_start3A_107 : memref<10240x128xf32, #tpu.memory_space<vmem_shared>>) offsets(%dma_start3A_104 : memref<80xi32, #tpu.memory_space<vmem>>) semaphore(%run_scoped3A_101 : memref<!tpu.dma_semaphore, #tpu.memory_space<semaphore_mem>>) {add = true}
          %dma_wait3A_108 = arith.constant 0 : i32
          %dma_wait3A_109 = tpu.memref_slice %arg8[%add3A_80, %dma_wait3A_108] : memref<25x80xi32, #tpu.memory_space<vmem>> -> memref<1x80xi32, #tpu.memory_space<vmem>>
          %dma_wait3A_110 = tpu.memref_squeeze %dma_wait3A_109 : memref<1x80xi32, #tpu.memory_space<vmem>> -> memref<80xi32, #tpu.memory_space<vmem>>
          %dma_wait3A_111 = arith.constant 0 : i32
          %dma_wait3A_112 = arith.constant 0 : i32
          %dma_wait3A_113 = tpu.memref_slice %arg13[%dma_wait3A_111, %dma_wait3A_112] : memref<10240x128xf32, #tpu.memory_space<vmem_shared>> -> memref<10240x128xf32, #tpu.memory_space<vmem_shared>>
          tpu.wait_indirect_dma semaphore(%run_scoped3A_101 : memref<!tpu.dma_semaphore, #tpu.memory_space<semaphore_mem>>) src(%arg10 : memref<80x128xf32, #tpu.memory_space<vmem>>) dst(%dma_wait3A_113 : memref<10240x128xf32, #tpu.memory_space<vmem_shared>>)
          tpu.yield
        }) : () -> ()
        %add3A_81 = arith.constant 2 : i32
        %add3A_82 = arith.addi %mul3A_34, %add3A_81 : i32
        %dma_wait3A_83 = arith.constant 0 : i32
        %dma_wait3A_84 = tpu.memref_slice %arg7[%add3A_82, %dma_wait3A_83] : memref<25x80xi32, #tpu.memory_space<vmem>> -> memref<1x80xi32, #tpu.memory_space<vmem>>
        %dma_wait3A_85 = tpu.memref_squeeze %dma_wait3A_84 : memref<1x80xi32, #tpu.memory_space<vmem>> -> memref<80xi32, #tpu.memory_space<vmem>>
        %dma_wait3A_86 = arith.constant 0 : i32
        %dma_wait3A_87 = arith.constant 0 : i32
        %dma_wait3A_88 = tpu.memref_slice %arg2[%dma_wait3A_86, %dma_wait3A_87] : memref<10000x128xf32, #tpu.memory_space<hbm>> -> memref<10000x128xf32, #tpu.memory_space<hbm>>
        tpu.wait_indirect_dma semaphore(%arg14 : memref<!tpu.dma_semaphore, #tpu.memory_space<semaphore_mem>>) src(%dma_wait3A_88 : memref<10000x128xf32, #tpu.memory_space<hbm>>) dst(%arg11 : memref<80x128xf32, #tpu.memory_space<vmem>>)
        %add3A_89 = arith.constant 2 : i32
        %add3A_90 = arith.addi %mul3A_34, %add3A_89 : i32
        "tpu.region"() ({
          %run_scoped3A_101 = tpu.sem_alloc : memref<!tpu.dma_semaphore, #tpu.memory_space<semaphore_mem>>
          %dma_start3A_102 = arith.constant 0 : i32
          %dma_start3A_103 = tpu.memref_slice %arg8[%add3A_90, %dma_start3A_102] : memref<25x80xi32, #tpu.memory_space<vmem>> -> memref<1x80xi32, #tpu.memory_space<vmem>>
          %dma_start3A_104 = tpu.memref_squeeze %dma_start3A_103 : memref<1x80xi32, #tpu.memory_space<vmem>> -> memref<80xi32, #tpu.memory_space<vmem>>
          %dma_start3A_105 = arith.constant 0 : i32
          %dma_start3A_106 = arith.constant 0 : i32
          %dma_start3A_107 = tpu.memref_slice %arg13[%dma_start3A_105, %dma_start3A_106] : memref<10240x128xf32, #tpu.memory_space<vmem_shared>> -> memref<10240x128xf32, #tpu.memory_space<vmem_shared>>
          tpu.enqueue_indirect_dma source(%arg11 : memref<80x128xf32, #tpu.memory_space<vmem>>) target(%dma_start3A_107 : memref<10240x128xf32, #tpu.memory_space<vmem_shared>>) offsets(%dma_start3A_104 : memref<80xi32, #tpu.memory_space<vmem>>) semaphore(%run_scoped3A_101 : memref<!tpu.dma_semaphore, #tpu.memory_space<semaphore_mem>>) {add = true}
          %dma_wait3A_108 = arith.constant 0 : i32
          %dma_wait3A_109 = tpu.memref_slice %arg8[%add3A_90, %dma_wait3A_108] : memref<25x80xi32, #tpu.memory_space<vmem>> -> memref<1x80xi32, #tpu.memory_space<vmem>>
          %dma_wait3A_110 = tpu.memref_squeeze %dma_wait3A_109 : memref<1x80xi32, #tpu.memory_space<vmem>> -> memref<80xi32, #tpu.memory_space<vmem>>
          %dma_wait3A_111 = arith.constant 0 : i32
          %dma_wait3A_112 = arith.constant 0 : i32
          %dma_wait3A_113 = tpu.memref_slice %arg13[%dma_wait3A_111, %dma_wait3A_112] : memref<10240x128xf32, #tpu.memory_space<vmem_shared>> -> memref<10240x128xf32, #tpu.memory_space<vmem_shared>>
          tpu.wait_indirect_dma semaphore(%run_scoped3A_101 : memref<!tpu.dma_semaphore, #tpu.memory_space<semaphore_mem>>) src(%arg11 : memref<80x128xf32, #tpu.memory_space<vmem>>) dst(%dma_wait3A_113 : memref<10240x128xf32, #tpu.memory_space<vmem_shared>>)
          tpu.yield
        }) : () -> ()
        %add3A_91 = arith.constant 3 : i32
        %add3A_92 = arith.addi %mul3A_34, %add3A_91 : i32
        %dma_wait3A_93 = arith.constant 0 : i32
        %dma_wait3A_94 = tpu.memref_slice %arg7[%add3A_92, %dma_wait3A_93] : memref<25x80xi32, #tpu.memory_space<vmem>> -> memref<1x80xi32, #tpu.memory_space<vmem>>
        %dma_wait3A_95 = tpu.memref_squeeze %dma_wait3A_94 : memref<1x80xi32, #tpu.memory_space<vmem>> -> memref<80xi32, #tpu.memory_space<vmem>>
        %dma_wait3A_96 = arith.constant 0 : i32
        %dma_wait3A_97 = arith.constant 0 : i32
        %dma_wait3A_98 = tpu.memref_slice %arg2[%dma_wait3A_96, %dma_wait3A_97] : memref<10000x128xf32, #tpu.memory_space<hbm>> -> memref<10000x128xf32, #tpu.memory_space<hbm>>
        tpu.wait_indirect_dma semaphore(%arg14 : memref<!tpu.dma_semaphore, #tpu.memory_space<semaphore_mem>>) src(%dma_wait3A_98 : memref<10000x128xf32, #tpu.memory_space<hbm>>) dst(%arg12 : memref<80x128xf32, #tpu.memory_space<vmem>>)
        %add3A_99 = arith.constant 3 : i32
        %add3A_100 = arith.addi %mul3A_34, %add3A_99 : i32
        "tpu.region"() ({
          %run_scoped3A_101 = tpu.sem_alloc : memref<!tpu.dma_semaphore, #tpu.memory_space<semaphore_mem>>
          %dma_start3A_102 = arith.constant 0 : i32
          %dma_start3A_103 = tpu.memref_slice %arg8[%add3A_100, %dma_start3A_102] : memref<25x80xi32, #tpu.memory_space<vmem>> -> memref<1x80xi32, #tpu.memory_space<vmem>>
          %dma_start3A_104 = tpu.memref_squeeze %dma_start3A_103 : memref<1x80xi32, #tpu.memory_space<vmem>> -> memref<80xi32, #tpu.memory_space<vmem>>
          %dma_start3A_105 = arith.constant 0 : i32
          %dma_start3A_106 = arith.constant 0 : i32
          %dma_start3A_107 = tpu.memref_slice %arg13[%dma_start3A_105, %dma_start3A_106] : memref<10240x128xf32, #tpu.memory_space<vmem_shared>> -> memref<10240x128xf32, #tpu.memory_space<vmem_shared>>
          tpu.enqueue_indirect_dma source(%arg12 : memref<80x128xf32, #tpu.memory_space<vmem>>) target(%dma_start3A_107 : memref<10240x128xf32, #tpu.memory_space<vmem_shared>>) offsets(%dma_start3A_104 : memref<80xi32, #tpu.memory_space<vmem>>) semaphore(%run_scoped3A_101 : memref<!tpu.dma_semaphore, #tpu.memory_space<semaphore_mem>>) {add = true}
          %dma_wait3A_108 = arith.constant 0 : i32
          %dma_wait3A_109 = tpu.memref_slice %arg8[%add3A_100, %dma_wait3A_108] : memref<25x80xi32, #tpu.memory_space<vmem>> -> memref<1x80xi32, #tpu.memory_space<vmem>>
          %dma_wait3A_110 = tpu.memref_squeeze %dma_wait3A_109 : memref<1x80xi32, #tpu.memory_space<vmem>> -> memref<80xi32, #tpu.memory_space<vmem>>
          %dma_wait3A_111 = arith.constant 0 : i32
          %dma_wait3A_112 = arith.constant 0 : i32
          %dma_wait3A_113 = tpu.memref_slice %arg13[%dma_wait3A_111, %dma_wait3A_112] : memref<10240x128xf32, #tpu.memory_space<vmem_shared>> -> memref<10240x128xf32, #tpu.memory_space<vmem_shared>>
          tpu.wait_indirect_dma semaphore(%run_scoped3A_101 : memref<!tpu.dma_semaphore, #tpu.memory_space<semaphore_mem>>) src(%arg12 : memref<80x128xf32, #tpu.memory_space<vmem>>) dst(%dma_wait3A_113 : memref<10240x128xf32, #tpu.memory_space<vmem_shared>>)
          tpu.yield
        }) : () -> ()
      }
      %scan3A_19 = arith.constant 6 : i32
      %dma_start3A = arith.constant 24 : i32
      %dma_start3A_20 = arith.constant 0 : i32
      %dma_start3A_21 = tpu.memref_slice %arg7[%dma_start3A, %dma_start3A_20] : memref<25x80xi32, #tpu.memory_space<vmem>> -> memref<1x80xi32, #tpu.memory_space<vmem>>
      %dma_start3A_22 = tpu.memref_squeeze %dma_start3A_21 : memref<1x80xi32, #tpu.memory_space<vmem>> -> memref<80xi32, #tpu.memory_space<vmem>>
      %dma_start3A_23 = arith.constant 0 : i32
      %dma_start3A_24 = arith.constant 0 : i32
      %dma_start3A_25 = tpu.memref_slice %arg2[%dma_start3A_23, %dma_start3A_24] : memref<10000x128xf32, #tpu.memory_space<hbm>> -> memref<10000x128xf32, #tpu.memory_space<hbm>>
      tpu.enqueue_indirect_dma source(%dma_start3A_25 : memref<10000x128xf32, #tpu.memory_space<hbm>>) target(%arg9 : memref<80x128xf32, #tpu.memory_space<vmem>>) offsets(%dma_start3A_22 : memref<80xi32, #tpu.memory_space<vmem>>) semaphore(%arg14 : memref<!tpu.dma_semaphore, #tpu.memory_space<semaphore_mem>>)
      %dma_wait3A = arith.constant 24 : i32
      %dma_wait3A_26 = arith.constant 0 : i32
      %dma_wait3A_27 = tpu.memref_slice %arg7[%dma_wait3A, %dma_wait3A_26] : memref<25x80xi32, #tpu.memory_space<vmem>> -> memref<1x80xi32, #tpu.memory_space<vmem>>
      %dma_wait3A_28 = tpu.memref_squeeze %dma_wait3A_27 : memref<1x80xi32, #tpu.memory_space<vmem>> -> memref<80xi32, #tpu.memory_space<vmem>>
      %dma_wait3A_29 = arith.constant 0 : i32
      %dma_wait3A_30 = arith.constant 0 : i32
      %dma_wait3A_31 = tpu.memref_slice %arg2[%dma_wait3A_29, %dma_wait3A_30] : memref<10000x128xf32, #tpu.memory_space<hbm>> -> memref<10000x128xf32, #tpu.memory_space<hbm>>
      tpu.wait_indirect_dma semaphore(%arg14 : memref<!tpu.dma_semaphore, #tpu.memory_space<semaphore_mem>>) src(%dma_wait3A_31 : memref<10000x128xf32, #tpu.memory_space<hbm>>) dst(%arg9 : memref<80x128xf32, #tpu.memory_space<vmem>>)
      %run_scoped3A = arith.constant 24 : i32
      "tpu.region"() ({
        %run_scoped3A_32 = tpu.sem_alloc : memref<!tpu.dma_semaphore, #tpu.memory_space<semaphore_mem>>
        %dma_start3A_33 = arith.constant 0 : i32
        %dma_start3A_34 = tpu.memref_slice %arg8[%run_scoped3A, %dma_start3A_33] : memref<25x80xi32, #tpu.memory_space<vmem>> -> memref<1x80xi32, #tpu.memory_space<vmem>>
        %dma_start3A_35 = tpu.memref_squeeze %dma_start3A_34 : memref<1x80xi32, #tpu.memory_space<vmem>> -> memref<80xi32, #tpu.memory_space<vmem>>
        %dma_start3A_36 = arith.constant 0 : i32
        %dma_start3A_37 = arith.constant 0 : i32
        %dma_start3A_38 = tpu.memref_slice %arg13[%dma_start3A_36, %dma_start3A_37] : memref<10240x128xf32, #tpu.memory_space<vmem_shared>> -> memref<10240x128xf32, #tpu.memory_space<vmem_shared>>
        tpu.enqueue_indirect_dma source(%arg9 : memref<80x128xf32, #tpu.memory_space<vmem>>) target(%dma_start3A_38 : memref<10240x128xf32, #tpu.memory_space<vmem_shared>>) offsets(%dma_start3A_35 : memref<80xi32, #tpu.memory_space<vmem>>) semaphore(%run_scoped3A_32 : memref<!tpu.dma_semaphore, #tpu.memory_space<semaphore_mem>>) {add = true}
        %dma_wait3A_39 = arith.constant 0 : i32
        %dma_wait3A_40 = tpu.memref_slice %arg8[%run_scoped3A, %dma_wait3A_39] : memref<25x80xi32, #tpu.memory_space<vmem>> -> memref<1x80xi32, #tpu.memory_space<vmem>>
        %dma_wait3A_41 = tpu.memref_squeeze %dma_wait3A_40 : memref<1x80xi32, #tpu.memory_space<vmem>> -> memref<80xi32, #tpu.memory_space<vmem>>
        %dma_wait3A_42 = arith.constant 0 : i32
        %dma_wait3A_43 = arith.constant 0 : i32
        %dma_wait3A_44 = tpu.memref_slice %arg13[%dma_wait3A_42, %dma_wait3A_43] : memref<10240x128xf32, #tpu.memory_space<vmem_shared>> -> memref<10240x128xf32, #tpu.memory_space<vmem_shared>>
        tpu.wait_indirect_dma semaphore(%run_scoped3A_32 : memref<!tpu.dma_semaphore, #tpu.memory_space<semaphore_mem>>) src(%arg9 : memref<80x128xf32, #tpu.memory_space<vmem>>) dst(%dma_wait3A_44 : memref<10240x128xf32, #tpu.memory_space<vmem_shared>>)
        tpu.yield
      }) : () -> ()
    }
    %scan3A_7 = arith.constant 5 : i32
    %barrier3A_8 = arith.constant 0 : index
    tpu.barrier barrier_id(%barrier3A_8)
    %mul3A_9 = arith.constant 640 : i32
    %mul3A_10 = arith.muli %arg1, %mul3A_9 : i32
    %mul3A_11 = arith.constant 640 : i32
    %mul3A_12 = arith.muli %arg1, %mul3A_11 : i32
    "tpu.region"() ({
      %run_scoped3A = tpu.sem_alloc : memref<!tpu.dma_semaphore, #tpu.memory_space<semaphore_mem>>
      %dma_start3A = arith.constant 0 : i32
      %dma_start3A_13 = tpu.memref_slice %arg6[%arg0, %mul3A_12, %dma_start3A] : memref<2x10240x128xf32, #tpu.memory_space<hbm>> -> memref<1x640x128xf32, #tpu.memory_space<hbm>>
      %dma_start3A_14 = tpu.memref_squeeze %dma_start3A_13 : memref<1x640x128xf32, #tpu.memory_space<hbm>> -> memref<640x128xf32, #tpu.memory_space<hbm>>
      %dma_start3A_15 = arith.constant 0 : i32
      %dma_start3A_16 = tpu.memref_slice %arg13[%mul3A_10, %dma_start3A_15] : memref<10240x128xf32, #tpu.memory_space<vmem_shared>> -> memref<640x128xf32, #tpu.memory_space<vmem_shared>>
      tpu.enqueue_dma source(%dma_start3A_16 : memref<640x128xf32, #tpu.memory_space<vmem_shared>>) target(%dma_start3A_14 : memref<640x128xf32, #tpu.memory_space<hbm>>) target_semaphore(%run_scoped3A : memref<!tpu.dma_semaphore, #tpu.memory_space<semaphore_mem>>)
      %dma_wait3A = arith.constant 0 : i32
      %dma_wait3A_17 = tpu.memref_slice %arg6[%arg0, %mul3A_12, %dma_wait3A] : memref<2x10240x128xf32, #tpu.memory_space<hbm>> -> memref<1x640x128xf32, #tpu.memory_space<hbm>>
      %dma_wait3A_18 = tpu.memref_squeeze %dma_wait3A_17 : memref<1x640x128xf32, #tpu.memory_space<hbm>> -> memref<640x128xf32, #tpu.memory_space<hbm>>
      %dma_wait3A_19 = arith.constant 0 : i32
      %dma_wait3A_20 = tpu.memref_slice %arg13[%mul3A_10, %dma_wait3A_19] : memref<10240x128xf32, #tpu.memory_space<vmem_shared>> -> memref<640x128xf32, #tpu.memory_space<vmem_shared>>
      tpu.wait_dma2 semaphore(%run_scoped3A : memref<!tpu.dma_semaphore, #tpu.memory_space<semaphore_mem>>) src(%dma_wait3A_20 : memref<640x128xf32, #tpu.memory_space<vmem_shared>>) dst(%dma_wait3A_18 : memref<640x128xf32, #tpu.memory_space<hbm>>)
      tpu.yield
    }) : () -> ()
    return
  }
}

#map = affine_map<(d0, d1) -> (0, 0)>
#map1 = affine_map<(d0, d1) -> (0, 0, 0, 0)>
#map2 = affine_map<(d0, d1) -> (0, 0, 0)>
module attributes {stable_mosaic.version = 14 : i64} {
  func.func @_sc_scatter(%arg0: i32, %arg1: i32, %arg2: memref<10000x128xf32, #tpu.memory_space<hbm>>, %arg3: memref<32x5x25x80xi32, #tpu.memory_space<hbm>>, %arg4: memref<32x5x25x80xi32, #tpu.memory_space<hbm>>, %arg5: memref<640x128xf32, #tpu.memory_space<hbm>>, %arg6: memref<2x10240x128xf32, #tpu.memory_space<hbm>>, %arg7: memref<25x80xi32, #tpu.memory_space<vmem>>, %arg8: memref<25x80xi32, #tpu.memory_space<vmem>>, %arg9: memref<80x128xf32, #tpu.memory_space<vmem>>, %arg10: memref<80x128xf32, #tpu.memory_space<vmem>>, %arg11: memref<80x128xf32, #tpu.memory_space<vmem>>, %arg12: memref<80x128xf32, #tpu.memory_space<vmem>>, %arg13: memref<10240x128xf32, #tpu.memory_space<vmem_shared>>, %arg14: memref<!tpu.dma_semaphore, #tpu.memory_space<semaphore_mem>>) attributes {dimension_semantics = [#tpu.dimension_semantics<core_parallel>, #tpu.dimension_semantics<subcore_parallel>], iteration_bounds = array<i64: 2, 16>, scalar_prefetch = 0 : i64, scratch_operands = 8 : i64, tpu.core_type = #tpu.core_type<sc_vector_subcore>, window_params = [{transform_indices = #map}, {transform_indices = #map1}, {transform_indices = #map1}, {transform_indices = #map}, {transform_indices = #map2}]} {
    %mul3A = arith.constant 16 : i32
    %mul3A_0 = arith.muli %arg0, %mul3A : i32
    %add3A = arith.addi %mul3A_0, %arg1 : i32
    %mul3A_1 = arith.constant 640 : i32
    %mul3A_2 = arith.muli %arg1, %mul3A_1 : i32
    "tpu.region"() ({
      %run_scoped3A = tpu.sem_alloc : memref<!tpu.dma_semaphore, #tpu.memory_space<semaphore_mem>>
      %dma_start3A = arith.constant 0 : i32
      %dma_start3A_13 = tpu.memref_slice %arg13[%mul3A_2, %dma_start3A] : memref<10240x128xf32, #tpu.memory_space<vmem_shared>> -> memref<640x128xf32, #tpu.memory_space<vmem_shared>>
      tpu.enqueue_dma source(%arg5 : memref<640x128xf32, #tpu.memory_space<hbm>>) target(%dma_start3A_13 : memref<640x128xf32, #tpu.memory_space<vmem_shared>>) target_semaphore(%run_scoped3A : memref<!tpu.dma_semaphore, #tpu.memory_space<semaphore_mem>>)
      %dma_wait3A = arith.constant 0 : i32
      %dma_wait3A_14 = tpu.memref_slice %arg13[%mul3A_2, %dma_wait3A] : memref<10240x128xf32, #tpu.memory_space<vmem_shared>> -> memref<640x128xf32, #tpu.memory_space<vmem_shared>>
      tpu.wait_dma2 semaphore(%run_scoped3A : memref<!tpu.dma_semaphore, #tpu.memory_space<semaphore_mem>>) src(%arg5 : memref<640x128xf32, #tpu.memory_space<hbm>>) dst(%dma_wait3A_14 : memref<640x128xf32, #tpu.memory_space<vmem_shared>>)
      tpu.yield
    }) : () -> ()
    %barrier3A = arith.constant 0 : index
    tpu.barrier barrier_id(%barrier3A)
    %scan3A = arith.constant 0 : i32
    %scan3A_3 = arith.constant 0 : i32
    %scan3A_4 = arith.constant 5 : i32
    %scan3A_5 = arith.addi %scan3A_3, %scan3A_4 : i32
    %scan3A_6 = arith.constant 1 : i32
    scf.for %scan3A_13 = %scan3A_3 to %scan3A_5 step %scan3A_6  : i32 {
      "tpu.region"() ({
        %run_scoped3A_32 = tpu.sem_alloc : memref<!tpu.dma_semaphore, #tpu.memory_space<semaphore_mem>>
        %dma_start3A_33 = arith.constant 0 : i32
        %dma_start3A_34 = arith.constant 0 : i32
        %dma_start3A_35 = tpu.memref_slice %arg3[%add3A, %scan3A_13, %dma_start3A_33, %dma_start3A_34] : memref<32x5x25x80xi32, #tpu.memory_space<hbm>> -> memref<1x1x25x80xi32, #tpu.memory_space<hbm>>
        %dma_start3A_36 = tpu.memref_squeeze %dma_start3A_35 : memref<1x1x25x80xi32, #tpu.memory_space<hbm>> -> memref<25x80xi32, #tpu.memory_space<hbm>>
        %dma_start3A_37 = arith.constant 0 : i32
        %dma_start3A_38 = arith.constant 0 : i32
        %dma_start3A_39 = tpu.memref_slice %arg3[%add3A, %scan3A_13, %dma_start3A_37, %dma_start3A_38] : memref<32x5x25x80xi32, #tpu.memory_space<hbm>> -> memref<1x1x25x80xi32, #tpu.memory_space<hbm>>
        %dma_start3A_40 = tpu.memref_squeeze %dma_start3A_39 : memref<1x1x25x80xi32, #tpu.memory_space<hbm>> -> memref<25x80xi32, #tpu.memory_space<hbm>>
        tpu.enqueue_dma source(%dma_start3A_40 : memref<25x80xi32, #tpu.memory_space<hbm>>) target(%arg7 : memref<25x80xi32, #tpu.memory_space<vmem>>) target_semaphore(%run_scoped3A_32 : memref<!tpu.dma_semaphore, #tpu.memory_space<semaphore_mem>>)
        %dma_wait3A_41 = arith.constant 0 : i32
        %dma_wait3A_42 = arith.constant 0 : i32
        %dma_wait3A_43 = tpu.memref_slice %arg3[%add3A, %scan3A_13, %dma_wait3A_41, %dma_wait3A_42] : memref<32x5x25x80xi32, #tpu.memory_space<hbm>> -> memref<1x1x25x80xi32, #tpu.memory_space<hbm>>
        %dma_wait3A_44 = tpu.memref_squeeze %dma_wait3A_43 : memref<1x1x25x80xi32, #tpu.memory_space<hbm>> -> memref<25x80xi32, #tpu.memory_space<hbm>>
        %dma_wait3A_45 = arith.constant 0 : i32
        %dma_wait3A_46 = arith.constant 0 : i32
        %dma_wait3A_47 = tpu.memref_slice %arg3[%add3A, %scan3A_13, %dma_wait3A_45, %dma_wait3A_46] : memref<32x5x25x80xi32, #tpu.memory_space<hbm>> -> memref<1x1x25x80xi32, #tpu.memory_space<hbm>>
        %dma_wait3A_48 = tpu.memref_squeeze %dma_wait3A_47 : memref<1x1x25x80xi32, #tpu.memory_space<hbm>> -> memref<25x80xi32, #tpu.memory_space<hbm>>
        tpu.wait_dma2 semaphore(%run_scoped3A_32 : memref<!tpu.dma_semaphore, #tpu.memory_space<semaphore_mem>>) src(%dma_wait3A_48 : memref<25x80xi32, #tpu.memory_space<hbm>>) dst(%arg7 : memref<25x80xi32, #tpu.memory_space<vmem>>)
        tpu.yield
      }) : () -> ()
      "tpu.region"() ({
        %run_scoped3A_32 = tpu.sem_alloc : memref<!tpu.dma_semaphore, #tpu.memory_space<semaphore_mem>>
        %dma_start3A_33 = arith.constant 0 : i32
        %dma_start3A_34 = arith.constant 0 : i32
        %dma_start3A_35 = tpu.memref_slice %arg4[%add3A, %scan3A_13, %dma_start3A_33, %dma_start3A_34] : memref<32x5x25x80xi32, #tpu.memory_space<hbm>> -> memref<1x1x25x80xi32, #tpu.memory_space<hbm>>
        %dma_start3A_36 = tpu.memref_squeeze %dma_start3A_35 : memref<1x1x25x80xi32, #tpu.memory_space<hbm>> -> memref<25x80xi32, #tpu.memory_space<hbm>>
        %dma_start3A_37 = arith.constant 0 : i32
        %dma_start3A_38 = arith.constant 0 : i32
        %dma_start3A_39 = tpu.memref_slice %arg4[%add3A, %scan3A_13, %dma_start3A_37, %dma_start3A_38] : memref<32x5x25x80xi32, #tpu.memory_space<hbm>> -> memref<1x1x25x80xi32, #tpu.memory_space<hbm>>
        %dma_start3A_40 = tpu.memref_squeeze %dma_start3A_39 : memref<1x1x25x80xi32, #tpu.memory_space<hbm>> -> memref<25x80xi32, #tpu.memory_space<hbm>>
        tpu.enqueue_dma source(%dma_start3A_40 : memref<25x80xi32, #tpu.memory_space<hbm>>) target(%arg8 : memref<25x80xi32, #tpu.memory_space<vmem>>) target_semaphore(%run_scoped3A_32 : memref<!tpu.dma_semaphore, #tpu.memory_space<semaphore_mem>>)
        %dma_wait3A_41 = arith.constant 0 : i32
        %dma_wait3A_42 = arith.constant 0 : i32
        %dma_wait3A_43 = tpu.memref_slice %arg4[%add3A, %scan3A_13, %dma_wait3A_41, %dma_wait3A_42] : memref<32x5x25x80xi32, #tpu.memory_space<hbm>> -> memref<1x1x25x80xi32, #tpu.memory_space<hbm>>
        %dma_wait3A_44 = tpu.memref_squeeze %dma_wait3A_43 : memref<1x1x25x80xi32, #tpu.memory_space<hbm>> -> memref<25x80xi32, #tpu.memory_space<hbm>>
        %dma_wait3A_45 = arith.constant 0 : i32
        %dma_wait3A_46 = arith.constant 0 : i32
        %dma_wait3A_47 = tpu.memref_slice %arg4[%add3A, %scan3A_13, %dma_wait3A_45, %dma_wait3A_46] : memref<32x5x25x80xi32, #tpu.memory_space<hbm>> -> memref<1x1x25x80xi32, #tpu.memory_space<hbm>>
        %dma_wait3A_48 = tpu.memref_squeeze %dma_wait3A_47 : memref<1x1x25x80xi32, #tpu.memory_space<hbm>> -> memref<25x80xi32, #tpu.memory_space<hbm>>
        tpu.wait_dma2 semaphore(%run_scoped3A_32 : memref<!tpu.dma_semaphore, #tpu.memory_space<semaphore_mem>>) src(%dma_wait3A_48 : memref<25x80xi32, #tpu.memory_space<hbm>>) dst(%arg8 : memref<25x80xi32, #tpu.memory_space<vmem>>)
        tpu.yield
      }) : () -> ()
      %scan3A_14 = arith.constant 0 : i32
      %scan3A_15 = arith.constant 0 : i32
      %scan3A_16 = arith.constant 6 : i32
      %scan3A_17 = arith.addi %scan3A_15, %scan3A_16 : i32
      %scan3A_18 = arith.constant 1 : i32
      scf.for %scan3A_32 = %scan3A_15 to %scan3A_17 step %scan3A_18  : i32 {
        %mul3A_33 = arith.constant 4 : i32
        %mul3A_34 = arith.muli %mul3A_33, %scan3A_32 : i32
        %dma_start3A_35 = arith.constant 0 : i32
        %dma_start3A_36 = tpu.memref_slice %arg7[%mul3A_34, %dma_start3A_35] : memref<25x80xi32, #tpu.memory_space<vmem>> -> memref<1x80xi32, #tpu.memory_space<vmem>>
        %dma_start3A_37 = tpu.memref_squeeze %dma_start3A_36 : memref<1x80xi32, #tpu.memory_space<vmem>> -> memref<80xi32, #tpu.memory_space<vmem>>
        %dma_start3A_38 = arith.constant 0 : i32
        %dma_start3A_39 = arith.constant 0 : i32
        %dma_start3A_40 = tpu.memref_slice %arg2[%dma_start3A_38, %dma_start3A_39] : memref<10000x128xf32, #tpu.memory_space<hbm>> -> memref<10000x128xf32, #tpu.memory_space<hbm>>
        tpu.enqueue_indirect_dma source(%dma_start3A_40 : memref<10000x128xf32, #tpu.memory_space<hbm>>) target(%arg9 : memref<80x128xf32, #tpu.memory_space<vmem>>) offsets(%dma_start3A_37 : memref<80xi32, #tpu.memory_space<vmem>>) semaphore(%arg14 : memref<!tpu.dma_semaphore, #tpu.memory_space<semaphore_mem>>)
        %add3A_41 = arith.constant 1 : i32
        %add3A_42 = arith.addi %mul3A_34, %add3A_41 : i32
        %dma_start3A_43 = arith.constant 0 : i32
        %dma_start3A_44 = tpu.memref_slice %arg7[%add3A_42, %dma_start3A_43] : memref<25x80xi32, #tpu.memory_space<vmem>> -> memref<1x80xi32, #tpu.memory_space<vmem>>
        %dma_start3A_45 = tpu.memref_squeeze %dma_start3A_44 : memref<1x80xi32, #tpu.memory_space<vmem>> -> memref<80xi32, #tpu.memory_space<vmem>>
        %dma_start3A_46 = arith.constant 0 : i32
        %dma_start3A_47 = arith.constant 0 : i32
        %dma_start3A_48 = tpu.memref_slice %arg2[%dma_start3A_46, %dma_start3A_47] : memref<10000x128xf32, #tpu.memory_space<hbm>> -> memref<10000x128xf32, #tpu.memory_space<hbm>>
        tpu.enqueue_indirect_dma source(%dma_start3A_48 : memref<10000x128xf32, #tpu.memory_space<hbm>>) target(%arg10 : memref<80x128xf32, #tpu.memory_space<vmem>>) offsets(%dma_start3A_45 : memref<80xi32, #tpu.memory_space<vmem>>) semaphore(%arg14 : memref<!tpu.dma_semaphore, #tpu.memory_space<semaphore_mem>>)
        %add3A_49 = arith.constant 2 : i32
        %add3A_50 = arith.addi %mul3A_34, %add3A_49 : i32
        %dma_start3A_51 = arith.constant 0 : i32
        %dma_start3A_52 = tpu.memref_slice %arg7[%add3A_50, %dma_start3A_51] : memref<25x80xi32, #tpu.memory_space<vmem>> -> memref<1x80xi32, #tpu.memory_space<vmem>>
        %dma_start3A_53 = tpu.memref_squeeze %dma_start3A_52 : memref<1x80xi32, #tpu.memory_space<vmem>> -> memref<80xi32, #tpu.memory_space<vmem>>
        %dma_start3A_54 = arith.constant 0 : i32
        %dma_start3A_55 = arith.constant 0 : i32
        %dma_start3A_56 = tpu.memref_slice %arg2[%dma_start3A_54, %dma_start3A_55] : memref<10000x128xf32, #tpu.memory_space<hbm>> -> memref<10000x128xf32, #tpu.memory_space<hbm>>
        tpu.enqueue_indirect_dma source(%dma_start3A_56 : memref<10000x128xf32, #tpu.memory_space<hbm>>) target(%arg11 : memref<80x128xf32, #tpu.memory_space<vmem>>) offsets(%dma_start3A_53 : memref<80xi32, #tpu.memory_space<vmem>>) semaphore(%arg14 : memref<!tpu.dma_semaphore, #tpu.memory_space<semaphore_mem>>)
        %add3A_57 = arith.constant 3 : i32
        %add3A_58 = arith.addi %mul3A_34, %add3A_57 : i32
        %dma_start3A_59 = arith.constant 0 : i32
        %dma_start3A_60 = tpu.memref_slice %arg7[%add3A_58, %dma_start3A_59] : memref<25x80xi32, #tpu.memory_space<vmem>> -> memref<1x80xi32, #tpu.memory_space<vmem>>
        %dma_start3A_61 = tpu.memref_squeeze %dma_start3A_60 : memref<1x80xi32, #tpu.memory_space<vmem>> -> memref<80xi32, #tpu.memory_space<vmem>>
        %dma_start3A_62 = arith.constant 0 : i32
        %dma_start3A_63 = arith.constant 0 : i32
        %dma_start3A_64 = tpu.memref_slice %arg2[%dma_start3A_62, %dma_start3A_63] : memref<10000x128xf32, #tpu.memory_space<hbm>> -> memref<10000x128xf32, #tpu.memory_space<hbm>>
        tpu.enqueue_indirect_dma source(%dma_start3A_64 : memref<10000x128xf32, #tpu.memory_space<hbm>>) target(%arg12 : memref<80x128xf32, #tpu.memory_space<vmem>>) offsets(%dma_start3A_61 : memref<80xi32, #tpu.memory_space<vmem>>) semaphore(%arg14 : memref<!tpu.dma_semaphore, #tpu.memory_space<semaphore_mem>>)
        %dma_wait3A_65 = arith.constant 0 : i32
        %dma_wait3A_66 = tpu.memref_slice %arg7[%mul3A_34, %dma_wait3A_65] : memref<25x80xi32, #tpu.memory_space<vmem>> -> memref<1x80xi32, #tpu.memory_space<vmem>>
        %dma_wait3A_67 = tpu.memref_squeeze %dma_wait3A_66 : memref<1x80xi32, #tpu.memory_space<vmem>> -> memref<80xi32, #tpu.memory_space<vmem>>
        %dma_wait3A_68 = arith.constant 0 : i32
        %dma_wait3A_69 = arith.constant 0 : i32
        %dma_wait3A_70 = tpu.memref_slice %arg2[%dma_wait3A_68, %dma_wait3A_69] : memref<10000x128xf32, #tpu.memory_space<hbm>> -> memref<10000x128xf32, #tpu.memory_space<hbm>>
        tpu.wait_indirect_dma semaphore(%arg14 : memref<!tpu.dma_semaphore, #tpu.memory_space<semaphore_mem>>) src(%dma_wait3A_70 : memref<10000x128xf32, #tpu.memory_space<hbm>>) dst(%arg9 : memref<80x128xf32, #tpu.memory_space<vmem>>)
        "tpu.region"() ({
          %run_scoped3A_101 = tpu.sem_alloc : memref<!tpu.dma_semaphore, #tpu.memory_space<semaphore_mem>>
          %dma_start3A_102 = arith.constant 0 : i32
          %dma_start3A_103 = tpu.memref_slice %arg8[%mul3A_34, %dma_start3A_102] : memref<25x80xi32, #tpu.memory_space<vmem>> -> memref<1x80xi32, #tpu.memory_space<vmem>>
          %dma_start3A_104 = tpu.memref_squeeze %dma_start3A_103 : memref<1x80xi32, #tpu.memory_space<vmem>> -> memref<80xi32, #tpu.memory_space<vmem>>
          %dma_start3A_105 = arith.constant 0 : i32
          %dma_start3A_106 = arith.constant 0 : i32
          %dma_start3A_107 = tpu.memref_slice %arg13[%dma_start3A_105, %dma_start3A_106] : memref<10240x128xf32, #tpu.memory_space<vmem_shared>> -> memref<10240x128xf32, #tpu.memory_space<vmem_shared>>
          tpu.enqueue_indirect_dma source(%arg9 : memref<80x128xf32, #tpu.memory_space<vmem>>) target(%dma_start3A_107 : memref<10240x128xf32, #tpu.memory_space<vmem_shared>>) offsets(%dma_start3A_104 : memref<80xi32, #tpu.memory_space<vmem>>) semaphore(%run_scoped3A_101 : memref<!tpu.dma_semaphore, #tpu.memory_space<semaphore_mem>>) {add = true}
          %dma_wait3A_108 = arith.constant 0 : i32
          %dma_wait3A_109 = tpu.memref_slice %arg8[%mul3A_34, %dma_wait3A_108] : memref<25x80xi32, #tpu.memory_space<vmem>> -> memref<1x80xi32, #tpu.memory_space<vmem>>
          %dma_wait3A_110 = tpu.memref_squeeze %dma_wait3A_109 : memref<1x80xi32, #tpu.memory_space<vmem>> -> memref<80xi32, #tpu.memory_space<vmem>>
          %dma_wait3A_111 = arith.constant 0 : i32
          %dma_wait3A_112 = arith.constant 0 : i32
          %dma_wait3A_113 = tpu.memref_slice %arg13[%dma_wait3A_111, %dma_wait3A_112] : memref<10240x128xf32, #tpu.memory_space<vmem_shared>> -> memref<10240x128xf32, #tpu.memory_space<vmem_shared>>
          tpu.wait_indirect_dma semaphore(%run_scoped3A_101 : memref<!tpu.dma_semaphore, #tpu.memory_space<semaphore_mem>>) src(%arg9 : memref<80x128xf32, #tpu.memory_space<vmem>>) dst(%dma_wait3A_113 : memref<10240x128xf32, #tpu.memory_space<vmem_shared>>)
          tpu.yield
        }) : () -> ()
        %add3A_71 = arith.constant 1 : i32
        %add3A_72 = arith.addi %mul3A_34, %add3A_71 : i32
        %dma_wait3A_73 = arith.constant 0 : i32
        %dma_wait3A_74 = tpu.memref_slice %arg7[%add3A_72, %dma_wait3A_73] : memref<25x80xi32, #tpu.memory_space<vmem>> -> memref<1x80xi32, #tpu.memory_space<vmem>>
        %dma_wait3A_75 = tpu.memref_squeeze %dma_wait3A_74 : memref<1x80xi32, #tpu.memory_space<vmem>> -> memref<80xi32, #tpu.memory_space<vmem>>
        %dma_wait3A_76 = arith.constant 0 : i32
        %dma_wait3A_77 = arith.constant 0 : i32
        %dma_wait3A_78 = tpu.memref_slice %arg2[%dma_wait3A_76, %dma_wait3A_77] : memref<10000x128xf32, #tpu.memory_space<hbm>> -> memref<10000x128xf32, #tpu.memory_space<hbm>>
        tpu.wait_indirect_dma semaphore(%arg14 : memref<!tpu.dma_semaphore, #tpu.memory_space<semaphore_mem>>) src(%dma_wait3A_78 : memref<10000x128xf32, #tpu.memory_space<hbm>>) dst(%arg10 : memref<80x128xf32, #tpu.memory_space<vmem>>)
        %add3A_79 = arith.constant 1 : i32
        %add3A_80 = arith.addi %mul3A_34, %add3A_79 : i32
        "tpu.region"() ({
          %run_scoped3A_101 = tpu.sem_alloc : memref<!tpu.dma_semaphore, #tpu.memory_space<semaphore_mem>>
          %dma_start3A_102 = arith.constant 0 : i32
          %dma_start3A_103 = tpu.memref_slice %arg8[%add3A_80, %dma_start3A_102] : memref<25x80xi32, #tpu.memory_space<vmem>> -> memref<1x80xi32, #tpu.memory_space<vmem>>
          %dma_start3A_104 = tpu.memref_squeeze %dma_start3A_103 : memref<1x80xi32, #tpu.memory_space<vmem>> -> memref<80xi32, #tpu.memory_space<vmem>>
          %dma_start3A_105 = arith.constant 0 : i32
          %dma_start3A_106 = arith.constant 0 : i32
          %dma_start3A_107 = tpu.memref_slice %arg13[%dma_start3A_105, %dma_start3A_106] : memref<10240x128xf32, #tpu.memory_space<vmem_shared>> -> memref<10240x128xf32, #tpu.memory_space<vmem_shared>>
          tpu.enqueue_indirect_dma source(%arg10 : memref<80x128xf32, #tpu.memory_space<vmem>>) target(%dma_start3A_107 : memref<10240x128xf32, #tpu.memory_space<vmem_shared>>) offsets(%dma_start3A_104 : memref<80xi32, #tpu.memory_space<vmem>>) semaphore(%run_scoped3A_101 : memref<!tpu.dma_semaphore, #tpu.memory_space<semaphore_mem>>) {add = true}
          %dma_wait3A_108 = arith.constant 0 : i32
          %dma_wait3A_109 = tpu.memref_slice %arg8[%add3A_80, %dma_wait3A_108] : memref<25x80xi32, #tpu.memory_space<vmem>> -> memref<1x80xi32, #tpu.memory_space<vmem>>
          %dma_wait3A_110 = tpu.memref_squeeze %dma_wait3A_109 : memref<1x80xi32, #tpu.memory_space<vmem>> -> memref<80xi32, #tpu.memory_space<vmem>>
          %dma_wait3A_111 = arith.constant 0 : i32
          %dma_wait3A_112 = arith.constant 0 : i32
          %dma_wait3A_113 = tpu.memref_slice %arg13[%dma_wait3A_111, %dma_wait3A_112] : memref<10240x128xf32, #tpu.memory_space<vmem_shared>> -> memref<10240x128xf32, #tpu.memory_space<vmem_shared>>
          tpu.wait_indirect_dma semaphore(%run_scoped3A_101 : memref<!tpu.dma_semaphore, #tpu.memory_space<semaphore_mem>>) src(%arg10 : memref<80x128xf32, #tpu.memory_space<vmem>>) dst(%dma_wait3A_113 : memref<10240x128xf32, #tpu.memory_space<vmem_shared>>)
          tpu.yield
        }) : () -> ()
        %add3A_81 = arith.constant 2 : i32
        %add3A_82 = arith.addi %mul3A_34, %add3A_81 : i32
        %dma_wait3A_83 = arith.constant 0 : i32
        %dma_wait3A_84 = tpu.memref_slice %arg7[%add3A_82, %dma_wait3A_83] : memref<25x80xi32, #tpu.memory_space<vmem>> -> memref<1x80xi32, #tpu.memory_space<vmem>>
        %dma_wait3A_85 = tpu.memref_squeeze %dma_wait3A_84 : memref<1x80xi32, #tpu.memory_space<vmem>> -> memref<80xi32, #tpu.memory_space<vmem>>
        %dma_wait3A_86 = arith.constant 0 : i32
        %dma_wait3A_87 = arith.constant 0 : i32
        %dma_wait3A_88 = tpu.memref_slice %arg2[%dma_wait3A_86, %dma_wait3A_87] : memref<10000x128xf32, #tpu.memory_space<hbm>> -> memref<10000x128xf32, #tpu.memory_space<hbm>>
        tpu.wait_indirect_dma semaphore(%arg14 : memref<!tpu.dma_semaphore, #tpu.memory_space<semaphore_mem>>) src(%dma_wait3A_88 : memref<10000x128xf32, #tpu.memory_space<hbm>>) dst(%arg11 : memref<80x128xf32, #tpu.memory_space<vmem>>)
        %add3A_89 = arith.constant 2 : i32
        %add3A_90 = arith.addi %mul3A_34, %add3A_89 : i32
        "tpu.region"() ({
          %run_scoped3A_101 = tpu.sem_alloc : memref<!tpu.dma_semaphore, #tpu.memory_space<semaphore_mem>>
          %dma_start3A_102 = arith.constant 0 : i32
          %dma_start3A_103 = tpu.memref_slice %arg8[%add3A_90, %dma_start3A_102] : memref<25x80xi32, #tpu.memory_space<vmem>> -> memref<1x80xi32, #tpu.memory_space<vmem>>
          %dma_start3A_104 = tpu.memref_squeeze %dma_start3A_103 : memref<1x80xi32, #tpu.memory_space<vmem>> -> memref<80xi32, #tpu.memory_space<vmem>>
          %dma_start3A_105 = arith.constant 0 : i32
          %dma_start3A_106 = arith.constant 0 : i32
          %dma_start3A_107 = tpu.memref_slice %arg13[%dma_start3A_105, %dma_start3A_106] : memref<10240x128xf32, #tpu.memory_space<vmem_shared>> -> memref<10240x128xf32, #tpu.memory_space<vmem_shared>>
          tpu.enqueue_indirect_dma source(%arg11 : memref<80x128xf32, #tpu.memory_space<vmem>>) target(%dma_start3A_107 : memref<10240x128xf32, #tpu.memory_space<vmem_shared>>) offsets(%dma_start3A_104 : memref<80xi32, #tpu.memory_space<vmem>>) semaphore(%run_scoped3A_101 : memref<!tpu.dma_semaphore, #tpu.memory_space<semaphore_mem>>) {add = true}
          %dma_wait3A_108 = arith.constant 0 : i32
          %dma_wait3A_109 = tpu.memref_slice %arg8[%add3A_90, %dma_wait3A_108] : memref<25x80xi32, #tpu.memory_space<vmem>> -> memref<1x80xi32, #tpu.memory_space<vmem>>
          %dma_wait3A_110 = tpu.memref_squeeze %dma_wait3A_109 : memref<1x80xi32, #tpu.memory_space<vmem>> -> memref<80xi32, #tpu.memory_space<vmem>>
          %dma_wait3A_111 = arith.constant 0 : i32
          %dma_wait3A_112 = arith.constant 0 : i32
          %dma_wait3A_113 = tpu.memref_slice %arg13[%dma_wait3A_111, %dma_wait3A_112] : memref<10240x128xf32, #tpu.memory_space<vmem_shared>> -> memref<10240x128xf32, #tpu.memory_space<vmem_shared>>
          tpu.wait_indirect_dma semaphore(%run_scoped3A_101 : memref<!tpu.dma_semaphore, #tpu.memory_space<semaphore_mem>>) src(%arg11 : memref<80x128xf32, #tpu.memory_space<vmem>>) dst(%dma_wait3A_113 : memref<10240x128xf32, #tpu.memory_space<vmem_shared>>)
          tpu.yield
        }) : () -> ()
        %add3A_91 = arith.constant 3 : i32
        %add3A_92 = arith.addi %mul3A_34, %add3A_91 : i32
        %dma_wait3A_93 = arith.constant 0 : i32
        %dma_wait3A_94 = tpu.memref_slice %arg7[%add3A_92, %dma_wait3A_93] : memref<25x80xi32, #tpu.memory_space<vmem>> -> memref<1x80xi32, #tpu.memory_space<vmem>>
        %dma_wait3A_95 = tpu.memref_squeeze %dma_wait3A_94 : memref<1x80xi32, #tpu.memory_space<vmem>> -> memref<80xi32, #tpu.memory_space<vmem>>
        %dma_wait3A_96 = arith.constant 0 : i32
        %dma_wait3A_97 = arith.constant 0 : i32
        %dma_wait3A_98 = tpu.memref_slice %arg2[%dma_wait3A_96, %dma_wait3A_97] : memref<10000x128xf32, #tpu.memory_space<hbm>> -> memref<10000x128xf32, #tpu.memory_space<hbm>>
        tpu.wait_indirect_dma semaphore(%arg14 : memref<!tpu.dma_semaphore, #tpu.memory_space<semaphore_mem>>) src(%dma_wait3A_98 : memref<10000x128xf32, #tpu.memory_space<hbm>>) dst(%arg12 : memref<80x128xf32, #tpu.memory_space<vmem>>)
        %add3A_99 = arith.constant 3 : i32
        %add3A_100 = arith.addi %mul3A_34, %add3A_99 : i32
        "tpu.region"() ({
          %run_scoped3A_101 = tpu.sem_alloc : memref<!tpu.dma_semaphore, #tpu.memory_space<semaphore_mem>>
          %dma_start3A_102 = arith.constant 0 : i32
          %dma_start3A_103 = tpu.memref_slice %arg8[%add3A_100, %dma_start3A_102] : memref<25x80xi32, #tpu.memory_space<vmem>> -> memref<1x80xi32, #tpu.memory_space<vmem>>
          %dma_start3A_104 = tpu.memref_squeeze %dma_start3A_103 : memref<1x80xi32, #tpu.memory_space<vmem>> -> memref<80xi32, #tpu.memory_space<vmem>>
          %dma_start3A_105 = arith.constant 0 : i32
          %dma_start3A_106 = arith.constant 0 : i32
          %dma_start3A_107 = tpu.memref_slice %arg13[%dma_start3A_105, %dma_start3A_106] : memref<10240x128xf32, #tpu.memory_space<vmem_shared>> -> memref<10240x128xf32, #tpu.memory_space<vmem_shared>>
          tpu.enqueue_indirect_dma source(%arg12 : memref<80x128xf32, #tpu.memory_space<vmem>>) target(%dma_start3A_107 : memref<10240x128xf32, #tpu.memory_space<vmem_shared>>) offsets(%dma_start3A_104 : memref<80xi32, #tpu.memory_space<vmem>>) semaphore(%run_scoped3A_101 : memref<!tpu.dma_semaphore, #tpu.memory_space<semaphore_mem>>) {add = true}
          %dma_wait3A_108 = arith.constant 0 : i32
          %dma_wait3A_109 = tpu.memref_slice %arg8[%add3A_100, %dma_wait3A_108] : memref<25x80xi32, #tpu.memory_space<vmem>> -> memref<1x80xi32, #tpu.memory_space<vmem>>
          %dma_wait3A_110 = tpu.memref_squeeze %dma_wait3A_109 : memref<1x80xi32, #tpu.memory_space<vmem>> -> memref<80xi32, #tpu.memory_space<vmem>>
          %dma_wait3A_111 = arith.constant 0 : i32
          %dma_wait3A_112 = arith.constant 0 : i32
          %dma_wait3A_113 = tpu.memref_slice %arg13[%dma_wait3A_111, %dma_wait3A_112] : memref<10240x128xf32, #tpu.memory_space<vmem_shared>> -> memref<10240x128xf32, #tpu.memory_space<vmem_shared>>
          tpu.wait_indirect_dma semaphore(%run_scoped3A_101 : memref<!tpu.dma_semaphore, #tpu.memory_space<semaphore_mem>>) src(%arg12 : memref<80x128xf32, #tpu.memory_space<vmem>>) dst(%dma_wait3A_113 : memref<10240x128xf32, #tpu.memory_space<vmem_shared>>)
          tpu.yield
        }) : () -> ()
      }
      %scan3A_19 = arith.constant 6 : i32
      %dma_start3A = arith.constant 24 : i32
      %dma_start3A_20 = arith.constant 0 : i32
      %dma_start3A_21 = tpu.memref_slice %arg7[%dma_start3A, %dma_start3A_20] : memref<25x80xi32, #tpu.memory_space<vmem>> -> memref<1x80xi32, #tpu.memory_space<vmem>>
      %dma_start3A_22 = tpu.memref_squeeze %dma_start3A_21 : memref<1x80xi32, #tpu.memory_space<vmem>> -> memref<80xi32, #tpu.memory_space<vmem>>
      %dma_start3A_23 = arith.constant 0 : i32
      %dma_start3A_24 = arith.constant 0 : i32
      %dma_start3A_25 = tpu.memref_slice %arg2[%dma_start3A_23, %dma_start3A_24] : memref<10000x128xf32, #tpu.memory_space<hbm>> -> memref<10000x128xf32, #tpu.memory_space<hbm>>
      tpu.enqueue_indirect_dma source(%dma_start3A_25 : memref<10000x128xf32, #tpu.memory_space<hbm>>) target(%arg9 : memref<80x128xf32, #tpu.memory_space<vmem>>) offsets(%dma_start3A_22 : memref<80xi32, #tpu.memory_space<vmem>>) semaphore(%arg14 : memref<!tpu.dma_semaphore, #tpu.memory_space<semaphore_mem>>)
      %dma_wait3A = arith.constant 24 : i32
      %dma_wait3A_26 = arith.constant 0 : i32
      %dma_wait3A_27 = tpu.memref_slice %arg7[%dma_wait3A, %dma_wait3A_26] : memref<25x80xi32, #tpu.memory_space<vmem>> -> memref<1x80xi32, #tpu.memory_space<vmem>>
      %dma_wait3A_28 = tpu.memref_squeeze %dma_wait3A_27 : memref<1x80xi32, #tpu.memory_space<vmem>> -> memref<80xi32, #tpu.memory_space<vmem>>
      %dma_wait3A_29 = arith.constant 0 : i32
      %dma_wait3A_30 = arith.constant 0 : i32
      %dma_wait3A_31 = tpu.memref_slice %arg2[%dma_wait3A_29, %dma_wait3A_30] : memref<10000x128xf32, #tpu.memory_space<hbm>> -> memref<10000x128xf32, #tpu.memory_space<hbm>>
      tpu.wait_indirect_dma semaphore(%arg14 : memref<!tpu.dma_semaphore, #tpu.memory_space<semaphore_mem>>) src(%dma_wait3A_31 : memref<10000x128xf32, #tpu.memory_space<hbm>>) dst(%arg9 : memref<80x128xf32, #tpu.memory_space<vmem>>)
      %run_scoped3A = arith.constant 24 : i32
      "tpu.region"() ({
        %run_scoped3A_32 = tpu.sem_alloc : memref<!tpu.dma_semaphore, #tpu.memory_space<semaphore_mem>>
        %dma_start3A_33 = arith.constant 0 : i32
        %dma_start3A_34 = tpu.memref_slice %arg8[%run_scoped3A, %dma_start3A_33] : memref<25x80xi32, #tpu.memory_space<vmem>> -> memref<1x80xi32, #tpu.memory_space<vmem>>
        %dma_start3A_35 = tpu.memref_squeeze %dma_start3A_34 : memref<1x80xi32, #tpu.memory_space<vmem>> -> memref<80xi32, #tpu.memory_space<vmem>>
        %dma_start3A_36 = arith.constant 0 : i32
        %dma_start3A_37 = arith.constant 0 : i32
        %dma_start3A_38 = tpu.memref_slice %arg13[%dma_start3A_36, %dma_start3A_37] : memref<10240x128xf32, #tpu.memory_space<vmem_shared>> -> memref<10240x128xf32, #tpu.memory_space<vmem_shared>>
        tpu.enqueue_indirect_dma source(%arg9 : memref<80x128xf32, #tpu.memory_space<vmem>>) target(%dma_start3A_38 : memref<10240x128xf32, #tpu.memory_space<vmem_shared>>) offsets(%dma_start3A_35 : memref<80xi32, #tpu.memory_space<vmem>>) semaphore(%run_scoped3A_32 : memref<!tpu.dma_semaphore, #tpu.memory_space<semaphore_mem>>) {add = true}
        %dma_wait3A_39 = arith.constant 0 : i32
        %dma_wait3A_40 = tpu.memref_slice %arg8[%run_scoped3A, %dma_wait3A_39] : memref<25x80xi32, #tpu.memory_space<vmem>> -> memref<1x80xi32, #tpu.memory_space<vmem>>
        %dma_wait3A_41 = tpu.memref_squeeze %dma_wait3A_40 : memref<1x80xi32, #tpu.memory_space<vmem>> -> memref<80xi32, #tpu.memory_space<vmem>>
        %dma_wait3A_42 = arith.constant 0 : i32
        %dma_wait3A_43 = arith.constant 0 : i32
        %dma_wait3A_44 = tpu.memref_slice %arg13[%dma_wait3A_42, %dma_wait3A_43] : memref<10240x128xf32, #tpu.memory_space<vmem_shared>> -> memref<10240x128xf32, #tpu.memory_space<vmem_shared>>
        tpu.wait_indirect_dma semaphore(%run_scoped3A_32 : memref<!tpu.dma_semaphore, #tpu.memory_space<semaphore_mem>>) src(%arg9 : memref<80x128xf32, #tpu.memory_space<vmem>>) dst(%dma_wait3A_44 : memref<10240x128xf32, #tpu.memory_space<vmem_shared>>)
        tpu.yield
      }) : () -> ()
    }
    %scan3A_7 = arith.constant 5 : i32
    %barrier3A_8 = arith.constant 0 : index
    tpu.barrier barrier_id(%barrier3A_8)
    %mul3A_9 = arith.constant 640 : i32
    %mul3A_10 = arith.muli %arg1, %mul3A_9 : i32
    %mul3A_11 = arith.constant 640 : i32
    %mul3A_12 = arith.muli %arg1, %mul3A_11 : i32
    "tpu.region"() ({
      %run_scoped3A = tpu.sem_alloc : memref<!tpu.dma_semaphore, #tpu.memory_space<semaphore_mem>>
      %dma_start3A = arith.constant 0 : i32
      %dma_start3A_13 = tpu.memref_slice %arg6[%arg0, %mul3A_12, %dma_start3A] : memref<2x10240x128xf32, #tpu.memory_space<hbm>> -> memref<1x640x128xf32, #tpu.memory_space<hbm>>
      %dma_start3A_14 = tpu.memref_squeeze %dma_start3A_13 : memref<1x640x128xf32, #tpu.memory_space<hbm>> -> memref<640x128xf32, #tpu.memory_space<hbm>>
      %dma_start3A_15 = arith.constant 0 : i32
      %dma_start3A_16 = tpu.memref_slice %arg13[%mul3A_10, %dma_start3A_15] : memref<10240x128xf32, #tpu.memory_space<vmem_shared>> -> memref<640x128xf32, #tpu.memory_space<vmem_shared>>
      tpu.enqueue_dma source(%dma_start3A_16 : memref<640x128xf32, #tpu.memory_space<vmem_shared>>) target(%dma_start3A_14 : memref<640x128xf32, #tpu.memory_space<hbm>>) target_semaphore(%run_scoped3A : memref<!tpu.dma_semaphore, #tpu.memory_space<semaphore_mem>>)
      %dma_wait3A = arith.constant 0 : i32
      %dma_wait3A_17 = tpu.memref_slice %arg6[%arg0, %mul3A_12, %dma_wait3A] : memref<2x10240x128xf32, #tpu.memory_space<hbm>> -> memref<1x640x128xf32, #tpu.memory_space<hbm>>
      %dma_wait3A_18 = tpu.memref_squeeze %dma_wait3A_17 : memref<1x640x128xf32, #tpu.memory_space<hbm>> -> memref<640x128xf32, #tpu.memory_space<hbm>>
      %dma_wait3A_19 = arith.constant 0 : i32
      %dma_wait3A_20 = tpu.memref_slice %arg13[%mul3A_10, %dma_wait3A_19] : memref<10240x128xf32, #tpu.memory_space<vmem_shared>> -> memref<640x128xf32, #tpu.memory_space<vmem_shared>>
      tpu.wait_dma2 semaphore(%run_scoped3A : memref<!tpu.dma_semaphore, #tpu.memory_space<semaphore_mem>>) src(%dma_wait3A_20 : memref<640x128xf32, #tpu.memory_space<vmem_shared>>) dst(%dma_wait3A_18 : memref<640x128xf32, #tpu.memory_space<hbm>>)
      tpu.yield
    }) : () -> ()
    return
  }
}

module attributes {stable_mosaic.version = 14 : i64} {
  func.func @_tc_h0_body(%arg0: i32, %arg1: memref<2000x128xf32, #tpu.memory_space<vmem>>, %arg2: memref<128x128xf32, #tpu.memory_space<vmem>>, %arg3: memref<1x128xf32, #tpu.memory_space<vmem>>, %arg4: memref<2000x128xf32, #tpu.memory_space<vmem>>) attributes {dimension_semantics = [#tpu.dimension_semantics<arbitrary>], iteration_bounds = array<i64: 5>, scalar_prefetch = 0 : i64, scratch_operands = 0 : i64, tpu.core_type = #tpu.core_type<tc>, window_params = [{transform_indices = @transform_0, window_bounds = array<i64: 2000, 128>}, {pipeline_mode = #tpu.pipeline_mode<synchronous>, transform_indices = @transform_1, window_bounds = array<i64: 128, 128>}, {pipeline_mode = #tpu.pipeline_mode<synchronous>, transform_indices = @transform_2, window_bounds = array<i64: 1, 128>}, {transform_indices = @transform_3, window_bounds = array<i64: 2000, 128>}]} {
    %get3A = arith.constant 0 : index
    %get3A_0 = arith.constant 0 : index
    %get3A_1 = vector.load %arg1[%get3A, %get3A_0] : memref<2000x128xf32, #tpu.memory_space<vmem>>, vector<2000x128xf32>
    %get3A_2 = arith.constant 0 : index
    %get3A_3 = arith.constant 0 : index
    %get3A_4 = vector.load %arg2[%get3A_2, %get3A_3] : memref<128x128xf32, #tpu.memory_space<vmem>>, vector<128x128xf32>
    %dot_general3A = arith.constant dense<0.000000e+00> : vector<2000x128xf32>
    %dot_general3A_5 = tpu.matmul %get3A_1, %get3A_4, %dot_general3A {dimension_numbers = #tpu.dot_dimension_numbers<[1], [0], [0], [1], [0, 0, 1, 1], [], []>, transpose_lhs_hint = false} : vector<2000x128xf32>, vector<128x128xf32>, vector<2000x128xf32> -> vector<2000x128xf32>
    %get3A_6 = arith.constant 0 : index
    %get3A_7 = arith.constant 0 : index
    %get3A_8 = vector.load %arg3[%get3A_6, %get3A_7] : memref<1x128xf32, #tpu.memory_space<vmem>>, vector<1x128xf32>
    %add3A = vector.broadcast %get3A_8 : vector<1x128xf32> to vector<2000x128xf32>
    %add3A_9 = arith.addf %dot_general3A_5, %add3A : vector<2000x128xf32>
    %max3A = arith.constant 0.000000e+00 : f32
    %max3A_10 = vector.broadcast %max3A : f32 to vector<2000x128xf32>
    %max3A_11 = arith.maximumf %add3A_9, %max3A_10 : vector<2000x128xf32>
    %swap3A = arith.constant 0 : index
    %swap3A_12 = arith.constant 0 : index
    %swap3A_13 = vector.load %arg4[%swap3A, %swap3A_12] : memref<2000x128xf32, #tpu.memory_space<vmem>>, vector<2000x128xf32>
    tpu.vector_store %arg4[%swap3A, %swap3A_12], %max3A_11 {strides = array<i32>} : memref<2000x128xf32, #tpu.memory_space<vmem>>, vector<2000x128xf32>,
    return
  }
  func.func @transform_0(%arg0: i32) -> (i32, i32) {
    %c0_i32 = arith.constant 0 : i32
    %c0_i32_0 = arith.constant 0 : i32
    return %arg0, %c0_i32 : i32, i32
  }
  func.func @transform_1(%arg0: i32) -> (i32, i32) {
    %c0_i32 = arith.constant 0 : i32
    %c0_i32_0 = arith.constant 0 : i32
    %c0_i32_1 = arith.constant 0 : i32
    return %c0_i32, %c0_i32_0 : i32, i32
  }
  func.func @transform_2(%arg0: i32) -> (i32, i32) {
    %c0_i32 = arith.constant 0 : i32
    %c0_i32_0 = arith.constant 0 : i32
    %c0_i32_1 = arith.constant 0 : i32
    return %c0_i32, %c0_i32_0 : i32, i32
  }
  func.func @transform_3(%arg0: i32) -> (i32, i32) {
    %c0_i32 = arith.constant 0 : i32
    %c0_i32_0 = arith.constant 0 : i32
    return %arg0, %c0_i32 : i32, i32
  }
}

module attributes {stable_mosaic.version = 14 : i64} {
  func.func @_tc_g0_body(%arg0: i32, %arg1: memref<2000x128xf32, #tpu.memory_space<vmem>>, %arg2: memref<2x2000x128xf32, #tpu.memory_space<vmem>>, %arg3: memref<128x128xf32, #tpu.memory_space<vmem>>, %arg4: memref<2000x128xf32, #tpu.memory_space<vmem>>, %arg5: memref<2000x1xf32, #tpu.memory_space<vmem>>) attributes {dimension_semantics = [#tpu.dimension_semantics<arbitrary>], iteration_bounds = array<i64: 5>, scalar_prefetch = 0 : i64, scratch_operands = 0 : i64, tpu.core_type = #tpu.core_type<tc>, window_params = [{transform_indices = @transform_0, window_bounds = array<i64: 2000, 128>}, {transform_indices = @transform_1, window_bounds = array<i64: 2, 2000, 128>}, {pipeline_mode = #tpu.pipeline_mode<synchronous>, transform_indices = @transform_2, window_bounds = array<i64: 128, 128>}, {transform_indices = @transform_3, window_bounds = array<i64: 2000, 128>}, {transform_indices = @transform_4, window_bounds = array<i64: 2000, 1>}]} {
    %get3A = arith.constant 0 : index
    %get3A_0 = arith.constant 0 : index
    %get3A_1 = arith.constant 0 : index
    %get3A_2 = vector.load %arg2[%get3A, %get3A_0, %get3A_1] : memref<2x2000x128xf32, #tpu.memory_space<vmem>>, vector<2x2000x128xf32>
    %slice3A = vector.extract_strided_slice %get3A_2 {offsets = [0, 0, 0], sizes = [1, 2000, 1], strides = [1, 1, 1]} : vector<2x2000x128xf32> to vector<1x2000x1xf32>
    %squeeze3A = vector.shape_cast %slice3A : vector<1x2000x1xf32> to vector<2000xf32>
    %slice3A_3 = vector.extract_strided_slice %get3A_2 {offsets = [1, 0, 0], sizes = [1, 2000, 1], strides = [1, 1, 1]} : vector<2x2000x128xf32> to vector<1x2000x1xf32>
    %squeeze3A_4 = vector.shape_cast %slice3A_3 : vector<1x2000x1xf32> to vector<2000xf32>
    %add3A = arith.addf %squeeze3A, %squeeze3A_4 : vector<2000xf32>
    %add3A_5 = arith.constant 1.000000e+00 : f32
    %add3A_6 = vector.broadcast %add3A_5 : f32 to vector<2000xf32>
    %add3A_7 = arith.addf %add3A, %add3A_6 : vector<2000xf32>
    %rsqrt3A = math.rsqrt %add3A_7 : vector<2000xf32>
    %broadcast_in_dim3A = vector.shape_cast %rsqrt3A : vector<2000xf32> to vector<2000x1xf32>
    %swap3A = arith.constant 0 : index
    %swap3A_8 = arith.constant 0 : index
    %swap3A_9 = vector.load %arg5[%swap3A, %swap3A_8] : memref<2000x1xf32, #tpu.memory_space<vmem>>, vector<2000x1xf32>
    tpu.vector_store %arg5[%swap3A, %swap3A_8], %broadcast_in_dim3A {strides = array<i32>} : memref<2000x1xf32, #tpu.memory_space<vmem>>, vector<2000x1xf32>,
    %get3A_10 = arith.constant 0 : index
    %get3A_11 = arith.constant 0 : index
    %get3A_12 = vector.load %arg1[%get3A_10, %get3A_11] : memref<2000x128xf32, #tpu.memory_space<vmem>>, vector<2000x128xf32>
    %get3A_13 = arith.constant 0 : index
    %get3A_14 = arith.constant 0 : index
    %get3A_15 = vector.load %arg3[%get3A_13, %get3A_14] : memref<128x128xf32, #tpu.memory_space<vmem>>, vector<128x128xf32>
    %dot_general3A = arith.constant dense<0.000000e+00> : vector<2000x128xf32>
    %dot_general3A_16 = tpu.matmul %get3A_12, %get3A_15, %dot_general3A {dimension_numbers = #tpu.dot_dimension_numbers<[1], [0], [0], [1], [0, 0, 1, 1], [], []>, transpose_lhs_hint = false} : vector<2000x128xf32>, vector<128x128xf32>, vector<2000x128xf32> -> vector<2000x128xf32>
    %mul3A = vector.broadcast %broadcast_in_dim3A : vector<2000x1xf32> to vector<2000x128xf32>
    %mul3A_17 = arith.mulf %dot_general3A_16, %mul3A : vector<2000x128xf32>
    %swap3A_18 = arith.constant 0 : index
    %swap3A_19 = arith.constant 0 : index
    %swap3A_20 = vector.load %arg4[%swap3A_18, %swap3A_19] : memref<2000x128xf32, #tpu.memory_space<vmem>>, vector<2000x128xf32>
    tpu.vector_store %arg4[%swap3A_18, %swap3A_19], %mul3A_17 {strides = array<i32>} : memref<2000x128xf32, #tpu.memory_space<vmem>>, vector<2000x128xf32>,
    return
  }
  func.func @transform_0(%arg0: i32) -> (i32, i32) {
    %c0_i32 = arith.constant 0 : i32
    %c0_i32_0 = arith.constant 0 : i32
    return %arg0, %c0_i32 : i32, i32
  }
  func.func @transform_1(%arg0: i32) -> (i32, i32, i32) {
    %c0_i32 = arith.constant 0 : i32
    %c0_i32_0 = arith.constant 0 : i32
    %c0_i32_1 = arith.constant 0 : i32
    return %c0_i32, %arg0, %c0_i32_0 : i32, i32, i32
  }
  func.func @transform_2(%arg0: i32) -> (i32, i32) {
    %c0_i32 = arith.constant 0 : i32
    %c0_i32_0 = arith.constant 0 : i32
    %c0_i32_1 = arith.constant 0 : i32
    return %c0_i32, %c0_i32_0 : i32, i32
  }
  func.func @transform_3(%arg0: i32) -> (i32, i32) {
    %c0_i32 = arith.constant 0 : i32
    %c0_i32_0 = arith.constant 0 : i32
    return %arg0, %c0_i32 : i32, i32
  }
  func.func @transform_4(%arg0: i32) -> (i32, i32) {
    %c0_i32 = arith.constant 0 : i32
    %c0_i32_0 = arith.constant 0 : i32
    return %arg0, %c0_i32 : i32, i32
  }
}

module attributes {stable_mosaic.version = 14 : i64} {
  func.func @_tc_mid_body(%arg0: i32, %arg1: memref<2000x128xf32, #tpu.memory_space<vmem>>, %arg2: memref<2x2000x128xf32, #tpu.memory_space<vmem>>, %arg3: memref<2000x128xf32, #tpu.memory_space<vmem>>, %arg4: memref<2000x1xf32, #tpu.memory_space<vmem>>, %arg5: memref<1x128xf32, #tpu.memory_space<vmem>>, %arg6: memref<128x128xf32, #tpu.memory_space<vmem>>, %arg7: memref<2000x128xf32, #tpu.memory_space<vmem>>, %arg8: memref<2000x128xf32, #tpu.memory_space<vmem>>) attributes {dimension_semantics = [#tpu.dimension_semantics<arbitrary>], iteration_bounds = array<i64: 5>, scalar_prefetch = 0 : i64, scratch_operands = 0 : i64, tpu.core_type = #tpu.core_type<tc>, window_params = [{transform_indices = @transform_0, window_bounds = array<i64: 2000, 128>}, {transform_indices = @transform_1, window_bounds = array<i64: 2, 2000, 128>}, {transform_indices = @transform_2, window_bounds = array<i64: 2000, 128>}, {transform_indices = @transform_3, window_bounds = array<i64: 2000, 1>}, {pipeline_mode = #tpu.pipeline_mode<synchronous>, transform_indices = @transform_4, window_bounds = array<i64: 1, 128>}, {pipeline_mode = #tpu.pipeline_mode<synchronous>, transform_indices = @transform_5, window_bounds = array<i64: 128, 128>}, {transform_indices = @transform_6, window_bounds = array<i64: 2000, 128>}, {transform_indices = @transform_7, window_bounds = array<i64: 2000, 128>}]} {
    %get3A = arith.constant 0 : index
    %get3A_0 = arith.constant 0 : index
    %get3A_1 = vector.load %arg4[%get3A, %get3A_0] : memref<2000x1xf32, #tpu.memory_space<vmem>>, vector<2000x1xf32>
    %get3A_2 = arith.constant 0 : index
    %get3A_3 = arith.constant 0 : index
    %get3A_4 = arith.constant 0 : index
    %get3A_5 = vector.load %arg2[%get3A_2, %get3A_3, %get3A_4] : memref<2x2000x128xf32, #tpu.memory_space<vmem>>, vector<1x2000x128xf32>
    %get3A_6 = vector.shape_cast %get3A_5 : vector<1x2000x128xf32> to vector<2000x128xf32>
    %get3A_7 = arith.constant 1 : index
    %get3A_8 = arith.constant 0 : index
    %get3A_9 = arith.constant 0 : index
    %get3A_10 = vector.load %arg2[%get3A_7, %get3A_8, %get3A_9] : memref<2x2000x128xf32, #tpu.memory_space<vmem>>, vector<1x2000x128xf32>
    %get3A_11 = vector.shape_cast %get3A_10 : vector<1x2000x128xf32> to vector<2000x128xf32>
    %add3A = arith.addf %get3A_6, %get3A_11 : vector<2000x128xf32>
    %get3A_12 = arith.constant 0 : index
    %get3A_13 = arith.constant 0 : index
    %get3A_14 = vector.load %arg3[%get3A_12, %get3A_13] : memref<2000x128xf32, #tpu.memory_space<vmem>>, vector<2000x128xf32>
    %add3A_15 = arith.addf %add3A, %get3A_14 : vector<2000x128xf32>
    %mul3A = vector.broadcast %get3A_1 : vector<2000x1xf32> to vector<2000x128xf32>
    %mul3A_16 = arith.mulf %add3A_15, %mul3A : vector<2000x128xf32>
    %get3A_17 = arith.constant 0 : index
    %get3A_18 = arith.constant 0 : index
    %get3A_19 = vector.load %arg1[%get3A_17, %get3A_18] : memref<2000x128xf32, #tpu.memory_space<vmem>>, vector<2000x128xf32>
    %get3A_20 = arith.constant 0 : index
    %get3A_21 = arith.constant 0 : index
    %get3A_22 = vector.load %arg5[%get3A_20, %get3A_21] : memref<1x128xf32, #tpu.memory_space<vmem>>, vector<1x128xf32>
    %add3A_23 = vector.broadcast %get3A_22 : vector<1x128xf32> to vector<2000x128xf32>
    %add3A_24 = arith.addf %mul3A_16, %add3A_23 : vector<2000x128xf32>
    %max3A = arith.constant 0.000000e+00 : f32
    %max3A_25 = vector.broadcast %max3A : f32 to vector<2000x128xf32>
    %max3A_26 = arith.maximumf %add3A_24, %max3A_25 : vector<2000x128xf32>
    %add3A_27 = arith.addf %get3A_19, %max3A_26 : vector<2000x128xf32>
    %swap3A = arith.constant 0 : index
    %swap3A_28 = arith.constant 0 : index
    %swap3A_29 = vector.load %arg7[%swap3A, %swap3A_28] : memref<2000x128xf32, #tpu.memory_space<vmem>>, vector<2000x128xf32>
    tpu.vector_store %arg7[%swap3A, %swap3A_28], %add3A_27 {strides = array<i32>} : memref<2000x128xf32, #tpu.memory_space<vmem>>, vector<2000x128xf32>,
    %get3A_30 = arith.constant 0 : index
    %get3A_31 = arith.constant 0 : index
    %get3A_32 = vector.load %arg6[%get3A_30, %get3A_31] : memref<128x128xf32, #tpu.memory_space<vmem>>, vector<128x128xf32>
    %dot_general3A = arith.constant dense<0.000000e+00> : vector<2000x128xf32>
    %dot_general3A_33 = tpu.matmul %add3A_27, %get3A_32, %dot_general3A {dimension_numbers = #tpu.dot_dimension_numbers<[1], [0], [0], [1], [0, 0, 1, 1], [], []>, transpose_lhs_hint = false} : vector<2000x128xf32>, vector<128x128xf32>, vector<2000x128xf32> -> vector<2000x128xf32>
    %mul3A_34 = vector.broadcast %get3A_1 : vector<2000x1xf32> to vector<2000x128xf32>
    %mul3A_35 = arith.mulf %dot_general3A_33, %mul3A_34 : vector<2000x128xf32>
    %swap3A_36 = arith.constant 0 : index
    %swap3A_37 = arith.constant 0 : index
    %swap3A_38 = vector.load %arg8[%swap3A_36, %swap3A_37] : memref<2000x128xf32, #tpu.memory_space<vmem>>, vector<2000x128xf32>
    tpu.vector_store %arg8[%swap3A_36, %swap3A_37], %mul3A_35 {strides = array<i32>} : memref<2000x128xf32, #tpu.memory_space<vmem>>, vector<2000x128xf32>,
    return
  }
  func.func @transform_0(%arg0: i32) -> (i32, i32) {
    %c0_i32 = arith.constant 0 : i32
    %c0_i32_0 = arith.constant 0 : i32
    return %arg0, %c0_i32 : i32, i32
  }
  func.func @transform_1(%arg0: i32) -> (i32, i32, i32) {
    %c0_i32 = arith.constant 0 : i32
    %c0_i32_0 = arith.constant 0 : i32
    %c0_i32_1 = arith.constant 0 : i32
    return %c0_i32, %arg0, %c0_i32_0 : i32, i32, i32
  }
  func.func @transform_2(%arg0: i32) -> (i32, i32) {
    %c0_i32 = arith.constant 0 : i32
    %c0_i32_0 = arith.constant 0 : i32
    return %arg0, %c0_i32 : i32, i32
  }
  func.func @transform_3(%arg0: i32) -> (i32, i32) {
    %c0_i32 = arith.constant 0 : i32
    %c0_i32_0 = arith.constant 0 : i32
    return %arg0, %c0_i32 : i32, i32
  }
  func.func @transform_4(%arg0: i32) -> (i32, i32) {
    %c0_i32 = arith.constant 0 : i32
    %c0_i32_0 = arith.constant 0 : i32
    %c0_i32_1 = arith.constant 0 : i32
    return %c0_i32, %c0_i32_0 : i32, i32
  }
  func.func @transform_5(%arg0: i32) -> (i32, i32) {
    %c0_i32 = arith.constant 0 : i32
    %c0_i32_0 = arith.constant 0 : i32
    %c0_i32_1 = arith.constant 0 : i32
    return %c0_i32, %c0_i32_0 : i32, i32
  }
  func.func @transform_6(%arg0: i32) -> (i32, i32) {
    %c0_i32 = arith.constant 0 : i32
    %c0_i32_0 = arith.constant 0 : i32
    return %arg0, %c0_i32 : i32, i32
  }
  func.func @transform_7(%arg0: i32) -> (i32, i32) {
    %c0_i32 = arith.constant 0 : i32
    %c0_i32_0 = arith.constant 0 : i32
    return %arg0, %c0_i32 : i32, i32
  }
}

module attributes {stable_mosaic.version = 14 : i64} {
  func.func @_tc_out_body(%arg0: i32, %arg1: memref<2000x128xf32, #tpu.memory_space<vmem>>, %arg2: memref<2x2000x128xf32, #tpu.memory_space<vmem>>, %arg3: memref<2000x128xf32, #tpu.memory_space<vmem>>, %arg4: memref<2000x1xf32, #tpu.memory_space<vmem>>, %arg5: memref<1x128xf32, #tpu.memory_space<vmem>>, %arg6: memref<1x128xf32, #tpu.memory_space<vmem>>, %arg7: memref<1x128xf32, #tpu.memory_space<vmem>>, %arg8: memref<128x128xf32, #tpu.memory_space<vmem>>, %arg9: memref<1x128xf32, #tpu.memory_space<vmem>>, %arg10: memref<128x1xf32, #tpu.memory_space<vmem>>, %arg11: memref<1x1xf32, #tpu.memory_space<vmem>>, %arg12: memref<2000x1xf32, #tpu.memory_space<vmem>>) attributes {dimension_semantics = [#tpu.dimension_semantics<arbitrary>], iteration_bounds = array<i64: 5>, scalar_prefetch = 0 : i64, scratch_operands = 0 : i64, tpu.core_type = #tpu.core_type<tc>, window_params = [{transform_indices = @transform_0, window_bounds = array<i64: 2000, 128>}, {transform_indices = @transform_1, window_bounds = array<i64: 2, 2000, 128>}, {transform_indices = @transform_2, window_bounds = array<i64: 2000, 128>}, {transform_indices = @transform_3, window_bounds = array<i64: 2000, 1>}, {pipeline_mode = #tpu.pipeline_mode<synchronous>, transform_indices = @transform_4, window_bounds = array<i64: 1, 128>}, {pipeline_mode = #tpu.pipeline_mode<synchronous>, transform_indices = @transform_5, window_bounds = array<i64: 1, 128>}, {pipeline_mode = #tpu.pipeline_mode<synchronous>, transform_indices = @transform_6, window_bounds = array<i64: 1, 128>}, {pipeline_mode = #tpu.pipeline_mode<synchronous>, transform_indices = @transform_7, window_bounds = array<i64: 128, 128>}, {pipeline_mode = #tpu.pipeline_mode<synchronous>, transform_indices = @transform_8, window_bounds = array<i64: 1, 128>}, {pipeline_mode = #tpu.pipeline_mode<synchronous>, transform_indices = @transform_9, window_bounds = array<i64: 128, 1>}, {pipeline_mode = #tpu.pipeline_mode<synchronous>, transform_indices = @transform_10, window_bounds = array<i64: 1, 1>}, {transform_indices = @transform_11, window_bounds = array<i64: 2000, 1>}]} {
    %get3A = arith.constant 0 : index
    %get3A_0 = arith.constant 0 : index
    %get3A_1 = vector.load %arg4[%get3A, %get3A_0] : memref<2000x1xf32, #tpu.memory_space<vmem>>, vector<2000x1xf32>
    %get3A_2 = arith.constant 0 : index
    %get3A_3 = arith.constant 0 : index
    %get3A_4 = arith.constant 0 : index
    %get3A_5 = vector.load %arg2[%get3A_2, %get3A_3, %get3A_4] : memref<2x2000x128xf32, #tpu.memory_space<vmem>>, vector<1x2000x128xf32>
    %get3A_6 = vector.shape_cast %get3A_5 : vector<1x2000x128xf32> to vector<2000x128xf32>
    %get3A_7 = arith.constant 1 : index
    %get3A_8 = arith.constant 0 : index
    %get3A_9 = arith.constant 0 : index
    %get3A_10 = vector.load %arg2[%get3A_7, %get3A_8, %get3A_9] : memref<2x2000x128xf32, #tpu.memory_space<vmem>>, vector<1x2000x128xf32>
    %get3A_11 = vector.shape_cast %get3A_10 : vector<1x2000x128xf32> to vector<2000x128xf32>
    %add3A = arith.addf %get3A_6, %get3A_11 : vector<2000x128xf32>
    %get3A_12 = arith.constant 0 : index
    %get3A_13 = arith.constant 0 : index
    %get3A_14 = vector.load %arg3[%get3A_12, %get3A_13] : memref<2000x128xf32, #tpu.memory_space<vmem>>, vector<2000x128xf32>
    %add3A_15 = arith.addf %add3A, %get3A_14 : vector<2000x128xf32>
    %mul3A = vector.broadcast %get3A_1 : vector<2000x1xf32> to vector<2000x128xf32>
    %mul3A_16 = arith.mulf %add3A_15, %mul3A : vector<2000x128xf32>
    %get3A_17 = arith.constant 0 : index
    %get3A_18 = arith.constant 0 : index
    %get3A_19 = vector.load %arg1[%get3A_17, %get3A_18] : memref<2000x128xf32, #tpu.memory_space<vmem>>, vector<2000x128xf32>
    %get3A_20 = arith.constant 0 : index
    %get3A_21 = arith.constant 0 : index
    %get3A_22 = vector.load %arg5[%get3A_20, %get3A_21] : memref<1x128xf32, #tpu.memory_space<vmem>>, vector<1x128xf32>
    %add3A_23 = vector.broadcast %get3A_22 : vector<1x128xf32> to vector<2000x128xf32>
    %add3A_24 = arith.addf %mul3A_16, %add3A_23 : vector<2000x128xf32>
    %max3A = arith.constant 0.000000e+00 : f32
    %max3A_25 = vector.broadcast %max3A : f32 to vector<2000x128xf32>
    %max3A_26 = arith.maximumf %add3A_24, %max3A_25 : vector<2000x128xf32>
    %add3A_27 = arith.addf %get3A_19, %max3A_26 : vector<2000x128xf32>
    %reduce_sum3A = arith.constant dense<0.000000e+00> : vector<2000xf32>
    %reduce_sum3A_28 = vector.multi_reduction <add>, %add3A_27, %reduce_sum3A [1] : vector<2000x128xf32> to vector<2000xf32>
    %broadcast_in_dim3A = vector.shape_cast %reduce_sum3A_28 : vector<2000xf32> to vector<2000x1xf32>
    %div3A = arith.constant 1.280000e+02 : f32
    %div3A_29 = vector.broadcast %div3A : f32 to vector<2000x1xf32>
    %div3A_30 = arith.divf %broadcast_in_dim3A, %div3A_29 : vector<2000x1xf32>
    %sub3A = vector.broadcast %div3A_30 : vector<2000x1xf32> to vector<2000x128xf32>
    %sub3A_31 = arith.subf %add3A_27, %sub3A : vector<2000x128xf32>
    %integer_pow3A = arith.mulf %sub3A_31, %sub3A_31 : vector<2000x128xf32>
    %reduce_sum3A_32 = arith.constant dense<0.000000e+00> : vector<2000xf32>
    %reduce_sum3A_33 = vector.multi_reduction <add>, %integer_pow3A, %reduce_sum3A_32 [1] : vector<2000x128xf32> to vector<2000xf32>
    %broadcast_in_dim3A_34 = vector.shape_cast %reduce_sum3A_33 : vector<2000xf32> to vector<2000x1xf32>
    %div3A_35 = arith.constant 1.280000e+02 : f32
    %div3A_36 = vector.broadcast %div3A_35 : f32 to vector<2000x1xf32>
    %div3A_37 = arith.divf %broadcast_in_dim3A_34, %div3A_36 : vector<2000x1xf32>
    %sub3A_38 = vector.broadcast %div3A_30 : vector<2000x1xf32> to vector<2000x128xf32>
    %sub3A_39 = arith.subf %add3A_27, %sub3A_38 : vector<2000x128xf32>
    %add3A_40 = arith.constant 9.99999974E-6 : f32
    %add3A_41 = vector.broadcast %add3A_40 : f32 to vector<2000x1xf32>
    %add3A_42 = arith.addf %div3A_37, %add3A_41 : vector<2000x1xf32>
    %sqrt3A = math.sqrt %add3A_42 : vector<2000x1xf32>
    %div3A_43 = vector.broadcast %sqrt3A : vector<2000x1xf32> to vector<2000x128xf32>
    %div3A_44 = arith.divf %sub3A_39, %div3A_43 : vector<2000x128xf32>
    %get3A_45 = arith.constant 0 : index
    %get3A_46 = arith.constant 0 : index
    %get3A_47 = vector.load %arg6[%get3A_45, %get3A_46] : memref<1x128xf32, #tpu.memory_space<vmem>>, vector<1x128xf32>
    %mul3A_48 = vector.broadcast %get3A_47 : vector<1x128xf32> to vector<2000x128xf32>
    %mul3A_49 = arith.mulf %div3A_44, %mul3A_48 : vector<2000x128xf32>
    %get3A_50 = arith.constant 0 : index
    %get3A_51 = arith.constant 0 : index
    %get3A_52 = vector.load %arg7[%get3A_50, %get3A_51] : memref<1x128xf32, #tpu.memory_space<vmem>>, vector<1x128xf32>
    %add3A_53 = vector.broadcast %get3A_52 : vector<1x128xf32> to vector<2000x128xf32>
    %add3A_54 = arith.addf %mul3A_49, %add3A_53 : vector<2000x128xf32>
    %get3A_55 = arith.constant 0 : index
    %get3A_56 = arith.constant 0 : index
    %get3A_57 = vector.load %arg8[%get3A_55, %get3A_56] : memref<128x128xf32, #tpu.memory_space<vmem>>, vector<128x128xf32>
    %dot_general3A = arith.constant dense<0.000000e+00> : vector<2000x128xf32>
    %dot_general3A_58 = tpu.matmul %add3A_54, %get3A_57, %dot_general3A {dimension_numbers = #tpu.dot_dimension_numbers<[1], [0], [0], [1], [0, 0, 1, 1], [], []>, transpose_lhs_hint = false} : vector<2000x128xf32>, vector<128x128xf32>, vector<2000x128xf32> -> vector<2000x128xf32>
    %get3A_59 = arith.constant 0 : index
    %get3A_60 = arith.constant 0 : index
    %get3A_61 = vector.load %arg9[%get3A_59, %get3A_60] : memref<1x128xf32, #tpu.memory_space<vmem>>, vector<1x128xf32>
    %add3A_62 = vector.broadcast %get3A_61 : vector<1x128xf32> to vector<2000x128xf32>
    %add3A_63 = arith.addf %dot_general3A_58, %add3A_62 : vector<2000x128xf32>
    %max3A_64 = arith.constant 0.000000e+00 : f32
    %max3A_65 = vector.broadcast %max3A_64 : f32 to vector<2000x128xf32>
    %max3A_66 = arith.maximumf %add3A_63, %max3A_65 : vector<2000x128xf32>
    %get3A_67 = arith.constant 0 : index
    %get3A_68 = arith.constant 0 : index
    %get3A_69 = vector.load %arg10[%get3A_67, %get3A_68] : memref<128x1xf32, #tpu.memory_space<vmem>>, vector<128x1xf32>
    %dot_general3A_70 = arith.constant dense<0.000000e+00> : vector<2000x1xf32>
    %dot_general3A_71 = tpu.matmul %max3A_66, %get3A_69, %dot_general3A_70 {dimension_numbers = #tpu.dot_dimension_numbers<[1], [0], [0], [1], [0, 0, 1, 1], [], []>, transpose_lhs_hint = false} : vector<2000x128xf32>, vector<128x1xf32>, vector<2000x1xf32> -> vector<2000x1xf32>
    %get3A_72 = arith.constant 0 : index
    %get3A_73 = arith.constant 0 : index
    %get3A_74 = vector.load %arg11[%get3A_72, %get3A_73] : memref<1x1xf32, #tpu.memory_space<vmem>>, vector<1x1xf32>
    %add3A_75 = vector.broadcast %get3A_74 : vector<1x1xf32> to vector<2000x1xf32>
    %add3A_76 = arith.addf %dot_general3A_71, %add3A_75 : vector<2000x1xf32>
    %swap3A = arith.constant 0 : index
    %swap3A_77 = arith.constant 0 : index
    %swap3A_78 = vector.load %arg12[%swap3A, %swap3A_77] : memref<2000x1xf32, #tpu.memory_space<vmem>>, vector<2000x1xf32>
    tpu.vector_store %arg12[%swap3A, %swap3A_77], %add3A_76 {strides = array<i32>} : memref<2000x1xf32, #tpu.memory_space<vmem>>, vector<2000x1xf32>,
    return
  }
  func.func @transform_0(%arg0: i32) -> (i32, i32) {
    %c0_i32 = arith.constant 0 : i32
    %c0_i32_0 = arith.constant 0 : i32
    return %arg0, %c0_i32 : i32, i32
  }
  func.func @transform_1(%arg0: i32) -> (i32, i32, i32) {
    %c0_i32 = arith.constant 0 : i32
    %c0_i32_0 = arith.constant 0 : i32
    %c0_i32_1 = arith.constant 0 : i32
    return %c0_i32, %arg0, %c0_i32_0 : i32, i32, i32
  }
  func.func @transform_2(%arg0: i32) -> (i32, i32) {
    %c0_i32 = arith.constant 0 : i32
    %c0_i32_0 = arith.constant 0 : i32
    return %arg0, %c0_i32 : i32, i32
  }
  func.func @transform_3(%arg0: i32) -> (i32, i32) {
    %c0_i32 = arith.constant 0 : i32
    %c0_i32_0 = arith.constant 0 : i32
    return %arg0, %c0_i32 : i32, i32
  }
  func.func @transform_4(%arg0: i32) -> (i32, i32) {
    %c0_i32 = arith.constant 0 : i32
    %c0_i32_0 = arith.constant 0 : i32
    %c0_i32_1 = arith.constant 0 : i32
    return %c0_i32, %c0_i32_0 : i32, i32
  }
  func.func @transform_5(%arg0: i32) -> (i32, i32) {
    %c0_i32 = arith.constant 0 : i32
    %c0_i32_0 = arith.constant 0 : i32
    %c0_i32_1 = arith.constant 0 : i32
    return %c0_i32, %c0_i32_0 : i32, i32
  }
  func.func @transform_6(%arg0: i32) -> (i32, i32) {
    %c0_i32 = arith.constant 0 : i32
    %c0_i32_0 = arith.constant 0 : i32
    %c0_i32_1 = arith.constant 0 : i32
    return %c0_i32, %c0_i32_0 : i32, i32
  }
  func.func @transform_7(%arg0: i32) -> (i32, i32) {
    %c0_i32 = arith.constant 0 : i32
    %c0_i32_0 = arith.constant 0 : i32
    %c0_i32_1 = arith.constant 0 : i32
    return %c0_i32, %c0_i32_0 : i32, i32
  }
  func.func @transform_8(%arg0: i32) -> (i32, i32) {
    %c0_i32 = arith.constant 0 : i32
    %c0_i32_0 = arith.constant 0 : i32
    %c0_i32_1 = arith.constant 0 : i32
    return %c0_i32, %c0_i32_0 : i32, i32
  }
  func.func @transform_9(%arg0: i32) -> (i32, i32) {
    %c0_i32 = arith.constant 0 : i32
    %c0_i32_0 = arith.constant 0 : i32
    %c0_i32_1 = arith.constant 0 : i32
    return %c0_i32, %c0_i32_0 : i32, i32
  }
  func.func @transform_10(%arg0: i32) -> (i32, i32) {
    %c0_i32 = arith.constant 0 : i32
    %c0_i32_0 = arith.constant 0 : i32
    %c0_i32_1 = arith.constant 0 : i32
    return %c0_i32, %c0_i32_0 : i32, i32
  }
  func.func @transform_11(%arg0: i32) -> (i32, i32) {
    %c0_i32 = arith.constant 0 : i32
    %c0_i32_0 = arith.constant 0 : i32
    return %arg0, %c0_i32 : i32, i32
  }
}

</mosaic_0001>

<sc_bundles>
// kernel: kernel.13.cloned.1.call-start
scs
__scs_entry_jumppad:
0x0: {  	(pc) =	sbr.rel $0x88, $3  }
0x1: {  	(tag) =	ssettag $0x0;
	lr =	simm.s32 $0x1  }
0x2: {  	[smem:$0x3F8F] =	sst lr;
	_ =	strace $0xD0000000  }
0x3: {  	_ = 	snop  }
0x4: {  	_ = 	snop  }
0x5: {  	_ = 	snop  }
0x6: {  	_ = 	snop  }
0x7: {  	_ = 	snop  }
__scs_overlays_trampoline_lowered:
0x8: {  	[smem:$0x3F9E] =	sst s0  }
0x9: {  	[smem:$0x3F9F] =	sst s1  }
0xa: {  	[smem:$0x3FA0] =	sst s2  }
0xb: {  	[smem:$0x3FA1] =	sst s3  }
0xc: {  	[smem:$0x3FA2] =	sst s4  }
0xd: {  	[smem:$0x3FA3] =	sst s5  }
0xe: {  	[smem:$0x3FA4] =	sst s6  }
0xf: {  	[smem:$0x3FA5] =	sst s7  }
0x10: {  	[smem:$0x3FA6] =	sst s8  }
0x11: {  	[smem:$0x3FA7] =	sst s9;
	s0 =	simm.s32 @!p0 $0x0  }
0x12: {  	s1 =	sld [smem:$0x3F8D];
	s0 =	simm.s32 @p0 $0x1  }
0x13: {  	[smem:$0x3FA8] =	sst s0;
	s0 =	simm.s32 @!p1 $0x0  }
0x14: {  	s2 =	sld [smem:$0x3F8C];
	s0 =	simm.s32 @p1 $0x1  }
0x15: {  	[smem:$0x3FA9] =	sst s0;
	s0 =	simm.s32 @!p2 $0x0  }
0x16: {  	s3 =	sld [smem:$0x3FDB];
	s0 =	simm.s32 @p2 $0x1  }
0x17: {  	s4 =	simm.s32 $0x1BF5;
	[smem:$0x3FAB] =	sst s0  }
0x18: {  	s0 =	sld [smem:$0x3F8E];
	_ =	swait.ge [sflag:s4], $0x0  }
0x19: {  	s7 =	sld [smem:$0x3F8F]  }
0x1a: {  	s8 =	sadd.s32 $0xFFFFE003, lr  }
0x1b: {  	s9 =	sadd.s32 $0xFFFFFEF7, lr;
	s5 =	simm.s32 $0xFFFFFFFF;
	p2 =	slt.u32 s8, $0xFFFFF086  }
0x1c: {  	p1 =	slt.u32 s9, $0xF7A;
	s5 =	simm.s32 @!p2 $0x0  }
0x1d: {  	s5 =	simm.s32 @p1 $0x1;
	p0 =	seq.s32 s7, s2  }
0x1e: {  	s7 =	smul.u32 @!p0 $0xF7A, s2;
	p2 =	seq.s32 @!p0 s5, $0x0  }
0x1f: {  	s9 =	smul.u32 $0xF7A, s1;
	s8 =	simm.s32 @!p0 $0x1BF5;
	p2 =	por !p2, p0  }
0x20: {  	[sflag:s8] =	ssyncset.s32 @!p0 $0xFFFFF086;
	s6 =	sadd.s32 @!p0 s3, s7;
	s7 =	simm.s32 @!p0 $0x108  }
0x21: {  	s3 =	sadd.s32 s3, s9;
	s6 =	sadd.s32 @!p0 $0x88, s6;
	s7 =	simm.s32 @p2 $0x1082  }
0x22: {  	[simem:s7], [sflag:s8] =	dma.local @!p0 [hbm:s6], $0xF7A  }
0x23: {  	s9 =	sor.u32 $0xD0000000, s2;
	s6 =	simm.s32 $0x108;
	_ =	swait.ge @!p0 [sflag:s8], $0x0  }
0x24: {  	s3 =	sadd.s32 $0x88, s3;
	s6 =	simm.s32 @!p1 $0x1082;
	[sflag:s4] =	ssyncset.s32 $0xFFFFF086  }
0x25: {  	[simem:s6], [sflag:s4] =	dma.local [hbm:s3], $0xF7A  }
0x26: {  	[smem:$0x3F8F] =	sst s1;
	(tag) =	ssettag s2;
	_ =	strace s9  }
0x27: {  	s1 =	sld [smem:$0x3F9F]  }
0x28: {  	s2 =	sld [smem:$0x3FA0]  }
0x29: {  	s4 =	sld [smem:$0x3FA2]  }
0x2a: {  	p0 =	seq.s32 s5, $0x0;
	s5 =	sld [smem:$0x3FA3]  }
0x2b: {  	s6 =	sld [smem:$0x3FA4]  }
0x2c: {  	s7 =	sld [smem:$0x3FA5]  }
0x2d: {  	s3 =	simm.s32 $0x108;
	s8 =	sld [smem:$0x3FA6]  }
0x2e: {  	s3 =	simm.s32 @!p0 $0x1082;
	s9 =	sld [smem:$0x3FA7]  }
0x2f: {  	lr =	sadd.s32 s0, s3;
	s0 =	sld [smem:$0x3F9E]  }
0x30: {  	s3 =	sld [smem:$0x3FA1]  }
0x31: {  	[smem:$0x3FAA] =	sst s10  }
0x32: {  	s10 =	sld [smem:$0x3FA8];
	_ =	sdelay $0x3  }
0x33: {  	p0 =	seq.s32 s10, $0x1;
	s10 =	sld [smem:$0x3FAA];
	_ =	sdelay $0x3  }
0x34: {  	[smem:$0x3FAA] =	sst s10  }
0x35: {  	s10 =	sld [smem:$0x3FA9];
	_ =	sdelay $0x3  }
0x36: {  	p1 =	seq.s32 s10, $0x1;
	s10 =	sld [smem:$0x3FAA];
	_ =	sdelay $0x3  }
0x37: {  	[smem:$0x3FAA] =	sst s10  }
0x38: {  	s10 =	sld [smem:$0x3FAB]  }
0x39: {  	_ = 	snop;
	(pc) =	sbr.ind lr, $3  }
0x3a: {  	_ = 	snop  }
0x3b: {  	_ = 	snop  }
0x3c: {  	p2 =	seq.s32 s10, $0x1;
	s10 =	sld [smem:$0x3FAA]  }
0x3d: {  	_ =	shalt  }
0x3e: {  	_ =	shalt  }
0x3f: {  	_ =	shalt  }
0x40: {  	_ =	shalt  }
0x41: {  	_ =	shalt  }
0x42: {  	_ =	shalt  }
0x43: {  	_ =	shalt  }
0x44: {  	_ =	shalt  }
0x45: {  	_ =	shalt  }
0x46: {  	_ =	shalt  }
0x47: {  	_ =	shalt  }
0x48: {  	_ =	shalt  }
0x49: {  	_ =	shalt  }
0x4a: {  	_ =	shalt  }
0x4b: {  	_ =	shalt  }
0x4c: {  	_ =	shalt  }
0x4d: {  	_ =	shalt  }
0x4e: {  	_ =	shalt  }
0x4f: {  	_ =	shalt  }
0x50: {  	_ =	shalt  }
0x51: {  	_ =	shalt  }
0x52: {  	_ =	shalt  }
0x53: {  	_ =	shalt  }
0x54: {  	_ =	shalt  }
0x55: {  	_ =	shalt  }
0x56: {  	_ =	shalt  }
0x57: {  	_ =	shalt  }
0x58: {  	_ =	shalt  }
0x59: {  	_ =	shalt  }
0x5a: {  	_ =	shalt  }
0x5b: {  	_ =	shalt  }
0x5c: {  	_ =	shalt  }
0x5d: {  	_ =	shalt  }
0x5e: {  	_ =	shalt  }
0x5f: {  	_ =	shalt  }
0x60: {  	_ =	shalt  }
0x61: {  	_ =	shalt  }
0x62: {  	_ =	shalt  }
0x63: {  	_ =	shalt  }
0x64: {  	_ =	shalt  }
0x65: {  	_ =	shalt  }
0x66: {  	_ =	shalt  }
0x67: {  	_ =	shalt  }
0x68: {  	_ =	shalt  }
0x69: {  	_ =	shalt  }
0x6a: {  	_ =	shalt  }
0x6b: {  	_ =	shalt  }
0x6c: {  	_ =	shalt  }
0x6d: {  	_ =	shalt  }
0x6e: {  	_ =	shalt  }
0x6f: {  	_ =	shalt  }
0x70: {  	_ =	shalt  }
0x71: {  	_ =	shalt  }
0x72: {  	_ =	shalt  }
0x73: {  	_ =	shalt  }
0x74: {  	_ =	shalt  }
0x75: {  	_ =	shalt  }
0x76: {  	_ =	shalt  }
0x77: {  	_ =	shalt  }
0x78: {  	_ =	shalt  }
0x79: {  	_ =	shalt  }
0x7a: {  	_ =	shalt  }
0x7b: {  	_ =	shalt  }
0x7c: {  	_ =	shalt  }
0x7d: {  	_ =	shalt  }
0x7e: {  	_ =	shalt  }
0x7f: {  	_ =	shalt  }
0x80: {  	_ =	shalt  }
0x81: {  	_ =	shalt  }
0x82: {  	_ =	shalt  }
0x83: {  	_ =	shalt  }
0x84: {  	_ =	shalt  }
0x85: {  	_ =	shalt  }
0x86: {  	_ =	shalt  }
0x87: {  	_ =	shalt  }
.Lfunc_end0:
.L_simem_size_0:
called_computation_lowered:
.L_overlay_start_0:
0x88: {  	s2 =	sld [smem:$0x3FD9]  }
0x89: {  	s3 =	sld [smem:$0x3FFE];
	_ =	sdelay $0x1  }
0x8a: {  	s1 =	srdreg.scid  }
0x8b: {  	s0 =	sand.u32 $0x1, s1  }
0x8c: {  	s17 =	sshll.u32 s0, $0xA;
	s2 =	sadd.s32 s3, s2  }
0x8d: {  	s2 =	sadd.s32 s2, s17  }
0x8e: {  	[smem:$0x3FB6] =	sst s2  }
0x8f: {  	_ = 	snop  }
0x90: {  	s2 =	sld [smem:$0x3FD0];
	(tm) =	ssettm $0x1  }
0x91: {  	s18 =	sld [smem:$0x3FFB];
	_ =	sdelay $0x3  }
0x92: {  	_ =	strace s18  }
0x93: {  	s3 =	sld [smem:$0x3FFC];
	_ =	sdelay $0x3  }
0x94: {  	_ =	strace s3  }
0x95: {  	s3 =	sld [smem:$0x3FFD];
	_ =	sdelay $0x3  }
0x96: {  	_ =	strace s3  }
0x97: {  	_ =	strace $0x8FFFFFFF  }
0x98: {  	s19 =	sld [smem:$0x3FDB];
	_ =	sdelay $0x1  }
0x99: {  	s4 =	simm.s32 $_scs_section_size  }
0x9a: {  	s5 =	simm.s32 $_size__tile_overlayer_lowered;
	s6 =	simm.s32 $_tile_overlayer_lowered  }
0x9b: {  	s22 =	simm.s32 $0x1BFF;
	s21 =	sshll.u32 s6, $0x1;
	s3 =	sadd.s32 s4, s19  }
0x9c: {  	s7 =	simm.s32 $0x0;
	s20 =	sshll.u32 s5, $0x1;
	s5 =	sadd.s32 s21, s3  }
0x9d: {  	[timem:s7], [sflag:s22] =	dma.local [hbm:s5], s20  }
0x9e: {  	_ =	swait.ge [sflag:s22], s20  }
0x9f: {  	s4 =	ssub.s32 $0x0, s20;
	[sflag:s22] =	ssyncset.done $0x0  }
0xa0: {  	[sflag:s22] =	ssyncadd.s32 s4;
	_ =	sdelay $0x1  }
0xa1: {  	s23 =	simm.s32 $0x1B8B  }
0xa2: {  	_ =	swait.ge [sflag:s23], $0x1  }
0xa3: {  	[sflag:s23] =	ssyncset.done $0x0  }
0xa4: {  	s25 =	simm.s32 $0x1B8E;
	s24 =	sld [smem:$0x3FFE];
	[sflag:s23] =	ssyncadd.s32 $0xFFFFFFFF  }
0xa5: {  	s26 =	simm.s32 $execute0_lowered;
	[smem:$0x3FD2] =	sst s25  }
0xa6: {  	s5 =	sshll.u32 s26, $0x1;
	_ =	strace $0x80000046;
	[dreg:$0x1] =	wrdreg $0xFFFFFFFF  }
0xa7: {  	s28 =	simm.s32 $_size_execute0_lowered;
	s3 =	sadd.s32 s3, s5;
	[dreg:$0x0] =	wrdreg $0x0  }
0xa8: {  	s5 =	sshll.u32 s28, $0x1;
	[dreg:$0x2] =	wrdreg s3  }
0xa9: {  	[dreg:$0x3] =	wrdreg s5  }
0xaa: {  	[dreg:$0x4] =	wrdreg $0xC0  }
0xab: {  	_ =	task [dreg:s7], $0x5FFFF  }
0xac: {  	[dreg:$0x1] =	wrdreg $0xFFFFFFFF  }
0xad: {  	[dreg:$0x0] =	wrdreg $0x60  }
0xae: {  	[dreg:$0x2] =	wrdreg s24  }
0xaf: {  	[dreg:$0x3] =	wrdreg s2  }
0xb0: {  	[dreg:$0x4] =	wrdreg $0x68000  }
0xb1: {  	[dreg:$0x5] =	wrdreg $0x9  }
0xb2: {  	_ =	task.clear_ibuf [dreg:s7], $0x6FFFF;
	_ =	strace $0x90000046  }
0xb3: {  	s29 =	simm.s32 $0x9;
	_ =	strace $0x80000048  }
0xb4: {  	_ =	swait.ge [sflag:s29], $0x1  }
0xb5: {  	[sflag:s29] =	ssyncadd.s32 $0xFFFFFFFF  }
0xb6: {  	_ =	strace $0x90000048  }
0xb7: {  	_ =	sfence  }
0xb8: {  	s30 =	sld [smem:$0x0];
	_ =	sdelay $0x2  }
0xb9: {  	s31 =	sshll.u32 s1, $0xD;
	s1 =	sshrl.u32 s1, $0x2  }
0xba: {  	s3 =	sand.u32 $0x4000, s31;
	s1 =	sadd.s32 s1, s30  }
0xbb: {  	s0 =	sor.u32 s3, s0;
	s1 =	sshll.u32 s1, $0x11  }
0xbc: {  	s0 =	sor.u32 s1, s0  }
0xbd: {  	s0 =	sadd.s32 $0x8F2B, s0  }
0xbe: {  	[sflag:s0] =	ssyncadd.remote.s32 $0x1  }
0xbf: {  	_ =	sfence.sel $0xFFFF  }
0xc0: {  	[dreg:$0x0] =	wrdreg $0xFFFFFFFF;
	(pc) =	sbr.abs _section_cstart, $3  }
0xc1: {  	[dreg:$0x1] =	wrdreg $0xFFFFFFFF  }
0xc2: {  	_ =	task.clear_ibuf [dreg:s7], $0x2FFFF;
	_ =	strace $0x9FFFFFFF  }
0xc3: {  	(tm) =	ssettm $0x7FFFFFFF  }
tec
execute0_lowered:
.L_overlay_start_1:
0x0: {  	(tag) =	ssettag $0x1  }
0x1: {  	s6 =	rddreg [dreg:$0x0]  }
0x2: {  	s2 =	rddreg [dreg:$0x1];
	s0 =	srdreg.scid  }
0x3: {  	s3 =	rddreg [dreg:$0x2];
	s1 =	stileid.u32;
	s4 =	simm.s32 $0x0  }
0x4: {  	s12 =	simm.s32 $0x4000;
	s13 =	simm.s32 $0x50;
	s14 =	simm.s32 $0x0  }
0x5: {  	s7 =	sand.u32 $0x1, s0;
	s0 =	rddreg [dreg:$0x3];
	s8 =	smul.u32 $0x14000, s1  }
0x6: {  	[smem:$0x7FF] =	sst s4;
	s9 =	sshll.u32 s1, $0xB;
	s11 =	smul.u32 $0x50000, s1  }
0x7: {  	s31 =	sshll.u32 s1, $0x6;
	s5 =	smul.u32 $0x140000, s7;
	_ =	strace $0x80000047  }
0x8: {  	s9 =	sadd.s32 s9, s6;
	s10 =	ssub.s32 $0x2, s7;
	s7 =	sshll.u32 s7, $0xF  }
0x9: {  	s29 =	sshrl.u32 s10, $0x1;
	s30 =	sshrl.u32 s11, $0x2;
	s7 =	sadd.s32 s7, s9  }
0xa: {  	s5 =	sadd.s32 s8, s5;
	s10 =	ssub.s32 s10, s29;
	s11 =	sadd.s32 s30, s3  }
0xb: {  	s7 =	sadd.s32 $0x4E00, s7;
	s8 =	sshrl.u32 s5, $0x3;
	s5 =	sadd.s32 $0x14E00, s6  }
0xc: {  	s9 =	smax.u32 s10, $0x1;
	s10 =	sshrl.u32 s11, $0x3;
	s8 =	sadd.s32 s8, s6  }
0xd: {  	s11 =	simm.s32 $0x1;
	s6 =	sor.u32 $0x1C01, s31;
	s8 =	sadd.s32 $0x17600, s8  }
.LBB2_1:
0xe: {  	[spmem:s10], [sflag:s6] =	dma.local [hbm:s5], $0x2800  }
0xf: {  	_ =	swait.ge [sflag:s11], $0x2800  }
0x10: {  	[sflag:s11] =	ssyncset.done $0x0  }
0x11: {  	[sflag:s11] =	ssyncadd.s32 $0xFFFFD800  }
0x12: {  	[tilespmem:s12], [sflag:$0x1] =	stream.linear.gather [hbm4b:s2+s4], $0x2800, $0x38;
	[tilespmem:$0x1A800] =	vst v63  }
0x13: {  	_ =	swait.ge [sflag:s11], $0x2800  }
0x14: {  	[sflag:s11] =	ssyncset.done $0x0  }
0x15: {  	[sflag:s11] =	ssyncadd.s32 $0xFFFFD800  }
0x16: {  	[tilespmem:s4], [sflag:$0x1] =	stream.linear.gather [hbm4b:s7+s4], $0x3E80, $0x38;
	[tilespmem:$0x1A800] =	vst v63  }
0x17: {  	_ =	swait.ge [sflag:s11], $0x3E80  }
0x18: {  	[sflag:s11] =	ssyncset.done $0x0  }
0x19: {  	[sflag:s11] =	ssyncadd.s32 $0xFFFFC180  }
0x1a: {  	s15 =	simm.s32 $0x0;
	[bflag:$0x0] =	sbarrier.arrive $0xFFFF  }
0x1b: {  	[spmem:s3] =	stream.indirect.scatter.add.f32 [tilespmem:s12], [sflag:$0x1], $0x80, s15, s13, $0xb8;
	[tilespmem:$0x1A800] =	vst v63  }
0x1c: {  	_ =	swait.ge [sflag:s11], $0x2800  }
0x1d: {  	s15 =	simm.s32 $0x200;
	[sflag:s11] =	ssyncset.done $0x0  }
.LBB2_2:
0x1e: {  	s16 =	sshra.s32 s15, $0x2;
	[sflag:s11] =	ssyncadd.s32 $0xFFFFD800;
	p0 =	sne.s32 s15, $0xF800  }
0x1f: {  	[spmem:s3] =	stream.indirect.scatter.add.f32 [tilespmem:s12], [sflag:$0x1], $0x80, s16, s13, $0xb8;
	[tilespmem:$0x1A800] =	vst v63  }
.Ltmp0:
0x20: {  	_ = 	snop;
	(pc) =	sbr.rel @p0 .LBB2_2-.Ltmp0, $4  }
0x21: {  	_ = 	snop  }
0x22: {  	s15 =	sadd.s32 $0x200, s15  }
0x23: {  	_ =	swait.ge [sflag:s11], $0x2800  }
0x24: {  	[sflag:s11] =	ssyncset.done $0x0  }
0x25: {  	s14 =	sadd.s32 $0x1, s14  }
0x26: {  	[sflag:s11] =	ssyncadd.s32 $0xFFFFD800;
	p0 =	sne.s32 s14, s9  }
.Ltmp1:
0x27: {  	[bflag:$0x0] =	sbarrier.arrive $0xFFFF;
	(pc) =	sbr.rel @p0 .LBB2_1-.Ltmp1, $4  }
0x28: {  	[hbm:s8], [sflag:s6] =	dma.local [spmem:s10], $0x2800  }
0x29: {  	_ =	swait.ge [sflag:s11], $0x2800  }
0x2a: {  	[sflag:s11] =	ssyncset.done $0x0  }
0x2b: {  	[sflag:s11] =	ssyncadd.s32 $0xFFFFD800  }
0x2c: {  	_ =	sfence.sel $0x180000  }
0x2d: {  	[bflag:$0x0] =	sbarrier.arrive $0xFFFF  }
0x2e: {  	p0 =	sne.s32 s1, $0x0;
	_ =	strace $0x90000047  }
0x2f: {  	s0 =	sadd.s32 @!p0 $0x100000, s0;
	[bflag:$0x2] =	sbarrier.arrive $0xFFFF  }
0x30: {  	[sflag:s0] =	ssyncadd.tile.s32 @!p0 $0x1;
	_ =	shalt  }
.Lfunc_end2:
_tile_overlayer_lowered:
.L_overlay_start_2:
0x31: {  	(tag) =	ssettag $0x2  }
0x32: {  	s0 =	rddreg [dreg:$0x0];
	s2 =	stileid.u32  }
0x33: {  	s1 =	rddreg [dreg:$0x1];
	p0 =	sne.s32 s2, $0x0  }
0x34: {  	s3 =	rddreg [dreg:$0x2];
	[bflag:$0x3] =	sbarrier.arrive $0xFFFF;
	s2 =	simm.s32 @!p0 $0x1C01  }
0x35: {  	[timem:s3], [sflag:s2] =	dma.local @!p0 [hbm:s0], s1  }
0x36: {  	s0 =	simm.s32 @!p0 $0x1  }
0x37: {  	_ =	swait.ge @!p0 [sflag:s0], s1  }
0x38: {  	s1 =	ssub.s32 @!p0 $0x0, s1;
	[sflag:s0] =	ssyncset.done @!p0 $0x0  }
0x39: {  	[sflag:s0] =	ssyncadd.s32 @!p0 s1  }
0x3a: {  	[bflag:$0x3] =	sbarrier.arrive $0xFFFF  }
0x3b: {  	_ =	shalt  }

// kernel: kernel.16.cloned.1.call-start
scs
__scs_entry_jumppad:
0x0: {  	(pc) =	sbr.rel $0x88, $3  }
0x1: {  	(tag) =	ssettag $0x0;
	lr =	simm.s32 $0x1  }
0x2: {  	[smem:$0x3F8F] =	sst lr;
	_ =	strace $0xD0000000  }
0x3: {  	_ = 	snop  }
0x4: {  	_ = 	snop  }
0x5: {  	_ = 	snop  }
0x6: {  	_ = 	snop  }
0x7: {  	_ = 	snop  }
__scs_overlays_trampoline_lowered:
0x8: {  	[smem:$0x3F9E] =	sst s0  }
0x9: {  	[smem:$0x3F9F] =	sst s1  }
0xa: {  	[smem:$0x3FA0] =	sst s2  }
0xb: {  	[smem:$0x3FA1] =	sst s3  }
0xc: {  	[smem:$0x3FA2] =	sst s4  }
0xd: {  	[smem:$0x3FA3] =	sst s5  }
0xe: {  	[smem:$0x3FA4] =	sst s6  }
0xf: {  	[smem:$0x3FA5] =	sst s7  }
0x10: {  	[smem:$0x3FA6] =	sst s8  }
0x11: {  	[smem:$0x3FA7] =	sst s9;
	s0 =	simm.s32 @!p0 $0x0  }
0x12: {  	s1 =	sld [smem:$0x3F8D];
	s0 =	simm.s32 @p0 $0x1  }
0x13: {  	[smem:$0x3FA8] =	sst s0;
	s0 =	simm.s32 @!p1 $0x0  }
0x14: {  	s2 =	sld [smem:$0x3F8C];
	s0 =	simm.s32 @p1 $0x1  }
0x15: {  	[smem:$0x3FA9] =	sst s0;
	s0 =	simm.s32 @!p2 $0x0  }
0x16: {  	s3 =	sld [smem:$0x3FDB];
	s0 =	simm.s32 @p2 $0x1  }
0x17: {  	s4 =	simm.s32 $0x1BF5;
	[smem:$0x3FAB] =	sst s0  }
0x18: {  	s0 =	sld [smem:$0x3F8E];
	_ =	swait.ge [sflag:s4], $0x0  }
0x19: {  	s7 =	sld [smem:$0x3F8F]  }
0x1a: {  	s8 =	sadd.s32 $0xFFFFE003, lr  }
0x1b: {  	s9 =	sadd.s32 $0xFFFFFEF7, lr;
	s5 =	simm.s32 $0xFFFFFFFF;
	p2 =	slt.u32 s8, $0xFFFFF086  }
0x1c: {  	p1 =	slt.u32 s9, $0xF7A;
	s5 =	simm.s32 @!p2 $0x0  }
0x1d: {  	s5 =	simm.s32 @p1 $0x1;
	p0 =	seq.s32 s7, s2  }
0x1e: {  	s7 =	smul.u32 @!p0 $0xF7A, s2;
	p2 =	seq.s32 @!p0 s5, $0x0  }
0x1f: {  	s9 =	smul.u32 $0xF7A, s1;
	s8 =	simm.s32 @!p0 $0x1BF5;
	p2 =	por !p2, p0  }
0x20: {  	[sflag:s8] =	ssyncset.s32 @!p0 $0xFFFFF086;
	s6 =	sadd.s32 @!p0 s3, s7;
	s7 =	simm.s32 @!p0 $0x108  }
0x21: {  	s3 =	sadd.s32 s3, s9;
	s6 =	sadd.s32 @!p0 $0x88, s6;
	s7 =	simm.s32 @p2 $0x1082  }
0x22: {  	[simem:s7], [sflag:s8] =	dma.local @!p0 [hbm:s6], $0xF7A  }
0x23: {  	s9 =	sor.u32 $0xD0000000, s2;
	s6 =	simm.s32 $0x108;
	_ =	swait.ge @!p0 [sflag:s8], $0x0  }
0x24: {  	s3 =	sadd.s32 $0x88, s3;
	s6 =	simm.s32 @!p1 $0x1082;
	[sflag:s4] =	ssyncset.s32 $0xFFFFF086  }
0x25: {  	[simem:s6], [sflag:s4] =	dma.local [hbm:s3], $0xF7A  }
0x26: {  	[smem:$0x3F8F] =	sst s1;
	(tag) =	ssettag s2;
	_ =	strace s9  }
0x27: {  	s1 =	sld [smem:$0x3F9F]  }
0x28: {  	s2 =	sld [smem:$0x3FA0]  }
0x29: {  	s4 =	sld [smem:$0x3FA2]  }
0x2a: {  	p0 =	seq.s32 s5, $0x0;
	s5 =	sld [smem:$0x3FA3]  }
0x2b: {  	s6 =	sld [smem:$0x3FA4]  }
0x2c: {  	s7 =	sld [smem:$0x3FA5]  }
0x2d: {  	s3 =	simm.s32 $0x108;
	s8 =	sld [smem:$0x3FA6]  }
0x2e: {  	s3 =	simm.s32 @!p0 $0x1082;
	s9 =	sld [smem:$0x3FA7]  }
0x2f: {  	lr =	sadd.s32 s0, s3;
	s0 =	sld [smem:$0x3F9E]  }
0x30: {  	s3 =	sld [smem:$0x3FA1]  }
0x31: {  	[smem:$0x3FAA] =	sst s10  }
0x32: {  	s10 =	sld [smem:$0x3FA8];
	_ =	sdelay $0x3  }
0x33: {  	p0 =	seq.s32 s10, $0x1;
	s10 =	sld [smem:$0x3FAA];
	_ =	sdelay $0x3  }
0x34: {  	[smem:$0x3FAA] =	sst s10  }
0x35: {  	s10 =	sld [smem:$0x3FA9];
	_ =	sdelay $0x3  }
0x36: {  	p1 =	seq.s32 s10, $0x1;
	s10 =	sld [smem:$0x3FAA];
	_ =	sdelay $0x3  }
0x37: {  	[smem:$0x3FAA] =	sst s10  }
0x38: {  	s10 =	sld [smem:$0x3FAB]  }
0x39: {  	_ = 	snop;
	(pc) =	sbr.ind lr, $3  }
0x3a: {  	_ = 	snop  }
0x3b: {  	_ = 	snop  }
0x3c: {  	p2 =	seq.s32 s10, $0x1;
	s10 =	sld [smem:$0x3FAA]  }
0x3d: {  	_ =	shalt  }
0x3e: {  	_ =	shalt  }
0x3f: {  	_ =	shalt  }
0x40: {  	_ =	shalt  }
0x41: {  	_ =	shalt  }
0x42: {  	_ =	shalt  }
0x43: {  	_ =	shalt  }
0x44: {  	_ =	shalt  }
0x45: {  	_ =	shalt  }
0x46: {  	_ =	shalt  }
0x47: {  	_ =	shalt  }
0x48: {  	_ =	shalt  }
0x49: {  	_ =	shalt  }
0x4a: {  	_ =	shalt  }
0x4b: {  	_ =	shalt  }
0x4c: {  	_ =	shalt  }
0x4d: {  	_ =	shalt  }
0x4e: {  	_ =	shalt  }
0x4f: {  	_ =	shalt  }
0x50: {  	_ =	shalt  }
0x51: {  	_ =	shalt  }
0x52: {  	_ =	shalt  }
0x53: {  	_ =	shalt  }
0x54: {  	_ =	shalt  }
0x55: {  	_ =	shalt  }
0x56: {  	_ =	shalt  }
0x57: {  	_ =	shalt  }
0x58: {  	_ =	shalt  }
0x59: {  	_ =	shalt  }
0x5a: {  	_ =	shalt  }
0x5b: {  	_ =	shalt  }
0x5c: {  	_ =	shalt  }
0x5d: {  	_ =	shalt  }
0x5e: {  	_ =	shalt  }
0x5f: {  	_ =	shalt  }
0x60: {  	_ =	shalt  }
0x61: {  	_ =	shalt  }
0x62: {  	_ =	shalt  }
0x63: {  	_ =	shalt  }
0x64: {  	_ =	shalt  }
0x65: {  	_ =	shalt  }
0x66: {  	_ =	shalt  }
0x67: {  	_ =	shalt  }
0x68: {  	_ =	shalt  }
0x69: {  	_ =	shalt  }
0x6a: {  	_ =	shalt  }
0x6b: {  	_ =	shalt  }
0x6c: {  	_ =	shalt  }
0x6d: {  	_ =	shalt  }
0x6e: {  	_ =	shalt  }
0x6f: {  	_ =	shalt  }
0x70: {  	_ =	shalt  }
0x71: {  	_ =	shalt  }
0x72: {  	_ =	shalt  }
0x73: {  	_ =	shalt  }
0x74: {  	_ =	shalt  }
0x75: {  	_ =	shalt  }
0x76: {  	_ =	shalt  }
0x77: {  	_ =	shalt  }
0x78: {  	_ =	shalt  }
0x79: {  	_ =	shalt  }
0x7a: {  	_ =	shalt  }
0x7b: {  	_ =	shalt  }
0x7c: {  	_ =	shalt  }
0x7d: {  	_ =	shalt  }
0x7e: {  	_ =	shalt  }
0x7f: {  	_ =	shalt  }
0x80: {  	_ =	shalt  }
0x81: {  	_ =	shalt  }
0x82: {  	_ =	shalt  }
0x83: {  	_ =	shalt  }
0x84: {  	_ =	shalt  }
0x85: {  	_ =	shalt  }
0x86: {  	_ =	shalt  }
0x87: {  	_ =	shalt  }
.Lfunc_end0:
.L_simem_size_0:
called_computation.1_lowered:
.L_overlay_start_0:
0x88: {  	s2 =	sld [smem:$0x3FD9]  }
0x89: {  	s3 =	sld [smem:$0x3FFE];
	_ =	sdelay $0x1  }
0x8a: {  	s1 =	srdreg.scid  }
0x8b: {  	s0 =	sand.u32 $0x1, s1  }
0x8c: {  	s16 =	sshll.u32 s0, $0xA;
	s2 =	sadd.s32 s3, s2  }
0x8d: {  	s2 =	sadd.s32 s2, s16  }
0x8e: {  	[smem:$0x3FB6] =	sst s2  }
0x8f: {  	_ = 	snop  }
0x90: {  	(tm) =	ssettm $0x1  }
0x91: {  	s17 =	sld [smem:$0x3FFB];
	_ =	sdelay $0x3  }
0x92: {  	_ =	strace s17  }
0x93: {  	s2 =	sld [smem:$0x3FFC];
	_ =	sdelay $0x3  }
0x94: {  	_ =	strace s2  }
0x95: {  	s2 =	sld [smem:$0x3FFD];
	_ =	sdelay $0x3  }
0x96: {  	_ =	strace s2  }
0x97: {  	_ =	strace $0x8FFFFFFF  }
0x98: {  	s18 =	sld [smem:$0x3FDB];
	_ =	sdelay $0x1  }
0x99: {  	s19 =	simm.s32 $_scs_section_size  }
0x9a: {  	s4 =	simm.s32 $_size__tile_overlayer_lowered;
	s5 =	simm.s32 $_tile_overlayer_lowered  }
0x9b: {  	s22 =	simm.s32 $0x1BFF;
	s21 =	sshll.u32 s5, $0x1;
	s2 =	sadd.s32 s19, s18  }
0x9c: {  	s6 =	simm.s32 $0x0;
	s20 =	sshll.u32 s4, $0x1;
	s4 =	sadd.s32 s21, s2  }
0x9d: {  	[timem:s6], [sflag:s22] =	dma.local [hbm:s4], s20  }
0x9e: {  	_ =	swait.ge [sflag:s22], s20  }
0x9f: {  	s3 =	ssub.s32 $0x0, s20;
	[sflag:s22] =	ssyncset.done $0x0  }
0xa0: {  	[sflag:s22] =	ssyncadd.s32 s3;
	_ =	sdelay $0x1  }
0xa1: {  	s23 =	simm.s32 $0x1B8B  }
0xa2: {  	_ =	swait.ge [sflag:s23], $0x1  }
0xa3: {  	[sflag:s23] =	ssyncset.done $0x0  }
0xa4: {  	s25 =	simm.s32 $0x1B8E;
	s24 =	sld [smem:$0x3FFE];
	[sflag:s23] =	ssyncadd.s32 $0xFFFFFFFF  }
0xa5: {  	s26 =	simm.s32 $execute0_lowered;
	[smem:$0x3FD2] =	sst s25  }
0xa6: {  	s4 =	sshll.u32 s26, $0x1;
	_ =	strace $0x80000049;
	[dreg:$0x1] =	wrdreg $0xFFFFFFFF  }
0xa7: {  	s28 =	simm.s32 $_size_execute0_lowered;
	s2 =	sadd.s32 s2, s4;
	[dreg:$0x0] =	wrdreg $0x0  }
0xa8: {  	s4 =	sshll.u32 s28, $0x1;
	[dreg:$0x2] =	wrdreg s2  }
0xa9: {  	[dreg:$0x3] =	wrdreg s4  }
0xaa: {  	[dreg:$0x4] =	wrdreg $0xC0  }
0xab: {  	_ =	task [dreg:s6], $0x5FFFF  }
0xac: {  	[dreg:$0x1] =	wrdreg $0xFFFFFFFF  }
0xad: {  	[dreg:$0x0] =	wrdreg $0x60  }
0xae: {  	[dreg:$0x2] =	wrdreg s24  }
0xaf: {  	[dreg:$0x3] =	wrdreg $0xC0000  }
0xb0: {  	[dreg:$0x4] =	wrdreg $0x9  }
0xb1: {  	_ =	task.clear_ibuf [dreg:s6], $0x5FFFF;
	_ =	strace $0x90000049  }
0xb2: {  	s29 =	simm.s32 $0x9;
	_ =	strace $0x8000004B  }
0xb3: {  	_ =	swait.ge [sflag:s29], $0x1  }
0xb4: {  	[sflag:s29] =	ssyncadd.s32 $0xFFFFFFFF  }
0xb5: {  	_ =	strace $0x9000004B  }
0xb6: {  	_ =	sfence  }
0xb7: {  	s30 =	sld [smem:$0x0];
	_ =	sdelay $0x2  }
0xb8: {  	s31 =	sshll.u32 s1, $0xD;
	s1 =	sshrl.u32 s1, $0x2  }
0xb9: {  	s3 =	sand.u32 $0x4000, s31;
	s1 =	sadd.s32 s1, s30  }
0xba: {  	s0 =	sor.u32 s3, s0;
	s1 =	sshll.u32 s1, $0x11  }
0xbb: {  	s0 =	sor.u32 s1, s0  }
0xbc: {  	s0 =	sadd.s32 $0x8F2B, s0  }
0xbd: {  	[sflag:s0] =	ssyncadd.remote.s32 $0x1  }
0xbe: {  	_ =	sfence.sel $0xFFFF  }
0xbf: {  	[dreg:$0x0] =	wrdreg $0xFFFFFFFF;
	(pc) =	sbr.abs _section_cstart, $3  }
0xc0: {  	[dreg:$0x1] =	wrdreg $0xFFFFFFFF  }
0xc1: {  	_ =	task.clear_ibuf [dreg:s6], $0x2FFFF;
	_ =	strace $0x9FFFFFFF  }
0xc2: {  	(tm) =	ssettm $0x7FFFFFFF  }
0xc3: {  	_ =	shalt  }
tec
execute0_lowered:
.L_overlay_start_1:
0x0: {  	(tag) =	ssettag $0x1  }
0x1: {  	s0 =	srdreg.scid;
	s8 =	stileid.u32  }
0x2: {  	s0 =	sand.u32 $0x1, s0;
	s3 =	smul.u32 $0x5000, s8  }
0x3: {  	s1 =	smul.u32 $0x50000, s0  }
0x4: {  	s5 =	rddreg [dreg:$0x0]  }
0x5: {  	s2 =	rddreg [dreg:$0x1];
	s1 =	sadd.s32 s3, s1;
	s3 =	simm.s32 $0x0  }
0x6: {  	s9 =	simm.s32 $0x80;
	[smem:$0x7FF] =	sst s3  }
0x7: {  	s10 =	simm.s32 $0x100;
	_ =	strace $0x8000004A;
	[dreg:$0x5] =	wrdreg s9  }
0x8: {  	s11 =	simm.s32 $0x180;
	[dreg:$0x6] =	wrdreg s10  }
0x9: {  	s12 =	simm.s32 $0x1080;
	[dreg:$0x7] =	wrdreg s11  }
0xa: {  	s13 =	simm.s32 $0x1100;
	s14 =	simm.s32 $0x1180;
	[dreg:$0x8] =	wrdreg s12  }
0xb: {  	s15 =	simm.s32 $0x200;
	s16 =	simm.s32 $0x280;
	[dreg:$0x9] =	wrdreg s13  }
0xc: {  	s17 =	simm.s32 $0x300;
	s18 =	simm.s32 $0x380;
	[dreg:$0xa] =	wrdreg s14  }
0xd: {  	s19 =	simm.s32 $0x1200;
	s20 =	simm.s32 $0x1280;
	[dreg:$0xb] =	wrdreg s15  }
0xe: {  	s21 =	simm.s32 $0x1300;
	s22 =	simm.s32 $0x1380;
	[dreg:$0xc] =	wrdreg s16  }
0xf: {  	s24 =	simm.s32 $0x400;
	s26 =	simm.s32 $0x480;
	[dreg:$0xd] =	wrdreg s17  }
0x10: {  	s28 =	simm.s32 $0xB80;
	s29 =	simm.s32 $0x1A00;
	[dreg:$0xe] =	wrdreg s18  }
0x11: {  	s30 =	simm.s32 $0x1A80;
	s7 =	smul.u32 $0x14000, s8;
	[dreg:$0xf] =	wrdreg s19  }
0x12: {  	s31 =	simm.s32 $0x1B00;
	s6 =	smul.u32 $0x140000, s0;
	[dreg:$0x10] =	wrdreg s20  }
0x13: {  	s25 =	smul.u32 $0x50000, s8;
	s0 =	ssub.s32 $0x2, s0;
	[dreg:$0x11] =	wrdreg s21  }
0x14: {  	s23 =	sshrl.u32 s0, $0x1;
	s6 =	sadd.s32 s7, s6;
	[dreg:$0x12] =	wrdreg s22  }
0x15: {  	s0 =	ssub.s32 s0, s23;
	s23 =	simm.s32 $0x1700;
	[dreg:$0x13] =	wrdreg s24  }
0x16: {  	s1 =	sshrl.u32 s1, $0x3;
	s0 =	smax.u32 s0, $0x1;
	[dreg:$0x14] =	wrdreg s26  }
0x17: {  	s6 =	sshrl.u32 s6, $0x3;
	s1 =	sadd.s32 s1, s5;
	[smem:$0x7F6] =	sst s0  }
0x18: {  	s9 =	sadd.s32 $0x14E00, s5;
	s10 =	sshrl.u32 s25, $0x2;
	[smem:$0x7F8] =	sst s23  }
0x19: {  	s11 =	simm.s32 $0x580;
	s12 =	simm.s32 $0x1400;
	[smem:$0x7F4] =	sst s9  }
0x1a: {  	s13 =	sshll.u32 s8, $0x6;
	s14 =	simm.s32 $0x1480;
	[dreg:$0x16] =	wrdreg s11  }
0x1b: {  	s15 =	simm.s32 $0x1500;
	s16 =	simm.s32 $0x1580;
	[dreg:$0x17] =	wrdreg s12  }
0x1c: {  	s17 =	simm.s32 $0x600;
	s18 =	simm.s32 $0x680;
	[dreg:$0x18] =	wrdreg s14  }
0x1d: {  	s19 =	simm.s32 $0x700;
	s20 =	simm.s32 $0x780;
	[dreg:$0x19] =	wrdreg s15  }
0x1e: {  	s21 =	simm.s32 $0x1600;
	s22 =	simm.s32 $0x1680;
	[dreg:$0x1a] =	wrdreg s16  }
0x1f: {  	s24 =	simm.s32 $0x1780;
	s25 =	simm.s32 $0x800;
	[dreg:$0x1b] =	wrdreg s17  }
0x20: {  	s26 =	simm.s32 $0x880;
	s23 =	simm.s32 $0x1980;
	[dreg:$0x1c] =	wrdreg s18  }
0x21: {  	s0 =	simm.s32 $0xC00;
	s4 =	sadd.s32 $0x67600, s1;
	[dreg:$0x1d] =	wrdreg s19  }
0x22: {  	s1 =	sadd.s32 $0x7B600, s1;
	s9 =	simm.s32 $0x500;
	[dreg:$0x1e] =	wrdreg s20  }
0x23: {  	s7 =	sor.u32 $0x1C02, s13;
	s11 =	simm.s32 $0x1000;
	[dreg:$0x1f] =	wrdreg s21  }
0x24: {  	s12 =	simm.s32 $0x50;
	s13 =	simm.s32 $0x2000;
	[smem:$0x7F7] =	sst s22  }
0x25: {  	s14 =	simm.s32 $0x4800;
	s15 =	simm.s32 $0x7000;
	[smem:$0x7F9] =	sst s24  }
0x26: {  	s16 =	simm.s32 $0x9800;
	s17 =	simm.s32 $0x1;
	[smem:$0x7FA] =	sst s25  }
0x27: {  	[smem:$0x7FB] =	sst s26;
	s18 =	simm.s32 $0x900;
	s19 =	simm.s32 $0x980  }
0x28: {  	s20 =	simm.s32 $0x1800;
	s21 =	simm.s32 $0x1880;
	s22 =	simm.s32 $0x1900  }
0x29: {  	s24 =	simm.s32 $0xA00;
	s25 =	simm.s32 $0xA80;
	[dreg:$0x3] =	wrdreg s4  }
0x2a: {  	s26 =	simm.s32 $0xB00;
	[dreg:$0x4] =	wrdreg s1;
	s4 =	sadd.s32 $0x17600, s5  }
0x2b: {  	s5 =	sadd.s32 s6, s5;
	[dreg:$0x15] =	wrdreg s9;
	s6 =	sadd.s32 s10, s2  }
0x2c: {  	s10 =	simm.s32 $0x2;
	[smem:$0x7FC] =	sst s7;
	s5 =	sadd.s32 $0x8F600, s5  }
0x2d: {  	s1 =	simm.s32 $0x1B80;
	s8 =	sshrl.u32 s6, $0x3;
	[smem:$0x7F5] =	sst s5  }
0x2e: {  	s9 =	simm.s32 $0x0;
	s5 =	simm.s32 $0x1C00;
	[smem:$0x7FD] =	sst s8  }
.LBB2_1:
0x2f: {  	s6 =	sld [smem:$0x7F4];
	_ =	sdelay $0x1  }
0x30: {  	[smem:$0x7F3] =	sst s9  }
0x31: {  	[spmem:s8], [sflag:s7] =	dma.local [hbm:s6], $0x2800  }
0x32: {  	_ =	swait.ge [sflag:s10], $0x2800  }
0x33: {  	[sflag:s10] =	ssyncset.done $0x0  }
0x34: {  	[sflag:s10] =	ssyncadd.s32 $0xFFFFD800  }
0x35: {  	[bflag:$0x0] =	sbarrier.arrive $0xFFFF  }
0x36: {  	s9 =	rddreg [dreg:$0x4]  }
0x37: {  	s6 =	sadd.s32 $0x0, s9  }
0x38: {  	[tilespmem:s3], [sflag:$0x2] =	stream.linear.gather [hbm4b:s6+s3], $0xC80, $0x38;
	v63 =	vld [tilespmem:$0x0]  }
0x39: {  	_ =	swait.ge [sflag:s10], $0xC80  }
0x3a: {  	s7 =	rddreg [dreg:$0x3];
	[sflag:s10] =	ssyncset.done $0x0  }
0x3b: {  	[sflag:s10] =	ssyncadd.s32 $0xFFFFF380;
	s6 =	sadd.s32 $0x0, s7  }
0x3c: {  	[tilespmem:s11], [sflag:$0x2] =	stream.linear.gather [hbm4b:s6+s3], $0xC80, $0x38;
	v63 =	vld [tilespmem:$0x0]  }
0x3d: {  	_ =	swait.ge [sflag:s10], $0xC80  }
0x3e: {  	[sflag:s10] =	ssyncset.done $0x0  }
0x3f: {  	[sflag:s10] =	ssyncadd.s32 $0xFFFFF380  }
0x40: {  	[tilespmem:s13], [sflag:$0x1] =	stream.indirect.gather [hbm4b:s4+s12], $0x80, s3, s12, $0xb8;
	v63 =	vld [tilespmem:$0x0]  }
0x41: {  	s8 =	rddreg [dreg:$0x5]  }
0x42: {  	[tilespmem:s14], [sflag:$0x1] =	stream.indirect.gather [hbm4b:s4+s12], $0x80, s8, s12, $0xb8;
	v63 =	vld [tilespmem:$0x0]  }
0x43: {  	s9 =	rddreg [dreg:$0x6]  }
0x44: {  	[tilespmem:s15], [sflag:$0x1] =	stream.indirect.gather [hbm4b:s4+s12], $0x80, s9, s12, $0xb8;
	v63 =	vld [tilespmem:$0x0]  }
0x45: {  	s7 =	rddreg [dreg:$0x7]  }
0x46: {  	[tilespmem:s16], [sflag:$0x1] =	stream.indirect.gather [hbm4b:s4+s12], $0x80, s7, s12, $0xb8;
	v63 =	vld [tilespmem:$0x0]  }
0x47: {  	_ =	swait.ge [sflag:s17], $0x2800  }
0x48: {  	[sflag:s17] =	ssyncset.done $0x0  }
0x49: {  	[sflag:s17] =	ssyncadd.s32 $0xFFFFD800  }
0x4a: {  	[spmem:s2] =	stream.indirect.scatter.add.f32 [tilespmem:s13], [sflag:$0x2], $0x80, s11, s12, $0xb8;
	v63 =	vld [tilespmem:$0x0]  }
0x4b: {  	_ =	swait.ge [sflag:s10], $0x2800  }
0x4c: {  	[sflag:s10] =	ssyncset.done $0x0  }
0x4d: {  	[sflag:s10] =	ssyncadd.s32 $0xFFFFD800  }
0x4e: {  	_ =	swait.ge [sflag:s17], $0x2800  }
0x4f: {  	[sflag:s17] =	ssyncset.done $0x0  }
0x50: {  	s8 =	rddreg [dreg:$0x8];
	[sflag:s17] =	ssyncadd.s32 $0xFFFFD800  }
0x51: {  	[spmem:s2] =	stream.indirect.scatter.add.f32 [tilespmem:s14], [sflag:$0x2], $0x80, s8, s12, $0xb8;
	v63 =	vld [tilespmem:$0x0]  }
0x52: {  	_ =	swait.ge [sflag:s10], $0x2800  }
0x53: {  	[sflag:s10] =	ssyncset.done $0x0  }
0x54: {  	[sflag:s10] =	ssyncadd.s32 $0xFFFFD800  }
0x55: {  	_ =	swait.ge [sflag:s17], $0x2800  }
0x56: {  	[sflag:s17] =	ssyncset.done $0x0  }
0x57: {  	s9 =	rddreg [dreg:$0x9];
	[sflag:s17] =	ssyncadd.s32 $0xFFFFD800  }
0x58: {  	[spmem:s2] =	stream.indirect.scatter.add.f32 [tilespmem:s15], [sflag:$0x2], $0x80, s9, s12, $0xb8;
	v63 =	vld [tilespmem:$0x0]  }
0x59: {  	_ =	swait.ge [sflag:s10], $0x2800  }
0x5a: {  	[sflag:s10] =	ssyncset.done $0x0  }
0x5b: {  	[sflag:s10] =	ssyncadd.s32 $0xFFFFD800  }
0x5c: {  	_ =	swait.ge [sflag:s17], $0x2800  }
0x5d: {  	[sflag:s17] =	ssyncset.done $0x0  }
0x5e: {  	s7 =	rddreg [dreg:$0xa];
	[sflag:s17] =	ssyncadd.s32 $0xFFFFD800  }
0x5f: {  	[spmem:s2] =	stream.indirect.scatter.add.f32 [tilespmem:s16], [sflag:$0x2], $0x80, s7, s12, $0xb8;
	v63 =	vld [tilespmem:$0x0]  }
0x60: {  	_ =	swait.ge [sflag:s10], $0x2800  }
0x61: {  	[sflag:s10] =	ssyncset.done $0x0  }
0x62: {  	s8 =	rddreg [dreg:$0xb];
	[sflag:s10] =	ssyncadd.s32 $0xFFFFD800  }
0x63: {  	[tilespmem:s13], [sflag:$0x1] =	stream.indirect.gather [hbm4b:s4+s12], $0x80, s8, s12, $0xb8;
	v63 =	vld [tilespmem:$0x0]  }
0x64: {  	s9 =	rddreg [dreg:$0xc]  }
0x65: {  	[tilespmem:s14], [sflag:$0x1] =	stream.indirect.gather [hbm4b:s4+s12], $0x80, s9, s12, $0xb8;
	v63 =	vld [tilespmem:$0x0]  }
0x66: {  	s7 =	rddreg [dreg:$0xd]  }
0x67: {  	[tilespmem:s15], [sflag:$0x1] =	stream.indirect.gather [hbm4b:s4+s12], $0x80, s7, s12, $0xb8;
	v63 =	vld [tilespmem:$0x0]  }
0x68: {  	s9 =	rddreg [dreg:$0xe]  }
0x69: {  	[tilespmem:s16], [sflag:$0x1] =	stream.indirect.gather [hbm4b:s4+s12], $0x80, s9, s12, $0xb8;
	v63 =	vld [tilespmem:$0x0]  }
0x6a: {  	_ =	swait.ge [sflag:s17], $0x2800  }
0x6b: {  	[sflag:s17] =	ssyncset.done $0x0  }
0x6c: {  	s7 =	rddreg [dreg:$0xf];
	[sflag:s17] =	ssyncadd.s32 $0xFFFFD800  }
0x6d: {  	[spmem:s2] =	stream.indirect.scatter.add.f32 [tilespmem:s13], [sflag:$0x2], $0x80, s7, s12, $0xb8;
	v63 =	vld [tilespmem:$0x0]  }
0x6e: {  	_ =	swait.ge [sflag:s10], $0x2800  }
0x6f: {  	[sflag:s10] =	ssyncset.done $0x0  }
0x70: {  	[sflag:s10] =	ssyncadd.s32 $0xFFFFD800  }
0x71: {  	_ =	swait.ge [sflag:s17], $0x2800  }
0x72: {  	[sflag:s17] =	ssyncset.done $0x0  }
0x73: {  	s8 =	rddreg [dreg:$0x10];
	[sflag:s17] =	ssyncadd.s32 $0xFFFFD800  }
0x74: {  	[spmem:s2] =	stream.indirect.scatter.add.f32 [tilespmem:s14], [sflag:$0x2], $0x80, s8, s12, $0xb8;
	v63 =	vld [tilespmem:$0x0]  }
0x75: {  	_ =	swait.ge [sflag:s10], $0x2800  }
0x76: {  	[sflag:s10] =	ssyncset.done $0x0  }
0x77: {  	[sflag:s10] =	ssyncadd.s32 $0xFFFFD800  }
0x78: {  	_ =	swait.ge [sflag:s17], $0x2800  }
0x79: {  	[sflag:s17] =	ssyncset.done $0x0  }
0x7a: {  	s9 =	rddreg [dreg:$0x11];
	[sflag:s17] =	ssyncadd.s32 $0xFFFFD800  }
0x7b: {  	[spmem:s2] =	stream.indirect.scatter.add.f32 [tilespmem:s15], [sflag:$0x2], $0x80, s9, s12, $0xb8;
	v63 =	vld [tilespmem:$0x0]  }
0x7c: {  	_ =	swait.ge [sflag:s10], $0x2800  }
0x7d: {  	[sflag:s10] =	ssyncset.done $0x0  }
0x7e: {  	[sflag:s10] =	ssyncadd.s32 $0xFFFFD800  }
0x7f: {  	_ =	swait.ge [sflag:s17], $0x2800  }
0x80: {  	[sflag:s17] =	ssyncset.done $0x0  }
0x81: {  	s7 =	rddreg [dreg:$0x12];
	[sflag:s17] =	ssyncadd.s32 $0xFFFFD800  }
0x82: {  	[spmem:s2] =	stream.indirect.scatter.add.f32 [tilespmem:s16], [sflag:$0x2], $0x80, s7, s12, $0xb8;
	v63 =	vld [tilespmem:$0x0]  }
0x83: {  	_ =	swait.ge [sflag:s10], $0x2800  }
0x84: {  	[sflag:s10] =	ssyncset.done $0x0  }
0x85: {  	s8 =	rddreg [dreg:$0x13];
	[sflag:s10] =	ssyncadd.s32 $0xFFFFD800  }
0x86: {  	[tilespmem:s13], [sflag:$0x1] =	stream.indirect.gather [hbm4b:s4+s12], $0x80, s8, s12, $0xb8;
	v63 =	vld [tilespmem:$0x0]  }
0x87: {  	s9 =	rddreg [dreg:$0x14]  }
0x88: {  	[tilespmem:s14], [sflag:$0x1] =	stream.indirect.gather [hbm4b:s4+s12], $0x80, s9, s12, $0xb8;
	v63 =	vld [tilespmem:$0x0]  }
0x89: {  	s7 =	rddreg [dreg:$0x15]  }
0x8a: {  	[tilespmem:s15], [sflag:$0x1] =	stream.indirect.gather [hbm4b:s4+s12], $0x80, s7, s12, $0xb8;
	v63 =	vld [tilespmem:$0x0]  }
0x8b: {  	s9 =	rddreg [dreg:$0x16]  }
0x8c: {  	[tilespmem:s16], [sflag:$0x1] =	stream.indirect.gather [hbm4b:s4+s12], $0x80, s9, s12, $0xb8;
	v63 =	vld [tilespmem:$0x0]  }
0x8d: {  	_ =	swait.ge [sflag:s17], $0x2800  }
0x8e: {  	[sflag:s17] =	ssyncset.done $0x0  }
0x8f: {  	s7 =	rddreg [dreg:$0x17];
	[sflag:s17] =	ssyncadd.s32 $0xFFFFD800  }
0x90: {  	[spmem:s2] =	stream.indirect.scatter.add.f32 [tilespmem:s13], [sflag:$0x2], $0x80, s7, s12, $0xb8;
	v63 =	vld [tilespmem:$0x0]  }
0x91: {  	_ =	swait.ge [sflag:s10], $0x2800  }
0x92: {  	[sflag:s10] =	ssyncset.done $0x0  }
0x93: {  	[sflag:s10] =	ssyncadd.s32 $0xFFFFD800  }
0x94: {  	_ =	swait.ge [sflag:s17], $0x2800  }
0x95: {  	[sflag:s17] =	ssyncset.done $0x0  }
0x96: {  	s8 =	rddreg [dreg:$0x18];
	[sflag:s17] =	ssyncadd.s32 $0xFFFFD800  }
0x97: {  	[spmem:s2] =	stream.indirect.scatter.add.f32 [tilespmem:s14], [sflag:$0x2], $0x80, s8, s12, $0xb8;
	v63 =	vld [tilespmem:$0x0]  }
0x98: {  	_ =	swait.ge [sflag:s10], $0x2800  }
0x99: {  	[sflag:s10] =	ssyncset.done $0x0  }
0x9a: {  	[sflag:s10] =	ssyncadd.s32 $0xFFFFD800  }
0x9b: {  	_ =	swait.ge [sflag:s17], $0x2800  }
0x9c: {  	[sflag:s17] =	ssyncset.done $0x0  }
0x9d: {  	s9 =	rddreg [dreg:$0x19];
	[sflag:s17] =	ssyncadd.s32 $0xFFFFD800  }
0x9e: {  	[spmem:s2] =	stream.indirect.scatter.add.f32 [tilespmem:s15], [sflag:$0x2], $0x80, s9, s12, $0xb8;
	v63 =	vld [tilespmem:$0x0]  }
0x9f: {  	_ =	swait.ge [sflag:s10], $0x2800  }
0xa0: {  	[sflag:s10] =	ssyncset.done $0x0  }
0xa1: {  	[sflag:s10] =	ssyncadd.s32 $0xFFFFD800  }
0xa2: {  	_ =	swait.ge [sflag:s17], $0x2800  }
0xa3: {  	[sflag:s17] =	ssyncset.done $0x0  }
0xa4: {  	s7 =	rddreg [dreg:$0x1a];
	[sflag:s17] =	ssyncadd.s32 $0xFFFFD800  }
0xa5: {  	[spmem:s2] =	stream.indirect.scatter.add.f32 [tilespmem:s16], [sflag:$0x2], $0x80, s7, s12, $0xb8;
	v63 =	vld [tilespmem:$0x0]  }
0xa6: {  	_ =	swait.ge [sflag:s10], $0x2800  }
0xa7: {  	[sflag:s10] =	ssyncset.done $0x0  }
0xa8: {  	s8 =	rddreg [dreg:$0x1b];
	[sflag:s10] =	ssyncadd.s32 $0xFFFFD800  }
0xa9: {  	[tilespmem:s13], [sflag:$0x1] =	stream.indirect.gather [hbm4b:s4+s12], $0x80, s8, s12, $0xb8;
	v63 =	vld [tilespmem:$0x0]  }
0xaa: {  	s9 =	rddreg [dreg:$0x1c]  }
0xab: {  	[tilespmem:s14], [sflag:$0x1] =	stream.indirect.gather [hbm4b:s4+s12], $0x80, s9, s12, $0xb8;
	v63 =	vld [tilespmem:$0x0]  }
0xac: {  	s7 =	rddreg [dreg:$0x1d]  }
0xad: {  	[tilespmem:s15], [sflag:$0x1] =	stream.indirect.gather [hbm4b:s4+s12], $0x80, s7, s12, $0xb8;
	v63 =	vld [tilespmem:$0x0]  }
0xae: {  	s9 =	rddreg [dreg:$0x1e]  }
0xaf: {  	[tilespmem:s16], [sflag:$0x1] =	stream.indirect.gather [hbm4b:s4+s12], $0x80, s9, s12, $0xb8;
	v63 =	vld [tilespmem:$0x0]  }
0xb0: {  	_ =	swait.ge [sflag:s17], $0x2800  }
0xb1: {  	[sflag:s17] =	ssyncset.done $0x0  }
0xb2: {  	s7 =	rddreg [dreg:$0x1f];
	[sflag:s17] =	ssyncadd.s32 $0xFFFFD800  }
0xb3: {  	[spmem:s2] =	stream.indirect.scatter.add.f32 [tilespmem:s13], [sflag:$0x2], $0x80, s7, s12, $0xb8;
	v63 =	vld [tilespmem:$0x0]  }
0xb4: {  	_ =	swait.ge [sflag:s10], $0x2800  }
0xb5: {  	[sflag:s10] =	ssyncset.done $0x0  }
0xb6: {  	[sflag:s10] =	ssyncadd.s32 $0xFFFFD800  }
0xb7: {  	_ =	swait.ge [sflag:s17], $0x2800  }
0xb8: {  	s8 =	sld [smem:$0x7F7]  }
0xb9: {  	[sflag:s17] =	ssyncset.done $0x0  }
0xba: {  	[sflag:s17] =	ssyncadd.s32 $0xFFFFD800  }
0xbb: {  	[spmem:s2] =	stream.indirect.scatter.add.f32 [tilespmem:s14], [sflag:$0x2], $0x80, s8, s12, $0xb8;
	v63 =	vld [tilespmem:$0x0]  }
0xbc: {  	_ =	swait.ge [sflag:s10], $0x2800  }
0xbd: {  	[sflag:s10] =	ssyncset.done $0x0  }
0xbe: {  	[sflag:s10] =	ssyncadd.s32 $0xFFFFD800  }
0xbf: {  	_ =	swait.ge [sflag:s17], $0x2800  }
0xc0: {  	s9 =	sld [smem:$0x7F8]  }
0xc1: {  	[sflag:s17] =	ssyncset.done $0x0  }
0xc2: {  	[sflag:s17] =	ssyncadd.s32 $0xFFFFD800  }
0xc3: {  	[spmem:s2] =	stream.indirect.scatter.add.f32 [tilespmem:s15], [sflag:$0x2], $0x80, s9, s12, $0xb8;
	v63 =	vld [tilespmem:$0x0]  }
0xc4: {  	_ =	swait.ge [sflag:s10], $0x2800  }
0xc5: {  	[sflag:s10] =	ssyncset.done $0x0  }
0xc6: {  	[sflag:s10] =	ssyncadd.s32 $0xFFFFD800  }
0xc7: {  	_ =	swait.ge [sflag:s17], $0x2800  }
0xc8: {  	s7 =	sld [smem:$0x7F9]  }
0xc9: {  	[sflag:s17] =	ssyncset.done $0x0  }
0xca: {  	[sflag:s17] =	ssyncadd.s32 $0xFFFFD800  }
0xcb: {  	[spmem:s2] =	stream.indirect.scatter.add.f32 [tilespmem:s16], [sflag:$0x2], $0x80, s7, s12, $0xb8;
	v63 =	vld [tilespmem:$0x0]  }
0xcc: {  	_ =	swait.ge [sflag:s10], $0x2800  }
0xcd: {  	s8 =	sld [smem:$0x7FA]  }
0xce: {  	[sflag:s10] =	ssyncset.done $0x0  }
0xcf: {  	s9 =	sld [smem:$0x7FB];
	[sflag:s10] =	ssyncadd.s32 $0xFFFFD800  }
0xd0: {  	[tilespmem:s13], [sflag:$0x1] =	stream.indirect.gather [hbm4b:s4+s12], $0x80, s8, s12, $0xb8;
	v63 =	vld [tilespmem:$0x0]  }
0xd1: {  	_ = 	snop  }
0xd2: {  	[tilespmem:s14], [sflag:$0x1] =	stream.indirect.gather [hbm4b:s4+s12], $0x80, s9, s12, $0xb8;
	v63 =	vld [tilespmem:$0x0]  }
0xd3: {  	_ = 	snop  }
0xd4: {  	[tilespmem:s15], [sflag:$0x1] =	stream.indirect.gather [hbm4b:s4+s12], $0x80, s18, s12, $0xb8;
	v63 =	vld [tilespmem:$0x0]  }
0xd5: {  	_ = 	snop  }
0xd6: {  	[tilespmem:s16], [sflag:$0x1] =	stream.indirect.gather [hbm4b:s4+s12], $0x80, s19, s12, $0xb8;
	v63 =	vld [tilespmem:$0x0]  }
0xd7: {  	_ =	swait.ge [sflag:s17], $0x2800  }
0xd8: {  	[sflag:s17] =	ssyncset.done $0x0  }
0xd9: {  	[sflag:s17] =	ssyncadd.s32 $0xFFFFD800  }
0xda: {  	[spmem:s2] =	stream.indirect.scatter.add.f32 [tilespmem:s13], [sflag:$0x2], $0x80, s20, s12, $0xb8;
	v63 =	vld [tilespmem:$0x0]  }
0xdb: {  	_ =	swait.ge [sflag:s10], $0x2800  }
0xdc: {  	[sflag:s10] =	ssyncset.done $0x0  }
0xdd: {  	[sflag:s10] =	ssyncadd.s32 $0xFFFFD800  }
0xde: {  	_ =	swait.ge [sflag:s17], $0x2800  }
0xdf: {  	[sflag:s17] =	ssyncset.done $0x0  }
0xe0: {  	[sflag:s17] =	ssyncadd.s32 $0xFFFFD800  }
0xe1: {  	[spmem:s2] =	stream.indirect.scatter.add.f32 [tilespmem:s14], [sflag:$0x2], $0x80, s21, s12, $0xb8;
	v63 =	vld [tilespmem:$0x0]  }
0xe2: {  	_ =	swait.ge [sflag:s10], $0x2800  }
0xe3: {  	[sflag:s10] =	ssyncset.done $0x0  }
0xe4: {  	[sflag:s10] =	ssyncadd.s32 $0xFFFFD800  }
0xe5: {  	_ =	swait.ge [sflag:s17], $0x2800  }
0xe6: {  	[sflag:s17] =	ssyncset.done $0x0  }
0xe7: {  	[sflag:s17] =	ssyncadd.s32 $0xFFFFD800  }
0xe8: {  	[spmem:s2] =	stream.indirect.scatter.add.f32 [tilespmem:s15], [sflag:$0x2], $0x80, s22, s12, $0xb8;
	v63 =	vld [tilespmem:$0x0]  }
0xe9: {  	_ =	swait.ge [sflag:s10], $0x2800  }
0xea: {  	[sflag:s10] =	ssyncset.done $0x0  }
0xeb: {  	[sflag:s10] =	ssyncadd.s32 $0xFFFFD800  }
0xec: {  	_ =	swait.ge [sflag:s17], $0x2800  }
0xed: {  	[sflag:s17] =	ssyncset.done $0x0  }
0xee: {  	[sflag:s17] =	ssyncadd.s32 $0xFFFFD800  }
0xef: {  	[spmem:s2] =	stream.indirect.scatter.add.f32 [tilespmem:s16], [sflag:$0x2], $0x80, s23, s12, $0xb8;
	v63 =	vld [tilespmem:$0x0]  }
0xf0: {  	_ =	swait.ge [sflag:s10], $0x2800  }
0xf1: {  	[sflag:s10] =	ssyncset.done $0x0  }
0xf2: {  	[sflag:s10] =	ssyncadd.s32 $0xFFFFD800  }
0xf3: {  	[tilespmem:s13], [sflag:$0x1] =	stream.indirect.gather [hbm4b:s4+s12], $0x80, s24, s12, $0xb8;
	v63 =	vld [tilespmem:$0x0]  }
0xf4: {  	_ = 	snop  }
0xf5: {  	[tilespmem:s14], [sflag:$0x1] =	stream.indirect.gather [hbm4b:s4+s12], $0x80, s25, s12, $0xb8;
	v63 =	vld [tilespmem:$0x0]  }
0xf6: {  	_ = 	snop  }
0xf7: {  	[tilespmem:s15], [sflag:$0x1] =	stream.indirect.gather [hbm4b:s4+s12], $0x80, s26, s12, $0xb8;
	v63 =	vld [tilespmem:$0x0]  }
0xf8: {  	_ = 	snop  }
0xf9: {  	[tilespmem:s16], [sflag:$0x1] =	stream.indirect.gather [hbm4b:s4+s12], $0x80, s28, s12, $0xb8;
	v63 =	vld [tilespmem:$0x0]  }
0xfa: {  	_ =	swait.ge [sflag:s17], $0x2800  }
0xfb: {  	[sflag:s17] =	ssyncset.done $0x0  }
0xfc: {  	[sflag:s17] =	ssyncadd.s32 $0xFFFFD800  }
0xfd: {  	[spmem:s2] =	stream.indirect.scatter.add.f32 [tilespmem:s13], [sflag:$0x2], $0x80, s29, s12, $0xb8;
	v63 =	vld [tilespmem:$0x0]  }
0xfe: {  	_ =	swait.ge [sflag:s10], $0x2800  }
0xff: {  	[sflag:s10] =	ssyncset.done $0x0  }
0x100: {  	[sflag:s10] =	ssyncadd.s32 $0xFFFFD800  }
0x101: {  	_ =	swait.ge [sflag:s17], $0x2800  }
0x102: {  	[sflag:s17] =	ssyncset.done $0x0  }
0x103: {  	[sflag:s17] =	ssyncadd.s32 $0xFFFFD800  }
0x104: {  	[spmem:s2] =	stream.indirect.scatter.add.f32 [tilespmem:s14], [sflag:$0x2], $0x80, s30, s12, $0xb8;
	v63 =	vld [tilespmem:$0x0]  }
0x105: {  	_ =	swait.ge [sflag:s10], $0x2800  }
0x106: {  	[sflag:s10] =	ssyncset.done $0x0  }
0x107: {  	[sflag:s10] =	ssyncadd.s32 $0xFFFFD800  }
0x108: {  	_ =	swait.ge [sflag:s17], $0x2800  }
0x109: {  	[sflag:s17] =	ssyncset.done $0x0  }
0x10a: {  	[sflag:s17] =	ssyncadd.s32 $0xFFFFD800  }
0x10b: {  	[spmem:s2] =	stream.indirect.scatter.add.f32 [tilespmem:s15], [sflag:$0x2], $0x80, s31, s12, $0xb8;
	v63 =	vld [tilespmem:$0x0]  }
0x10c: {  	_ =	swait.ge [sflag:s10], $0x2800  }
0x10d: {  	[sflag:s10] =	ssyncset.done $0x0  }
0x10e: {  	[sflag:s10] =	ssyncadd.s32 $0xFFFFD800  }
0x10f: {  	_ =	swait.ge [sflag:s17], $0x2800  }
0x110: {  	[sflag:s17] =	ssyncset.done $0x0  }
0x111: {  	[sflag:s17] =	ssyncadd.s32 $0xFFFFD800  }
0x112: {  	[spmem:s2] =	stream.indirect.scatter.add.f32 [tilespmem:s16], [sflag:$0x2], $0x80, s1, s12, $0xb8;
	v63 =	vld [tilespmem:$0x0]  }
0x113: {  	_ =	swait.ge [sflag:s10], $0x2800  }
0x114: {  	[sflag:s10] =	ssyncset.done $0x0  }
0x115: {  	[sflag:s10] =	ssyncadd.s32 $0xFFFFD800  }
0x116: {  	[tilespmem:s13], [sflag:$0x1] =	stream.indirect.gather [hbm4b:s4+s12], $0x80, s0, s12, $0xb8;
	v63 =	vld [tilespmem:$0x0]  }
0x117: {  	_ =	swait.ge [sflag:s17], $0x2800  }
0x118: {  	[sflag:s17] =	ssyncset.done $0x0  }
0x119: {  	[sflag:s17] =	ssyncadd.s32 $0xFFFFD800  }
0x11a: {  	[spmem:s2] =	stream.indirect.scatter.add.f32 [tilespmem:s13], [sflag:$0x2], $0x80, s5, s12, $0xb8;
	v63 =	vld [tilespmem:$0x0]  }
0x11b: {  	s6 =	simm.s32 $0x400;
	_ =	swait.ge [sflag:s10], $0x2800  }
0x11c: {  	s8 =	simm.s32 $0x200;
	s9 =	rddreg [dreg:$0x4];
	[sflag:s10] =	ssyncset.done $0x0  }
.LBB2_2:
0x11d: {  	[sflag:s10] =	ssyncadd.s32 $0xFFFFD800;
	s9 =	sadd.s32 s8, s9  }
0x11e: {  	[tilespmem:s3], [sflag:$0x2] =	stream.linear.gather [hbm4b:s9+s3], $0xC80, $0x38;
	v63 =	vld [tilespmem:$0x0]  }
0x11f: {  	_ =	swait.ge [sflag:s10], $0xC80  }
0x120: {  	s9 =	rddreg [dreg:$0x3];
	[sflag:s10] =	ssyncset.done $0x0  }
0x121: {  	[sflag:s10] =	ssyncadd.s32 $0xFFFFF380;
	s9 =	sadd.s32 s8, s9  }
0x122: {  	[tilespmem:s11], [sflag:$0x2] =	stream.linear.gather [hbm4b:s9+s3], $0xC80, $0x38;
	v63 =	vld [tilespmem:$0x0]  }
0x123: {  	_ =	swait.ge [sflag:s10], $0xC80  }
0x124: {  	[sflag:s10] =	ssyncset.done $0x0  }
0x125: {  	s7 =	smov.u32 s6;
	[sflag:s10] =	ssyncadd.s32 $0xFFFFF380  }
0x126: {  	[tilespmem:s13], [sflag:$0x1] =	stream.indirect.gather [hbm4b:s4+s12], $0x80, s3, s12, $0xb8;
	v63 =	vld [tilespmem:$0x0]  }
0x127: {  	s8 =	smov.u32 s7;
	s7 =	rddreg [dreg:$0x5]  }
0x128: {  	[tilespmem:s14], [sflag:$0x1] =	stream.indirect.gather [hbm4b:s4+s12], $0x80, s7, s12, $0xb8;
	v63 =	vld [tilespmem:$0x0]  }
0x129: {  	s9 =	rddreg [dreg:$0x6]  }
0x12a: {  	[tilespmem:s15], [sflag:$0x1] =	stream.indirect.gather [hbm4b:s4+s12], $0x80, s9, s12, $0xb8;
	v63 =	vld [tilespmem:$0x0]  }
0x12b: {  	s7 =	rddreg [dreg:$0x7]  }
0x12c: {  	[tilespmem:s16], [sflag:$0x1] =	stream.indirect.gather [hbm4b:s4+s12], $0x80, s7, s12, $0xb8;
	v63 =	vld [tilespmem:$0x0]  }
0x12d: {  	_ =	swait.ge [sflag:s17], $0x2800  }
0x12e: {  	[sflag:s17] =	ssyncset.done $0x0  }
0x12f: {  	[sflag:s17] =	ssyncadd.s32 $0xFFFFD800  }
0x130: {  	[spmem:s2] =	stream.indirect.scatter.add.f32 [tilespmem:s13], [sflag:$0x2], $0x80, s11, s12, $0xb8;
	v63 =	vld [tilespmem:$0x0]  }
0x131: {  	_ =	swait.ge [sflag:s10], $0x2800  }
0x132: {  	[sflag:s10] =	ssyncset.done $0x0  }
0x133: {  	[sflag:s10] =	ssyncadd.s32 $0xFFFFD800  }
0x134: {  	_ =	swait.ge [sflag:s17], $0x2800  }
0x135: {  	[sflag:s17] =	ssyncset.done $0x0  }
0x136: {  	s9 =	rddreg [dreg:$0x8];
	[sflag:s17] =	ssyncadd.s32 $0xFFFFD800  }
0x137: {  	[spmem:s2] =	stream.indirect.scatter.add.f32 [tilespmem:s14], [sflag:$0x2], $0x80, s9, s12, $0xb8;
	v63 =	vld [tilespmem:$0x0]  }
0x138: {  	_ =	swait.ge [sflag:s10], $0x2800  }
0x139: {  	[sflag:s10] =	ssyncset.done $0x0  }
0x13a: {  	[sflag:s10] =	ssyncadd.s32 $0xFFFFD800  }
0x13b: {  	_ =	swait.ge [sflag:s17], $0x2800  }
0x13c: {  	[sflag:s17] =	ssyncset.done $0x0  }
0x13d: {  	s9 =	rddreg [dreg:$0x9];
	[sflag:s17] =	ssyncadd.s32 $0xFFFFD800  }
0x13e: {  	[spmem:s2] =	stream.indirect.scatter.add.f32 [tilespmem:s15], [sflag:$0x2], $0x80, s9, s12, $0xb8;
	v63 =	vld [tilespmem:$0x0]  }
0x13f: {  	_ =	swait.ge [sflag:s10], $0x2800  }
0x140: {  	[sflag:s10] =	ssyncset.done $0x0  }
0x141: {  	[sflag:s10] =	ssyncadd.s32 $0xFFFFD800  }
0x142: {  	_ =	swait.ge [sflag:s17], $0x2800  }
0x143: {  	[sflag:s17] =	ssyncset.done $0x0  }
0x144: {  	s9 =	rddreg [dreg:$0xa];
	[sflag:s17] =	ssyncadd.s32 $0xFFFFD800  }
0x145: {  	[spmem:s2] =	stream.indirect.scatter.add.f32 [tilespmem:s16], [sflag:$0x2], $0x80, s9, s12, $0xb8;
	v63 =	vld [tilespmem:$0x0]  }
0x146: {  	_ =	swait.ge [sflag:s10], $0x2800  }
0x147: {  	[sflag:s10] =	ssyncset.done $0x0  }
0x148: {  	s7 =	rddreg [dreg:$0xb];
	[sflag:s10] =	ssyncadd.s32 $0xFFFFD800  }
0x149: {  	[tilespmem:s13], [sflag:$0x1] =	stream.indirect.gather [hbm4b:s4+s12], $0x80, s7, s12, $0xb8;
	v63 =	vld [tilespmem:$0x0]  }
0x14a: {  	s9 =	rddreg [dreg:$0xc]  }
0x14b: {  	[tilespmem:s14], [sflag:$0x1] =	stream.indirect.gather [hbm4b:s4+s12], $0x80, s9, s12, $0xb8;
	v63 =	vld [tilespmem:$0x0]  }
0x14c: {  	s7 =	rddreg [dreg:$0xd]  }
0x14d: {  	[tilespmem:s15], [sflag:$0x1] =	stream.indirect.gather [hbm4b:s4+s12], $0x80, s7, s12, $0xb8;
	v63 =	vld [tilespmem:$0x0]  }
0x14e: {  	s9 =	rddreg [dreg:$0xe]  }
0x14f: {  	[tilespmem:s16], [sflag:$0x1] =	stream.indirect.gather [hbm4b:s4+s12], $0x80, s9, s12, $0xb8;
	v63 =	vld [tilespmem:$0x0]  }
0x150: {  	_ =	swait.ge [sflag:s17], $0x2800  }
0x151: {  	[sflag:s17] =	ssyncset.done $0x0  }
0x152: {  	s9 =	rddreg [dreg:$0xf];
	[sflag:s17] =	ssyncadd.s32 $0xFFFFD800  }
0x153: {  	[spmem:s2] =	stream.indirect.scatter.add.f32 [tilespmem:s13], [sflag:$0x2], $0x80, s9, s12, $0xb8;
	v63 =	vld [tilespmem:$0x0]  }
0x154: {  	_ =	swait.ge [sflag:s10], $0x2800  }
0x155: {  	[sflag:s10] =	ssyncset.done $0x0  }
0x156: {  	[sflag:s10] =	ssyncadd.s32 $0xFFFFD800  }
0x157: {  	_ =	swait.ge [sflag:s17], $0x2800  }
0x158: {  	[sflag:s17] =	ssyncset.done $0x0  }
0x159: {  	s9 =	rddreg [dreg:$0x10];
	[sflag:s17] =	ssyncadd.s32 $0xFFFFD800  }
0x15a: {  	[spmem:s2] =	stream.indirect.scatter.add.f32 [tilespmem:s14], [sflag:$0x2], $0x80, s9, s12, $0xb8;
	v63 =	vld [tilespmem:$0x0]  }
0x15b: {  	_ =	swait.ge [sflag:s10], $0x2800  }
0x15c: {  	[sflag:s10] =	ssyncset.done $0x0  }
0x15d: {  	[sflag:s10] =	ssyncadd.s32 $0xFFFFD800  }
0x15e: {  	_ =	swait.ge [sflag:s17], $0x2800  }
0x15f: {  	[sflag:s17] =	ssyncset.done $0x0  }
0x160: {  	s9 =	rddreg [dreg:$0x11];
	[sflag:s17] =	ssyncadd.s32 $0xFFFFD800  }
0x161: {  	[spmem:s2] =	stream.indirect.scatter.add.f32 [tilespmem:s15], [sflag:$0x2], $0x80, s9, s12, $0xb8;
	v63 =	vld [tilespmem:$0x0]  }
0x162: {  	_ =	swait.ge [sflag:s10], $0x2800  }
0x163: {  	[sflag:s10] =	ssyncset.done $0x0  }
0x164: {  	[sflag:s10] =	ssyncadd.s32 $0xFFFFD800  }
0x165: {  	_ =	swait.ge [sflag:s17], $0x2800  }
0x166: {  	[sflag:s17] =	ssyncset.done $0x0  }
0x167: {  	s9 =	rddreg [dreg:$0x12];
	[sflag:s17] =	ssyncadd.s32 $0xFFFFD800  }
0x168: {  	[spmem:s2] =	stream.indirect.scatter.add.f32 [tilespmem:s16], [sflag:$0x2], $0x80, s9, s12, $0xb8;
	v63 =	vld [tilespmem:$0x0]  }
0x169: {  	_ =	swait.ge [sflag:s10], $0x2800  }
0x16a: {  	[sflag:s10] =	ssyncset.done $0x0  }
0x16b: {  	s7 =	rddreg [dreg:$0x13];
	[sflag:s10] =	ssyncadd.s32 $0xFFFFD800  }
0x16c: {  	[tilespmem:s13], [sflag:$0x1] =	stream.indirect.gather [hbm4b:s4+s12], $0x80, s7, s12, $0xb8;
	v63 =	vld [tilespmem:$0x0]  }
0x16d: {  	s9 =	rddreg [dreg:$0x14]  }
0x16e: {  	[tilespmem:s14], [sflag:$0x1] =	stream.indirect.gather [hbm4b:s4+s12], $0x80, s9, s12, $0xb8;
	v63 =	vld [tilespmem:$0x0]  }
0x16f: {  	s7 =	rddreg [dreg:$0x15]  }
0x170: {  	[tilespmem:s15], [sflag:$0x1] =	stream.indirect.gather [hbm4b:s4+s12], $0x80, s7, s12, $0xb8;
	v63 =	vld [tilespmem:$0x0]  }
0x171: {  	s9 =	rddreg [dreg:$0x16]  }
0x172: {  	[tilespmem:s16], [sflag:$0x1] =	stream.indirect.gather [hbm4b:s4+s12], $0x80, s9, s12, $0xb8;
	v63 =	vld [tilespmem:$0x0]  }
0x173: {  	_ =	swait.ge [sflag:s17], $0x2800  }
0x174: {  	[sflag:s17] =	ssyncset.done $0x0  }
0x175: {  	s9 =	rddreg [dreg:$0x17];
	[sflag:s17] =	ssyncadd.s32 $0xFFFFD800  }
0x176: {  	[spmem:s2] =	stream.indirect.scatter.add.f32 [tilespmem:s13], [sflag:$0x2], $0x80, s9, s12, $0xb8;
	v63 =	vld [tilespmem:$0x0]  }
0x177: {  	_ =	swait.ge [sflag:s10], $0x2800  }
0x178: {  	[sflag:s10] =	ssyncset.done $0x0  }
0x179: {  	[sflag:s10] =	ssyncadd.s32 $0xFFFFD800  }
0x17a: {  	_ =	swait.ge [sflag:s17], $0x2800  }
0x17b: {  	[sflag:s17] =	ssyncset.done $0x0  }
0x17c: {  	s9 =	rddreg [dreg:$0x18];
	[sflag:s17] =	ssyncadd.s32 $0xFFFFD800  }
0x17d: {  	[spmem:s2] =	stream.indirect.scatter.add.f32 [tilespmem:s14], [sflag:$0x2], $0x80, s9, s12, $0xb8;
	v63 =	vld [tilespmem:$0x0]  }
0x17e: {  	_ =	swait.ge [sflag:s10], $0x2800  }
0x17f: {  	[sflag:s10] =	ssyncset.done $0x0  }
0x180: {  	[sflag:s10] =	ssyncadd.s32 $0xFFFFD800  }
0x181: {  	_ =	swait.ge [sflag:s17], $0x2800  }
0x182: {  	[sflag:s17] =	ssyncset.done $0x0  }
0x183: {  	s9 =	rddreg [dreg:$0x19];
	[sflag:s17] =	ssyncadd.s32 $0xFFFFD800  }
0x184: {  	[spmem:s2] =	stream.indirect.scatter.add.f32 [tilespmem:s15], [sflag:$0x2], $0x80, s9, s12, $0xb8;
	v63 =	vld [tilespmem:$0x0]  }
0x185: {  	_ =	swait.ge [sflag:s10], $0x2800  }
0x186: {  	[sflag:s10] =	ssyncset.done $0x0  }
0x187: {  	[sflag:s10] =	ssyncadd.s32 $0xFFFFD800  }
0x188: {  	_ =	swait.ge [sflag:s17], $0x2800  }
0x189: {  	[sflag:s17] =	ssyncset.done $0x0  }
0x18a: {  	s9 =	rddreg [dreg:$0x1a];
	[sflag:s17] =	ssyncadd.s32 $0xFFFFD800  }
0x18b: {  	[spmem:s2] =	stream.indirect.scatter.add.f32 [tilespmem:s16], [sflag:$0x2], $0x80, s9, s12, $0xb8;
	v63 =	vld [tilespmem:$0x0]  }
0x18c: {  	_ =	swait.ge [sflag:s10], $0x2800  }
0x18d: {  	[sflag:s10] =	ssyncset.done $0x0  }
0x18e: {  	s7 =	rddreg [dreg:$0x1b];
	[sflag:s10] =	ssyncadd.s32 $0xFFFFD800  }
0x18f: {  	[tilespmem:s13], [sflag:$0x1] =	stream.indirect.gather [hbm4b:s4+s12], $0x80, s7, s12, $0xb8;
	v63 =	vld [tilespmem:$0x0]  }
0x190: {  	s9 =	rddreg [dreg:$0x1c]  }
0x191: {  	[tilespmem:s14], [sflag:$0x1] =	stream.indirect.gather [hbm4b:s4+s12], $0x80, s9, s12, $0xb8;
	v63 =	vld [tilespmem:$0x0]  }
0x192: {  	s7 =	rddreg [dreg:$0x1d]  }
0x193: {  	[tilespmem:s15], [sflag:$0x1] =	stream.indirect.gather [hbm4b:s4+s12], $0x80, s7, s12, $0xb8;
	v63 =	vld [tilespmem:$0x0]  }
0x194: {  	s9 =	rddreg [dreg:$0x1e]  }
0x195: {  	[tilespmem:s16], [sflag:$0x1] =	stream.indirect.gather [hbm4b:s4+s12], $0x80, s9, s12, $0xb8;
	v63 =	vld [tilespmem:$0x0]  }
0x196: {  	_ =	swait.ge [sflag:s17], $0x2800  }
0x197: {  	[sflag:s17] =	ssyncset.done $0x0  }
0x198: {  	s9 =	rddreg [dreg:$0x1f];
	[sflag:s17] =	ssyncadd.s32 $0xFFFFD800  }
0x199: {  	[spmem:s2] =	stream.indirect.scatter.add.f32 [tilespmem:s13], [sflag:$0x2], $0x80, s9, s12, $0xb8;
	v63 =	vld [tilespmem:$0x0]  }
0x19a: {  	_ =	swait.ge [sflag:s10], $0x2800  }
0x19b: {  	[sflag:s10] =	ssyncset.done $0x0  }
0x19c: {  	[sflag:s10] =	ssyncadd.s32 $0xFFFFD800  }
0x19d: {  	_ =	swait.ge [sflag:s17], $0x2800  }
0x19e: {  	s9 =	sld [smem:$0x7F7]  }
0x19f: {  	[sflag:s17] =	ssyncset.done $0x0  }
0x1a0: {  	[sflag:s17] =	ssyncadd.s32 $0xFFFFD800  }
0x1a1: {  	[spmem:s2] =	stream.indirect.scatter.add.f32 [tilespmem:s14], [sflag:$0x2], $0x80, s9, s12, $0xb8;
	v63 =	vld [tilespmem:$0x0]  }
0x1a2: {  	_ =	swait.ge [sflag:s10], $0x2800  }
0x1a3: {  	[sflag:s10] =	ssyncset.done $0x0  }
0x1a4: {  	[sflag:s10] =	ssyncadd.s32 $0xFFFFD800  }
0x1a5: {  	_ =	swait.ge [sflag:s17], $0x2800  }
0x1a6: {  	s9 =	sld [smem:$0x7F8]  }
0x1a7: {  	[sflag:s17] =	ssyncset.done $0x0  }
0x1a8: {  	[sflag:s17] =	ssyncadd.s32 $0xFFFFD800  }
0x1a9: {  	[spmem:s2] =	stream.indirect.scatter.add.f32 [tilespmem:s15], [sflag:$0x2], $0x80, s9, s12, $0xb8;
	v63 =	vld [tilespmem:$0x0]  }
0x1aa: {  	_ =	swait.ge [sflag:s10], $0x2800  }
0x1ab: {  	[sflag:s10] =	ssyncset.done $0x0  }
0x1ac: {  	[sflag:s10] =	ssyncadd.s32 $0xFFFFD800  }
0x1ad: {  	_ =	swait.ge [sflag:s17], $0x2800  }
0x1ae: {  	s9 =	sld [smem:$0x7F9]  }
0x1af: {  	[sflag:s17] =	ssyncset.done $0x0  }
0x1b0: {  	[sflag:s17] =	ssyncadd.s32 $0xFFFFD800  }
0x1b1: {  	[spmem:s2] =	stream.indirect.scatter.add.f32 [tilespmem:s16], [sflag:$0x2], $0x80, s9, s12, $0xb8;
	v63 =	vld [tilespmem:$0x0]  }
0x1b2: {  	_ =	swait.ge [sflag:s10], $0x2800  }
0x1b3: {  	s7 =	sld [smem:$0x7FA]  }
0x1b4: {  	[sflag:s10] =	ssyncset.done $0x0  }
0x1b5: {  	s9 =	sld [smem:$0x7FB];
	[sflag:s10] =	ssyncadd.s32 $0xFFFFD800  }
0x1b6: {  	[tilespmem:s13], [sflag:$0x1] =	stream.indirect.gather [hbm4b:s4+s12], $0x80, s7, s12, $0xb8;
	v63 =	vld [tilespmem:$0x0]  }
0x1b7: {  	_ = 	snop  }
0x1b8: {  	[tilespmem:s14], [sflag:$0x1] =	stream.indirect.gather [hbm4b:s4+s12], $0x80, s9, s12, $0xb8;
	v63 =	vld [tilespmem:$0x0]  }
0x1b9: {  	_ = 	snop  }
0x1ba: {  	[tilespmem:s15], [sflag:$0x1] =	stream.indirect.gather [hbm4b:s4+s12], $0x80, s18, s12, $0xb8;
	v63 =	vld [tilespmem:$0x0]  }
0x1bb: {  	_ = 	snop  }
0x1bc: {  	[tilespmem:s16], [sflag:$0x1] =	stream.indirect.gather [hbm4b:s4+s12], $0x80, s19, s12, $0xb8;
	v63 =	vld [tilespmem:$0x0]  }
0x1bd: {  	_ =	swait.ge [sflag:s17], $0x2800  }
0x1be: {  	[sflag:s17] =	ssyncset.done $0x0  }
0x1bf: {  	[sflag:s17] =	ssyncadd.s32 $0xFFFFD800  }
0x1c0: {  	[spmem:s2] =	stream.indirect.scatter.add.f32 [tilespmem:s13], [sflag:$0x2], $0x80, s20, s12, $0xb8;
	v63 =	vld [tilespmem:$0x0]  }
0x1c1: {  	_ =	swait.ge [sflag:s10], $0x2800  }
0x1c2: {  	[sflag:s10] =	ssyncset.done $0x0  }
0x1c3: {  	[sflag:s10] =	ssyncadd.s32 $0xFFFFD800  }
0x1c4: {  	_ =	swait.ge [sflag:s17], $0x2800  }
0x1c5: {  	[sflag:s17] =	ssyncset.done $0x0  }
0x1c6: {  	[sflag:s17] =	ssyncadd.s32 $0xFFFFD800  }
0x1c7: {  	[spmem:s2] =	stream.indirect.scatter.add.f32 [tilespmem:s14], [sflag:$0x2], $0x80, s21, s12, $0xb8;
	v63 =	vld [tilespmem:$0x0]  }
0x1c8: {  	_ =	swait.ge [sflag:s10], $0x2800  }
0x1c9: {  	[sflag:s10] =	ssyncset.done $0x0  }
0x1ca: {  	[sflag:s10] =	ssyncadd.s32 $0xFFFFD800  }
0x1cb: {  	_ =	swait.ge [sflag:s17], $0x2800  }
0x1cc: {  	[sflag:s17] =	ssyncset.done $0x0  }
0x1cd: {  	[sflag:s17] =	ssyncadd.s32 $0xFFFFD800  }
0x1ce: {  	[spmem:s2] =	stream.indirect.scatter.add.f32 [tilespmem:s15], [sflag:$0x2], $0x80, s22, s12, $0xb8;
	v63 =	vld [tilespmem:$0x0]  }
0x1cf: {  	_ =	swait.ge [sflag:s10], $0x2800  }
0x1d0: {  	[sflag:s10] =	ssyncset.done $0x0  }
0x1d1: {  	[sflag:s10] =	ssyncadd.s32 $0xFFFFD800  }
0x1d2: {  	_ =	swait.ge [sflag:s17], $0x2800  }
0x1d3: {  	[sflag:s17] =	ssyncset.done $0x0  }
0x1d4: {  	[sflag:s17] =	ssyncadd.s32 $0xFFFFD800  }
0x1d5: {  	[spmem:s2] =	stream.indirect.scatter.add.f32 [tilespmem:s16], [sflag:$0x2], $0x80, s23, s12, $0xb8;
	v63 =	vld [tilespmem:$0x0]  }
0x1d6: {  	_ =	swait.ge [sflag:s10], $0x2800  }
0x1d7: {  	[sflag:s10] =	ssyncset.done $0x0  }
0x1d8: {  	[sflag:s10] =	ssyncadd.s32 $0xFFFFD800  }
0x1d9: {  	[tilespmem:s13], [sflag:$0x1] =	stream.indirect.gather [hbm4b:s4+s12], $0x80, s24, s12, $0xb8;
	v63 =	vld [tilespmem:$0x0]  }
0x1da: {  	_ = 	snop  }
0x1db: {  	[tilespmem:s14], [sflag:$0x1] =	stream.indirect.gather [hbm4b:s4+s12], $0x80, s25, s12, $0xb8;
	v63 =	vld [tilespmem:$0x0]  }
0x1dc: {  	_ = 	snop  }
0x1dd: {  	[tilespmem:s15], [sflag:$0x1] =	stream.indirect.gather [hbm4b:s4+s12], $0x80, s26, s12, $0xb8;
	v63 =	vld [tilespmem:$0x0]  }
0x1de: {  	_ = 	snop  }
0x1df: {  	[tilespmem:s16], [sflag:$0x1] =	stream.indirect.gather [hbm4b:s4+s12], $0x80, s28, s12, $0xb8;
	v63 =	vld [tilespmem:$0x0]  }
0x1e0: {  	_ =	swait.ge [sflag:s17], $0x2800  }
0x1e1: {  	[sflag:s17] =	ssyncset.done $0x0  }
0x1e2: {  	[sflag:s17] =	ssyncadd.s32 $0xFFFFD800  }
0x1e3: {  	[spmem:s2] =	stream.indirect.scatter.add.f32 [tilespmem:s13], [sflag:$0x2], $0x80, s29, s12, $0xb8;
	v63 =	vld [tilespmem:$0x0]  }
0x1e4: {  	_ =	swait.ge [sflag:s10], $0x2800  }
0x1e5: {  	[sflag:s10] =	ssyncset.done $0x0  }
0x1e6: {  	[sflag:s10] =	ssyncadd.s32 $0xFFFFD800  }
0x1e7: {  	_ =	swait.ge [sflag:s17], $0x2800  }
0x1e8: {  	[sflag:s17] =	ssyncset.done $0x0  }
0x1e9: {  	[sflag:s17] =	ssyncadd.s32 $0xFFFFD800  }
0x1ea: {  	[spmem:s2] =	stream.indirect.scatter.add.f32 [tilespmem:s14], [sflag:$0x2], $0x80, s30, s12, $0xb8;
	v63 =	vld [tilespmem:$0x0]  }
0x1eb: {  	_ =	swait.ge [sflag:s10], $0x2800  }
0x1ec: {  	[sflag:s10] =	ssyncset.done $0x0  }
0x1ed: {  	[sflag:s10] =	ssyncadd.s32 $0xFFFFD800  }
0x1ee: {  	_ =	swait.ge [sflag:s17], $0x2800  }
0x1ef: {  	[sflag:s17] =	ssyncset.done $0x0  }
0x1f0: {  	[sflag:s17] =	ssyncadd.s32 $0xFFFFD800  }
0x1f1: {  	[spmem:s2] =	stream.indirect.scatter.add.f32 [tilespmem:s15], [sflag:$0x2], $0x80, s31, s12, $0xb8;
	v63 =	vld [tilespmem:$0x0]  }
0x1f2: {  	_ =	swait.ge [sflag:s10], $0x2800  }
0x1f3: {  	[sflag:s10] =	ssyncset.done $0x0  }
0x1f4: {  	[sflag:s10] =	ssyncadd.s32 $0xFFFFD800  }
0x1f5: {  	_ =	swait.ge [sflag:s17], $0x2800  }
0x1f6: {  	[sflag:s17] =	ssyncset.done $0x0  }
0x1f7: {  	[sflag:s17] =	ssyncadd.s32 $0xFFFFD800  }
0x1f8: {  	[spmem:s2] =	stream.indirect.scatter.add.f32 [tilespmem:s16], [sflag:$0x2], $0x80, s1, s12, $0xb8;
	v63 =	vld [tilespmem:$0x0]  }
0x1f9: {  	_ =	swait.ge [sflag:s10], $0x2800  }
0x1fa: {  	[sflag:s10] =	ssyncset.done $0x0  }
0x1fb: {  	[sflag:s10] =	ssyncadd.s32 $0xFFFFD800  }
0x1fc: {  	[tilespmem:s13], [sflag:$0x1] =	stream.indirect.gather [hbm4b:s4+s12], $0x80, s0, s12, $0xb8;
	v63 =	vld [tilespmem:$0x0]  }
0x1fd: {  	p0 =	sne.s32 s6, $0x800;
	_ =	swait.ge [sflag:s17], $0x2800  }
.Ltmp0:
0x1fe: {  	[sflag:s17] =	ssyncset.done $0x0;
	(pc) =	sbr.rel @p0 .LBB2_2-.Ltmp0, $4  }
0x1ff: {  	[sflag:s17] =	ssyncadd.s32 $0xFFFFD800  }
0x200: {  	[spmem:s2] =	stream.indirect.scatter.add.f32 [tilespmem:s13], [sflag:$0x2], $0x80, s5, s12, $0xb8;
	v63 =	vld [tilespmem:$0x0]  }
0x201: {  	_ =	swait.ge [sflag:s10], $0x2800  }
0x202: {  	s6 =	sadd.s32 $0x200, s6;
	s9 =	rddreg [dreg:$0x4];
	[sflag:s10] =	ssyncset.done $0x0  }
0x203: {  	[sflag:s10] =	ssyncadd.s32 $0xFFFFD800;
	s6 =	sadd.s32 s8, s9  }
0x204: {  	[tilespmem:s3], [sflag:$0x2] =	stream.linear.gather [hbm4b:s6+s3], $0xC80, $0x38;
	v63 =	vld [tilespmem:$0x0]  }
0x205: {  	_ =	swait.ge [sflag:s10], $0xC80  }
0x206: {  	s7 =	rddreg [dreg:$0x3];
	[sflag:s10] =	ssyncset.done $0x0  }
0x207: {  	[sflag:s10] =	ssyncadd.s32 $0xFFFFF380;
	s6 =	sadd.s32 s8, s7  }
0x208: {  	[tilespmem:s11], [sflag:$0x2] =	stream.linear.gather [hbm4b:s6+s3], $0xC80, $0x38;
	v63 =	vld [tilespmem:$0x0]  }
0x209: {  	_ =	swait.ge [sflag:s10], $0xC80  }
0x20a: {  	[sflag:s10] =	ssyncset.done $0x0  }
0x20b: {  	[sflag:s10] =	ssyncadd.s32 $0xFFFFF380  }
0x20c: {  	[tilespmem:s13], [sflag:$0x1] =	stream.indirect.gather [hbm4b:s4+s12], $0x80, s3, s12, $0xb8;
	v63 =	vld [tilespmem:$0x0]  }
0x20d: {  	s8 =	rddreg [dreg:$0x5]  }
0x20e: {  	[tilespmem:s14], [sflag:$0x1] =	stream.indirect.gather [hbm4b:s4+s12], $0x80, s8, s12, $0xb8;
	v63 =	vld [tilespmem:$0x0]  }
0x20f: {  	s7 =	rddreg [dreg:$0x6]  }
0x210: {  	[tilespmem:s15], [sflag:$0x1] =	stream.indirect.gather [hbm4b:s4+s12], $0x80, s7, s12, $0xb8;
	v63 =	vld [tilespmem:$0x0]  }
0x211: {  	s9 =	rddreg [dreg:$0x7]  }
0x212: {  	[tilespmem:s16], [sflag:$0x1] =	stream.indirect.gather [hbm4b:s4+s12], $0x80, s9, s12, $0xb8;
	v63 =	vld [tilespmem:$0x0]  }
0x213: {  	_ =	swait.ge [sflag:s17], $0x2800  }
0x214: {  	[sflag:s17] =	ssyncset.done $0x0  }
0x215: {  	[sflag:s17] =	ssyncadd.s32 $0xFFFFD800  }
0x216: {  	[spmem:s2] =	stream.indirect.scatter.add.f32 [tilespmem:s13], [sflag:$0x2], $0x80, s11, s12, $0xb8;
	v63 =	vld [tilespmem:$0x0]  }
0x217: {  	_ =	swait.ge [sflag:s10], $0x2800  }
0x218: {  	[sflag:s10] =	ssyncset.done $0x0  }
0x219: {  	[sflag:s10] =	ssyncadd.s32 $0xFFFFD800  }
0x21a: {  	_ =	swait.ge [sflag:s17], $0x2800  }
0x21b: {  	[sflag:s17] =	ssyncset.done $0x0  }
0x21c: {  	s7 =	rddreg [dreg:$0x8];
	[sflag:s17] =	ssyncadd.s32 $0xFFFFD800  }
0x21d: {  	[spmem:s2] =	stream.indirect.scatter.add.f32 [tilespmem:s14], [sflag:$0x2], $0x80, s7, s12, $0xb8;
	v63 =	vld [tilespmem:$0x0]  }
0x21e: {  	_ =	swait.ge [sflag:s10], $0x2800  }
0x21f: {  	[sflag:s10] =	ssyncset.done $0x0  }
0x220: {  	[sflag:s10] =	ssyncadd.s32 $0xFFFFD800  }
0x221: {  	_ =	swait.ge [sflag:s17], $0x2800  }
0x222: {  	[sflag:s17] =	ssyncset.done $0x0  }
0x223: {  	s8 =	rddreg [dreg:$0x9];
	[sflag:s17] =	ssyncadd.s32 $0xFFFFD800  }
0x224: {  	[spmem:s2] =	stream.indirect.scatter.add.f32 [tilespmem:s15], [sflag:$0x2], $0x80, s8, s12, $0xb8;
	v63 =	vld [tilespmem:$0x0]  }
0x225: {  	_ =	swait.ge [sflag:s10], $0x2800  }
0x226: {  	[sflag:s10] =	ssyncset.done $0x0  }
0x227: {  	[sflag:s10] =	ssyncadd.s32 $0xFFFFD800  }
0x228: {  	_ =	swait.ge [sflag:s17], $0x2800  }
0x229: {  	[sflag:s17] =	ssyncset.done $0x0  }
0x22a: {  	s9 =	rddreg [dreg:$0xa];
	[sflag:s17] =	ssyncadd.s32 $0xFFFFD800  }
0x22b: {  	[spmem:s2] =	stream.indirect.scatter.add.f32 [tilespmem:s16], [sflag:$0x2], $0x80, s9, s12, $0xb8;
	v63 =	vld [tilespmem:$0x0]  }
0x22c: {  	_ =	swait.ge [sflag:s10], $0x2800  }
0x22d: {  	[sflag:s10] =	ssyncset.done $0x0  }
0x22e: {  	s7 =	rddreg [dreg:$0xb];
	[sflag:s10] =	ssyncadd.s32 $0xFFFFD800  }
0x22f: {  	[tilespmem:s13], [sflag:$0x1] =	stream.indirect.gather [hbm4b:s4+s12], $0x80, s7, s12, $0xb8;
	v63 =	vld [tilespmem:$0x0]  }
0x230: {  	s8 =	rddreg [dreg:$0xc]  }
0x231: {  	[tilespmem:s14], [sflag:$0x1] =	stream.indirect.gather [hbm4b:s4+s12], $0x80, s8, s12, $0xb8;
	v63 =	vld [tilespmem:$0x0]  }
0x232: {  	s9 =	rddreg [dreg:$0xd]  }
0x233: {  	[tilespmem:s15], [sflag:$0x1] =	stream.indirect.gather [hbm4b:s4+s12], $0x80, s9, s12, $0xb8;
	v63 =	vld [tilespmem:$0x0]  }
0x234: {  	s8 =	rddreg [dreg:$0xe]  }
0x235: {  	[tilespmem:s16], [sflag:$0x1] =	stream.indirect.gather [hbm4b:s4+s12], $0x80, s8, s12, $0xb8;
	v63 =	vld [tilespmem:$0x0]  }
0x236: {  	_ =	swait.ge [sflag:s17], $0x2800  }
0x237: {  	[sflag:s17] =	ssyncset.done $0x0  }
0x238: {  	s9 =	rddreg [dreg:$0xf];
	[sflag:s17] =	ssyncadd.s32 $0xFFFFD800  }
0x239: {  	[spmem:s2] =	stream.indirect.scatter.add.f32 [tilespmem:s13], [sflag:$0x2], $0x80, s9, s12, $0xb8;
	v63 =	vld [tilespmem:$0x0]  }
0x23a: {  	_ =	swait.ge [sflag:s10], $0x2800  }
0x23b: {  	[sflag:s10] =	ssyncset.done $0x0  }
0x23c: {  	[sflag:s10] =	ssyncadd.s32 $0xFFFFD800  }
0x23d: {  	_ =	swait.ge [sflag:s17], $0x2800  }
0x23e: {  	[sflag:s17] =	ssyncset.done $0x0  }
0x23f: {  	s7 =	rddreg [dreg:$0x10];
	[sflag:s17] =	ssyncadd.s32 $0xFFFFD800  }
0x240: {  	[spmem:s2] =	stream.indirect.scatter.add.f32 [tilespmem:s14], [sflag:$0x2], $0x80, s7, s12, $0xb8;
	v63 =	vld [tilespmem:$0x0]  }
0x241: {  	_ =	swait.ge [sflag:s10], $0x2800  }
0x242: {  	[sflag:s10] =	ssyncset.done $0x0  }
0x243: {  	[sflag:s10] =	ssyncadd.s32 $0xFFFFD800  }
0x244: {  	_ =	swait.ge [sflag:s17], $0x2800  }
0x245: {  	[sflag:s17] =	ssyncset.done $0x0  }
0x246: {  	s8 =	rddreg [dreg:$0x11];
	[sflag:s17] =	ssyncadd.s32 $0xFFFFD800  }
0x247: {  	[spmem:s2] =	stream.indirect.scatter.add.f32 [tilespmem:s15], [sflag:$0x2], $0x80, s8, s12, $0xb8;
	v63 =	vld [tilespmem:$0x0]  }
0x248: {  	_ =	swait.ge [sflag:s10], $0x2800  }
0x249: {  	[sflag:s10] =	ssyncset.done $0x0  }
0x24a: {  	[sflag:s10] =	ssyncadd.s32 $0xFFFFD800  }
0x24b: {  	_ =	swait.ge [sflag:s17], $0x2800  }
0x24c: {  	[sflag:s17] =	ssyncset.done $0x0  }
0x24d: {  	s9 =	rddreg [dreg:$0x12];
	[sflag:s17] =	ssyncadd.s32 $0xFFFFD800  }
0x24e: {  	[spmem:s2] =	stream.indirect.scatter.add.f32 [tilespmem:s16], [sflag:$0x2], $0x80, s9, s12, $0xb8;
	v63 =	vld [tilespmem:$0x0]  }
0x24f: {  	_ =	swait.ge [sflag:s10], $0x2800  }
0x250: {  	[sflag:s10] =	ssyncset.done $0x0  }
0x251: {  	s7 =	rddreg [dreg:$0x13];
	[sflag:s10] =	ssyncadd.s32 $0xFFFFD800  }
0x252: {  	[tilespmem:s13], [sflag:$0x1] =	stream.indirect.gather [hbm4b:s4+s12], $0x80, s7, s12, $0xb8;
	v63 =	vld [tilespmem:$0x0]  }
0x253: {  	s8 =	rddreg [dreg:$0x14]  }
0x254: {  	[tilespmem:s14], [sflag:$0x1] =	stream.indirect.gather [hbm4b:s4+s12], $0x80, s8, s12, $0xb8;
	v63 =	vld [tilespmem:$0x0]  }
0x255: {  	s9 =	rddreg [dreg:$0x15]  }
0x256: {  	[tilespmem:s15], [sflag:$0x1] =	stream.indirect.gather [hbm4b:s4+s12], $0x80, s9, s12, $0xb8;
	v63 =	vld [tilespmem:$0x0]  }
0x257: {  	s8 =	rddreg [dreg:$0x16]  }
0x258: {  	[tilespmem:s16], [sflag:$0x1] =	stream.indirect.gather [hbm4b:s4+s12], $0x80, s8, s12, $0xb8;
	v63 =	vld [tilespmem:$0x0]  }
0x259: {  	_ =	swait.ge [sflag:s17], $0x2800  }
0x25a: {  	[sflag:s17] =	ssyncset.done $0x0  }
0x25b: {  	s9 =	rddreg [dreg:$0x17];
	[sflag:s17] =	ssyncadd.s32 $0xFFFFD800  }
0x25c: {  	[spmem:s2] =	stream.indirect.scatter.add.f32 [tilespmem:s13], [sflag:$0x2], $0x80, s9, s12, $0xb8;
	v63 =	vld [tilespmem:$0x0]  }
0x25d: {  	_ =	swait.ge [sflag:s10], $0x2800  }
0x25e: {  	[sflag:s10] =	ssyncset.done $0x0  }
0x25f: {  	[sflag:s10] =	ssyncadd.s32 $0xFFFFD800  }
0x260: {  	_ =	swait.ge [sflag:s17], $0x2800  }
0x261: {  	[sflag:s17] =	ssyncset.done $0x0  }
0x262: {  	s7 =	rddreg [dreg:$0x18];
	[sflag:s17] =	ssyncadd.s32 $0xFFFFD800  }
0x263: {  	[spmem:s2] =	stream.indirect.scatter.add.f32 [tilespmem:s14], [sflag:$0x2], $0x80, s7, s12, $0xb8;
	v63 =	vld [tilespmem:$0x0]  }
0x264: {  	_ =	swait.ge [sflag:s10], $0x2800  }
0x265: {  	[sflag:s10] =	ssyncset.done $0x0  }
0x266: {  	[sflag:s10] =	ssyncadd.s32 $0xFFFFD800  }
0x267: {  	_ =	swait.ge [sflag:s17], $0x2800  }
0x268: {  	[sflag:s17] =	ssyncset.done $0x0  }
0x269: {  	s8 =	rddreg [dreg:$0x19];
	[sflag:s17] =	ssyncadd.s32 $0xFFFFD800  }
0x26a: {  	[spmem:s2] =	stream.indirect.scatter.add.f32 [tilespmem:s15], [sflag:$0x2], $0x80, s8, s12, $0xb8;
	v63 =	vld [tilespmem:$0x0]  }
0x26b: {  	_ =	swait.ge [sflag:s10], $0x2800  }
0x26c: {  	[sflag:s10] =	ssyncset.done $0x0  }
0x26d: {  	[sflag:s10] =	ssyncadd.s32 $0xFFFFD800  }
0x26e: {  	_ =	swait.ge [sflag:s17], $0x2800  }
0x26f: {  	[sflag:s17] =	ssyncset.done $0x0  }
0x270: {  	s9 =	rddreg [dreg:$0x1a];
	[sflag:s17] =	ssyncadd.s32 $0xFFFFD800  }
0x271: {  	[spmem:s2] =	stream.indirect.scatter.add.f32 [tilespmem:s16], [sflag:$0x2], $0x80, s9, s12, $0xb8;
	v63 =	vld [tilespmem:$0x0]  }
0x272: {  	_ =	swait.ge [sflag:s10], $0x2800  }
0x273: {  	[sflag:s10] =	ssyncset.done $0x0  }
0x274: {  	s7 =	rddreg [dreg:$0x1b];
	[sflag:s10] =	ssyncadd.s32 $0xFFFFD800  }
0x275: {  	[tilespmem:s13], [sflag:$0x1] =	stream.indirect.gather [hbm4b:s4+s12], $0x80, s7, s12, $0xb8;
	v63 =	vld [tilespmem:$0x0]  }
0x276: {  	s8 =	rddreg [dreg:$0x1c]  }
0x277: {  	[tilespmem:s14], [sflag:$0x1] =	stream.indirect.gather [hbm4b:s4+s12], $0x80, s8, s12, $0xb8;
	v63 =	vld [tilespmem:$0x0]  }
0x278: {  	s9 =	rddreg [dreg:$0x1d]  }
0x279: {  	[tilespmem:s15], [sflag:$0x1] =	stream.indirect.gather [hbm4b:s4+s12], $0x80, s9, s12, $0xb8;
	v63 =	vld [tilespmem:$0x0]  }
0x27a: {  	s8 =	rddreg [dreg:$0x1e]  }
0x27b: {  	[tilespmem:s16], [sflag:$0x1] =	stream.indirect.gather [hbm4b:s4+s12], $0x80, s8, s12, $0xb8;
	v63 =	vld [tilespmem:$0x0]  }
0x27c: {  	_ =	swait.ge [sflag:s17], $0x2800  }
0x27d: {  	[sflag:s17] =	ssyncset.done $0x0  }
0x27e: {  	s9 =	rddreg [dreg:$0x1f];
	[sflag:s17] =	ssyncadd.s32 $0xFFFFD800  }
0x27f: {  	[spmem:s2] =	stream.indirect.scatter.add.f32 [tilespmem:s13], [sflag:$0x2], $0x80, s9, s12, $0xb8;
	v63 =	vld [tilespmem:$0x0]  }
0x280: {  	_ =	swait.ge [sflag:s10], $0x2800  }
0x281: {  	[sflag:s10] =	ssyncset.done $0x0  }
0x282: {  	[sflag:s10] =	ssyncadd.s32 $0xFFFFD800  }
0x283: {  	_ =	swait.ge [sflag:s17], $0x2800  }
0x284: {  	s7 =	sld [smem:$0x7F7]  }
0x285: {  	[sflag:s17] =	ssyncset.done $0x0  }
0x286: {  	[sflag:s17] =	ssyncadd.s32 $0xFFFFD800  }
0x287: {  	[spmem:s2] =	stream.indirect.scatter.add.f32 [tilespmem:s14], [sflag:$0x2], $0x80, s7, s12, $0xb8;
	v63 =	vld [tilespmem:$0x0]  }
0x288: {  	_ =	swait.ge [sflag:s10], $0x2800  }
0x289: {  	[sflag:s10] =	ssyncset.done $0x0  }
0x28a: {  	[sflag:s10] =	ssyncadd.s32 $0xFFFFD800  }
0x28b: {  	_ =	swait.ge [sflag:s17], $0x2800  }
0x28c: {  	s8 =	sld [smem:$0x7F8]  }
0x28d: {  	[sflag:s17] =	ssyncset.done $0x0  }
0x28e: {  	[sflag:s17] =	ssyncadd.s32 $0xFFFFD800  }
0x28f: {  	[spmem:s2] =	stream.indirect.scatter.add.f32 [tilespmem:s15], [sflag:$0x2], $0x80, s8, s12, $0xb8;
	v63 =	vld [tilespmem:$0x0]  }
0x290: {  	_ =	swait.ge [sflag:s10], $0x2800  }
0x291: {  	[sflag:s10] =	ssyncset.done $0x0  }
0x292: {  	[sflag:s10] =	ssyncadd.s32 $0xFFFFD800  }
0x293: {  	_ =	swait.ge [sflag:s17], $0x2800  }
0x294: {  	s9 =	sld [smem:$0x7F9]  }
0x295: {  	[sflag:s17] =	ssyncset.done $0x0  }
0x296: {  	[sflag:s17] =	ssyncadd.s32 $0xFFFFD800  }
0x297: {  	[spmem:s2] =	stream.indirect.scatter.add.f32 [tilespmem:s16], [sflag:$0x2], $0x80, s9, s12, $0xb8;
	v63 =	vld [tilespmem:$0x0]  }
0x298: {  	_ =	swait.ge [sflag:s10], $0x2800  }
0x299: {  	s7 =	sld [smem:$0x7FA]  }
0x29a: {  	[sflag:s10] =	ssyncset.done $0x0  }
0x29b: {  	s8 =	sld [smem:$0x7FB];
	[sflag:s10] =	ssyncadd.s32 $0xFFFFD800  }
0x29c: {  	[tilespmem:s13], [sflag:$0x1] =	stream.indirect.gather [hbm4b:s4+s12], $0x80, s7, s12, $0xb8;
	v63 =	vld [tilespmem:$0x0]  }
0x29d: {  	_ = 	snop  }
0x29e: {  	[tilespmem:s14], [sflag:$0x1] =	stream.indirect.gather [hbm4b:s4+s12], $0x80, s8, s12, $0xb8;
	v63 =	vld [tilespmem:$0x0]  }
0x29f: {  	_ = 	snop  }
0x2a0: {  	[tilespmem:s15], [sflag:$0x1] =	stream.indirect.gather [hbm4b:s4+s12], $0x80, s18, s12, $0xb8;
	v63 =	vld [tilespmem:$0x0]  }
0x2a1: {  	_ = 	snop  }
0x2a2: {  	[tilespmem:s16], [sflag:$0x1] =	stream.indirect.gather [hbm4b:s4+s12], $0x80, s19, s12, $0xb8;
	v63 =	vld [tilespmem:$0x0]  }
0x2a3: {  	_ =	swait.ge [sflag:s17], $0x2800  }
0x2a4: {  	[sflag:s17] =	ssyncset.done $0x0  }
0x2a5: {  	[sflag:s17] =	ssyncadd.s32 $0xFFFFD800  }
0x2a6: {  	[spmem:s2] =	stream.indirect.scatter.add.f32 [tilespmem:s13], [sflag:$0x2], $0x80, s20, s12, $0xb8;
	v63 =	vld [tilespmem:$0x0]  }
0x2a7: {  	_ =	swait.ge [sflag:s10], $0x2800  }
0x2a8: {  	[sflag:s10] =	ssyncset.done $0x0  }
0x2a9: {  	[sflag:s10] =	ssyncadd.s32 $0xFFFFD800  }
0x2aa: {  	_ =	swait.ge [sflag:s17], $0x2800  }
0x2ab: {  	[sflag:s17] =	ssyncset.done $0x0  }
0x2ac: {  	[sflag:s17] =	ssyncadd.s32 $0xFFFFD800  }
0x2ad: {  	[spmem:s2] =	stream.indirect.scatter.add.f32 [tilespmem:s14], [sflag:$0x2], $0x80, s21, s12, $0xb8;
	v63 =	vld [tilespmem:$0x0]  }
0x2ae: {  	_ =	swait.ge [sflag:s10], $0x2800  }
0x2af: {  	[sflag:s10] =	ssyncset.done $0x0  }
0x2b0: {  	[sflag:s10] =	ssyncadd.s32 $0xFFFFD800  }
0x2b1: {  	_ =	swait.ge [sflag:s17], $0x2800  }
0x2b2: {  	[sflag:s17] =	ssyncset.done $0x0  }
0x2b3: {  	[sflag:s17] =	ssyncadd.s32 $0xFFFFD800  }
0x2b4: {  	[spmem:s2] =	stream.indirect.scatter.add.f32 [tilespmem:s15], [sflag:$0x2], $0x80, s22, s12, $0xb8;
	v63 =	vld [tilespmem:$0x0]  }
0x2b5: {  	_ =	swait.ge [sflag:s10], $0x2800  }
0x2b6: {  	[sflag:s10] =	ssyncset.done $0x0  }
0x2b7: {  	[sflag:s10] =	ssyncadd.s32 $0xFFFFD800  }
0x2b8: {  	_ =	swait.ge [sflag:s17], $0x2800  }
0x2b9: {  	[sflag:s17] =	ssyncset.done $0x0  }
0x2ba: {  	[sflag:s17] =	ssyncadd.s32 $0xFFFFD800  }
0x2bb: {  	[spmem:s2] =	stream.indirect.scatter.add.f32 [tilespmem:s16], [sflag:$0x2], $0x80, s23, s12, $0xb8;
	v63 =	vld [tilespmem:$0x0]  }
0x2bc: {  	_ =	swait.ge [sflag:s10], $0x2800  }
0x2bd: {  	[sflag:s10] =	ssyncset.done $0x0  }
0x2be: {  	[sflag:s10] =	ssyncadd.s32 $0xFFFFD800  }
0x2bf: {  	[tilespmem:s13], [sflag:$0x1] =	stream.indirect.gather [hbm4b:s4+s12], $0x80, s24, s12, $0xb8;
	v63 =	vld [tilespmem:$0x0]  }
0x2c0: {  	_ = 	snop  }
0x2c1: {  	[tilespmem:s14], [sflag:$0x1] =	stream.indirect.gather [hbm4b:s4+s12], $0x80, s25, s12, $0xb8;
	v63 =	vld [tilespmem:$0x0]  }
0x2c2: {  	_ = 	snop  }
0x2c3: {  	[tilespmem:s15], [sflag:$0x1] =	stream.indirect.gather [hbm4b:s4+s12], $0x80, s26, s12, $0xb8;
	v63 =	vld [tilespmem:$0x0]  }
0x2c4: {  	_ = 	snop  }
0x2c5: {  	[tilespmem:s16], [sflag:$0x1] =	stream.indirect.gather [hbm4b:s4+s12], $0x80, s28, s12, $0xb8;
	v63 =	vld [tilespmem:$0x0]  }
0x2c6: {  	_ =	swait.ge [sflag:s17], $0x2800  }
0x2c7: {  	[sflag:s17] =	ssyncset.done $0x0  }
0x2c8: {  	[sflag:s17] =	ssyncadd.s32 $0xFFFFD800  }
0x2c9: {  	[spmem:s2] =	stream.indirect.scatter.add.f32 [tilespmem:s13], [sflag:$0x2], $0x80, s29, s12, $0xb8;
	v63 =	vld [tilespmem:$0x0]  }
0x2ca: {  	_ =	swait.ge [sflag:s10], $0x2800  }
0x2cb: {  	[sflag:s10] =	ssyncset.done $0x0  }
0x2cc: {  	[sflag:s10] =	ssyncadd.s32 $0xFFFFD800  }
0x2cd: {  	_ =	swait.ge [sflag:s17], $0x2800  }
0x2ce: {  	[sflag:s17] =	ssyncset.done $0x0  }
0x2cf: {  	[sflag:s17] =	ssyncadd.s32 $0xFFFFD800  }
0x2d0: {  	[spmem:s2] =	stream.indirect.scatter.add.f32 [tilespmem:s14], [sflag:$0x2], $0x80, s30, s12, $0xb8;
	v63 =	vld [tilespmem:$0x0]  }
0x2d1: {  	_ =	swait.ge [sflag:s10], $0x2800  }
0x2d2: {  	[sflag:s10] =	ssyncset.done $0x0  }
0x2d3: {  	[sflag:s10] =	ssyncadd.s32 $0xFFFFD800  }
0x2d4: {  	_ =	swait.ge [sflag:s17], $0x2800  }
0x2d5: {  	[sflag:s17] =	ssyncset.done $0x0  }
0x2d6: {  	[sflag:s17] =	ssyncadd.s32 $0xFFFFD800  }
0x2d7: {  	[spmem:s2] =	stream.indirect.scatter.add.f32 [tilespmem:s15], [sflag:$0x2], $0x80, s31, s12, $0xb8;
	v63 =	vld [tilespmem:$0x0]  }
0x2d8: {  	_ =	swait.ge [sflag:s10], $0x2800  }
0x2d9: {  	[sflag:s10] =	ssyncset.done $0x0  }
0x2da: {  	[sflag:s10] =	ssyncadd.s32 $0xFFFFD800  }
0x2db: {  	_ =	swait.ge [sflag:s17], $0x2800  }
0x2dc: {  	[sflag:s17] =	ssyncset.done $0x0  }
0x2dd: {  	[sflag:s17] =	ssyncadd.s32 $0xFFFFD800  }
0x2de: {  	[spmem:s2] =	stream.indirect.scatter.add.f32 [tilespmem:s16], [sflag:$0x2], $0x80, s1, s12, $0xb8;
	v63 =	vld [tilespmem:$0x0]  }
0x2df: {  	_ =	swait.ge [sflag:s10], $0x2800  }
0x2e0: {  	[sflag:s10] =	ssyncset.done $0x0  }
0x2e1: {  	[sflag:s10] =	ssyncadd.s32 $0xFFFFD800  }
0x2e2: {  	[tilespmem:s13], [sflag:$0x1] =	stream.indirect.gather [hbm4b:s4+s12], $0x80, s0, s12, $0xb8;
	v63 =	vld [tilespmem:$0x0]  }
0x2e3: {  	_ =	swait.ge [sflag:s17], $0x2800  }
0x2e4: {  	[sflag:s17] =	ssyncset.done $0x0  }
0x2e5: {  	[sflag:s17] =	ssyncadd.s32 $0xFFFFD800  }
0x2e6: {  	[spmem:s2] =	stream.indirect.scatter.add.f32 [tilespmem:s13], [sflag:$0x2], $0x80, s5, s12, $0xb8;
	v63 =	vld [tilespmem:$0x0]  }
0x2e7: {  	_ =	swait.ge [sflag:s10], $0x2800  }
0x2e8: {  	[sflag:s10] =	ssyncset.done $0x0  }
0x2e9: {  	[sflag:s10] =	ssyncadd.s32 $0xFFFFD800  }
0x2ea: {  	[bflag:$0x0] =	sbarrier.arrive $0xFFFF  }
0x2eb: {  	s7 =	sld [smem:$0x7FC]  }
0x2ec: {  	s9 =	sld [smem:$0x7F5]  }
0x2ed: {  	s8 =	sld [smem:$0x7FD];
	_ =	sdelay $0x2  }
0x2ee: {  	[hbm:s9], [sflag:s7] =	dma.local [spmem:s8], $0x2800  }
0x2ef: {  	_ =	swait.ge [sflag:s10], $0x2800  }
0x2f0: {  	s6 =	sld [smem:$0x7F3];
	_ =	sdelay $0x2  }
0x2f1: {  	s9 =	sadd.s32 $0x1, s6;
	s6 =	sld [smem:$0x7F6];
	_ =	sdelay $0x2  }
0x2f2: {  	p0 =	sne.s32 s9, s6  }
.Ltmp1:
0x2f3: {  	_ = 	snop;
	(pc) =	sbr.rel @p0 .LBB2_1-.Ltmp1, $3  }
0x2f4: {  	_ =	sdelay $0x1  }
0x2f5: {  	[sflag:s10] =	ssyncset.done $0x0  }
0x2f6: {  	[sflag:s10] =	ssyncadd.s32 $0xFFFFD800  }
0x2f7: {  	_ =	sfence.sel $0x180000  }
0x2f8: {  	[bflag:$0x0] =	sbarrier.arrive $0xFFFF  }
0x2f9: {  	_ =	strace $0x9000004A  }
0x2fa: {  	s0 =	stileid.u32;
	[bflag:$0x2] =	sbarrier.arrive $0xFFFF  }
0x2fb: {  	p0 =	sne.s32 s0, $0x0;
	s0 =	rddreg [dreg:$0x2]  }
0x2fc: {  	s0 =	sadd.s32 @!p0 $0x100000, s0  }
0x2fd: {  	[sflag:s0] =	ssyncadd.tile.s32 @!p0 $0x1;
	_ =	shalt  }
.Lfunc_end2:
_tile_overlayer_lowered:
.L_overlay_start_2:
0x2fe: {  	(tag) =	ssettag $0x2  }
0x2ff: {  	s0 =	rddreg [dreg:$0x0];
	s2 =	stileid.u32  }
0x300: {  	s1 =	rddreg [dreg:$0x1];
	p0 =	sne.s32 s2, $0x0  }
0x301: {  	s3 =	rddreg [dreg:$0x2];
	[bflag:$0x3] =	sbarrier.arrive $0xFFFF;
	s2 =	simm.s32 @!p0 $0x1C02  }
0x302: {  	[timem:s3], [sflag:s2] =	dma.local @!p0 [hbm:s0], s1  }
0x303: {  	s0 =	simm.s32 @!p0 $0x2  }
0x304: {  	_ =	swait.ge @!p0 [sflag:s0], s1  }
0x305: {  	s1 =	ssub.s32 @!p0 $0x0, s1;
	[sflag:s0] =	ssyncset.done @!p0 $0x0  }
0x306: {  	[sflag:s0] =	ssyncadd.s32 @!p0 s1  }
0x307: {  	[bflag:$0x3] =	sbarrier.arrive $0xFFFF  }
0x308: {  	_ =	shalt  }

// kernel: kernel.19.cloned.1.call-start
scs
__scs_entry_jumppad:
0x0: {  	(pc) =	sbr.rel $0x88, $3  }
0x1: {  	(tag) =	ssettag $0x0;
	lr =	simm.s32 $0x1  }
0x2: {  	[smem:$0x3F8F] =	sst lr;
	_ =	strace $0xD0000000  }
0x3: {  	_ = 	snop  }
0x4: {  	_ = 	snop  }
0x5: {  	_ = 	snop  }
0x6: {  	_ = 	snop  }
0x7: {  	_ = 	snop  }
__scs_overlays_trampoline_lowered:
0x8: {  	[smem:$0x3F9E] =	sst s0  }
0x9: {  	[smem:$0x3F9F] =	sst s1  }
0xa: {  	[smem:$0x3FA0] =	sst s2  }
0xb: {  	[smem:$0x3FA1] =	sst s3  }
0xc: {  	[smem:$0x3FA2] =	sst s4  }
0xd: {  	[smem:$0x3FA3] =	sst s5  }
0xe: {  	[smem:$0x3FA4] =	sst s6  }
0xf: {  	[smem:$0x3FA5] =	sst s7  }
0x10: {  	[smem:$0x3FA6] =	sst s8  }
0x11: {  	[smem:$0x3FA7] =	sst s9;
	s0 =	simm.s32 @!p0 $0x0  }
0x12: {  	s1 =	sld [smem:$0x3F8D];
	s0 =	simm.s32 @p0 $0x1  }
0x13: {  	[smem:$0x3FA8] =	sst s0;
	s0 =	simm.s32 @!p1 $0x0  }
0x14: {  	s2 =	sld [smem:$0x3F8C];
	s0 =	simm.s32 @p1 $0x1  }
0x15: {  	[smem:$0x3FA9] =	sst s0;
	s0 =	simm.s32 @!p2 $0x0  }
0x16: {  	s3 =	sld [smem:$0x3FDB];
	s0 =	simm.s32 @p2 $0x1  }
0x17: {  	s4 =	simm.s32 $0x1BF5;
	[smem:$0x3FAB] =	sst s0  }
0x18: {  	s0 =	sld [smem:$0x3F8E];
	_ =	swait.ge [sflag:s4], $0x0  }
0x19: {  	s7 =	sld [smem:$0x3F8F]  }
0x1a: {  	s8 =	sadd.s32 $0xFFFFE003, lr  }
0x1b: {  	s9 =	sadd.s32 $0xFFFFFEF7, lr;
	s5 =	simm.s32 $0xFFFFFFFF;
	p2 =	slt.u32 s8, $0xFFFFF086  }
0x1c: {  	p1 =	slt.u32 s9, $0xF7A;
	s5 =	simm.s32 @!p2 $0x0  }
0x1d: {  	s5 =	simm.s32 @p1 $0x1;
	p0 =	seq.s32 s7, s2  }
0x1e: {  	s7 =	smul.u32 @!p0 $0xF7A, s2;
	p2 =	seq.s32 @!p0 s5, $0x0  }
0x1f: {  	s9 =	smul.u32 $0xF7A, s1;
	s8 =	simm.s32 @!p0 $0x1BF5;
	p2 =	por !p2, p0  }
0x20: {  	[sflag:s8] =	ssyncset.s32 @!p0 $0xFFFFF086;
	s6 =	sadd.s32 @!p0 s3, s7;
	s7 =	simm.s32 @!p0 $0x108  }
0x21: {  	s3 =	sadd.s32 s3, s9;
	s6 =	sadd.s32 @!p0 $0x88, s6;
	s7 =	simm.s32 @p2 $0x1082  }
0x22: {  	[simem:s7], [sflag:s8] =	dma.local @!p0 [hbm:s6], $0xF7A  }
0x23: {  	s9 =	sor.u32 $0xD0000000, s2;
	s6 =	simm.s32 $0x108;
	_ =	swait.ge @!p0 [sflag:s8], $0x0  }
0x24: {  	s3 =	sadd.s32 $0x88, s3;
	s6 =	simm.s32 @!p1 $0x1082;
	[sflag:s4] =	ssyncset.s32 $0xFFFFF086  }
0x25: {  	[simem:s6], [sflag:s4] =	dma.local [hbm:s3], $0xF7A  }
0x26: {  	[smem:$0x3F8F] =	sst s1;
	(tag) =	ssettag s2;
	_ =	strace s9  }
0x27: {  	s1 =	sld [smem:$0x3F9F]  }
0x28: {  	s2 =	sld [smem:$0x3FA0]  }
0x29: {  	s4 =	sld [smem:$0x3FA2]  }
0x2a: {  	p0 =	seq.s32 s5, $0x0;
	s5 =	sld [smem:$0x3FA3]  }
0x2b: {  	s6 =	sld [smem:$0x3FA4]  }
0x2c: {  	s7 =	sld [smem:$0x3FA5]  }
0x2d: {  	s3 =	simm.s32 $0x108;
	s8 =	sld [smem:$0x3FA6]  }
0x2e: {  	s3 =	simm.s32 @!p0 $0x1082;
	s9 =	sld [smem:$0x3FA7]  }
0x2f: {  	lr =	sadd.s32 s0, s3;
	s0 =	sld [smem:$0x3F9E]  }
0x30: {  	s3 =	sld [smem:$0x3FA1]  }
0x31: {  	[smem:$0x3FAA] =	sst s10  }
0x32: {  	s10 =	sld [smem:$0x3FA8];
	_ =	sdelay $0x3  }
0x33: {  	p0 =	seq.s32 s10, $0x1;
	s10 =	sld [smem:$0x3FAA];
	_ =	sdelay $0x3  }
0x34: {  	[smem:$0x3FAA] =	sst s10  }
0x35: {  	s10 =	sld [smem:$0x3FA9];
	_ =	sdelay $0x3  }
0x36: {  	p1 =	seq.s32 s10, $0x1;
	s10 =	sld [smem:$0x3FAA];
	_ =	sdelay $0x3  }
0x37: {  	[smem:$0x3FAA] =	sst s10  }
0x38: {  	s10 =	sld [smem:$0x3FAB]  }
0x39: {  	_ = 	snop;
	(pc) =	sbr.ind lr, $3  }
0x3a: {  	_ = 	snop  }
0x3b: {  	_ = 	snop  }
0x3c: {  	p2 =	seq.s32 s10, $0x1;
	s10 =	sld [smem:$0x3FAA]  }
0x3d: {  	_ =	shalt  }
0x3e: {  	_ =	shalt  }
0x3f: {  	_ =	shalt  }
0x40: {  	_ =	shalt  }
0x41: {  	_ =	shalt  }
0x42: {  	_ =	shalt  }
0x43: {  	_ =	shalt  }
0x44: {  	_ =	shalt  }
0x45: {  	_ =	shalt  }
0x46: {  	_ =	shalt  }
0x47: {  	_ =	shalt  }
0x48: {  	_ =	shalt  }
0x49: {  	_ =	shalt  }
0x4a: {  	_ =	shalt  }
0x4b: {  	_ =	shalt  }
0x4c: {  	_ =	shalt  }
0x4d: {  	_ =	shalt  }
0x4e: {  	_ =	shalt  }
0x4f: {  	_ =	shalt  }
0x50: {  	_ =	shalt  }
0x51: {  	_ =	shalt  }
0x52: {  	_ =	shalt  }
0x53: {  	_ =	shalt  }
0x54: {  	_ =	shalt  }
0x55: {  	_ =	shalt  }
0x56: {  	_ =	shalt  }
0x57: {  	_ =	shalt  }
0x58: {  	_ =	shalt  }
0x59: {  	_ =	shalt  }
0x5a: {  	_ =	shalt  }
0x5b: {  	_ =	shalt  }
0x5c: {  	_ =	shalt  }
0x5d: {  	_ =	shalt  }
0x5e: {  	_ =	shalt  }
0x5f: {  	_ =	shalt  }
0x60: {  	_ =	shalt  }
0x61: {  	_ =	shalt  }
0x62: {  	_ =	shalt  }
0x63: {  	_ =	shalt  }
0x64: {  	_ =	shalt  }
0x65: {  	_ =	shalt  }
0x66: {  	_ =	shalt  }
0x67: {  	_ =	shalt  }
0x68: {  	_ =	shalt  }
0x69: {  	_ =	shalt  }
0x6a: {  	_ =	shalt  }
0x6b: {  	_ =	shalt  }
0x6c: {  	_ =	shalt  }
0x6d: {  	_ =	shalt  }
0x6e: {  	_ =	shalt  }
0x6f: {  	_ =	shalt  }
0x70: {  	_ =	shalt  }
0x71: {  	_ =	shalt  }
0x72: {  	_ =	shalt  }
0x73: {  	_ =	shalt  }
0x74: {  	_ =	shalt  }
0x75: {  	_ =	shalt  }
0x76: {  	_ =	shalt  }
0x77: {  	_ =	shalt  }
0x78: {  	_ =	shalt  }
0x79: {  	_ =	shalt  }
0x7a: {  	_ =	shalt  }
0x7b: {  	_ =	shalt  }
0x7c: {  	_ =	shalt  }
0x7d: {  	_ =	shalt  }
0x7e: {  	_ =	shalt  }
0x7f: {  	_ =	shalt  }
0x80: {  	_ =	shalt  }
0x81: {  	_ =	shalt  }
0x82: {  	_ =	shalt  }
0x83: {  	_ =	shalt  }
0x84: {  	_ =	shalt  }
0x85: {  	_ =	shalt  }
0x86: {  	_ =	shalt  }
0x87: {  	_ =	shalt  }
.Lfunc_end0:
.L_simem_size_0:
called_computation.2_lowered:
.L_overlay_start_0:
0x88: {  	s2 =	sld [smem:$0x3FD9]  }
0x89: {  	s3 =	sld [smem:$0x3FFE];
	_ =	sdelay $0x1  }
0x8a: {  	s1 =	srdreg.scid  }
0x8b: {  	s0 =	sand.u32 $0x1, s1  }
0x8c: {  	s16 =	sshll.u32 s0, $0xA;
	s2 =	sadd.s32 s3, s2  }
0x8d: {  	s2 =	sadd.s32 s2, s16  }
0x8e: {  	[smem:$0x3FB6] =	sst s2  }
0x8f: {  	_ = 	snop  }
0x90: {  	(tm) =	ssettm $0x1  }
0x91: {  	s17 =	sld [smem:$0x3FFB];
	_ =	sdelay $0x3  }
0x92: {  	_ =	strace s17  }
0x93: {  	s2 =	sld [smem:$0x3FFC];
	_ =	sdelay $0x3  }
0x94: {  	_ =	strace s2  }
0x95: {  	s2 =	sld [smem:$0x3FFD];
	_ =	sdelay $0x3  }
0x96: {  	_ =	strace s2  }
0x97: {  	_ =	strace $0x8FFFFFFF  }
0x98: {  	s18 =	sld [smem:$0x3FDB];
	_ =	sdelay $0x1  }
0x99: {  	s19 =	simm.s32 $_scs_section_size  }
0x9a: {  	s4 =	simm.s32 $_size__tile_overlayer_lowered;
	s5 =	simm.s32 $_tile_overlayer_lowered  }
0x9b: {  	s22 =	simm.s32 $0x1BFF;
	s21 =	sshll.u32 s5, $0x1;
	s2 =	sadd.s32 s19, s18  }
0x9c: {  	s6 =	simm.s32 $0x0;
	s20 =	sshll.u32 s4, $0x1;
	s4 =	sadd.s32 s21, s2  }
0x9d: {  	[timem:s6], [sflag:s22] =	dma.local [hbm:s4], s20  }
0x9e: {  	_ =	swait.ge [sflag:s22], s20  }
0x9f: {  	s3 =	ssub.s32 $0x0, s20;
	[sflag:s22] =	ssyncset.done $0x0  }
0xa0: {  	[sflag:s22] =	ssyncadd.s32 s3;
	_ =	sdelay $0x1  }
0xa1: {  	s23 =	simm.s32 $0x1B8B  }
0xa2: {  	_ =	swait.ge [sflag:s23], $0x1  }
0xa3: {  	[sflag:s23] =	ssyncset.done $0x0  }
0xa4: {  	s25 =	simm.s32 $0x1B8E;
	s24 =	sld [smem:$0x3FFE];
	[sflag:s23] =	ssyncadd.s32 $0xFFFFFFFF  }
0xa5: {  	s26 =	simm.s32 $execute0_lowered;
	[smem:$0x3FD2] =	sst s25  }
0xa6: {  	s4 =	sshll.u32 s26, $0x1;
	_ =	strace $0x8000004C;
	[dreg:$0x1] =	wrdreg $0xFFFFFFFF  }
0xa7: {  	s28 =	simm.s32 $_size_execute0_lowered;
	s2 =	sadd.s32 s2, s4;
	[dreg:$0x0] =	wrdreg $0x0  }
0xa8: {  	s4 =	sshll.u32 s28, $0x1;
	[dreg:$0x2] =	wrdreg s2  }
0xa9: {  	[dreg:$0x3] =	wrdreg s4  }
0xaa: {  	[dreg:$0x4] =	wrdreg $0xC0  }
0xab: {  	_ =	task [dreg:s6], $0x5FFFF  }
0xac: {  	[dreg:$0x1] =	wrdreg $0xFFFFFFFF  }
0xad: {  	[dreg:$0x0] =	wrdreg $0x60  }
0xae: {  	[dreg:$0x2] =	wrdreg s24  }
0xaf: {  	[dreg:$0x3] =	wrdreg $0xC0000  }
0xb0: {  	[dreg:$0x4] =	wrdreg $0x9  }
0xb1: {  	_ =	task.clear_ibuf [dreg:s6], $0x5FFFF;
	_ =	strace $0x9000004C  }
0xb2: {  	s29 =	simm.s32 $0x9;
	_ =	strace $0x8000004E  }
0xb3: {  	_ =	swait.ge [sflag:s29], $0x1  }
0xb4: {  	[sflag:s29] =	ssyncadd.s32 $0xFFFFFFFF  }
0xb5: {  	_ =	strace $0x9000004E  }
0xb6: {  	_ =	sfence  }
0xb7: {  	s30 =	sld [smem:$0x0];
	_ =	sdelay $0x2  }
0xb8: {  	s31 =	sshll.u32 s1, $0xD;
	s1 =	sshrl.u32 s1, $0x2  }
0xb9: {  	s3 =	sand.u32 $0x4000, s31;
	s1 =	sadd.s32 s1, s30  }
0xba: {  	s0 =	sor.u32 s3, s0;
	s1 =	sshll.u32 s1, $0x11  }
0xbb: {  	s0 =	sor.u32 s1, s0  }
0xbc: {  	s0 =	sadd.s32 $0x8F2B, s0  }
0xbd: {  	[sflag:s0] =	ssyncadd.remote.s32 $0x1  }
0xbe: {  	_ =	sfence.sel $0xFFFF  }
0xbf: {  	[dreg:$0x0] =	wrdreg $0xFFFFFFFF;
	(pc) =	sbr.abs _section_cstart, $3  }
0xc0: {  	[dreg:$0x1] =	wrdreg $0xFFFFFFFF  }
0xc1: {  	_ =	task.clear_ibuf [dreg:s6], $0x2FFFF;
	_ =	strace $0x9FFFFFFF  }
0xc2: {  	(tm) =	ssettm $0x7FFFFFFF  }
0xc3: {  	_ =	shalt  }
tec
execute0_lowered:
.L_overlay_start_1:
0x0: {  	(tag) =	ssettag $0x1  }
0x1: {  	s0 =	srdreg.scid;
	s8 =	stileid.u32  }
0x2: {  	s0 =	sand.u32 $0x1, s0;
	s3 =	smul.u32 $0x5000, s8  }
0x3: {  	s1 =	smul.u32 $0x50000, s0  }
0x4: {  	s5 =	rddreg [dreg:$0x0]  }
0x5: {  	s2 =	rddreg [dreg:$0x1];
	s1 =	sadd.s32 s3, s1;
	s3 =	simm.s32 $0x0  }
0x6: {  	s9 =	simm.s32 $0x80;
	[smem:$0x7FF] =	sst s3  }
0x7: {  	s10 =	simm.s32 $0x100;
	_ =	strace $0x8000004D;
	[dreg:$0x5] =	wrdreg s9  }
0x8: {  	s11 =	simm.s32 $0x180;
	[dreg:$0x6] =	wrdreg s10  }
0x9: {  	s12 =	simm.s32 $0x1080;
	[dreg:$0x7] =	wrdreg s11  }
0xa: {  	s13 =	simm.s32 $0x1100;
	s14 =	simm.s32 $0x1180;
	[dreg:$0x8] =	wrdreg s12  }
0xb: {  	s15 =	simm.s32 $0x200;
	s16 =	simm.s32 $0x280;
	[dreg:$0x9] =	wrdreg s13  }
0xc: {  	s17 =	simm.s32 $0x300;
	s18 =	simm.s32 $0x380;
	[dreg:$0xa] =	wrdreg s14  }
0xd: {  	s19 =	simm.s32 $0x1200;
	s20 =	simm.s32 $0x1280;
	[dreg:$0xb] =	wrdreg s15  }
0xe: {  	s21 =	simm.s32 $0x1300;
	s22 =	simm.s32 $0x1380;
	[dreg:$0xc] =	wrdreg s16  }
0xf: {  	s24 =	simm.s32 $0x400;
	s26 =	simm.s32 $0x480;
	[dreg:$0xd] =	wrdreg s17  }
0x10: {  	s28 =	simm.s32 $0xB80;
	s29 =	simm.s32 $0x1A00;
	[dreg:$0xe] =	wrdreg s18  }
0x11: {  	s30 =	simm.s32 $0x1A80;
	s7 =	smul.u32 $0x14000, s8;
	[dreg:$0xf] =	wrdreg s19  }
0x12: {  	s31 =	simm.s32 $0x1B00;
	s6 =	smul.u32 $0x140000, s0;
	[dreg:$0x10] =	wrdreg s20  }
0x13: {  	s25 =	smul.u32 $0x50000, s8;
	s0 =	ssub.s32 $0x2, s0;
	[dreg:$0x11] =	wrdreg s21  }
0x14: {  	s23 =	sshrl.u32 s0, $0x1;
	s6 =	sadd.s32 s7, s6;
	[dreg:$0x12] =	wrdreg s22  }
0x15: {  	s0 =	ssub.s32 s0, s23;
	s23 =	simm.s32 $0x1700;
	[dreg:$0x13] =	wrdreg s24  }
0x16: {  	s1 =	sshrl.u32 s1, $0x3;
	s0 =	smax.u32 s0, $0x1;
	[dreg:$0x14] =	wrdreg s26  }
0x17: {  	s6 =	sshrl.u32 s6, $0x3;
	s1 =	sadd.s32 s1, s5;
	[smem:$0x7F6] =	sst s0  }
0x18: {  	s9 =	sadd.s32 $0x14E00, s5;
	s10 =	sshrl.u32 s25, $0x2;
	[smem:$0x7F8] =	sst s23  }
0x19: {  	s11 =	simm.s32 $0x580;
	s12 =	simm.s32 $0x1400;
	[smem:$0x7F4] =	sst s9  }
0x1a: {  	s13 =	sshll.u32 s8, $0x6;
	s14 =	simm.s32 $0x1480;
	[dreg:$0x16] =	wrdreg s11  }
0x1b: {  	s15 =	simm.s32 $0x1500;
	s16 =	simm.s32 $0x1580;
	[dreg:$0x17] =	wrdreg s12  }
0x1c: {  	s17 =	simm.s32 $0x600;
	s18 =	simm.s32 $0x680;
	[dreg:$0x18] =	wrdreg s14  }
0x1d: {  	s19 =	simm.s32 $0x700;
	s20 =	simm.s32 $0x780;
	[dreg:$0x19] =	wrdreg s15  }
0x1e: {  	s21 =	simm.s32 $0x1600;
	s22 =	simm.s32 $0x1680;
	[dreg:$0x1a] =	wrdreg s16  }
0x1f: {  	s24 =	simm.s32 $0x1780;
	s25 =	simm.s32 $0x800;
	[dreg:$0x1b] =	wrdreg s17  }
0x20: {  	s26 =	simm.s32 $0x880;
	s23 =	simm.s32 $0x1980;
	[dreg:$0x1c] =	wrdreg s18  }
0x21: {  	s0 =	simm.s32 $0xC00;
	s4 =	sadd.s32 $0x67600, s1;
	[dreg:$0x1d] =	wrdreg s19  }
0x22: {  	s1 =	sadd.s32 $0x7B600, s1;
	s9 =	simm.s32 $0x500;
	[dreg:$0x1e] =	wrdreg s20  }
0x23: {  	s7 =	sor.u32 $0x1C02, s13;
	s11 =	simm.s32 $0x1000;
	[dreg:$0x1f] =	wrdreg s21  }
0x24: {  	s12 =	simm.s32 $0x50;
	s13 =	simm.s32 $0x2000;
	[smem:$0x7F7] =	sst s22  }
0x25: {  	s14 =	simm.s32 $0x4800;
	s15 =	simm.s32 $0x7000;
	[smem:$0x7F9] =	sst s24  }
0x26: {  	s16 =	simm.s32 $0x9800;
	s17 =	simm.s32 $0x1;
	[smem:$0x7FA] =	sst s25  }
0x27: {  	[smem:$0x7FB] =	sst s26;
	s18 =	simm.s32 $0x900;
	s19 =	simm.s32 $0x980  }
0x28: {  	s20 =	simm.s32 $0x1800;
	s21 =	simm.s32 $0x1880;
	s22 =	simm.s32 $0x1900  }
0x29: {  	s24 =	simm.s32 $0xA00;
	s25 =	simm.s32 $0xA80;
	[dreg:$0x3] =	wrdreg s4  }
0x2a: {  	s26 =	simm.s32 $0xB00;
	[dreg:$0x4] =	wrdreg s1;
	s4 =	sadd.s32 $0x17600, s5  }
0x2b: {  	s5 =	sadd.s32 s6, s5;
	[dreg:$0x15] =	wrdreg s9;
	s6 =	sadd.s32 s10, s2  }
0x2c: {  	s10 =	simm.s32 $0x2;
	[smem:$0x7FC] =	sst s7;
	s5 =	sadd.s32 $0x8F600, s5  }
0x2d: {  	s1 =	simm.s32 $0x1B80;
	s8 =	sshrl.u32 s6, $0x3;
	[smem:$0x7F5] =	sst s5  }
0x2e: {  	s9 =	simm.s32 $0x0;
	s5 =	simm.s32 $0x1C00;
	[smem:$0x7FD] =	sst s8  }
.LBB2_1:
0x2f: {  	s6 =	sld [smem:$0x7F4];
	_ =	sdelay $0x1  }
0x30: {  	[smem:$0x7F3] =	sst s9  }
0x31: {  	[spmem:s8], [sflag:s7] =	dma.local [hbm:s6], $0x2800  }
0x32: {  	_ =	swait.ge [sflag:s10], $0x2800  }
0x33: {  	[sflag:s10] =	ssyncset.done $0x0  }
0x34: {  	[sflag:s10] =	ssyncadd.s32 $0xFFFFD800  }
0x35: {  	[bflag:$0x0] =	sbarrier.arrive $0xFFFF  }
0x36: {  	s9 =	rddreg [dreg:$0x4]  }
0x37: {  	s6 =	sadd.s32 $0x0, s9  }
0x38: {  	[tilespmem:s3], [sflag:$0x2] =	stream.linear.gather [hbm4b:s6+s3], $0xC80, $0x38;
	v63 =	vld [tilespmem:$0x0]  }
0x39: {  	_ =	swait.ge [sflag:s10], $0xC80  }
0x3a: {  	s7 =	rddreg [dreg:$0x3];
	[sflag:s10] =	ssyncset.done $0x0  }
0x3b: {  	[sflag:s10] =	ssyncadd.s32 $0xFFFFF380;
	s6 =	sadd.s32 $0x0, s7  }
0x3c: {  	[tilespmem:s11], [sflag:$0x2] =	stream.linear.gather [hbm4b:s6+s3], $0xC80, $0x38;
	v63 =	vld [tilespmem:$0x0]  }
0x3d: {  	_ =	swait.ge [sflag:s10], $0xC80  }
0x3e: {  	[sflag:s10] =	ssyncset.done $0x0  }
0x3f: {  	[sflag:s10] =	ssyncadd.s32 $0xFFFFF380  }
0x40: {  	[tilespmem:s13], [sflag:$0x1] =	stream.indirect.gather [hbm4b:s4+s12], $0x80, s3, s12, $0xb8;
	v63 =	vld [tilespmem:$0x0]  }
0x41: {  	s8 =	rddreg [dreg:$0x5]  }
0x42: {  	[tilespmem:s14], [sflag:$0x1] =	stream.indirect.gather [hbm4b:s4+s12], $0x80, s8, s12, $0xb8;
	v63 =	vld [tilespmem:$0x0]  }
0x43: {  	s9 =	rddreg [dreg:$0x6]  }
0x44: {  	[tilespmem:s15], [sflag:$0x1] =	stream.indirect.gather [hbm4b:s4+s12], $0x80, s9, s12, $0xb8;
	v63 =	vld [tilespmem:$0x0]  }
0x45: {  	s7 =	rddreg [dreg:$0x7]  }
0x46: {  	[tilespmem:s16], [sflag:$0x1] =	stream.indirect.gather [hbm4b:s4+s12], $0x80, s7, s12, $0xb8;
	v63 =	vld [tilespmem:$0x0]  }
0x47: {  	_ =	swait.ge [sflag:s17], $0x2800  }
0x48: {  	[sflag:s17] =	ssyncset.done $0x0  }
0x49: {  	[sflag:s17] =	ssyncadd.s32 $0xFFFFD800  }
0x4a: {  	[spmem:s2] =	stream.indirect.scatter.add.f32 [tilespmem:s13], [sflag:$0x2], $0x80, s11, s12, $0xb8;
	v63 =	vld [tilespmem:$0x0]  }
0x4b: {  	_ =	swait.ge [sflag:s10], $0x2800  }
0x4c: {  	[sflag:s10] =	ssyncset.done $0x0  }
0x4d: {  	[sflag:s10] =	ssyncadd.s32 $0xFFFFD800  }
0x4e: {  	_ =	swait.ge [sflag:s17], $0x2800  }
0x4f: {  	[sflag:s17] =	ssyncset.done $0x0  }
0x50: {  	s8 =	rddreg [dreg:$0x8];
	[sflag:s17] =	ssyncadd.s32 $0xFFFFD800  }
0x51: {  	[spmem:s2] =	stream.indirect.scatter.add.f32 [tilespmem:s14], [sflag:$0x2], $0x80, s8, s12, $0xb8;
	v63 =	vld [tilespmem:$0x0]  }
0x52: {  	_ =	swait.ge [sflag:s10], $0x2800  }
0x53: {  	[sflag:s10] =	ssyncset.done $0x0  }
0x54: {  	[sflag:s10] =	ssyncadd.s32 $0xFFFFD800  }
0x55: {  	_ =	swait.ge [sflag:s17], $0x2800  }
0x56: {  	[sflag:s17] =	ssyncset.done $0x0  }
0x57: {  	s9 =	rddreg [dreg:$0x9];
	[sflag:s17] =	ssyncadd.s32 $0xFFFFD800  }
0x58: {  	[spmem:s2] =	stream.indirect.scatter.add.f32 [tilespmem:s15], [sflag:$0x2], $0x80, s9, s12, $0xb8;
	v63 =	vld [tilespmem:$0x0]  }
0x59: {  	_ =	swait.ge [sflag:s10], $0x2800  }
0x5a: {  	[sflag:s10] =	ssyncset.done $0x0  }
0x5b: {  	[sflag:s10] =	ssyncadd.s32 $0xFFFFD800  }
0x5c: {  	_ =	swait.ge [sflag:s17], $0x2800  }
0x5d: {  	[sflag:s17] =	ssyncset.done $0x0  }
0x5e: {  	s7 =	rddreg [dreg:$0xa];
	[sflag:s17] =	ssyncadd.s32 $0xFFFFD800  }
0x5f: {  	[spmem:s2] =	stream.indirect.scatter.add.f32 [tilespmem:s16], [sflag:$0x2], $0x80, s7, s12, $0xb8;
	v63 =	vld [tilespmem:$0x0]  }
0x60: {  	_ =	swait.ge [sflag:s10], $0x2800  }
0x61: {  	[sflag:s10] =	ssyncset.done $0x0  }
0x62: {  	s8 =	rddreg [dreg:$0xb];
	[sflag:s10] =	ssyncadd.s32 $0xFFFFD800  }
0x63: {  	[tilespmem:s13], [sflag:$0x1] =	stream.indirect.gather [hbm4b:s4+s12], $0x80, s8, s12, $0xb8;
	v63 =	vld [tilespmem:$0x0]  }
0x64: {  	s9 =	rddreg [dreg:$0xc]  }
0x65: {  	[tilespmem:s14], [sflag:$0x1] =	stream.indirect.gather [hbm4b:s4+s12], $0x80, s9, s12, $0xb8;
	v63 =	vld [tilespmem:$0x0]  }
0x66: {  	s7 =	rddreg [dreg:$0xd]  }
0x67: {  	[tilespmem:s15], [sflag:$0x1] =	stream.indirect.gather [hbm4b:s4+s12], $0x80, s7, s12, $0xb8;
	v63 =	vld [tilespmem:$0x0]  }
0x68: {  	s9 =	rddreg [dreg:$0xe]  }
0x69: {  	[tilespmem:s16], [sflag:$0x1] =	stream.indirect.gather [hbm4b:s4+s12], $0x80, s9, s12, $0xb8;
	v63 =	vld [tilespmem:$0x0]  }
0x6a: {  	_ =	swait.ge [sflag:s17], $0x2800  }
0x6b: {  	[sflag:s17] =	ssyncset.done $0x0  }
0x6c: {  	s7 =	rddreg [dreg:$0xf];
	[sflag:s17] =	ssyncadd.s32 $0xFFFFD800  }
0x6d: {  	[spmem:s2] =	stream.indirect.scatter.add.f32 [tilespmem:s13], [sflag:$0x2], $0x80, s7, s12, $0xb8;
	v63 =	vld [tilespmem:$0x0]  }
0x6e: {  	_ =	swait.ge [sflag:s10], $0x2800  }
0x6f: {  	[sflag:s10] =	ssyncset.done $0x0  }
0x70: {  	[sflag:s10] =	ssyncadd.s32 $0xFFFFD800  }
0x71: {  	_ =	swait.ge [sflag:s17], $0x2800  }
0x72: {  	[sflag:s17] =	ssyncset.done $0x0  }
0x73: {  	s8 =	rddreg [dreg:$0x10];
	[sflag:s17] =	ssyncadd.s32 $0xFFFFD800  }
0x74: {  	[spmem:s2] =	stream.indirect.scatter.add.f32 [tilespmem:s14], [sflag:$0x2], $0x80, s8, s12, $0xb8;
	v63 =	vld [tilespmem:$0x0]  }
0x75: {  	_ =	swait.ge [sflag:s10], $0x2800  }
0x76: {  	[sflag:s10] =	ssyncset.done $0x0  }
0x77: {  	[sflag:s10] =	ssyncadd.s32 $0xFFFFD800  }
0x78: {  	_ =	swait.ge [sflag:s17], $0x2800  }
0x79: {  	[sflag:s17] =	ssyncset.done $0x0  }
0x7a: {  	s9 =	rddreg [dreg:$0x11];
	[sflag:s17] =	ssyncadd.s32 $0xFFFFD800  }
0x7b: {  	[spmem:s2] =	stream.indirect.scatter.add.f32 [tilespmem:s15], [sflag:$0x2], $0x80, s9, s12, $0xb8;
	v63 =	vld [tilespmem:$0x0]  }
0x7c: {  	_ =	swait.ge [sflag:s10], $0x2800  }
0x7d: {  	[sflag:s10] =	ssyncset.done $0x0  }
0x7e: {  	[sflag:s10] =	ssyncadd.s32 $0xFFFFD800  }
0x7f: {  	_ =	swait.ge [sflag:s17], $0x2800  }
0x80: {  	[sflag:s17] =	ssyncset.done $0x0  }
0x81: {  	s7 =	rddreg [dreg:$0x12];
	[sflag:s17] =	ssyncadd.s32 $0xFFFFD800  }
0x82: {  	[spmem:s2] =	stream.indirect.scatter.add.f32 [tilespmem:s16], [sflag:$0x2], $0x80, s7, s12, $0xb8;
	v63 =	vld [tilespmem:$0x0]  }
0x83: {  	_ =	swait.ge [sflag:s10], $0x2800  }
0x84: {  	[sflag:s10] =	ssyncset.done $0x0  }
0x85: {  	s8 =	rddreg [dreg:$0x13];
	[sflag:s10] =	ssyncadd.s32 $0xFFFFD800  }
0x86: {  	[tilespmem:s13], [sflag:$0x1] =	stream.indirect.gather [hbm4b:s4+s12], $0x80, s8, s12, $0xb8;
	v63 =	vld [tilespmem:$0x0]  }
0x87: {  	s9 =	rddreg [dreg:$0x14]  }
0x88: {  	[tilespmem:s14], [sflag:$0x1] =	stream.indirect.gather [hbm4b:s4+s12], $0x80, s9, s12, $0xb8;
	v63 =	vld [tilespmem:$0x0]  }
0x89: {  	s7 =	rddreg [dreg:$0x15]  }
0x8a: {  	[tilespmem:s15], [sflag:$0x1] =	stream.indirect.gather [hbm4b:s4+s12], $0x80, s7, s12, $0xb8;
	v63 =	vld [tilespmem:$0x0]  }
0x8b: {  	s9 =	rddreg [dreg:$0x16]  }
0x8c: {  	[tilespmem:s16], [sflag:$0x1] =	stream.indirect.gather [hbm4b:s4+s12], $0x80, s9, s12, $0xb8;
	v63 =	vld [tilespmem:$0x0]  }
0x8d: {  	_ =	swait.ge [sflag:s17], $0x2800  }
0x8e: {  	[sflag:s17] =	ssyncset.done $0x0  }
0x8f: {  	s7 =	rddreg [dreg:$0x17];
	[sflag:s17] =	ssyncadd.s32 $0xFFFFD800  }
0x90: {  	[spmem:s2] =	stream.indirect.scatter.add.f32 [tilespmem:s13], [sflag:$0x2], $0x80, s7, s12, $0xb8;
	v63 =	vld [tilespmem:$0x0]  }
0x91: {  	_ =	swait.ge [sflag:s10], $0x2800  }
0x92: {  	[sflag:s10] =	ssyncset.done $0x0  }
0x93: {  	[sflag:s10] =	ssyncadd.s32 $0xFFFFD800  }
0x94: {  	_ =	swait.ge [sflag:s17], $0x2800  }
0x95: {  	[sflag:s17] =	ssyncset.done $0x0  }
0x96: {  	s8 =	rddreg [dreg:$0x18];
	[sflag:s17] =	ssyncadd.s32 $0xFFFFD800  }
0x97: {  	[spmem:s2] =	stream.indirect.scatter.add.f32 [tilespmem:s14], [sflag:$0x2], $0x80, s8, s12, $0xb8;
	v63 =	vld [tilespmem:$0x0]  }
0x98: {  	_ =	swait.ge [sflag:s10], $0x2800  }
0x99: {  	[sflag:s10] =	ssyncset.done $0x0  }
0x9a: {  	[sflag:s10] =	ssyncadd.s32 $0xFFFFD800  }
0x9b: {  	_ =	swait.ge [sflag:s17], $0x2800  }
0x9c: {  	[sflag:s17] =	ssyncset.done $0x0  }
0x9d: {  	s9 =	rddreg [dreg:$0x19];
	[sflag:s17] =	ssyncadd.s32 $0xFFFFD800  }
0x9e: {  	[spmem:s2] =	stream.indirect.scatter.add.f32 [tilespmem:s15], [sflag:$0x2], $0x80, s9, s12, $0xb8;
	v63 =	vld [tilespmem:$0x0]  }
0x9f: {  	_ =	swait.ge [sflag:s10], $0x2800  }
0xa0: {  	[sflag:s10] =	ssyncset.done $0x0  }
0xa1: {  	[sflag:s10] =	ssyncadd.s32 $0xFFFFD800  }
0xa2: {  	_ =	swait.ge [sflag:s17], $0x2800  }
0xa3: {  	[sflag:s17] =	ssyncset.done $0x0  }
0xa4: {  	s7 =	rddreg [dreg:$0x1a];
	[sflag:s17] =	ssyncadd.s32 $0xFFFFD800  }
0xa5: {  	[spmem:s2] =	stream.indirect.scatter.add.f32 [tilespmem:s16], [sflag:$0x2], $0x80, s7, s12, $0xb8;
	v63 =	vld [tilespmem:$0x0]  }
0xa6: {  	_ =	swait.ge [sflag:s10], $0x2800  }
0xa7: {  	[sflag:s10] =	ssyncset.done $0x0  }
0xa8: {  	s8 =	rddreg [dreg:$0x1b];
	[sflag:s10] =	ssyncadd.s32 $0xFFFFD800  }
0xa9: {  	[tilespmem:s13], [sflag:$0x1] =	stream.indirect.gather [hbm4b:s4+s12], $0x80, s8, s12, $0xb8;
	v63 =	vld [tilespmem:$0x0]  }
0xaa: {  	s9 =	rddreg [dreg:$0x1c]  }
0xab: {  	[tilespmem:s14], [sflag:$0x1] =	stream.indirect.gather [hbm4b:s4+s12], $0x80, s9, s12, $0xb8;
	v63 =	vld [tilespmem:$0x0]  }
0xac: {  	s7 =	rddreg [dreg:$0x1d]  }
0xad: {  	[tilespmem:s15], [sflag:$0x1] =	stream.indirect.gather [hbm4b:s4+s12], $0x80, s7, s12, $0xb8;
	v63 =	vld [tilespmem:$0x0]  }
0xae: {  	s9 =	rddreg [dreg:$0x1e]  }
0xaf: {  	[tilespmem:s16], [sflag:$0x1] =	stream.indirect.gather [hbm4b:s4+s12], $0x80, s9, s12, $0xb8;
	v63 =	vld [tilespmem:$0x0]  }
0xb0: {  	_ =	swait.ge [sflag:s17], $0x2800  }
0xb1: {  	[sflag:s17] =	ssyncset.done $0x0  }
0xb2: {  	s7 =	rddreg [dreg:$0x1f];
	[sflag:s17] =	ssyncadd.s32 $0xFFFFD800  }
0xb3: {  	[spmem:s2] =	stream.indirect.scatter.add.f32 [tilespmem:s13], [sflag:$0x2], $0x80, s7, s12, $0xb8;
	v63 =	vld [tilespmem:$0x0]  }
0xb4: {  	_ =	swait.ge [sflag:s10], $0x2800  }
0xb5: {  	[sflag:s10] =	ssyncset.done $0x0  }
0xb6: {  	[sflag:s10] =	ssyncadd.s32 $0xFFFFD800  }
0xb7: {  	_ =	swait.ge [sflag:s17], $0x2800  }
0xb8: {  	s8 =	sld [smem:$0x7F7]  }
0xb9: {  	[sflag:s17] =	ssyncset.done $0x0  }
0xba: {  	[sflag:s17] =	ssyncadd.s32 $0xFFFFD800  }
0xbb: {  	[spmem:s2] =	stream.indirect.scatter.add.f32 [tilespmem:s14], [sflag:$0x2], $0x80, s8, s12, $0xb8;
	v63 =	vld [tilespmem:$0x0]  }
0xbc: {  	_ =	swait.ge [sflag:s10], $0x2800  }
0xbd: {  	[sflag:s10] =	ssyncset.done $0x0  }
0xbe: {  	[sflag:s10] =	ssyncadd.s32 $0xFFFFD800  }
0xbf: {  	_ =	swait.ge [sflag:s17], $0x2800  }
0xc0: {  	s9 =	sld [smem:$0x7F8]  }
0xc1: {  	[sflag:s17] =	ssyncset.done $0x0  }
0xc2: {  	[sflag:s17] =	ssyncadd.s32 $0xFFFFD800  }
0xc3: {  	[spmem:s2] =	stream.indirect.scatter.add.f32 [tilespmem:s15], [sflag:$0x2], $0x80, s9, s12, $0xb8;
	v63 =	vld [tilespmem:$0x0]  }
0xc4: {  	_ =	swait.ge [sflag:s10], $0x2800  }
0xc5: {  	[sflag:s10] =	ssyncset.done $0x0  }
0xc6: {  	[sflag:s10] =	ssyncadd.s32 $0xFFFFD800  }
0xc7: {  	_ =	swait.ge [sflag:s17], $0x2800  }
0xc8: {  	s7 =	sld [smem:$0x7F9]  }
0xc9: {  	[sflag:s17] =	ssyncset.done $0x0  }
0xca: {  	[sflag:s17] =	ssyncadd.s32 $0xFFFFD800  }
0xcb: {  	[spmem:s2] =	stream.indirect.scatter.add.f32 [tilespmem:s16], [sflag:$0x2], $0x80, s7, s12, $0xb8;
	v63 =	vld [tilespmem:$0x0]  }
0xcc: {  	_ =	swait.ge [sflag:s10], $0x2800  }
0xcd: {  	s8 =	sld [smem:$0x7FA]  }
0xce: {  	[sflag:s10] =	ssyncset.done $0x0  }
0xcf: {  	s9 =	sld [smem:$0x7FB];
	[sflag:s10] =	ssyncadd.s32 $0xFFFFD800  }
0xd0: {  	[tilespmem:s13], [sflag:$0x1] =	stream.indirect.gather [hbm4b:s4+s12], $0x80, s8, s12, $0xb8;
	v63 =	vld [tilespmem:$0x0]  }
0xd1: {  	_ = 	snop  }
0xd2: {  	[tilespmem:s14], [sflag:$0x1] =	stream.indirect.gather [hbm4b:s4+s12], $0x80, s9, s12, $0xb8;
	v63 =	vld [tilespmem:$0x0]  }
0xd3: {  	_ = 	snop  }
0xd4: {  	[tilespmem:s15], [sflag:$0x1] =	stream.indirect.gather [hbm4b:s4+s12], $0x80, s18, s12, $0xb8;
	v63 =	vld [tilespmem:$0x0]  }
0xd5: {  	_ = 	snop  }
0xd6: {  	[tilespmem:s16], [sflag:$0x1] =	stream.indirect.gather [hbm4b:s4+s12], $0x80, s19, s12, $0xb8;
	v63 =	vld [tilespmem:$0x0]  }
0xd7: {  	_ =	swait.ge [sflag:s17], $0x2800  }
0xd8: {  	[sflag:s17] =	ssyncset.done $0x0  }
0xd9: {  	[sflag:s17] =	ssyncadd.s32 $0xFFFFD800  }
0xda: {  	[spmem:s2] =	stream.indirect.scatter.add.f32 [tilespmem:s13], [sflag:$0x2], $0x80, s20, s12, $0xb8;
	v63 =	vld [tilespmem:$0x0]  }
0xdb: {  	_ =	swait.ge [sflag:s10], $0x2800  }
0xdc: {  	[sflag:s10] =	ssyncset.done $0x0  }
0xdd: {  	[sflag:s10] =	ssyncadd.s32 $0xFFFFD800  }
0xde: {  	_ =	swait.ge [sflag:s17], $0x2800  }
0xdf: {  	[sflag:s17] =	ssyncset.done $0x0  }
0xe0: {  	[sflag:s17] =	ssyncadd.s32 $0xFFFFD800  }
0xe1: {  	[spmem:s2] =	stream.indirect.scatter.add.f32 [tilespmem:s14], [sflag:$0x2], $0x80, s21, s12, $0xb8;
	v63 =	vld [tilespmem:$0x0]  }
0xe2: {  	_ =	swait.ge [sflag:s10], $0x2800  }
0xe3: {  	[sflag:s10] =	ssyncset.done $0x0  }
0xe4: {  	[sflag:s10] =	ssyncadd.s32 $0xFFFFD800  }
0xe5: {  	_ =	swait.ge [sflag:s17], $0x2800  }
0xe6: {  	[sflag:s17] =	ssyncset.done $0x0  }
0xe7: {  	[sflag:s17] =	ssyncadd.s32 $0xFFFFD800  }
0xe8: {  	[spmem:s2] =	stream.indirect.scatter.add.f32 [tilespmem:s15], [sflag:$0x2], $0x80, s22, s12, $0xb8;
	v63 =	vld [tilespmem:$0x0]  }
0xe9: {  	_ =	swait.ge [sflag:s10], $0x2800  }
0xea: {  	[sflag:s10] =	ssyncset.done $0x0  }
0xeb: {  	[sflag:s10] =	ssyncadd.s32 $0xFFFFD800  }
0xec: {  	_ =	swait.ge [sflag:s17], $0x2800  }
0xed: {  	[sflag:s17] =	ssyncset.done $0x0  }
0xee: {  	[sflag:s17] =	ssyncadd.s32 $0xFFFFD800  }
0xef: {  	[spmem:s2] =	stream.indirect.scatter.add.f32 [tilespmem:s16], [sflag:$0x2], $0x80, s23, s12, $0xb8;
	v63 =	vld [tilespmem:$0x0]  }
0xf0: {  	_ =	swait.ge [sflag:s10], $0x2800  }
0xf1: {  	[sflag:s10] =	ssyncset.done $0x0  }
0xf2: {  	[sflag:s10] =	ssyncadd.s32 $0xFFFFD800  }
0xf3: {  	[tilespmem:s13], [sflag:$0x1] =	stream.indirect.gather [hbm4b:s4+s12], $0x80, s24, s12, $0xb8;
	v63 =	vld [tilespmem:$0x0]  }
0xf4: {  	_ = 	snop  }
0xf5: {  	[tilespmem:s14], [sflag:$0x1] =	stream.indirect.gather [hbm4b:s4+s12], $0x80, s25, s12, $0xb8;
	v63 =	vld [tilespmem:$0x0]  }
0xf6: {  	_ = 	snop  }
0xf7: {  	[tilespmem:s15], [sflag:$0x1] =	stream.indirect.gather [hbm4b:s4+s12], $0x80, s26, s12, $0xb8;
	v63 =	vld [tilespmem:$0x0]  }
0xf8: {  	_ = 	snop  }
0xf9: {  	[tilespmem:s16], [sflag:$0x1] =	stream.indirect.gather [hbm4b:s4+s12], $0x80, s28, s12, $0xb8;
	v63 =	vld [tilespmem:$0x0]  }
0xfa: {  	_ =	swait.ge [sflag:s17], $0x2800  }
0xfb: {  	[sflag:s17] =	ssyncset.done $0x0  }
0xfc: {  	[sflag:s17] =	ssyncadd.s32 $0xFFFFD800  }
0xfd: {  	[spmem:s2] =	stream.indirect.scatter.add.f32 [tilespmem:s13], [sflag:$0x2], $0x80, s29, s12, $0xb8;
	v63 =	vld [tilespmem:$0x0]  }
0xfe: {  	_ =	swait.ge [sflag:s10], $0x2800  }
0xff: {  	[sflag:s10] =	ssyncset.done $0x0  }
0x100: {  	[sflag:s10] =	ssyncadd.s32 $0xFFFFD800  }
0x101: {  	_ =	swait.ge [sflag:s17], $0x2800  }
0x102: {  	[sflag:s17] =	ssyncset.done $0x0  }
0x103: {  	[sflag:s17] =	ssyncadd.s32 $0xFFFFD800  }
0x104: {  	[spmem:s2] =	stream.indirect.scatter.add.f32 [tilespmem:s14], [sflag:$0x2], $0x80, s30, s12, $0xb8;
	v63 =	vld [tilespmem:$0x0]  }
0x105: {  	_ =	swait.ge [sflag:s10], $0x2800  }
0x106: {  	[sflag:s10] =	ssyncset.done $0x0  }
0x107: {  	[sflag:s10] =	ssyncadd.s32 $0xFFFFD800  }
0x108: {  	_ =	swait.ge [sflag:s17], $0x2800  }
0x109: {  	[sflag:s17] =	ssyncset.done $0x0  }
0x10a: {  	[sflag:s17] =	ssyncadd.s32 $0xFFFFD800  }
0x10b: {  	[spmem:s2] =	stream.indirect.scatter.add.f32 [tilespmem:s15], [sflag:$0x2], $0x80, s31, s12, $0xb8;
	v63 =	vld [tilespmem:$0x0]  }
0x10c: {  	_ =	swait.ge [sflag:s10], $0x2800  }
0x10d: {  	[sflag:s10] =	ssyncset.done $0x0  }
0x10e: {  	[sflag:s10] =	ssyncadd.s32 $0xFFFFD800  }
0x10f: {  	_ =	swait.ge [sflag:s17], $0x2800  }
0x110: {  	[sflag:s17] =	ssyncset.done $0x0  }
0x111: {  	[sflag:s17] =	ssyncadd.s32 $0xFFFFD800  }
0x112: {  	[spmem:s2] =	stream.indirect.scatter.add.f32 [tilespmem:s16], [sflag:$0x2], $0x80, s1, s12, $0xb8;
	v63 =	vld [tilespmem:$0x0]  }
0x113: {  	_ =	swait.ge [sflag:s10], $0x2800  }
0x114: {  	[sflag:s10] =	ssyncset.done $0x0  }
0x115: {  	[sflag:s10] =	ssyncadd.s32 $0xFFFFD800  }
0x116: {  	[tilespmem:s13], [sflag:$0x1] =	stream.indirect.gather [hbm4b:s4+s12], $0x80, s0, s12, $0xb8;
	v63 =	vld [tilespmem:$0x0]  }
0x117: {  	_ =	swait.ge [sflag:s17], $0x2800  }
0x118: {  	[sflag:s17] =	ssyncset.done $0x0  }
0x119: {  	[sflag:s17] =	ssyncadd.s32 $0xFFFFD800  }
0x11a: {  	[spmem:s2] =	stream.indirect.scatter.add.f32 [tilespmem:s13], [sflag:$0x2], $0x80, s5, s12, $0xb8;
	v63 =	vld [tilespmem:$0x0]  }
0x11b: {  	s6 =	simm.s32 $0x400;
	_ =	swait.ge [sflag:s10], $0x2800  }
0x11c: {  	s8 =	simm.s32 $0x200;
	s9 =	rddreg [dreg:$0x4];
	[sflag:s10] =	ssyncset.done $0x0  }
.LBB2_2:
0x11d: {  	[sflag:s10] =	ssyncadd.s32 $0xFFFFD800;
	s9 =	sadd.s32 s8, s9  }
0x11e: {  	[tilespmem:s3], [sflag:$0x2] =	stream.linear.gather [hbm4b:s9+s3], $0xC80, $0x38;
	v63 =	vld [tilespmem:$0x0]  }
0x11f: {  	_ =	swait.ge [sflag:s10], $0xC80  }
0x120: {  	s9 =	rddreg [dreg:$0x3];
	[sflag:s10] =	ssyncset.done $0x0  }
0x121: {  	[sflag:s10] =	ssyncadd.s32 $0xFFFFF380;
	s9 =	sadd.s32 s8, s9  }
0x122: {  	[tilespmem:s11], [sflag:$0x2] =	stream.linear.gather [hbm4b:s9+s3], $0xC80, $0x38;
	v63 =	vld [tilespmem:$0x0]  }
0x123: {  	_ =	swait.ge [sflag:s10], $0xC80  }
0x124: {  	[sflag:s10] =	ssyncset.done $0x0  }
0x125: {  	s7 =	smov.u32 s6;
	[sflag:s10] =	ssyncadd.s32 $0xFFFFF380  }
0x126: {  	[tilespmem:s13], [sflag:$0x1] =	stream.indirect.gather [hbm4b:s4+s12], $0x80, s3, s12, $0xb8;
	v63 =	vld [tilespmem:$0x0]  }
0x127: {  	s8 =	smov.u32 s7;
	s7 =	rddreg [dreg:$0x5]  }
0x128: {  	[tilespmem:s14], [sflag:$0x1] =	stream.indirect.gather [hbm4b:s4+s12], $0x80, s7, s12, $0xb8;
	v63 =	vld [tilespmem:$0x0]  }
0x129: {  	s9 =	rddreg [dreg:$0x6]  }
0x12a: {  	[tilespmem:s15], [sflag:$0x1] =	stream.indirect.gather [hbm4b:s4+s12], $0x80, s9, s12, $0xb8;
	v63 =	vld [tilespmem:$0x0]  }
0x12b: {  	s7 =	rddreg [dreg:$0x7]  }
0x12c: {  	[tilespmem:s16], [sflag:$0x1] =	stream.indirect.gather [hbm4b:s4+s12], $0x80, s7, s12, $0xb8;
	v63 =	vld [tilespmem:$0x0]  }
0x12d: {  	_ =	swait.ge [sflag:s17], $0x2800  }
0x12e: {  	[sflag:s17] =	ssyncset.done $0x0  }
0x12f: {  	[sflag:s17] =	ssyncadd.s32 $0xFFFFD800  }
0x130: {  	[spmem:s2] =	stream.indirect.scatter.add.f32 [tilespmem:s13], [sflag:$0x2], $0x80, s11, s12, $0xb8;
	v63 =	vld [tilespmem:$0x0]  }
0x131: {  	_ =	swait.ge [sflag:s10], $0x2800  }
0x132: {  	[sflag:s10] =	ssyncset.done $0x0  }
0x133: {  	[sflag:s10] =	ssyncadd.s32 $0xFFFFD800  }
0x134: {  	_ =	swait.ge [sflag:s17], $0x2800  }
0x135: {  	[sflag:s17] =	ssyncset.done $0x0  }
0x136: {  	s9 =	rddreg [dreg:$0x8];
	[sflag:s17] =	ssyncadd.s32 $0xFFFFD800  }
0x137: {  	[spmem:s2] =	stream.indirect.scatter.add.f32 [tilespmem:s14], [sflag:$0x2], $0x80, s9, s12, $0xb8;
	v63 =	vld [tilespmem:$0x0]  }
0x138: {  	_ =	swait.ge [sflag:s10], $0x2800  }
0x139: {  	[sflag:s10] =	ssyncset.done $0x0  }
0x13a: {  	[sflag:s10] =	ssyncadd.s32 $0xFFFFD800  }
0x13b: {  	_ =	swait.ge [sflag:s17], $0x2800  }
0x13c: {  	[sflag:s17] =	ssyncset.done $0x0  }
0x13d: {  	s9 =	rddreg [dreg:$0x9];
	[sflag:s17] =	ssyncadd.s32 $0xFFFFD800  }
0x13e: {  	[spmem:s2] =	stream.indirect.scatter.add.f32 [tilespmem:s15], [sflag:$0x2], $0x80, s9, s12, $0xb8;
	v63 =	vld [tilespmem:$0x0]  }
0x13f: {  	_ =	swait.ge [sflag:s10], $0x2800  }
0x140: {  	[sflag:s10] =	ssyncset.done $0x0  }
0x141: {  	[sflag:s10] =	ssyncadd.s32 $0xFFFFD800  }
0x142: {  	_ =	swait.ge [sflag:s17], $0x2800  }
0x143: {  	[sflag:s17] =	ssyncset.done $0x0  }
0x144: {  	s9 =	rddreg [dreg:$0xa];
	[sflag:s17] =	ssyncadd.s32 $0xFFFFD800  }
0x145: {  	[spmem:s2] =	stream.indirect.scatter.add.f32 [tilespmem:s16], [sflag:$0x2], $0x80, s9, s12, $0xb8;
	v63 =	vld [tilespmem:$0x0]  }
0x146: {  	_ =	swait.ge [sflag:s10], $0x2800  }
0x147: {  	[sflag:s10] =	ssyncset.done $0x0  }
0x148: {  	s7 =	rddreg [dreg:$0xb];
	[sflag:s10] =	ssyncadd.s32 $0xFFFFD800  }
0x149: {  	[tilespmem:s13], [sflag:$0x1] =	stream.indirect.gather [hbm4b:s4+s12], $0x80, s7, s12, $0xb8;
	v63 =	vld [tilespmem:$0x0]  }
0x14a: {  	s9 =	rddreg [dreg:$0xc]  }
0x14b: {  	[tilespmem:s14], [sflag:$0x1] =	stream.indirect.gather [hbm4b:s4+s12], $0x80, s9, s12, $0xb8;
	v63 =	vld [tilespmem:$0x0]  }
0x14c: {  	s7 =	rddreg [dreg:$0xd]  }
0x14d: {  	[tilespmem:s15], [sflag:$0x1] =	stream.indirect.gather [hbm4b:s4+s12], $0x80, s7, s12, $0xb8;
	v63 =	vld [tilespmem:$0x0]  }
0x14e: {  	s9 =	rddreg [dreg:$0xe]  }
0x14f: {  	[tilespmem:s16], [sflag:$0x1] =	stream.indirect.gather [hbm4b:s4+s12], $0x80, s9, s12, $0xb8;
	v63 =	vld [tilespmem:$0x0]  }
0x150: {  	_ =	swait.ge [sflag:s17], $0x2800  }
0x151: {  	[sflag:s17] =	ssyncset.done $0x0  }
0x152: {  	s9 =	rddreg [dreg:$0xf];
	[sflag:s17] =	ssyncadd.s32 $0xFFFFD800  }
0x153: {  	[spmem:s2] =	stream.indirect.scatter.add.f32 [tilespmem:s13], [sflag:$0x2], $0x80, s9, s12, $0xb8;
	v63 =	vld [tilespmem:$0x0]  }
0x154: {  	_ =	swait.ge [sflag:s10], $0x2800  }
0x155: {  	[sflag:s10] =	ssyncset.done $0x0  }
0x156: {  	[sflag:s10] =	ssyncadd.s32 $0xFFFFD800  }
0x157: {  	_ =	swait.ge [sflag:s17], $0x2800  }
0x158: {  	[sflag:s17] =	ssyncset.done $0x0  }
0x159: {  	s9 =	rddreg [dreg:$0x10];
	[sflag:s17] =	ssyncadd.s32 $0xFFFFD800  }
0x15a: {  	[spmem:s2] =	stream.indirect.scatter.add.f32 [tilespmem:s14], [sflag:$0x2], $0x80, s9, s12, $0xb8;
	v63 =	vld [tilespmem:$0x0]  }
0x15b: {  	_ =	swait.ge [sflag:s10], $0x2800  }
0x15c: {  	[sflag:s10] =	ssyncset.done $0x0  }
0x15d: {  	[sflag:s10] =	ssyncadd.s32 $0xFFFFD800  }
0x15e: {  	_ =	swait.ge [sflag:s17], $0x2800  }
0x15f: {  	[sflag:s17] =	ssyncset.done $0x0  }
0x160: {  	s9 =	rddreg [dreg:$0x11];
	[sflag:s17] =	ssyncadd.s32 $0xFFFFD800  }
0x161: {  	[spmem:s2] =	stream.indirect.scatter.add.f32 [tilespmem:s15], [sflag:$0x2], $0x80, s9, s12, $0xb8;
	v63 =	vld [tilespmem:$0x0]  }
0x162: {  	_ =	swait.ge [sflag:s10], $0x2800  }
0x163: {  	[sflag:s10] =	ssyncset.done $0x0  }
0x164: {  	[sflag:s10] =	ssyncadd.s32 $0xFFFFD800  }
0x165: {  	_ =	swait.ge [sflag:s17], $0x2800  }
0x166: {  	[sflag:s17] =	ssyncset.done $0x0  }
0x167: {  	s9 =	rddreg [dreg:$0x12];
	[sflag:s17] =	ssyncadd.s32 $0xFFFFD800  }
0x168: {  	[spmem:s2] =	stream.indirect.scatter.add.f32 [tilespmem:s16], [sflag:$0x2], $0x80, s9, s12, $0xb8;
	v63 =	vld [tilespmem:$0x0]  }
0x169: {  	_ =	swait.ge [sflag:s10], $0x2800  }
0x16a: {  	[sflag:s10] =	ssyncset.done $0x0  }
0x16b: {  	s7 =	rddreg [dreg:$0x13];
	[sflag:s10] =	ssyncadd.s32 $0xFFFFD800  }
0x16c: {  	[tilespmem:s13], [sflag:$0x1] =	stream.indirect.gather [hbm4b:s4+s12], $0x80, s7, s12, $0xb8;
	v63 =	vld [tilespmem:$0x0]  }
0x16d: {  	s9 =	rddreg [dreg:$0x14]  }
0x16e: {  	[tilespmem:s14], [sflag:$0x1] =	stream.indirect.gather [hbm4b:s4+s12], $0x80, s9, s12, $0xb8;
	v63 =	vld [tilespmem:$0x0]  }
0x16f: {  	s7 =	rddreg [dreg:$0x15]  }
0x170: {  	[tilespmem:s15], [sflag:$0x1] =	stream.indirect.gather [hbm4b:s4+s12], $0x80, s7, s12, $0xb8;
	v63 =	vld [tilespmem:$0x0]  }
0x171: {  	s9 =	rddreg [dreg:$0x16]  }
0x172: {  	[tilespmem:s16], [sflag:$0x1] =	stream.indirect.gather [hbm4b:s4+s12], $0x80, s9, s12, $0xb8;
	v63 =	vld [tilespmem:$0x0]  }
0x173: {  	_ =	swait.ge [sflag:s17], $0x2800  }
0x174: {  	[sflag:s17] =	ssyncset.done $0x0  }
0x175: {  	s9 =	rddreg [dreg:$0x17];
	[sflag:s17] =	ssyncadd.s32 $0xFFFFD800  }
0x176: {  	[spmem:s2] =	stream.indirect.scatter.add.f32 [tilespmem:s13], [sflag:$0x2], $0x80, s9, s12, $0xb8;
	v63 =	vld [tilespmem:$0x0]  }
0x177: {  	_ =	swait.ge [sflag:s10], $0x2800  }
0x178: {  	[sflag:s10] =	ssyncset.done $0x0  }
0x179: {  	[sflag:s10] =	ssyncadd.s32 $0xFFFFD800  }
0x17a: {  	_ =	swait.ge [sflag:s17], $0x2800  }
0x17b: {  	[sflag:s17] =	ssyncset.done $0x0  }
0x17c: {  	s9 =	rddreg [dreg:$0x18];
	[sflag:s17] =	ssyncadd.s32 $0xFFFFD800  }
0x17d: {  	[spmem:s2] =	stream.indirect.scatter.add.f32 [tilespmem:s14], [sflag:$0x2], $0x80, s9, s12, $0xb8;
	v63 =	vld [tilespmem:$0x0]  }
0x17e: {  	_ =	swait.ge [sflag:s10], $0x2800  }
0x17f: {  	[sflag:s10] =	ssyncset.done $0x0  }
0x180: {  	[sflag:s10] =	ssyncadd.s32 $0xFFFFD800  }
0x181: {  	_ =	swait.ge [sflag:s17], $0x2800  }
0x182: {  	[sflag:s17] =	ssyncset.done $0x0  }
0x183: {  	s9 =	rddreg [dreg:$0x19];
	[sflag:s17] =	ssyncadd.s32 $0xFFFFD800  }
0x184: {  	[spmem:s2] =	stream.indirect.scatter.add.f32 [tilespmem:s15], [sflag:$0x2], $0x80, s9, s12, $0xb8;
	v63 =	vld [tilespmem:$0x0]  }
0x185: {  	_ =	swait.ge [sflag:s10], $0x2800  }
0x186: {  	[sflag:s10] =	ssyncset.done $0x0  }
0x187: {  	[sflag:s10] =	ssyncadd.s32 $0xFFFFD800  }
0x188: {  	_ =	swait.ge [sflag:s17], $0x2800  }
0x189: {  	[sflag:s17] =	ssyncset.done $0x0  }
0x18a: {  	s9 =	rddreg [dreg:$0x1a];
	[sflag:s17] =	ssyncadd.s32 $0xFFFFD800  }
0x18b: {  	[spmem:s2] =	stream.indirect.scatter.add.f32 [tilespmem:s16], [sflag:$0x2], $0x80, s9, s12, $0xb8;
	v63 =	vld [tilespmem:$0x0]  }
0x18c: {  	_ =	swait.ge [sflag:s10], $0x2800  }
0x18d: {  	[sflag:s10] =	ssyncset.done $0x0  }
0x18e: {  	s7 =	rddreg [dreg:$0x1b];
	[sflag:s10] =	ssyncadd.s32 $0xFFFFD800  }
0x18f: {  	[tilespmem:s13], [sflag:$0x1] =	stream.indirect.gather [hbm4b:s4+s12], $0x80, s7, s12, $0xb8;
	v63 =	vld [tilespmem:$0x0]  }
0x190: {  	s9 =	rddreg [dreg:$0x1c]  }
0x191: {  	[tilespmem:s14], [sflag:$0x1] =	stream.indirect.gather [hbm4b:s4+s12], $0x80, s9, s12, $0xb8;
	v63 =	vld [tilespmem:$0x0]  }
0x192: {  	s7 =	rddreg [dreg:$0x1d]  }
0x193: {  	[tilespmem:s15], [sflag:$0x1] =	stream.indirect.gather [hbm4b:s4+s12], $0x80, s7, s12, $0xb8;
	v63 =	vld [tilespmem:$0x0]  }
0x194: {  	s9 =	rddreg [dreg:$0x1e]  }
0x195: {  	[tilespmem:s16], [sflag:$0x1] =	stream.indirect.gather [hbm4b:s4+s12], $0x80, s9, s12, $0xb8;
	v63 =	vld [tilespmem:$0x0]  }
0x196: {  	_ =	swait.ge [sflag:s17], $0x2800  }
0x197: {  	[sflag:s17] =	ssyncset.done $0x0  }
0x198: {  	s9 =	rddreg [dreg:$0x1f];
	[sflag:s17] =	ssyncadd.s32 $0xFFFFD800  }
0x199: {  	[spmem:s2] =	stream.indirect.scatter.add.f32 [tilespmem:s13], [sflag:$0x2], $0x80, s9, s12, $0xb8;
	v63 =	vld [tilespmem:$0x0]  }
0x19a: {  	_ =	swait.ge [sflag:s10], $0x2800  }
0x19b: {  	[sflag:s10] =	ssyncset.done $0x0  }
0x19c: {  	[sflag:s10] =	ssyncadd.s32 $0xFFFFD800  }
0x19d: {  	_ =	swait.ge [sflag:s17], $0x2800  }
0x19e: {  	s9 =	sld [smem:$0x7F7]  }
0x19f: {  	[sflag:s17] =	ssyncset.done $0x0  }
0x1a0: {  	[sflag:s17] =	ssyncadd.s32 $0xFFFFD800  }
0x1a1: {  	[spmem:s2] =	stream.indirect.scatter.add.f32 [tilespmem:s14], [sflag:$0x2], $0x80, s9, s12, $0xb8;
	v63 =	vld [tilespmem:$0x0]  }
0x1a2: {  	_ =	swait.ge [sflag:s10], $0x2800  }
0x1a3: {  	[sflag:s10] =	ssyncset.done $0x0  }
0x1a4: {  	[sflag:s10] =	ssyncadd.s32 $0xFFFFD800  }
0x1a5: {  	_ =	swait.ge [sflag:s17], $0x2800  }
0x1a6: {  	s9 =	sld [smem:$0x7F8]  }
0x1a7: {  	[sflag:s17] =	ssyncset.done $0x0  }
0x1a8: {  	[sflag:s17] =	ssyncadd.s32 $0xFFFFD800  }
0x1a9: {  	[spmem:s2] =	stream.indirect.scatter.add.f32 [tilespmem:s15], [sflag:$0x2], $0x80, s9, s12, $0xb8;
	v63 =	vld [tilespmem:$0x0]  }
0x1aa: {  	_ =	swait.ge [sflag:s10], $0x2800  }
0x1ab: {  	[sflag:s10] =	ssyncset.done $0x0  }
0x1ac: {  	[sflag:s10] =	ssyncadd.s32 $0xFFFFD800  }
0x1ad: {  	_ =	swait.ge [sflag:s17], $0x2800  }
0x1ae: {  	s9 =	sld [smem:$0x7F9]  }
0x1af: {  	[sflag:s17] =	ssyncset.done $0x0  }
0x1b0: {  	[sflag:s17] =	ssyncadd.s32 $0xFFFFD800  }
0x1b1: {  	[spmem:s2] =	stream.indirect.scatter.add.f32 [tilespmem:s16], [sflag:$0x2], $0x80, s9, s12, $0xb8;
	v63 =	vld [tilespmem:$0x0]  }
0x1b2: {  	_ =	swait.ge [sflag:s10], $0x2800  }
0x1b3: {  	s7 =	sld [smem:$0x7FA]  }
0x1b4: {  	[sflag:s10] =	ssyncset.done $0x0  }
0x1b5: {  	s9 =	sld [smem:$0x7FB];
	[sflag:s10] =	ssyncadd.s32 $0xFFFFD800  }
0x1b6: {  	[tilespmem:s13], [sflag:$0x1] =	stream.indirect.gather [hbm4b:s4+s12], $0x80, s7, s12, $0xb8;
	v63 =	vld [tilespmem:$0x0]  }
0x1b7: {  	_ = 	snop  }
0x1b8: {  	[tilespmem:s14], [sflag:$0x1] =	stream.indirect.gather [hbm4b:s4+s12], $0x80, s9, s12, $0xb8;
	v63 =	vld [tilespmem:$0x0]  }
0x1b9: {  	_ = 	snop  }
0x1ba: {  	[tilespmem:s15], [sflag:$0x1] =	stream.indirect.gather [hbm4b:s4+s12], $0x80, s18, s12, $0xb8;
	v63 =	vld [tilespmem:$0x0]  }
0x1bb: {  	_ = 	snop  }
0x1bc: {  	[tilespmem:s16], [sflag:$0x1] =	stream.indirect.gather [hbm4b:s4+s12], $0x80, s19, s12, $0xb8;
	v63 =	vld [tilespmem:$0x0]  }
0x1bd: {  	_ =	swait.ge [sflag:s17], $0x2800  }
0x1be: {  	[sflag:s17] =	ssyncset.done $0x0  }
0x1bf: {  	[sflag:s17] =	ssyncadd.s32 $0xFFFFD800  }
0x1c0: {  	[spmem:s2] =	stream.indirect.scatter.add.f32 [tilespmem:s13], [sflag:$0x2], $0x80, s20, s12, $0xb8;
	v63 =	vld [tilespmem:$0x0]  }
0x1c1: {  	_ =	swait.ge [sflag:s10], $0x2800  }
0x1c2: {  	[sflag:s10] =	ssyncset.done $0x0  }
0x1c3: {  	[sflag:s10] =	ssyncadd.s32 $0xFFFFD800  }
0x1c4: {  	_ =	swait.ge [sflag:s17], $0x2800  }
0x1c5: {  	[sflag:s17] =	ssyncset.done $0x0  }
0x1c6: {  	[sflag:s17] =	ssyncadd.s32 $0xFFFFD800  }
0x1c7: {  	[spmem:s2] =	stream.indirect.scatter.add.f32 [tilespmem:s14], [sflag:$0x2], $0x80, s21, s12, $0xb8;
	v63 =	vld [tilespmem:$0x0]  }
0x1c8: {  	_ =	swait.ge [sflag:s10], $0x2800  }
0x1c9: {  	[sflag:s10] =	ssyncset.done $0x0  }
0x1ca: {  	[sflag:s10] =	ssyncadd.s32 $0xFFFFD800  }
0x1cb: {  	_ =	swait.ge [sflag:s17], $0x2800  }
0x1cc: {  	[sflag:s17] =	ssyncset.done $0x0  }
0x1cd: {  	[sflag:s17] =	ssyncadd.s32 $0xFFFFD800  }
0x1ce: {  	[spmem:s2] =	stream.indirect.scatter.add.f32 [tilespmem:s15], [sflag:$0x2], $0x80, s22, s12, $0xb8;
	v63 =	vld [tilespmem:$0x0]  }
0x1cf: {  	_ =	swait.ge [sflag:s10], $0x2800  }
0x1d0: {  	[sflag:s10] =	ssyncset.done $0x0  }
0x1d1: {  	[sflag:s10] =	ssyncadd.s32 $0xFFFFD800  }
0x1d2: {  	_ =	swait.ge [sflag:s17], $0x2800  }
0x1d3: {  	[sflag:s17] =	ssyncset.done $0x0  }
0x1d4: {  	[sflag:s17] =	ssyncadd.s32 $0xFFFFD800  }
0x1d5: {  	[spmem:s2] =	stream.indirect.scatter.add.f32 [tilespmem:s16], [sflag:$0x2], $0x80, s23, s12, $0xb8;
	v63 =	vld [tilespmem:$0x0]  }
0x1d6: {  	_ =	swait.ge [sflag:s10], $0x2800  }
0x1d7: {  	[sflag:s10] =	ssyncset.done $0x0  }
0x1d8: {  	[sflag:s10] =	ssyncadd.s32 $0xFFFFD800  }
0x1d9: {  	[tilespmem:s13], [sflag:$0x1] =	stream.indirect.gather [hbm4b:s4+s12], $0x80, s24, s12, $0xb8;
	v63 =	vld [tilespmem:$0x0]  }
0x1da: {  	_ = 	snop  }
0x1db: {  	[tilespmem:s14], [sflag:$0x1] =	stream.indirect.gather [hbm4b:s4+s12], $0x80, s25, s12, $0xb8;
	v63 =	vld [tilespmem:$0x0]  }
0x1dc: {  	_ = 	snop  }
0x1dd: {  	[tilespmem:s15], [sflag:$0x1] =	stream.indirect.gather [hbm4b:s4+s12], $0x80, s26, s12, $0xb8;
	v63 =	vld [tilespmem:$0x0]  }
0x1de: {  	_ = 	snop  }
0x1df: {  	[tilespmem:s16], [sflag:$0x1] =	stream.indirect.gather [hbm4b:s4+s12], $0x80, s28, s12, $0xb8;
	v63 =	vld [tilespmem:$0x0]  }
0x1e0: {  	_ =	swait.ge [sflag:s17], $0x2800  }
0x1e1: {  	[sflag:s17] =	ssyncset.done $0x0  }
0x1e2: {  	[sflag:s17] =	ssyncadd.s32 $0xFFFFD800  }
0x1e3: {  	[spmem:s2] =	stream.indirect.scatter.add.f32 [tilespmem:s13], [sflag:$0x2], $0x80, s29, s12, $0xb8;
	v63 =	vld [tilespmem:$0x0]  }
0x1e4: {  	_ =	swait.ge [sflag:s10], $0x2800  }
0x1e5: {  	[sflag:s10] =	ssyncset.done $0x0  }
0x1e6: {  	[sflag:s10] =	ssyncadd.s32 $0xFFFFD800  }
0x1e7: {  	_ =	swait.ge [sflag:s17], $0x2800  }
0x1e8: {  	[sflag:s17] =	ssyncset.done $0x0  }
0x1e9: {  	[sflag:s17] =	ssyncadd.s32 $0xFFFFD800  }
0x1ea: {  	[spmem:s2] =	stream.indirect.scatter.add.f32 [tilespmem:s14], [sflag:$0x2], $0x80, s30, s12, $0xb8;
	v63 =	vld [tilespmem:$0x0]  }
0x1eb: {  	_ =	swait.ge [sflag:s10], $0x2800  }
0x1ec: {  	[sflag:s10] =	ssyncset.done $0x0  }
0x1ed: {  	[sflag:s10] =	ssyncadd.s32 $0xFFFFD800  }
0x1ee: {  	_ =	swait.ge [sflag:s17], $0x2800  }
0x1ef: {  	[sflag:s17] =	ssyncset.done $0x0  }
0x1f0: {  	[sflag:s17] =	ssyncadd.s32 $0xFFFFD800  }
0x1f1: {  	[spmem:s2] =	stream.indirect.scatter.add.f32 [tilespmem:s15], [sflag:$0x2], $0x80, s31, s12, $0xb8;
	v63 =	vld [tilespmem:$0x0]  }
0x1f2: {  	_ =	swait.ge [sflag:s10], $0x2800  }
0x1f3: {  	[sflag:s10] =	ssyncset.done $0x0  }
0x1f4: {  	[sflag:s10] =	ssyncadd.s32 $0xFFFFD800  }
0x1f5: {  	_ =	swait.ge [sflag:s17], $0x2800  }
0x1f6: {  	[sflag:s17] =	ssyncset.done $0x0  }
0x1f7: {  	[sflag:s17] =	ssyncadd.s32 $0xFFFFD800  }
0x1f8: {  	[spmem:s2] =	stream.indirect.scatter.add.f32 [tilespmem:s16], [sflag:$0x2], $0x80, s1, s12, $0xb8;
	v63 =	vld [tilespmem:$0x0]  }
0x1f9: {  	_ =	swait.ge [sflag:s10], $0x2800  }
0x1fa: {  	[sflag:s10] =	ssyncset.done $0x0  }
0x1fb: {  	[sflag:s10] =	ssyncadd.s32 $0xFFFFD800  }
0x1fc: {  	[tilespmem:s13], [sflag:$0x1] =	stream.indirect.gather [hbm4b:s4+s12], $0x80, s0, s12, $0xb8;
	v63 =	vld [tilespmem:$0x0]  }
0x1fd: {  	p0 =	sne.s32 s6, $0x800;
	_ =	swait.ge [sflag:s17], $0x2800  }
.Ltmp0:
0x1fe: {  	[sflag:s17] =	ssyncset.done $0x0;
	(pc) =	sbr.rel @p0 .LBB2_2-.Ltmp0, $4  }
0x1ff: {  	[sflag:s17] =	ssyncadd.s32 $0xFFFFD800  }
0x200: {  	[spmem:s2] =	stream.indirect.scatter.add.f32 [tilespmem:s13], [sflag:$0x2], $0x80, s5, s12, $0xb8;
	v63 =	vld [tilespmem:$0x0]  }
0x201: {  	_ =	swait.ge [sflag:s10], $0x2800  }
0x202: {  	s6 =	sadd.s32 $0x200, s6;
	s9 =	rddreg [dreg:$0x4];
	[sflag:s10] =	ssyncset.done $0x0  }
0x203: {  	[sflag:s10] =	ssyncadd.s32 $0xFFFFD800;
	s6 =	sadd.s32 s8, s9  }
0x204: {  	[tilespmem:s3], [sflag:$0x2] =	stream.linear.gather [hbm4b:s6+s3], $0xC80, $0x38;
	v63 =	vld [tilespmem:$0x0]  }
0x205: {  	_ =	swait.ge [sflag:s10], $0xC80  }
0x206: {  	s7 =	rddreg [dreg:$0x3];
	[sflag:s10] =	ssyncset.done $0x0  }
0x207: {  	[sflag:s10] =	ssyncadd.s32 $0xFFFFF380;
	s6 =	sadd.s32 s8, s7  }
0x208: {  	[tilespmem:s11], [sflag:$0x2] =	stream.linear.gather [hbm4b:s6+s3], $0xC80, $0x38;
	v63 =	vld [tilespmem:$0x0]  }
0x209: {  	_ =	swait.ge [sflag:s10], $0xC80  }
0x20a: {  	[sflag:s10] =	ssyncset.done $0x0  }
0x20b: {  	[sflag:s10] =	ssyncadd.s32 $0xFFFFF380  }
0x20c: {  	[tilespmem:s13], [sflag:$0x1] =	stream.indirect.gather [hbm4b:s4+s12], $0x80, s3, s12, $0xb8;
	v63 =	vld [tilespmem:$0x0]  }
0x20d: {  	s8 =	rddreg [dreg:$0x5]  }
0x20e: {  	[tilespmem:s14], [sflag:$0x1] =	stream.indirect.gather [hbm4b:s4+s12], $0x80, s8, s12, $0xb8;
	v63 =	vld [tilespmem:$0x0]  }
0x20f: {  	s7 =	rddreg [dreg:$0x6]  }
0x210: {  	[tilespmem:s15], [sflag:$0x1] =	stream.indirect.gather [hbm4b:s4+s12], $0x80, s7, s12, $0xb8;
	v63 =	vld [tilespmem:$0x0]  }
0x211: {  	s9 =	rddreg [dreg:$0x7]  }
0x212: {  	[tilespmem:s16], [sflag:$0x1] =	stream.indirect.gather [hbm4b:s4+s12], $0x80, s9, s12, $0xb8;
	v63 =	vld [tilespmem:$0x0]  }
0x213: {  	_ =	swait.ge [sflag:s17], $0x2800  }
0x214: {  	[sflag:s17] =	ssyncset.done $0x0  }
0x215: {  	[sflag:s17] =	ssyncadd.s32 $0xFFFFD800  }
0x216: {  	[spmem:s2] =	stream.indirect.scatter.add.f32 [tilespmem:s13], [sflag:$0x2], $0x80, s11, s12, $0xb8;
	v63 =	vld [tilespmem:$0x0]  }
0x217: {  	_ =	swait.ge [sflag:s10], $0x2800  }
0x218: {  	[sflag:s10] =	ssyncset.done $0x0  }
0x219: {  	[sflag:s10] =	ssyncadd.s32 $0xFFFFD800  }
0x21a: {  	_ =	swait.ge [sflag:s17], $0x2800  }
0x21b: {  	[sflag:s17] =	ssyncset.done $0x0  }
0x21c: {  	s7 =	rddreg [dreg:$0x8];
	[sflag:s17] =	ssyncadd.s32 $0xFFFFD800  }
0x21d: {  	[spmem:s2] =	stream.indirect.scatter.add.f32 [tilespmem:s14], [sflag:$0x2], $0x80, s7, s12, $0xb8;
	v63 =	vld [tilespmem:$0x0]  }
0x21e: {  	_ =	swait.ge [sflag:s10], $0x2800  }
0x21f: {  	[sflag:s10] =	ssyncset.done $0x0  }
0x220: {  	[sflag:s10] =	ssyncadd.s32 $0xFFFFD800  }
0x221: {  	_ =	swait.ge [sflag:s17], $0x2800  }
0x222: {  	[sflag:s17] =	ssyncset.done $0x0  }
0x223: {  	s8 =	rddreg [dreg:$0x9];
	[sflag:s17] =	ssyncadd.s32 $0xFFFFD800  }
0x224: {  	[spmem:s2] =	stream.indirect.scatter.add.f32 [tilespmem:s15], [sflag:$0x2], $0x80, s8, s12, $0xb8;
	v63 =	vld [tilespmem:$0x0]  }
0x225: {  	_ =	swait.ge [sflag:s10], $0x2800  }
0x226: {  	[sflag:s10] =	ssyncset.done $0x0  }
0x227: {  	[sflag:s10] =	ssyncadd.s32 $0xFFFFD800  }
0x228: {  	_ =	swait.ge [sflag:s17], $0x2800  }
0x229: {  	[sflag:s17] =	ssyncset.done $0x0  }
0x22a: {  	s9 =	rddreg [dreg:$0xa];
	[sflag:s17] =	ssyncadd.s32 $0xFFFFD800  }
0x22b: {  	[spmem:s2] =	stream.indirect.scatter.add.f32 [tilespmem:s16], [sflag:$0x2], $0x80, s9, s12, $0xb8;
	v63 =	vld [tilespmem:$0x0]  }
0x22c: {  	_ =	swait.ge [sflag:s10], $0x2800  }
0x22d: {  	[sflag:s10] =	ssyncset.done $0x0  }
0x22e: {  	s7 =	rddreg [dreg:$0xb];
	[sflag:s10] =	ssyncadd.s32 $0xFFFFD800  }
0x22f: {  	[tilespmem:s13], [sflag:$0x1] =	stream.indirect.gather [hbm4b:s4+s12], $0x80, s7, s12, $0xb8;
	v63 =	vld [tilespmem:$0x0]  }
0x230: {  	s8 =	rddreg [dreg:$0xc]  }
0x231: {  	[tilespmem:s14], [sflag:$0x1] =	stream.indirect.gather [hbm4b:s4+s12], $0x80, s8, s12, $0xb8;
	v63 =	vld [tilespmem:$0x0]  }
0x232: {  	s9 =	rddreg [dreg:$0xd]  }
0x233: {  	[tilespmem:s15], [sflag:$0x1] =	stream.indirect.gather [hbm4b:s4+s12], $0x80, s9, s12, $0xb8;
	v63 =	vld [tilespmem:$0x0]  }
0x234: {  	s8 =	rddreg [dreg:$0xe]  }
0x235: {  	[tilespmem:s16], [sflag:$0x1] =	stream.indirect.gather [hbm4b:s4+s12], $0x80, s8, s12, $0xb8;
	v63 =	vld [tilespmem:$0x0]  }
0x236: {  	_ =	swait.ge [sflag:s17], $0x2800  }
0x237: {  	[sflag:s17] =	ssyncset.done $0x0  }
0x238: {  	s9 =	rddreg [dreg:$0xf];
	[sflag:s17] =	ssyncadd.s32 $0xFFFFD800  }
0x239: {  	[spmem:s2] =	stream.indirect.scatter.add.f32 [tilespmem:s13], [sflag:$0x2], $0x80, s9, s12, $0xb8;
	v63 =	vld [tilespmem:$0x0]  }
0x23a: {  	_ =	swait.ge [sflag:s10], $0x2800  }
0x23b: {  	[sflag:s10] =	ssyncset.done $0x0  }
0x23c: {  	[sflag:s10] =	ssyncadd.s32 $0xFFFFD800  }
0x23d: {  	_ =	swait.ge [sflag:s17], $0x2800  }
0x23e: {  	[sflag:s17] =	ssyncset.done $0x0  }
0x23f: {  	s7 =	rddreg [dreg:$0x10];
	[sflag:s17] =	ssyncadd.s32 $0xFFFFD800  }
0x240: {  	[spmem:s2] =	stream.indirect.scatter.add.f32 [tilespmem:s14], [sflag:$0x2], $0x80, s7, s12, $0xb8;
	v63 =	vld [tilespmem:$0x0]  }
0x241: {  	_ =	swait.ge [sflag:s10], $0x2800  }
0x242: {  	[sflag:s10] =	ssyncset.done $0x0  }
0x243: {  	[sflag:s10] =	ssyncadd.s32 $0xFFFFD800  }
0x244: {  	_ =	swait.ge [sflag:s17], $0x2800  }
0x245: {  	[sflag:s17] =	ssyncset.done $0x0  }
0x246: {  	s8 =	rddreg [dreg:$0x11];
	[sflag:s17] =	ssyncadd.s32 $0xFFFFD800  }
0x247: {  	[spmem:s2] =	stream.indirect.scatter.add.f32 [tilespmem:s15], [sflag:$0x2], $0x80, s8, s12, $0xb8;
	v63 =	vld [tilespmem:$0x0]  }
0x248: {  	_ =	swait.ge [sflag:s10], $0x2800  }
0x249: {  	[sflag:s10] =	ssyncset.done $0x0  }
0x24a: {  	[sflag:s10] =	ssyncadd.s32 $0xFFFFD800  }
0x24b: {  	_ =	swait.ge [sflag:s17], $0x2800  }
0x24c: {  	[sflag:s17] =	ssyncset.done $0x0  }
0x24d: {  	s9 =	rddreg [dreg:$0x12];
	[sflag:s17] =	ssyncadd.s32 $0xFFFFD800  }
0x24e: {  	[spmem:s2] =	stream.indirect.scatter.add.f32 [tilespmem:s16], [sflag:$0x2], $0x80, s9, s12, $0xb8;
	v63 =	vld [tilespmem:$0x0]  }
0x24f: {  	_ =	swait.ge [sflag:s10], $0x2800  }
0x250: {  	[sflag:s10] =	ssyncset.done $0x0  }
0x251: {  	s7 =	rddreg [dreg:$0x13];
	[sflag:s10] =	ssyncadd.s32 $0xFFFFD800  }
0x252: {  	[tilespmem:s13], [sflag:$0x1] =	stream.indirect.gather [hbm4b:s4+s12], $0x80, s7, s12, $0xb8;
	v63 =	vld [tilespmem:$0x0]  }
0x253: {  	s8 =	rddreg [dreg:$0x14]  }
0x254: {  	[tilespmem:s14], [sflag:$0x1] =	stream.indirect.gather [hbm4b:s4+s12], $0x80, s8, s12, $0xb8;
	v63 =	vld [tilespmem:$0x0]  }
0x255: {  	s9 =	rddreg [dreg:$0x15]  }
0x256: {  	[tilespmem:s15], [sflag:$0x1] =	stream.indirect.gather [hbm4b:s4+s12], $0x80, s9, s12, $0xb8;
	v63 =	vld [tilespmem:$0x0]  }
0x257: {  	s8 =	rddreg [dreg:$0x16]  }
0x258: {  	[tilespmem:s16], [sflag:$0x1] =	stream.indirect.gather [hbm4b:s4+s12], $0x80, s8, s12, $0xb8;
	v63 =	vld [tilespmem:$0x0]  }
0x259: {  	_ =	swait.ge [sflag:s17], $0x2800  }
0x25a: {  	[sflag:s17] =	ssyncset.done $0x0  }
0x25b: {  	s9 =	rddreg [dreg:$0x17];
	[sflag:s17] =	ssyncadd.s32 $0xFFFFD800  }
0x25c: {  	[spmem:s2] =	stream.indirect.scatter.add.f32 [tilespmem:s13], [sflag:$0x2], $0x80, s9, s12, $0xb8;
	v63 =	vld [tilespmem:$0x0]  }
0x25d: {  	_ =	swait.ge [sflag:s10], $0x2800  }
0x25e: {  	[sflag:s10] =	ssyncset.done $0x0  }
0x25f: {  	[sflag:s10] =	ssyncadd.s32 $0xFFFFD800  }
0x260: {  	_ =	swait.ge [sflag:s17], $0x2800  }
0x261: {  	[sflag:s17] =	ssyncset.done $0x0  }
0x262: {  	s7 =	rddreg [dreg:$0x18];
	[sflag:s17] =	ssyncadd.s32 $0xFFFFD800  }
0x263: {  	[spmem:s2] =	stream.indirect.scatter.add.f32 [tilespmem:s14], [sflag:$0x2], $0x80, s7, s12, $0xb8;
	v63 =	vld [tilespmem:$0x0]  }
0x264: {  	_ =	swait.ge [sflag:s10], $0x2800  }
0x265: {  	[sflag:s10] =	ssyncset.done $0x0  }
0x266: {  	[sflag:s10] =	ssyncadd.s32 $0xFFFFD800  }
0x267: {  	_ =	swait.ge [sflag:s17], $0x2800  }
0x268: {  	[sflag:s17] =	ssyncset.done $0x0  }
0x269: {  	s8 =	rddreg [dreg:$0x19];
	[sflag:s17] =	ssyncadd.s32 $0xFFFFD800  }
0x26a: {  	[spmem:s2] =	stream.indirect.scatter.add.f32 [tilespmem:s15], [sflag:$0x2], $0x80, s8, s12, $0xb8;
	v63 =	vld [tilespmem:$0x0]  }
0x26b: {  	_ =	swait.ge [sflag:s10], $0x2800  }
0x26c: {  	[sflag:s10] =	ssyncset.done $0x0  }
0x26d: {  	[sflag:s10] =	ssyncadd.s32 $0xFFFFD800  }
0x26e: {  	_ =	swait.ge [sflag:s17], $0x2800  }
0x26f: {  	[sflag:s17] =	ssyncset.done $0x0  }
0x270: {  	s9 =	rddreg [dreg:$0x1a];
	[sflag:s17] =	ssyncadd.s32 $0xFFFFD800  }
0x271: {  	[spmem:s2] =	stream.indirect.scatter.add.f32 [tilespmem:s16], [sflag:$0x2], $0x80, s9, s12, $0xb8;
	v63 =	vld [tilespmem:$0x0]  }
0x272: {  	_ =	swait.ge [sflag:s10], $0x2800  }
0x273: {  	[sflag:s10] =	ssyncset.done $0x0  }
0x274: {  	s7 =	rddreg [dreg:$0x1b];
	[sflag:s10] =	ssyncadd.s32 $0xFFFFD800  }
0x275: {  	[tilespmem:s13], [sflag:$0x1] =	stream.indirect.gather [hbm4b:s4+s12], $0x80, s7, s12, $0xb8;
	v63 =	vld [tilespmem:$0x0]  }
0x276: {  	s8 =	rddreg [dreg:$0x1c]  }
0x277: {  	[tilespmem:s14], [sflag:$0x1] =	stream.indirect.gather [hbm4b:s4+s12], $0x80, s8, s12, $0xb8;
	v63 =	vld [tilespmem:$0x0]  }
0x278: {  	s9 =	rddreg [dreg:$0x1d]  }
0x279: {  	[tilespmem:s15], [sflag:$0x1] =	stream.indirect.gather [hbm4b:s4+s12], $0x80, s9, s12, $0xb8;
	v63 =	vld [tilespmem:$0x0]  }
0x27a: {  	s8 =	rddreg [dreg:$0x1e]  }
0x27b: {  	[tilespmem:s16], [sflag:$0x1] =	stream.indirect.gather [hbm4b:s4+s12], $0x80, s8, s12, $0xb8;
	v63 =	vld [tilespmem:$0x0]  }
0x27c: {  	_ =	swait.ge [sflag:s17], $0x2800  }
0x27d: {  	[sflag:s17] =	ssyncset.done $0x0  }
0x27e: {  	s9 =	rddreg [dreg:$0x1f];
	[sflag:s17] =	ssyncadd.s32 $0xFFFFD800  }
0x27f: {  	[spmem:s2] =	stream.indirect.scatter.add.f32 [tilespmem:s13], [sflag:$0x2], $0x80, s9, s12, $0xb8;
	v63 =	vld [tilespmem:$0x0]  }
0x280: {  	_ =	swait.ge [sflag:s10], $0x2800  }
0x281: {  	[sflag:s10] =	ssyncset.done $0x0  }
0x282: {  	[sflag:s10] =	ssyncadd.s32 $0xFFFFD800  }
0x283: {  	_ =	swait.ge [sflag:s17], $0x2800  }
0x284: {  	s7 =	sld [smem:$0x7F7]  }
0x285: {  	[sflag:s17] =	ssyncset.done $0x0  }
0x286: {  	[sflag:s17] =	ssyncadd.s32 $0xFFFFD800  }
0x287: {  	[spmem:s2] =	stream.indirect.scatter.add.f32 [tilespmem:s14], [sflag:$0x2], $0x80, s7, s12, $0xb8;
	v63 =	vld [tilespmem:$0x0]  }
0x288: {  	_ =	swait.ge [sflag:s10], $0x2800  }
0x289: {  	[sflag:s10] =	ssyncset.done $0x0  }
0x28a: {  	[sflag:s10] =	ssyncadd.s32 $0xFFFFD800  }
0x28b: {  	_ =	swait.ge [sflag:s17], $0x2800  }
0x28c: {  	s8 =	sld [smem:$0x7F8]  }
0x28d: {  	[sflag:s17] =	ssyncset.done $0x0  }
0x28e: {  	[sflag:s17] =	ssyncadd.s32 $0xFFFFD800  }
0x28f: {  	[spmem:s2] =	stream.indirect.scatter.add.f32 [tilespmem:s15], [sflag:$0x2], $0x80, s8, s12, $0xb8;
	v63 =	vld [tilespmem:$0x0]  }
0x290: {  	_ =	swait.ge [sflag:s10], $0x2800  }
0x291: {  	[sflag:s10] =	ssyncset.done $0x0  }
0x292: {  	[sflag:s10] =	ssyncadd.s32 $0xFFFFD800  }
0x293: {  	_ =	swait.ge [sflag:s17], $0x2800  }
0x294: {  	s9 =	sld [smem:$0x7F9]  }
0x295: {  	[sflag:s17] =	ssyncset.done $0x0  }
0x296: {  	[sflag:s17] =	ssyncadd.s32 $0xFFFFD800  }
0x297: {  	[spmem:s2] =	stream.indirect.scatter.add.f32 [tilespmem:s16], [sflag:$0x2], $0x80, s9, s12, $0xb8;
	v63 =	vld [tilespmem:$0x0]  }
0x298: {  	_ =	swait.ge [sflag:s10], $0x2800  }
0x299: {  	s7 =	sld [smem:$0x7FA]  }
0x29a: {  	[sflag:s10] =	ssyncset.done $0x0  }
0x29b: {  	s8 =	sld [smem:$0x7FB];
	[sflag:s10] =	ssyncadd.s32 $0xFFFFD800  }
0x29c: {  	[tilespmem:s13], [sflag:$0x1] =	stream.indirect.gather [hbm4b:s4+s12], $0x80, s7, s12, $0xb8;
	v63 =	vld [tilespmem:$0x0]  }
0x29d: {  	_ = 	snop  }
0x29e: {  	[tilespmem:s14], [sflag:$0x1] =	stream.indirect.gather [hbm4b:s4+s12], $0x80, s8, s12, $0xb8;
	v63 =	vld [tilespmem:$0x0]  }
0x29f: {  	_ = 	snop  }
0x2a0: {  	[tilespmem:s15], [sflag:$0x1] =	stream.indirect.gather [hbm4b:s4+s12], $0x80, s18, s12, $0xb8;
	v63 =	vld [tilespmem:$0x0]  }
0x2a1: {  	_ = 	snop  }
0x2a2: {  	[tilespmem:s16], [sflag:$0x1] =	stream.indirect.gather [hbm4b:s4+s12], $0x80, s19, s12, $0xb8;
	v63 =	vld [tilespmem:$0x0]  }
0x2a3: {  	_ =	swait.ge [sflag:s17], $0x2800  }
0x2a4: {  	[sflag:s17] =	ssyncset.done $0x0  }
0x2a5: {  	[sflag:s17] =	ssyncadd.s32 $0xFFFFD800  }
0x2a6: {  	[spmem:s2] =	stream.indirect.scatter.add.f32 [tilespmem:s13], [sflag:$0x2], $0x80, s20, s12, $0xb8;
	v63 =	vld [tilespmem:$0x0]  }
0x2a7: {  	_ =	swait.ge [sflag:s10], $0x2800  }
0x2a8: {  	[sflag:s10] =	ssyncset.done $0x0  }
0x2a9: {  	[sflag:s10] =	ssyncadd.s32 $0xFFFFD800  }
0x2aa: {  	_ =	swait.ge [sflag:s17], $0x2800  }
0x2ab: {  	[sflag:s17] =	ssyncset.done $0x0  }
0x2ac: {  	[sflag:s17] =	ssyncadd.s32 $0xFFFFD800  }
0x2ad: {  	[spmem:s2] =	stream.indirect.scatter.add.f32 [tilespmem:s14], [sflag:$0x2], $0x80, s21, s12, $0xb8;
	v63 =	vld [tilespmem:$0x0]  }
0x2ae: {  	_ =	swait.ge [sflag:s10], $0x2800  }
0x2af: {  	[sflag:s10] =	ssyncset.done $0x0  }
0x2b0: {  	[sflag:s10] =	ssyncadd.s32 $0xFFFFD800  }
0x2b1: {  	_ =	swait.ge [sflag:s17], $0x2800  }
0x2b2: {  	[sflag:s17] =	ssyncset.done $0x0  }
0x2b3: {  	[sflag:s17] =	ssyncadd.s32 $0xFFFFD800  }
0x2b4: {  	[spmem:s2] =	stream.indirect.scatter.add.f32 [tilespmem:s15], [sflag:$0x2], $0x80, s22, s12, $0xb8;
	v63 =	vld [tilespmem:$0x0]  }
0x2b5: {  	_ =	swait.ge [sflag:s10], $0x2800  }
0x2b6: {  	[sflag:s10] =	ssyncset.done $0x0  }
0x2b7: {  	[sflag:s10] =	ssyncadd.s32 $0xFFFFD800  }
0x2b8: {  	_ =	swait.ge [sflag:s17], $0x2800  }
0x2b9: {  	[sflag:s17] =	ssyncset.done $0x0  }
0x2ba: {  	[sflag:s17] =	ssyncadd.s32 $0xFFFFD800  }
0x2bb: {  	[spmem:s2] =	stream.indirect.scatter.add.f32 [tilespmem:s16], [sflag:$0x2], $0x80, s23, s12, $0xb8;
	v63 =	vld [tilespmem:$0x0]  }
0x2bc: {  	_ =	swait.ge [sflag:s10], $0x2800  }
0x2bd: {  	[sflag:s10] =	ssyncset.done $0x0  }
0x2be: {  	[sflag:s10] =	ssyncadd.s32 $0xFFFFD800  }
0x2bf: {  	[tilespmem:s13], [sflag:$0x1] =	stream.indirect.gather [hbm4b:s4+s12], $0x80, s24, s12, $0xb8;
	v63 =	vld [tilespmem:$0x0]  }
0x2c0: {  	_ = 	snop  }
0x2c1: {  	[tilespmem:s14], [sflag:$0x1] =	stream.indirect.gather [hbm4b:s4+s12], $0x80, s25, s12, $0xb8;
	v63 =	vld [tilespmem:$0x0]  }
0x2c2: {  	_ = 	snop  }
0x2c3: {  	[tilespmem:s15], [sflag:$0x1] =	stream.indirect.gather [hbm4b:s4+s12], $0x80, s26, s12, $0xb8;
	v63 =	vld [tilespmem:$0x0]  }
0x2c4: {  	_ = 	snop  }
0x2c5: {  	[tilespmem:s16], [sflag:$0x1] =	stream.indirect.gather [hbm4b:s4+s12], $0x80, s28, s12, $0xb8;
	v63 =	vld [tilespmem:$0x0]  }
0x2c6: {  	_ =	swait.ge [sflag:s17], $0x2800  }
0x2c7: {  	[sflag:s17] =	ssyncset.done $0x0  }
0x2c8: {  	[sflag:s17] =	ssyncadd.s32 $0xFFFFD800  }
0x2c9: {  	[spmem:s2] =	stream.indirect.scatter.add.f32 [tilespmem:s13], [sflag:$0x2], $0x80, s29, s12, $0xb8;
	v63 =	vld [tilespmem:$0x0]  }
0x2ca: {  	_ =	swait.ge [sflag:s10], $0x2800  }
0x2cb: {  	[sflag:s10] =	ssyncset.done $0x0  }
0x2cc: {  	[sflag:s10] =	ssyncadd.s32 $0xFFFFD800  }
0x2cd: {  	_ =	swait.ge [sflag:s17], $0x2800  }
0x2ce: {  	[sflag:s17] =	ssyncset.done $0x0  }
0x2cf: {  	[sflag:s17] =	ssyncadd.s32 $0xFFFFD800  }
0x2d0: {  	[spmem:s2] =	stream.indirect.scatter.add.f32 [tilespmem:s14], [sflag:$0x2], $0x80, s30, s12, $0xb8;
	v63 =	vld [tilespmem:$0x0]  }
0x2d1: {  	_ =	swait.ge [sflag:s10], $0x2800  }
0x2d2: {  	[sflag:s10] =	ssyncset.done $0x0  }
0x2d3: {  	[sflag:s10] =	ssyncadd.s32 $0xFFFFD800  }
0x2d4: {  	_ =	swait.ge [sflag:s17], $0x2800  }
0x2d5: {  	[sflag:s17] =	ssyncset.done $0x0  }
0x2d6: {  	[sflag:s17] =	ssyncadd.s32 $0xFFFFD800  }
0x2d7: {  	[spmem:s2] =	stream.indirect.scatter.add.f32 [tilespmem:s15], [sflag:$0x2], $0x80, s31, s12, $0xb8;
	v63 =	vld [tilespmem:$0x0]  }
0x2d8: {  	_ =	swait.ge [sflag:s10], $0x2800  }
0x2d9: {  	[sflag:s10] =	ssyncset.done $0x0  }
0x2da: {  	[sflag:s10] =	ssyncadd.s32 $0xFFFFD800  }
0x2db: {  	_ =	swait.ge [sflag:s17], $0x2800  }
0x2dc: {  	[sflag:s17] =	ssyncset.done $0x0  }
0x2dd: {  	[sflag:s17] =	ssyncadd.s32 $0xFFFFD800  }
0x2de: {  	[spmem:s2] =	stream.indirect.scatter.add.f32 [tilespmem:s16], [sflag:$0x2], $0x80, s1, s12, $0xb8;
	v63 =	vld [tilespmem:$0x0]  }
0x2df: {  	_ =	swait.ge [sflag:s10], $0x2800  }
0x2e0: {  	[sflag:s10] =	ssyncset.done $0x0  }
0x2e1: {  	[sflag:s10] =	ssyncadd.s32 $0xFFFFD800  }
0x2e2: {  	[tilespmem:s13], [sflag:$0x1] =	stream.indirect.gather [hbm4b:s4+s12], $0x80, s0, s12, $0xb8;
	v63 =	vld [tilespmem:$0x0]  }
0x2e3: {  	_ =	swait.ge [sflag:s17], $0x2800  }
0x2e4: {  	[sflag:s17] =	ssyncset.done $0x0  }
0x2e5: {  	[sflag:s17] =	ssyncadd.s32 $0xFFFFD800  }
0x2e6: {  	[spmem:s2] =	stream.indirect.scatter.add.f32 [tilespmem:s13], [sflag:$0x2], $0x80, s5, s12, $0xb8;
	v63 =	vld [tilespmem:$0x0]  }
0x2e7: {  	_ =	swait.ge [sflag:s10], $0x2800  }
0x2e8: {  	[sflag:s10] =	ssyncset.done $0x0  }
0x2e9: {  	[sflag:s10] =	ssyncadd.s32 $0xFFFFD800  }
0x2ea: {  	[bflag:$0x0] =	sbarrier.arrive $0xFFFF  }
0x2eb: {  	s7 =	sld [smem:$0x7FC]  }
0x2ec: {  	s9 =	sld [smem:$0x7F5]  }
0x2ed: {  	s8 =	sld [smem:$0x7FD];
	_ =	sdelay $0x2  }
0x2ee: {  	[hbm:s9], [sflag:s7] =	dma.local [spmem:s8], $0x2800  }
0x2ef: {  	_ =	swait.ge [sflag:s10], $0x2800  }
0x2f0: {  	s6 =	sld [smem:$0x7F3];
	_ =	sdelay $0x2  }
0x2f1: {  	s9 =	sadd.s32 $0x1, s6;
	s6 =	sld [smem:$0x7F6];
	_ =	sdelay $0x2  }
0x2f2: {  	p0 =	sne.s32 s9, s6  }
.Ltmp1:
0x2f3: {  	_ = 	snop;
	(pc) =	sbr.rel @p0 .LBB2_1-.Ltmp1, $3  }
0x2f4: {  	_ =	sdelay $0x1  }
0x2f5: {  	[sflag:s10] =	ssyncset.done $0x0  }
0x2f6: {  	[sflag:s10] =	ssyncadd.s32 $0xFFFFD800  }
0x2f7: {  	_ =	sfence.sel $0x180000  }
0x2f8: {  	[bflag:$0x0] =	sbarrier.arrive $0xFFFF  }
0x2f9: {  	_ =	strace $0x9000004D  }
0x2fa: {  	s0 =	stileid.u32;
	[bflag:$0x2] =	sbarrier.arrive $0xFFFF  }
0x2fb: {  	p0 =	sne.s32 s0, $0x0;
	s0 =	rddreg [dreg:$0x2]  }
0x2fc: {  	s0 =	sadd.s32 @!p0 $0x100000, s0  }
0x2fd: {  	[sflag:s0] =	ssyncadd.tile.s32 @!p0 $0x1;
	_ =	shalt  }
.Lfunc_end2:
_tile_overlayer_lowered:
.L_overlay_start_2:
0x2fe: {  	(tag) =	ssettag $0x2  }
0x2ff: {  	s0 =	rddreg [dreg:$0x0];
	s2 =	stileid.u32  }
0x300: {  	s1 =	rddreg [dreg:$0x1];
	p0 =	sne.s32 s2, $0x0  }
0x301: {  	s3 =	rddreg [dreg:$0x2];
	[bflag:$0x3] =	sbarrier.arrive $0xFFFF;
	s2 =	simm.s32 @!p0 $0x1C02  }
0x302: {  	[timem:s3], [sflag:s2] =	dma.local @!p0 [hbm:s0], s1  }
0x303: {  	s0 =	simm.s32 @!p0 $0x2  }
0x304: {  	_ =	swait.ge @!p0 [sflag:s0], s1  }
0x305: {  	s1 =	ssub.s32 @!p0 $0x0, s1;
	[sflag:s0] =	ssyncset.done @!p0 $0x0  }
0x306: {  	[sflag:s0] =	ssyncadd.s32 @!p0 s1  }
0x307: {  	[bflag:$0x3] =	sbarrier.arrive $0xFFFF  }
0x308: {  	_ =	shalt  }

// kernel: kernel.22.cloned.1.call-start
scs
__scs_entry_jumppad:
0x0: {  	(pc) =	sbr.rel $0x88, $3  }
0x1: {  	(tag) =	ssettag $0x0;
	lr =	simm.s32 $0x1  }
0x2: {  	[smem:$0x3F8F] =	sst lr;
	_ =	strace $0xD0000000  }
0x3: {  	_ = 	snop  }
0x4: {  	_ = 	snop  }
0x5: {  	_ = 	snop  }
0x6: {  	_ = 	snop  }
0x7: {  	_ = 	snop  }
__scs_overlays_trampoline_lowered:
0x8: {  	[smem:$0x3F9E] =	sst s0  }
0x9: {  	[smem:$0x3F9F] =	sst s1  }
0xa: {  	[smem:$0x3FA0] =	sst s2  }
0xb: {  	[smem:$0x3FA1] =	sst s3  }
0xc: {  	[smem:$0x3FA2] =	sst s4  }
0xd: {  	[smem:$0x3FA3] =	sst s5  }
0xe: {  	[smem:$0x3FA4] =	sst s6  }
0xf: {  	[smem:$0x3FA5] =	sst s7  }
0x10: {  	[smem:$0x3FA6] =	sst s8  }
0x11: {  	[smem:$0x3FA7] =	sst s9;
	s0 =	simm.s32 @!p0 $0x0  }
0x12: {  	s1 =	sld [smem:$0x3F8D];
	s0 =	simm.s32 @p0 $0x1  }
0x13: {  	[smem:$0x3FA8] =	sst s0;
	s0 =	simm.s32 @!p1 $0x0  }
0x14: {  	s2 =	sld [smem:$0x3F8C];
	s0 =	simm.s32 @p1 $0x1  }
0x15: {  	[smem:$0x3FA9] =	sst s0;
	s0 =	simm.s32 @!p2 $0x0  }
0x16: {  	s3 =	sld [smem:$0x3FDB];
	s0 =	simm.s32 @p2 $0x1  }
0x17: {  	s4 =	simm.s32 $0x1BF5;
	[smem:$0x3FAB] =	sst s0  }
0x18: {  	s0 =	sld [smem:$0x3F8E];
	_ =	swait.ge [sflag:s4], $0x0  }
0x19: {  	s7 =	sld [smem:$0x3F8F]  }
0x1a: {  	s8 =	sadd.s32 $0xFFFFE003, lr  }
0x1b: {  	s9 =	sadd.s32 $0xFFFFFEF7, lr;
	s5 =	simm.s32 $0xFFFFFFFF;
	p2 =	slt.u32 s8, $0xFFFFF086  }
0x1c: {  	p1 =	slt.u32 s9, $0xF7A;
	s5 =	simm.s32 @!p2 $0x0  }
0x1d: {  	s5 =	simm.s32 @p1 $0x1;
	p0 =	seq.s32 s7, s2  }
0x1e: {  	s7 =	smul.u32 @!p0 $0xF7A, s2;
	p2 =	seq.s32 @!p0 s5, $0x0  }
0x1f: {  	s9 =	smul.u32 $0xF7A, s1;
	s8 =	simm.s32 @!p0 $0x1BF5;
	p2 =	por !p2, p0  }
0x20: {  	[sflag:s8] =	ssyncset.s32 @!p0 $0xFFFFF086;
	s6 =	sadd.s32 @!p0 s3, s7;
	s7 =	simm.s32 @!p0 $0x108  }
0x21: {  	s3 =	sadd.s32 s3, s9;
	s6 =	sadd.s32 @!p0 $0x88, s6;
	s7 =	simm.s32 @p2 $0x1082  }
0x22: {  	[simem:s7], [sflag:s8] =	dma.local @!p0 [hbm:s6], $0xF7A  }
0x23: {  	s9 =	sor.u32 $0xD0000000, s2;
	s6 =	simm.s32 $0x108;
	_ =	swait.ge @!p0 [sflag:s8], $0x0  }
0x24: {  	s3 =	sadd.s32 $0x88, s3;
	s6 =	simm.s32 @!p1 $0x1082;
	[sflag:s4] =	ssyncset.s32 $0xFFFFF086  }
0x25: {  	[simem:s6], [sflag:s4] =	dma.local [hbm:s3], $0xF7A  }
0x26: {  	[smem:$0x3F8F] =	sst s1;
	(tag) =	ssettag s2;
	_ =	strace s9  }
0x27: {  	s1 =	sld [smem:$0x3F9F]  }
0x28: {  	s2 =	sld [smem:$0x3FA0]  }
0x29: {  	s4 =	sld [smem:$0x3FA2]  }
0x2a: {  	p0 =	seq.s32 s5, $0x0;
	s5 =	sld [smem:$0x3FA3]  }
0x2b: {  	s6 =	sld [smem:$0x3FA4]  }
0x2c: {  	s7 =	sld [smem:$0x3FA5]  }
0x2d: {  	s3 =	simm.s32 $0x108;
	s8 =	sld [smem:$0x3FA6]  }
0x2e: {  	s3 =	simm.s32 @!p0 $0x1082;
	s9 =	sld [smem:$0x3FA7]  }
0x2f: {  	lr =	sadd.s32 s0, s3;
	s0 =	sld [smem:$0x3F9E]  }
0x30: {  	s3 =	sld [smem:$0x3FA1]  }
0x31: {  	[smem:$0x3FAA] =	sst s10  }
0x32: {  	s10 =	sld [smem:$0x3FA8];
	_ =	sdelay $0x3  }
0x33: {  	p0 =	seq.s32 s10, $0x1;
	s10 =	sld [smem:$0x3FAA];
	_ =	sdelay $0x3  }
0x34: {  	[smem:$0x3FAA] =	sst s10  }
0x35: {  	s10 =	sld [smem:$0x3FA9];
	_ =	sdelay $0x3  }
0x36: {  	p1 =	seq.s32 s10, $0x1;
	s10 =	sld [smem:$0x3FAA];
	_ =	sdelay $0x3  }
0x37: {  	[smem:$0x3FAA] =	sst s10  }
0x38: {  	s10 =	sld [smem:$0x3FAB]  }
0x39: {  	_ = 	snop;
	(pc) =	sbr.ind lr, $3  }
0x3a: {  	_ = 	snop  }
0x3b: {  	_ = 	snop  }
0x3c: {  	p2 =	seq.s32 s10, $0x1;
	s10 =	sld [smem:$0x3FAA]  }
0x3d: {  	_ =	shalt  }
0x3e: {  	_ =	shalt  }
0x3f: {  	_ =	shalt  }
0x40: {  	_ =	shalt  }
0x41: {  	_ =	shalt  }
0x42: {  	_ =	shalt  }
0x43: {  	_ =	shalt  }
0x44: {  	_ =	shalt  }
0x45: {  	_ =	shalt  }
0x46: {  	_ =	shalt  }
0x47: {  	_ =	shalt  }
0x48: {  	_ =	shalt  }
0x49: {  	_ =	shalt  }
0x4a: {  	_ =	shalt  }
0x4b: {  	_ =	shalt  }
0x4c: {  	_ =	shalt  }
0x4d: {  	_ =	shalt  }
0x4e: {  	_ =	shalt  }
0x4f: {  	_ =	shalt  }
0x50: {  	_ =	shalt  }
0x51: {  	_ =	shalt  }
0x52: {  	_ =	shalt  }
0x53: {  	_ =	shalt  }
0x54: {  	_ =	shalt  }
0x55: {  	_ =	shalt  }
0x56: {  	_ =	shalt  }
0x57: {  	_ =	shalt  }
0x58: {  	_ =	shalt  }
0x59: {  	_ =	shalt  }
0x5a: {  	_ =	shalt  }
0x5b: {  	_ =	shalt  }
0x5c: {  	_ =	shalt  }
0x5d: {  	_ =	shalt  }
0x5e: {  	_ =	shalt  }
0x5f: {  	_ =	shalt  }
0x60: {  	_ =	shalt  }
0x61: {  	_ =	shalt  }
0x62: {  	_ =	shalt  }
0x63: {  	_ =	shalt  }
0x64: {  	_ =	shalt  }
0x65: {  	_ =	shalt  }
0x66: {  	_ =	shalt  }
0x67: {  	_ =	shalt  }
0x68: {  	_ =	shalt  }
0x69: {  	_ =	shalt  }
0x6a: {  	_ =	shalt  }
0x6b: {  	_ =	shalt  }
0x6c: {  	_ =	shalt  }
0x6d: {  	_ =	shalt  }
0x6e: {  	_ =	shalt  }
0x6f: {  	_ =	shalt  }
0x70: {  	_ =	shalt  }
0x71: {  	_ =	shalt  }
0x72: {  	_ =	shalt  }
0x73: {  	_ =	shalt  }
0x74: {  	_ =	shalt  }
0x75: {  	_ =	shalt  }
0x76: {  	_ =	shalt  }
0x77: {  	_ =	shalt  }
0x78: {  	_ =	shalt  }
0x79: {  	_ =	shalt  }
0x7a: {  	_ =	shalt  }
0x7b: {  	_ =	shalt  }
0x7c: {  	_ =	shalt  }
0x7d: {  	_ =	shalt  }
0x7e: {  	_ =	shalt  }
0x7f: {  	_ =	shalt  }
0x80: {  	_ =	shalt  }
0x81: {  	_ =	shalt  }
0x82: {  	_ =	shalt  }
0x83: {  	_ =	shalt  }
0x84: {  	_ =	shalt  }
0x85: {  	_ =	shalt  }
0x86: {  	_ =	shalt  }
0x87: {  	_ =	shalt  }
.Lfunc_end0:
.L_simem_size_0:
called_computation.3_lowered:
.L_overlay_start_0:
0x88: {  	s2 =	sld [smem:$0x3FD9]  }
0x89: {  	s3 =	sld [smem:$0x3FFE];
	_ =	sdelay $0x1  }
0x8a: {  	s1 =	srdreg.scid  }
0x8b: {  	s0 =	sand.u32 $0x1, s1  }
0x8c: {  	s16 =	sshll.u32 s0, $0xA;
	s2 =	sadd.s32 s3, s2  }
0x8d: {  	s2 =	sadd.s32 s2, s16  }
0x8e: {  	[smem:$0x3FB6] =	sst s2  }
0x8f: {  	_ = 	snop  }
0x90: {  	(tm) =	ssettm $0x1  }
0x91: {  	s17 =	sld [smem:$0x3FFB];
	_ =	sdelay $0x3  }
0x92: {  	_ =	strace s17  }
0x93: {  	s2 =	sld [smem:$0x3FFC];
	_ =	sdelay $0x3  }
0x94: {  	_ =	strace s2  }
0x95: {  	s2 =	sld [smem:$0x3FFD];
	_ =	sdelay $0x3  }
0x96: {  	_ =	strace s2  }
0x97: {  	_ =	strace $0x8FFFFFFF  }
0x98: {  	s18 =	sld [smem:$0x3FDB];
	_ =	sdelay $0x1  }
0x99: {  	s19 =	simm.s32 $_scs_section_size  }
0x9a: {  	s4 =	simm.s32 $_size__tile_overlayer_lowered;
	s5 =	simm.s32 $_tile_overlayer_lowered  }
0x9b: {  	s22 =	simm.s32 $0x1BFF;
	s21 =	sshll.u32 s5, $0x1;
	s2 =	sadd.s32 s19, s18  }
0x9c: {  	s6 =	simm.s32 $0x0;
	s20 =	sshll.u32 s4, $0x1;
	s4 =	sadd.s32 s21, s2  }
0x9d: {  	[timem:s6], [sflag:s22] =	dma.local [hbm:s4], s20  }
0x9e: {  	_ =	swait.ge [sflag:s22], s20  }
0x9f: {  	s3 =	ssub.s32 $0x0, s20;
	[sflag:s22] =	ssyncset.done $0x0  }
0xa0: {  	[sflag:s22] =	ssyncadd.s32 s3;
	_ =	sdelay $0x1  }
0xa1: {  	s23 =	simm.s32 $0x1B8B  }
0xa2: {  	_ =	swait.ge [sflag:s23], $0x1  }
0xa3: {  	[sflag:s23] =	ssyncset.done $0x0  }
0xa4: {  	s25 =	simm.s32 $0x1B8E;
	s24 =	sld [smem:$0x3FFE];
	[sflag:s23] =	ssyncadd.s32 $0xFFFFFFFF  }
0xa5: {  	s26 =	simm.s32 $execute0_lowered;
	[smem:$0x3FD2] =	sst s25  }
0xa6: {  	s4 =	sshll.u32 s26, $0x1;
	_ =	strace $0x8000004F;
	[dreg:$0x1] =	wrdreg $0xFFFFFFFF  }
0xa7: {  	s28 =	simm.s32 $_size_execute0_lowered;
	s2 =	sadd.s32 s2, s4;
	[dreg:$0x0] =	wrdreg $0x0  }
0xa8: {  	s4 =	sshll.u32 s28, $0x1;
	[dreg:$0x2] =	wrdreg s2  }
0xa9: {  	[dreg:$0x3] =	wrdreg s4  }
0xaa: {  	[dreg:$0x4] =	wrdreg $0xC0  }
0xab: {  	_ =	task [dreg:s6], $0x5FFFF  }
0xac: {  	[dreg:$0x1] =	wrdreg $0xFFFFFFFF  }
0xad: {  	[dreg:$0x0] =	wrdreg $0x60  }
0xae: {  	[dreg:$0x2] =	wrdreg s24  }
0xaf: {  	[dreg:$0x3] =	wrdreg $0xC0000  }
0xb0: {  	[dreg:$0x4] =	wrdreg $0x9  }
0xb1: {  	_ =	task.clear_ibuf [dreg:s6], $0x5FFFF;
	_ =	strace $0x9000004F  }
0xb2: {  	s29 =	simm.s32 $0x9;
	_ =	strace $0x80000051  }
0xb3: {  	_ =	swait.ge [sflag:s29], $0x1  }
0xb4: {  	[sflag:s29] =	ssyncadd.s32 $0xFFFFFFFF  }
0xb5: {  	_ =	strace $0x90000051  }
0xb6: {  	_ =	sfence  }
0xb7: {  	s30 =	sld [smem:$0x0];
	_ =	sdelay $0x2  }
0xb8: {  	s31 =	sshll.u32 s1, $0xD;
	s1 =	sshrl.u32 s1, $0x2  }
0xb9: {  	s3 =	sand.u32 $0x4000, s31;
	s1 =	sadd.s32 s1, s30  }
0xba: {  	s0 =	sor.u32 s3, s0;
	s1 =	sshll.u32 s1, $0x11  }
0xbb: {  	s0 =	sor.u32 s1, s0  }
0xbc: {  	s0 =	sadd.s32 $0x8F2B, s0  }
0xbd: {  	[sflag:s0] =	ssyncadd.remote.s32 $0x1  }
0xbe: {  	_ =	sfence.sel $0xFFFF  }
0xbf: {  	[dreg:$0x0] =	wrdreg $0xFFFFFFFF;
	(pc) =	sbr.abs _section_cstart, $3  }
0xc0: {  	[dreg:$0x1] =	wrdreg $0xFFFFFFFF  }
0xc1: {  	_ =	task.clear_ibuf [dreg:s6], $0x2FFFF;
	_ =	strace $0x9FFFFFFF  }
0xc2: {  	(tm) =	ssettm $0x7FFFFFFF  }
0xc3: {  	_ =	shalt  }
tec
execute0_lowered:
.L_overlay_start_1:
0x0: {  	(tag) =	ssettag $0x1  }
0x1: {  	s0 =	srdreg.scid;
	s8 =	stileid.u32  }
0x2: {  	s0 =	sand.u32 $0x1, s0;
	s3 =	smul.u32 $0x5000, s8  }
0x3: {  	s1 =	smul.u32 $0x50000, s0  }
0x4: {  	s5 =	rddreg [dreg:$0x0]  }
0x5: {  	s2 =	rddreg [dreg:$0x1];
	s1 =	sadd.s32 s3, s1;
	s3 =	simm.s32 $0x0  }
0x6: {  	s9 =	simm.s32 $0x80;
	[smem:$0x7FF] =	sst s3  }
0x7: {  	s10 =	simm.s32 $0x100;
	_ =	strace $0x80000050;
	[dreg:$0x5] =	wrdreg s9  }
0x8: {  	s11 =	simm.s32 $0x180;
	[dreg:$0x6] =	wrdreg s10  }
0x9: {  	s12 =	simm.s32 $0x1080;
	[dreg:$0x7] =	wrdreg s11  }
0xa: {  	s13 =	simm.s32 $0x1100;
	s14 =	simm.s32 $0x1180;
	[dreg:$0x8] =	wrdreg s12  }
0xb: {  	s15 =	simm.s32 $0x200;
	s16 =	simm.s32 $0x280;
	[dreg:$0x9] =	wrdreg s13  }
0xc: {  	s17 =	simm.s32 $0x300;
	s18 =	simm.s32 $0x380;
	[dreg:$0xa] =	wrdreg s14  }
0xd: {  	s19 =	simm.s32 $0x1200;
	s20 =	simm.s32 $0x1280;
	[dreg:$0xb] =	wrdreg s15  }
0xe: {  	s21 =	simm.s32 $0x1300;
	s22 =	simm.s32 $0x1380;
	[dreg:$0xc] =	wrdreg s16  }
0xf: {  	s24 =	simm.s32 $0x400;
	s26 =	simm.s32 $0x480;
	[dreg:$0xd] =	wrdreg s17  }
0x10: {  	s28 =	simm.s32 $0xB80;
	s29 =	simm.s32 $0x1A00;
	[dreg:$0xe] =	wrdreg s18  }
0x11: {  	s30 =	simm.s32 $0x1A80;
	s7 =	smul.u32 $0x14000, s8;
	[dreg:$0xf] =	wrdreg s19  }
0x12: {  	s31 =	simm.s32 $0x1B00;
	s6 =	smul.u32 $0x140000, s0;
	[dreg:$0x10] =	wrdreg s20  }
0x13: {  	s25 =	smul.u32 $0x50000, s8;
	s0 =	ssub.s32 $0x2, s0;
	[dreg:$0x11] =	wrdreg s21  }
0x14: {  	s23 =	sshrl.u32 s0, $0x1;
	s6 =	sadd.s32 s7, s6;
	[dreg:$0x12] =	wrdreg s22  }
0x15: {  	s0 =	ssub.s32 s0, s23;
	s23 =	simm.s32 $0x1700;
	[dreg:$0x13] =	wrdreg s24  }
0x16: {  	s1 =	sshrl.u32 s1, $0x3;
	s0 =	smax.u32 s0, $0x1;
	[dreg:$0x14] =	wrdreg s26  }
0x17: {  	s6 =	sshrl.u32 s6, $0x3;
	s1 =	sadd.s32 s1, s5;
	[smem:$0x7F6] =	sst s0  }
0x18: {  	s9 =	sadd.s32 $0x14E00, s5;
	s10 =	sshrl.u32 s25, $0x2;
	[smem:$0x7F8] =	sst s23  }
0x19: {  	s11 =	simm.s32 $0x580;
	s12 =	simm.s32 $0x1400;
	[smem:$0x7F4] =	sst s9  }
0x1a: {  	s13 =	sshll.u32 s8, $0x6;
	s14 =	simm.s32 $0x1480;
	[dreg:$0x16] =	wrdreg s11  }
0x1b: {  	s15 =	simm.s32 $0x1500;
	s16 =	simm.s32 $0x1580;
	[dreg:$0x17] =	wrdreg s12  }
0x1c: {  	s17 =	simm.s32 $0x600;
	s18 =	simm.s32 $0x680;
	[dreg:$0x18] =	wrdreg s14  }
0x1d: {  	s19 =	simm.s32 $0x700;
	s20 =	simm.s32 $0x780;
	[dreg:$0x19] =	wrdreg s15  }
0x1e: {  	s21 =	simm.s32 $0x1600;
	s22 =	simm.s32 $0x1680;
	[dreg:$0x1a] =	wrdreg s16  }
0x1f: {  	s24 =	simm.s32 $0x1780;
	s25 =	simm.s32 $0x800;
	[dreg:$0x1b] =	wrdreg s17  }
0x20: {  	s26 =	simm.s32 $0x880;
	s23 =	simm.s32 $0x1980;
	[dreg:$0x1c] =	wrdreg s18  }
0x21: {  	s0 =	simm.s32 $0xC00;
	s4 =	sadd.s32 $0x67600, s1;
	[dreg:$0x1d] =	wrdreg s19  }
0x22: {  	s1 =	sadd.s32 $0x7B600, s1;
	s9 =	simm.s32 $0x500;
	[dreg:$0x1e] =	wrdreg s20  }
0x23: {  	s7 =	sor.u32 $0x1C02, s13;
	s11 =	simm.s32 $0x1000;
	[dreg:$0x1f] =	wrdreg s21  }
0x24: {  	s12 =	simm.s32 $0x50;
	s13 =	simm.s32 $0x2000;
	[smem:$0x7F7] =	sst s22  }
0x25: {  	s14 =	simm.s32 $0x4800;
	s15 =	simm.s32 $0x7000;
	[smem:$0x7F9] =	sst s24  }
0x26: {  	s16 =	simm.s32 $0x9800;
	s17 =	simm.s32 $0x1;
	[smem:$0x7FA] =	sst s25  }
0x27: {  	[smem:$0x7FB] =	sst s26;
	s18 =	simm.s32 $0x900;
	s19 =	simm.s32 $0x980  }
0x28: {  	s20 =	simm.s32 $0x1800;
	s21 =	simm.s32 $0x1880;
	s22 =	simm.s32 $0x1900  }
0x29: {  	s24 =	simm.s32 $0xA00;
	s25 =	simm.s32 $0xA80;
	[dreg:$0x3] =	wrdreg s4  }
0x2a: {  	s26 =	simm.s32 $0xB00;
	[dreg:$0x4] =	wrdreg s1;
	s4 =	sadd.s32 $0x17600, s5  }
0x2b: {  	s5 =	sadd.s32 s6, s5;
	[dreg:$0x15] =	wrdreg s9;
	s6 =	sadd.s32 s10, s2  }
0x2c: {  	s10 =	simm.s32 $0x2;
	[smem:$0x7FC] =	sst s7;
	s5 =	sadd.s32 $0x8F600, s5  }
0x2d: {  	s1 =	simm.s32 $0x1B80;
	s8 =	sshrl.u32 s6, $0x3;
	[smem:$0x7F5] =	sst s5  }
0x2e: {  	s9 =	simm.s32 $0x0;
	s5 =	simm.s32 $0x1C00;
	[smem:$0x7FD] =	sst s8  }
.LBB2_1:
0x2f: {  	s6 =	sld [smem:$0x7F4];
	_ =	sdelay $0x1  }
0x30: {  	[smem:$0x7F3] =	sst s9  }
0x31: {  	[spmem:s8], [sflag:s7] =	dma.local [hbm:s6], $0x2800  }
0x32: {  	_ =	swait.ge [sflag:s10], $0x2800  }
0x33: {  	[sflag:s10] =	ssyncset.done $0x0  }
0x34: {  	[sflag:s10] =	ssyncadd.s32 $0xFFFFD800  }
0x35: {  	[bflag:$0x0] =	sbarrier.arrive $0xFFFF  }
0x36: {  	s9 =	rddreg [dreg:$0x4]  }
0x37: {  	s6 =	sadd.s32 $0x0, s9  }
0x38: {  	[tilespmem:s3], [sflag:$0x2] =	stream.linear.gather [hbm4b:s6+s3], $0xC80, $0x38;
	v63 =	vld [tilespmem:$0x0]  }
0x39: {  	_ =	swait.ge [sflag:s10], $0xC80  }
0x3a: {  	s7 =	rddreg [dreg:$0x3];
	[sflag:s10] =	ssyncset.done $0x0  }
0x3b: {  	[sflag:s10] =	ssyncadd.s32 $0xFFFFF380;
	s6 =	sadd.s32 $0x0, s7  }
0x3c: {  	[tilespmem:s11], [sflag:$0x2] =	stream.linear.gather [hbm4b:s6+s3], $0xC80, $0x38;
	v63 =	vld [tilespmem:$0x0]  }
0x3d: {  	_ =	swait.ge [sflag:s10], $0xC80  }
0x3e: {  	[sflag:s10] =	ssyncset.done $0x0  }
0x3f: {  	[sflag:s10] =	ssyncadd.s32 $0xFFFFF380  }
0x40: {  	[tilespmem:s13], [sflag:$0x1] =	stream.indirect.gather [hbm4b:s4+s12], $0x80, s3, s12, $0xb8;
	v63 =	vld [tilespmem:$0x0]  }
0x41: {  	s8 =	rddreg [dreg:$0x5]  }
0x42: {  	[tilespmem:s14], [sflag:$0x1] =	stream.indirect.gather [hbm4b:s4+s12], $0x80, s8, s12, $0xb8;
	v63 =	vld [tilespmem:$0x0]  }
0x43: {  	s9 =	rddreg [dreg:$0x6]  }
0x44: {  	[tilespmem:s15], [sflag:$0x1] =	stream.indirect.gather [hbm4b:s4+s12], $0x80, s9, s12, $0xb8;
	v63 =	vld [tilespmem:$0x0]  }
0x45: {  	s7 =	rddreg [dreg:$0x7]  }
0x46: {  	[tilespmem:s16], [sflag:$0x1] =	stream.indirect.gather [hbm4b:s4+s12], $0x80, s7, s12, $0xb8;
	v63 =	vld [tilespmem:$0x0]  }
0x47: {  	_ =	swait.ge [sflag:s17], $0x2800  }
0x48: {  	[sflag:s17] =	ssyncset.done $0x0  }
0x49: {  	[sflag:s17] =	ssyncadd.s32 $0xFFFFD800  }
0x4a: {  	[spmem:s2] =	stream.indirect.scatter.add.f32 [tilespmem:s13], [sflag:$0x2], $0x80, s11, s12, $0xb8;
	v63 =	vld [tilespmem:$0x0]  }
0x4b: {  	_ =	swait.ge [sflag:s10], $0x2800  }
0x4c: {  	[sflag:s10] =	ssyncset.done $0x0  }
0x4d: {  	[sflag:s10] =	ssyncadd.s32 $0xFFFFD800  }
0x4e: {  	_ =	swait.ge [sflag:s17], $0x2800  }
0x4f: {  	[sflag:s17] =	ssyncset.done $0x0  }
0x50: {  	s8 =	rddreg [dreg:$0x8];
	[sflag:s17] =	ssyncadd.s32 $0xFFFFD800  }
0x51: {  	[spmem:s2] =	stream.indirect.scatter.add.f32 [tilespmem:s14], [sflag:$0x2], $0x80, s8, s12, $0xb8;
	v63 =	vld [tilespmem:$0x0]  }
0x52: {  	_ =	swait.ge [sflag:s10], $0x2800  }
0x53: {  	[sflag:s10] =	ssyncset.done $0x0  }
0x54: {  	[sflag:s10] =	ssyncadd.s32 $0xFFFFD800  }
0x55: {  	_ =	swait.ge [sflag:s17], $0x2800  }
0x56: {  	[sflag:s17] =	ssyncset.done $0x0  }
0x57: {  	s9 =	rddreg [dreg:$0x9];
	[sflag:s17] =	ssyncadd.s32 $0xFFFFD800  }
0x58: {  	[spmem:s2] =	stream.indirect.scatter.add.f32 [tilespmem:s15], [sflag:$0x2], $0x80, s9, s12, $0xb8;
	v63 =	vld [tilespmem:$0x0]  }
0x59: {  	_ =	swait.ge [sflag:s10], $0x2800  }
0x5a: {  	[sflag:s10] =	ssyncset.done $0x0  }
0x5b: {  	[sflag:s10] =	ssyncadd.s32 $0xFFFFD800  }
0x5c: {  	_ =	swait.ge [sflag:s17], $0x2800  }
0x5d: {  	[sflag:s17] =	ssyncset.done $0x0  }
0x5e: {  	s7 =	rddreg [dreg:$0xa];
	[sflag:s17] =	ssyncadd.s32 $0xFFFFD800  }
0x5f: {  	[spmem:s2] =	stream.indirect.scatter.add.f32 [tilespmem:s16], [sflag:$0x2], $0x80, s7, s12, $0xb8;
	v63 =	vld [tilespmem:$0x0]  }
0x60: {  	_ =	swait.ge [sflag:s10], $0x2800  }
0x61: {  	[sflag:s10] =	ssyncset.done $0x0  }
0x62: {  	s8 =	rddreg [dreg:$0xb];
	[sflag:s10] =	ssyncadd.s32 $0xFFFFD800  }
0x63: {  	[tilespmem:s13], [sflag:$0x1] =	stream.indirect.gather [hbm4b:s4+s12], $0x80, s8, s12, $0xb8;
	v63 =	vld [tilespmem:$0x0]  }
0x64: {  	s9 =	rddreg [dreg:$0xc]  }
0x65: {  	[tilespmem:s14], [sflag:$0x1] =	stream.indirect.gather [hbm4b:s4+s12], $0x80, s9, s12, $0xb8;
	v63 =	vld [tilespmem:$0x0]  }
0x66: {  	s7 =	rddreg [dreg:$0xd]  }
0x67: {  	[tilespmem:s15], [sflag:$0x1] =	stream.indirect.gather [hbm4b:s4+s12], $0x80, s7, s12, $0xb8;
	v63 =	vld [tilespmem:$0x0]  }
0x68: {  	s9 =	rddreg [dreg:$0xe]  }
0x69: {  	[tilespmem:s16], [sflag:$0x1] =	stream.indirect.gather [hbm4b:s4+s12], $0x80, s9, s12, $0xb8;
	v63 =	vld [tilespmem:$0x0]  }
0x6a: {  	_ =	swait.ge [sflag:s17], $0x2800  }
0x6b: {  	[sflag:s17] =	ssyncset.done $0x0  }
0x6c: {  	s7 =	rddreg [dreg:$0xf];
	[sflag:s17] =	ssyncadd.s32 $0xFFFFD800  }
0x6d: {  	[spmem:s2] =	stream.indirect.scatter.add.f32 [tilespmem:s13], [sflag:$0x2], $0x80, s7, s12, $0xb8;
	v63 =	vld [tilespmem:$0x0]  }
0x6e: {  	_ =	swait.ge [sflag:s10], $0x2800  }
0x6f: {  	[sflag:s10] =	ssyncset.done $0x0  }
0x70: {  	[sflag:s10] =	ssyncadd.s32 $0xFFFFD800  }
0x71: {  	_ =	swait.ge [sflag:s17], $0x2800  }
0x72: {  	[sflag:s17] =	ssyncset.done $0x0  }
0x73: {  	s8 =	rddreg [dreg:$0x10];
	[sflag:s17] =	ssyncadd.s32 $0xFFFFD800  }
0x74: {  	[spmem:s2] =	stream.indirect.scatter.add.f32 [tilespmem:s14], [sflag:$0x2], $0x80, s8, s12, $0xb8;
	v63 =	vld [tilespmem:$0x0]  }
0x75: {  	_ =	swait.ge [sflag:s10], $0x2800  }
0x76: {  	[sflag:s10] =	ssyncset.done $0x0  }
0x77: {  	[sflag:s10] =	ssyncadd.s32 $0xFFFFD800  }
0x78: {  	_ =	swait.ge [sflag:s17], $0x2800  }
0x79: {  	[sflag:s17] =	ssyncset.done $0x0  }
0x7a: {  	s9 =	rddreg [dreg:$0x11];
	[sflag:s17] =	ssyncadd.s32 $0xFFFFD800  }
0x7b: {  	[spmem:s2] =	stream.indirect.scatter.add.f32 [tilespmem:s15], [sflag:$0x2], $0x80, s9, s12, $0xb8;
	v63 =	vld [tilespmem:$0x0]  }
0x7c: {  	_ =	swait.ge [sflag:s10], $0x2800  }
0x7d: {  	[sflag:s10] =	ssyncset.done $0x0  }
0x7e: {  	[sflag:s10] =	ssyncadd.s32 $0xFFFFD800  }
0x7f: {  	_ =	swait.ge [sflag:s17], $0x2800  }
0x80: {  	[sflag:s17] =	ssyncset.done $0x0  }
0x81: {  	s7 =	rddreg [dreg:$0x12];
	[sflag:s17] =	ssyncadd.s32 $0xFFFFD800  }
0x82: {  	[spmem:s2] =	stream.indirect.scatter.add.f32 [tilespmem:s16], [sflag:$0x2], $0x80, s7, s12, $0xb8;
	v63 =	vld [tilespmem:$0x0]  }
0x83: {  	_ =	swait.ge [sflag:s10], $0x2800  }
0x84: {  	[sflag:s10] =	ssyncset.done $0x0  }
0x85: {  	s8 =	rddreg [dreg:$0x13];
	[sflag:s10] =	ssyncadd.s32 $0xFFFFD800  }
0x86: {  	[tilespmem:s13], [sflag:$0x1] =	stream.indirect.gather [hbm4b:s4+s12], $0x80, s8, s12, $0xb8;
	v63 =	vld [tilespmem:$0x0]  }
0x87: {  	s9 =	rddreg [dreg:$0x14]  }
0x88: {  	[tilespmem:s14], [sflag:$0x1] =	stream.indirect.gather [hbm4b:s4+s12], $0x80, s9, s12, $0xb8;
	v63 =	vld [tilespmem:$0x0]  }
0x89: {  	s7 =	rddreg [dreg:$0x15]  }
0x8a: {  	[tilespmem:s15], [sflag:$0x1] =	stream.indirect.gather [hbm4b:s4+s12], $0x80, s7, s12, $0xb8;
	v63 =	vld [tilespmem:$0x0]  }
0x8b: {  	s9 =	rddreg [dreg:$0x16]  }
0x8c: {  	[tilespmem:s16], [sflag:$0x1] =	stream.indirect.gather [hbm4b:s4+s12], $0x80, s9, s12, $0xb8;
	v63 =	vld [tilespmem:$0x0]  }
0x8d: {  	_ =	swait.ge [sflag:s17], $0x2800  }
0x8e: {  	[sflag:s17] =	ssyncset.done $0x0  }
0x8f: {  	s7 =	rddreg [dreg:$0x17];
	[sflag:s17] =	ssyncadd.s32 $0xFFFFD800  }
0x90: {  	[spmem:s2] =	stream.indirect.scatter.add.f32 [tilespmem:s13], [sflag:$0x2], $0x80, s7, s12, $0xb8;
	v63 =	vld [tilespmem:$0x0]  }
0x91: {  	_ =	swait.ge [sflag:s10], $0x2800  }
0x92: {  	[sflag:s10] =	ssyncset.done $0x0  }
0x93: {  	[sflag:s10] =	ssyncadd.s32 $0xFFFFD800  }
0x94: {  	_ =	swait.ge [sflag:s17], $0x2800  }
0x95: {  	[sflag:s17] =	ssyncset.done $0x0  }
0x96: {  	s8 =	rddreg [dreg:$0x18];
	[sflag:s17] =	ssyncadd.s32 $0xFFFFD800  }
0x97: {  	[spmem:s2] =	stream.indirect.scatter.add.f32 [tilespmem:s14], [sflag:$0x2], $0x80, s8, s12, $0xb8;
	v63 =	vld [tilespmem:$0x0]  }
0x98: {  	_ =	swait.ge [sflag:s10], $0x2800  }
0x99: {  	[sflag:s10] =	ssyncset.done $0x0  }
0x9a: {  	[sflag:s10] =	ssyncadd.s32 $0xFFFFD800  }
0x9b: {  	_ =	swait.ge [sflag:s17], $0x2800  }
0x9c: {  	[sflag:s17] =	ssyncset.done $0x0  }
0x9d: {  	s9 =	rddreg [dreg:$0x19];
	[sflag:s17] =	ssyncadd.s32 $0xFFFFD800  }
0x9e: {  	[spmem:s2] =	stream.indirect.scatter.add.f32 [tilespmem:s15], [sflag:$0x2], $0x80, s9, s12, $0xb8;
	v63 =	vld [tilespmem:$0x0]  }
0x9f: {  	_ =	swait.ge [sflag:s10], $0x2800  }
0xa0: {  	[sflag:s10] =	ssyncset.done $0x0  }
0xa1: {  	[sflag:s10] =	ssyncadd.s32 $0xFFFFD800  }
0xa2: {  	_ =	swait.ge [sflag:s17], $0x2800  }
0xa3: {  	[sflag:s17] =	ssyncset.done $0x0  }
0xa4: {  	s7 =	rddreg [dreg:$0x1a];
	[sflag:s17] =	ssyncadd.s32 $0xFFFFD800  }
0xa5: {  	[spmem:s2] =	stream.indirect.scatter.add.f32 [tilespmem:s16], [sflag:$0x2], $0x80, s7, s12, $0xb8;
	v63 =	vld [tilespmem:$0x0]  }
0xa6: {  	_ =	swait.ge [sflag:s10], $0x2800  }
0xa7: {  	[sflag:s10] =	ssyncset.done $0x0  }
0xa8: {  	s8 =	rddreg [dreg:$0x1b];
	[sflag:s10] =	ssyncadd.s32 $0xFFFFD800  }
0xa9: {  	[tilespmem:s13], [sflag:$0x1] =	stream.indirect.gather [hbm4b:s4+s12], $0x80, s8, s12, $0xb8;
	v63 =	vld [tilespmem:$0x0]  }
0xaa: {  	s9 =	rddreg [dreg:$0x1c]  }
0xab: {  	[tilespmem:s14], [sflag:$0x1] =	stream.indirect.gather [hbm4b:s4+s12], $0x80, s9, s12, $0xb8;
	v63 =	vld [tilespmem:$0x0]  }
0xac: {  	s7 =	rddreg [dreg:$0x1d]  }
0xad: {  	[tilespmem:s15], [sflag:$0x1] =	stream.indirect.gather [hbm4b:s4+s12], $0x80, s7, s12, $0xb8;
	v63 =	vld [tilespmem:$0x0]  }
0xae: {  	s9 =	rddreg [dreg:$0x1e]  }
0xaf: {  	[tilespmem:s16], [sflag:$0x1] =	stream.indirect.gather [hbm4b:s4+s12], $0x80, s9, s12, $0xb8;
	v63 =	vld [tilespmem:$0x0]  }
0xb0: {  	_ =	swait.ge [sflag:s17], $0x2800  }
0xb1: {  	[sflag:s17] =	ssyncset.done $0x0  }
0xb2: {  	s7 =	rddreg [dreg:$0x1f];
	[sflag:s17] =	ssyncadd.s32 $0xFFFFD800  }
0xb3: {  	[spmem:s2] =	stream.indirect.scatter.add.f32 [tilespmem:s13], [sflag:$0x2], $0x80, s7, s12, $0xb8;
	v63 =	vld [tilespmem:$0x0]  }
0xb4: {  	_ =	swait.ge [sflag:s10], $0x2800  }
0xb5: {  	[sflag:s10] =	ssyncset.done $0x0  }
0xb6: {  	[sflag:s10] =	ssyncadd.s32 $0xFFFFD800  }
0xb7: {  	_ =	swait.ge [sflag:s17], $0x2800  }
0xb8: {  	s8 =	sld [smem:$0x7F7]  }
0xb9: {  	[sflag:s17] =	ssyncset.done $0x0  }
0xba: {  	[sflag:s17] =	ssyncadd.s32 $0xFFFFD800  }
0xbb: {  	[spmem:s2] =	stream.indirect.scatter.add.f32 [tilespmem:s14], [sflag:$0x2], $0x80, s8, s12, $0xb8;
	v63 =	vld [tilespmem:$0x0]  }
0xbc: {  	_ =	swait.ge [sflag:s10], $0x2800  }
0xbd: {  	[sflag:s10] =	ssyncset.done $0x0  }
0xbe: {  	[sflag:s10] =	ssyncadd.s32 $0xFFFFD800  }
0xbf: {  	_ =	swait.ge [sflag:s17], $0x2800  }
0xc0: {  	s9 =	sld [smem:$0x7F8]  }
0xc1: {  	[sflag:s17] =	ssyncset.done $0x0  }
0xc2: {  	[sflag:s17] =	ssyncadd.s32 $0xFFFFD800  }
0xc3: {  	[spmem:s2] =	stream.indirect.scatter.add.f32 [tilespmem:s15], [sflag:$0x2], $0x80, s9, s12, $0xb8;
	v63 =	vld [tilespmem:$0x0]  }
0xc4: {  	_ =	swait.ge [sflag:s10], $0x2800  }
0xc5: {  	[sflag:s10] =	ssyncset.done $0x0  }
0xc6: {  	[sflag:s10] =	ssyncadd.s32 $0xFFFFD800  }
0xc7: {  	_ =	swait.ge [sflag:s17], $0x2800  }
0xc8: {  	s7 =	sld [smem:$0x7F9]  }
0xc9: {  	[sflag:s17] =	ssyncset.done $0x0  }
0xca: {  	[sflag:s17] =	ssyncadd.s32 $0xFFFFD800  }
0xcb: {  	[spmem:s2] =	stream.indirect.scatter.add.f32 [tilespmem:s16], [sflag:$0x2], $0x80, s7, s12, $0xb8;
	v63 =	vld [tilespmem:$0x0]  }
0xcc: {  	_ =	swait.ge [sflag:s10], $0x2800  }
0xcd: {  	s8 =	sld [smem:$0x7FA]  }
0xce: {  	[sflag:s10] =	ssyncset.done $0x0  }
0xcf: {  	s9 =	sld [smem:$0x7FB];
	[sflag:s10] =	ssyncadd.s32 $0xFFFFD800  }
0xd0: {  	[tilespmem:s13], [sflag:$0x1] =	stream.indirect.gather [hbm4b:s4+s12], $0x80, s8, s12, $0xb8;
	v63 =	vld [tilespmem:$0x0]  }
0xd1: {  	_ = 	snop  }
0xd2: {  	[tilespmem:s14], [sflag:$0x1] =	stream.indirect.gather [hbm4b:s4+s12], $0x80, s9, s12, $0xb8;
	v63 =	vld [tilespmem:$0x0]  }
0xd3: {  	_ = 	snop  }
0xd4: {  	[tilespmem:s15], [sflag:$0x1] =	stream.indirect.gather [hbm4b:s4+s12], $0x80, s18, s12, $0xb8;
	v63 =	vld [tilespmem:$0x0]  }
0xd5: {  	_ = 	snop  }
0xd6: {  	[tilespmem:s16], [sflag:$0x1] =	stream.indirect.gather [hbm4b:s4+s12], $0x80, s19, s12, $0xb8;
	v63 =	vld [tilespmem:$0x0]  }
0xd7: {  	_ =	swait.ge [sflag:s17], $0x2800  }
0xd8: {  	[sflag:s17] =	ssyncset.done $0x0  }
0xd9: {  	[sflag:s17] =	ssyncadd.s32 $0xFFFFD800  }
0xda: {  	[spmem:s2] =	stream.indirect.scatter.add.f32 [tilespmem:s13], [sflag:$0x2], $0x80, s20, s12, $0xb8;
	v63 =	vld [tilespmem:$0x0]  }
0xdb: {  	_ =	swait.ge [sflag:s10], $0x2800  }
0xdc: {  	[sflag:s10] =	ssyncset.done $0x0  }
0xdd: {  	[sflag:s10] =	ssyncadd.s32 $0xFFFFD800  }
0xde: {  	_ =	swait.ge [sflag:s17], $0x2800  }
0xdf: {  	[sflag:s17] =	ssyncset.done $0x0  }
0xe0: {  	[sflag:s17] =	ssyncadd.s32 $0xFFFFD800  }
0xe1: {  	[spmem:s2] =	stream.indirect.scatter.add.f32 [tilespmem:s14], [sflag:$0x2], $0x80, s21, s12, $0xb8;
	v63 =	vld [tilespmem:$0x0]  }
0xe2: {  	_ =	swait.ge [sflag:s10], $0x2800  }
0xe3: {  	[sflag:s10] =	ssyncset.done $0x0  }
0xe4: {  	[sflag:s10] =	ssyncadd.s32 $0xFFFFD800  }
0xe5: {  	_ =	swait.ge [sflag:s17], $0x2800  }
0xe6: {  	[sflag:s17] =	ssyncset.done $0x0  }
0xe7: {  	[sflag:s17] =	ssyncadd.s32 $0xFFFFD800  }
0xe8: {  	[spmem:s2] =	stream.indirect.scatter.add.f32 [tilespmem:s15], [sflag:$0x2], $0x80, s22, s12, $0xb8;
	v63 =	vld [tilespmem:$0x0]  }
0xe9: {  	_ =	swait.ge [sflag:s10], $0x2800  }
0xea: {  	[sflag:s10] =	ssyncset.done $0x0  }
0xeb: {  	[sflag:s10] =	ssyncadd.s32 $0xFFFFD800  }
0xec: {  	_ =	swait.ge [sflag:s17], $0x2800  }
0xed: {  	[sflag:s17] =	ssyncset.done $0x0  }
0xee: {  	[sflag:s17] =	ssyncadd.s32 $0xFFFFD800  }
0xef: {  	[spmem:s2] =	stream.indirect.scatter.add.f32 [tilespmem:s16], [sflag:$0x2], $0x80, s23, s12, $0xb8;
	v63 =	vld [tilespmem:$0x0]  }
0xf0: {  	_ =	swait.ge [sflag:s10], $0x2800  }
0xf1: {  	[sflag:s10] =	ssyncset.done $0x0  }
0xf2: {  	[sflag:s10] =	ssyncadd.s32 $0xFFFFD800  }
0xf3: {  	[tilespmem:s13], [sflag:$0x1] =	stream.indirect.gather [hbm4b:s4+s12], $0x80, s24, s12, $0xb8;
	v63 =	vld [tilespmem:$0x0]  }
0xf4: {  	_ = 	snop  }
0xf5: {  	[tilespmem:s14], [sflag:$0x1] =	stream.indirect.gather [hbm4b:s4+s12], $0x80, s25, s12, $0xb8;
	v63 =	vld [tilespmem:$0x0]  }
0xf6: {  	_ = 	snop  }
0xf7: {  	[tilespmem:s15], [sflag:$0x1] =	stream.indirect.gather [hbm4b:s4+s12], $0x80, s26, s12, $0xb8;
	v63 =	vld [tilespmem:$0x0]  }
0xf8: {  	_ = 	snop  }
0xf9: {  	[tilespmem:s16], [sflag:$0x1] =	stream.indirect.gather [hbm4b:s4+s12], $0x80, s28, s12, $0xb8;
	v63 =	vld [tilespmem:$0x0]  }
0xfa: {  	_ =	swait.ge [sflag:s17], $0x2800  }
0xfb: {  	[sflag:s17] =	ssyncset.done $0x0  }
0xfc: {  	[sflag:s17] =	ssyncadd.s32 $0xFFFFD800  }
0xfd: {  	[spmem:s2] =	stream.indirect.scatter.add.f32 [tilespmem:s13], [sflag:$0x2], $0x80, s29, s12, $0xb8;
	v63 =	vld [tilespmem:$0x0]  }
0xfe: {  	_ =	swait.ge [sflag:s10], $0x2800  }
0xff: {  	[sflag:s10] =	ssyncset.done $0x0  }
0x100: {  	[sflag:s10] =	ssyncadd.s32 $0xFFFFD800  }
0x101: {  	_ =	swait.ge [sflag:s17], $0x2800  }
0x102: {  	[sflag:s17] =	ssyncset.done $0x0  }
0x103: {  	[sflag:s17] =	ssyncadd.s32 $0xFFFFD800  }
0x104: {  	[spmem:s2] =	stream.indirect.scatter.add.f32 [tilespmem:s14], [sflag:$0x2], $0x80, s30, s12, $0xb8;
	v63 =	vld [tilespmem:$0x0]  }
0x105: {  	_ =	swait.ge [sflag:s10], $0x2800  }
0x106: {  	[sflag:s10] =	ssyncset.done $0x0  }
0x107: {  	[sflag:s10] =	ssyncadd.s32 $0xFFFFD800  }
0x108: {  	_ =	swait.ge [sflag:s17], $0x2800  }
0x109: {  	[sflag:s17] =	ssyncset.done $0x0  }
0x10a: {  	[sflag:s17] =	ssyncadd.s32 $0xFFFFD800  }
0x10b: {  	[spmem:s2] =	stream.indirect.scatter.add.f32 [tilespmem:s15], [sflag:$0x2], $0x80, s31, s12, $0xb8;
	v63 =	vld [tilespmem:$0x0]  }
0x10c: {  	_ =	swait.ge [sflag:s10], $0x2800  }
0x10d: {  	[sflag:s10] =	ssyncset.done $0x0  }
0x10e: {  	[sflag:s10] =	ssyncadd.s32 $0xFFFFD800  }
0x10f: {  	_ =	swait.ge [sflag:s17], $0x2800  }
0x110: {  	[sflag:s17] =	ssyncset.done $0x0  }
0x111: {  	[sflag:s17] =	ssyncadd.s32 $0xFFFFD800  }
0x112: {  	[spmem:s2] =	stream.indirect.scatter.add.f32 [tilespmem:s16], [sflag:$0x2], $0x80, s1, s12, $0xb8;
	v63 =	vld [tilespmem:$0x0]  }
0x113: {  	_ =	swait.ge [sflag:s10], $0x2800  }
0x114: {  	[sflag:s10] =	ssyncset.done $0x0  }
0x115: {  	[sflag:s10] =	ssyncadd.s32 $0xFFFFD800  }
0x116: {  	[tilespmem:s13], [sflag:$0x1] =	stream.indirect.gather [hbm4b:s4+s12], $0x80, s0, s12, $0xb8;
	v63 =	vld [tilespmem:$0x0]  }
0x117: {  	_ =	swait.ge [sflag:s17], $0x2800  }
0x118: {  	[sflag:s17] =	ssyncset.done $0x0  }
0x119: {  	[sflag:s17] =	ssyncadd.s32 $0xFFFFD800  }
0x11a: {  	[spmem:s2] =	stream.indirect.scatter.add.f32 [tilespmem:s13], [sflag:$0x2], $0x80, s5, s12, $0xb8;
	v63 =	vld [tilespmem:$0x0]  }
0x11b: {  	s6 =	simm.s32 $0x400;
	_ =	swait.ge [sflag:s10], $0x2800  }
0x11c: {  	s8 =	simm.s32 $0x200;
	s9 =	rddreg [dreg:$0x4];
	[sflag:s10] =	ssyncset.done $0x0  }
.LBB2_2:
0x11d: {  	[sflag:s10] =	ssyncadd.s32 $0xFFFFD800;
	s9 =	sadd.s32 s8, s9  }
0x11e: {  	[tilespmem:s3], [sflag:$0x2] =	stream.linear.gather [hbm4b:s9+s3], $0xC80, $0x38;
	v63 =	vld [tilespmem:$0x0]  }
0x11f: {  	_ =	swait.ge [sflag:s10], $0xC80  }
0x120: {  	s9 =	rddreg [dreg:$0x3];
	[sflag:s10] =	ssyncset.done $0x0  }
0x121: {  	[sflag:s10] =	ssyncadd.s32 $0xFFFFF380;
	s9 =	sadd.s32 s8, s9  }
0x122: {  	[tilespmem:s11], [sflag:$0x2] =	stream.linear.gather [hbm4b:s9+s3], $0xC80, $0x38;
	v63 =	vld [tilespmem:$0x0]  }
0x123: {  	_ =	swait.ge [sflag:s10], $0xC80  }
0x124: {  	[sflag:s10] =	ssyncset.done $0x0  }
0x125: {  	s7 =	smov.u32 s6;
	[sflag:s10] =	ssyncadd.s32 $0xFFFFF380  }
0x126: {  	[tilespmem:s13], [sflag:$0x1] =	stream.indirect.gather [hbm4b:s4+s12], $0x80, s3, s12, $0xb8;
	v63 =	vld [tilespmem:$0x0]  }
0x127: {  	s8 =	smov.u32 s7;
	s7 =	rddreg [dreg:$0x5]  }
0x128: {  	[tilespmem:s14], [sflag:$0x1] =	stream.indirect.gather [hbm4b:s4+s12], $0x80, s7, s12, $0xb8;
	v63 =	vld [tilespmem:$0x0]  }
0x129: {  	s9 =	rddreg [dreg:$0x6]  }
0x12a: {  	[tilespmem:s15], [sflag:$0x1] =	stream.indirect.gather [hbm4b:s4+s12], $0x80, s9, s12, $0xb8;
	v63 =	vld [tilespmem:$0x0]  }
0x12b: {  	s7 =	rddreg [dreg:$0x7]  }
0x12c: {  	[tilespmem:s16], [sflag:$0x1] =	stream.indirect.gather [hbm4b:s4+s12], $0x80, s7, s12, $0xb8;
	v63 =	vld [tilespmem:$0x0]  }
0x12d: {  	_ =	swait.ge [sflag:s17], $0x2800  }
0x12e: {  	[sflag:s17] =	ssyncset.done $0x0  }
0x12f: {  	[sflag:s17] =	ssyncadd.s32 $0xFFFFD800  }
0x130: {  	[spmem:s2] =	stream.indirect.scatter.add.f32 [tilespmem:s13], [sflag:$0x2], $0x80, s11, s12, $0xb8;
	v63 =	vld [tilespmem:$0x0]  }
0x131: {  	_ =	swait.ge [sflag:s10], $0x2800  }
0x132: {  	[sflag:s10] =	ssyncset.done $0x0  }
0x133: {  	[sflag:s10] =	ssyncadd.s32 $0xFFFFD800  }
0x134: {  	_ =	swait.ge [sflag:s17], $0x2800  }
0x135: {  	[sflag:s17] =	ssyncset.done $0x0  }
0x136: {  	s9 =	rddreg [dreg:$0x8];
	[sflag:s17] =	ssyncadd.s32 $0xFFFFD800  }
0x137: {  	[spmem:s2] =	stream.indirect.scatter.add.f32 [tilespmem:s14], [sflag:$0x2], $0x80, s9, s12, $0xb8;
	v63 =	vld [tilespmem:$0x0]  }
0x138: {  	_ =	swait.ge [sflag:s10], $0x2800  }
0x139: {  	[sflag:s10] =	ssyncset.done $0x0  }
0x13a: {  	[sflag:s10] =	ssyncadd.s32 $0xFFFFD800  }
0x13b: {  	_ =	swait.ge [sflag:s17], $0x2800  }
0x13c: {  	[sflag:s17] =	ssyncset.done $0x0  }
0x13d: {  	s9 =	rddreg [dreg:$0x9];
	[sflag:s17] =	ssyncadd.s32 $0xFFFFD800  }
0x13e: {  	[spmem:s2] =	stream.indirect.scatter.add.f32 [tilespmem:s15], [sflag:$0x2], $0x80, s9, s12, $0xb8;
	v63 =	vld [tilespmem:$0x0]  }
0x13f: {  	_ =	swait.ge [sflag:s10], $0x2800  }
0x140: {  	[sflag:s10] =	ssyncset.done $0x0  }
0x141: {  	[sflag:s10] =	ssyncadd.s32 $0xFFFFD800  }
0x142: {  	_ =	swait.ge [sflag:s17], $0x2800  }
0x143: {  	[sflag:s17] =	ssyncset.done $0x0  }
0x144: {  	s9 =	rddreg [dreg:$0xa];
	[sflag:s17] =	ssyncadd.s32 $0xFFFFD800  }
0x145: {  	[spmem:s2] =	stream.indirect.scatter.add.f32 [tilespmem:s16], [sflag:$0x2], $0x80, s9, s12, $0xb8;
	v63 =	vld [tilespmem:$0x0]  }
0x146: {  	_ =	swait.ge [sflag:s10], $0x2800  }
0x147: {  	[sflag:s10] =	ssyncset.done $0x0  }
0x148: {  	s7 =	rddreg [dreg:$0xb];
	[sflag:s10] =	ssyncadd.s32 $0xFFFFD800  }
0x149: {  	[tilespmem:s13], [sflag:$0x1] =	stream.indirect.gather [hbm4b:s4+s12], $0x80, s7, s12, $0xb8;
	v63 =	vld [tilespmem:$0x0]  }
0x14a: {  	s9 =	rddreg [dreg:$0xc]  }
0x14b: {  	[tilespmem:s14], [sflag:$0x1] =	stream.indirect.gather [hbm4b:s4+s12], $0x80, s9, s12, $0xb8;
	v63 =	vld [tilespmem:$0x0]  }
0x14c: {  	s7 =	rddreg [dreg:$0xd]  }
0x14d: {  	[tilespmem:s15], [sflag:$0x1] =	stream.indirect.gather [hbm4b:s4+s12], $0x80, s7, s12, $0xb8;
	v63 =	vld [tilespmem:$0x0]  }
0x14e: {  	s9 =	rddreg [dreg:$0xe]  }
0x14f: {  	[tilespmem:s16], [sflag:$0x1] =	stream.indirect.gather [hbm4b:s4+s12], $0x80, s9, s12, $0xb8;
	v63 =	vld [tilespmem:$0x0]  }
0x150: {  	_ =	swait.ge [sflag:s17], $0x2800  }
0x151: {  	[sflag:s17] =	ssyncset.done $0x0  }
0x152: {  	s9 =	rddreg [dreg:$0xf];
	[sflag:s17] =	ssyncadd.s32 $0xFFFFD800  }
0x153: {  	[spmem:s2] =	stream.indirect.scatter.add.f32 [tilespmem:s13], [sflag:$0x2], $0x80, s9, s12, $0xb8;
	v63 =	vld [tilespmem:$0x0]  }
0x154: {  	_ =	swait.ge [sflag:s10], $0x2800  }
0x155: {  	[sflag:s10] =	ssyncset.done $0x0  }
0x156: {  	[sflag:s10] =	ssyncadd.s32 $0xFFFFD800  }
0x157: {  	_ =	swait.ge [sflag:s17], $0x2800  }
0x158: {  	[sflag:s17] =	ssyncset.done $0x0  }
0x159: {  	s9 =	rddreg [dreg:$0x10];
	[sflag:s17] =	ssyncadd.s32 $0xFFFFD800  }
0x15a: {  	[spmem:s2] =	stream.indirect.scatter.add.f32 [tilespmem:s14], [sflag:$0x2], $0x80, s9, s12, $0xb8;
	v63 =	vld [tilespmem:$0x0]  }
0x15b: {  	_ =	swait.ge [sflag:s10], $0x2800  }
0x15c: {  	[sflag:s10] =	ssyncset.done $0x0  }
0x15d: {  	[sflag:s10] =	ssyncadd.s32 $0xFFFFD800  }
0x15e: {  	_ =	swait.ge [sflag:s17], $0x2800  }
0x15f: {  	[sflag:s17] =	ssyncset.done $0x0  }
0x160: {  	s9 =	rddreg [dreg:$0x11];
	[sflag:s17] =	ssyncadd.s32 $0xFFFFD800  }
0x161: {  	[spmem:s2] =	stream.indirect.scatter.add.f32 [tilespmem:s15], [sflag:$0x2], $0x80, s9, s12, $0xb8;
	v63 =	vld [tilespmem:$0x0]  }
0x162: {  	_ =	swait.ge [sflag:s10], $0x2800  }
0x163: {  	[sflag:s10] =	ssyncset.done $0x0  }
0x164: {  	[sflag:s10] =	ssyncadd.s32 $0xFFFFD800  }
0x165: {  	_ =	swait.ge [sflag:s17], $0x2800  }
0x166: {  	[sflag:s17] =	ssyncset.done $0x0  }
0x167: {  	s9 =	rddreg [dreg:$0x12];
	[sflag:s17] =	ssyncadd.s32 $0xFFFFD800  }
0x168: {  	[spmem:s2] =	stream.indirect.scatter.add.f32 [tilespmem:s16], [sflag:$0x2], $0x80, s9, s12, $0xb8;
	v63 =	vld [tilespmem:$0x0]  }
0x169: {  	_ =	swait.ge [sflag:s10], $0x2800  }
0x16a: {  	[sflag:s10] =	ssyncset.done $0x0  }
0x16b: {  	s7 =	rddreg [dreg:$0x13];
	[sflag:s10] =	ssyncadd.s32 $0xFFFFD800  }
0x16c: {  	[tilespmem:s13], [sflag:$0x1] =	stream.indirect.gather [hbm4b:s4+s12], $0x80, s7, s12, $0xb8;
	v63 =	vld [tilespmem:$0x0]  }
0x16d: {  	s9 =	rddreg [dreg:$0x14]  }
0x16e: {  	[tilespmem:s14], [sflag:$0x1] =	stream.indirect.gather [hbm4b:s4+s12], $0x80, s9, s12, $0xb8;
	v63 =	vld [tilespmem:$0x0]  }
0x16f: {  	s7 =	rddreg [dreg:$0x15]  }
0x170: {  	[tilespmem:s15], [sflag:$0x1] =	stream.indirect.gather [hbm4b:s4+s12], $0x80, s7, s12, $0xb8;
	v63 =	vld [tilespmem:$0x0]  }
0x171: {  	s9 =	rddreg [dreg:$0x16]  }
0x172: {  	[tilespmem:s16], [sflag:$0x1] =	stream.indirect.gather [hbm4b:s4+s12], $0x80, s9, s12, $0xb8;
	v63 =	vld [tilespmem:$0x0]  }
0x173: {  	_ =	swait.ge [sflag:s17], $0x2800  }
0x174: {  	[sflag:s17] =	ssyncset.done $0x0  }
0x175: {  	s9 =	rddreg [dreg:$0x17];
	[sflag:s17] =	ssyncadd.s32 $0xFFFFD800  }
0x176: {  	[spmem:s2] =	stream.indirect.scatter.add.f32 [tilespmem:s13], [sflag:$0x2], $0x80, s9, s12, $0xb8;
	v63 =	vld [tilespmem:$0x0]  }
0x177: {  	_ =	swait.ge [sflag:s10], $0x2800  }
0x178: {  	[sflag:s10] =	ssyncset.done $0x0  }
0x179: {  	[sflag:s10] =	ssyncadd.s32 $0xFFFFD800  }
0x17a: {  	_ =	swait.ge [sflag:s17], $0x2800  }
0x17b: {  	[sflag:s17] =	ssyncset.done $0x0  }
0x17c: {  	s9 =	rddreg [dreg:$0x18];
	[sflag:s17] =	ssyncadd.s32 $0xFFFFD800  }
0x17d: {  	[spmem:s2] =	stream.indirect.scatter.add.f32 [tilespmem:s14], [sflag:$0x2], $0x80, s9, s12, $0xb8;
	v63 =	vld [tilespmem:$0x0]  }
0x17e: {  	_ =	swait.ge [sflag:s10], $0x2800  }
0x17f: {  	[sflag:s10] =	ssyncset.done $0x0  }
0x180: {  	[sflag:s10] =	ssyncadd.s32 $0xFFFFD800  }
0x181: {  	_ =	swait.ge [sflag:s17], $0x2800  }
0x182: {  	[sflag:s17] =	ssyncset.done $0x0  }
0x183: {  	s9 =	rddreg [dreg:$0x19];
	[sflag:s17] =	ssyncadd.s32 $0xFFFFD800  }
0x184: {  	[spmem:s2] =	stream.indirect.scatter.add.f32 [tilespmem:s15], [sflag:$0x2], $0x80, s9, s12, $0xb8;
	v63 =	vld [tilespmem:$0x0]  }
0x185: {  	_ =	swait.ge [sflag:s10], $0x2800  }
0x186: {  	[sflag:s10] =	ssyncset.done $0x0  }
0x187: {  	[sflag:s10] =	ssyncadd.s32 $0xFFFFD800  }
0x188: {  	_ =	swait.ge [sflag:s17], $0x2800  }
0x189: {  	[sflag:s17] =	ssyncset.done $0x0  }
0x18a: {  	s9 =	rddreg [dreg:$0x1a];
	[sflag:s17] =	ssyncadd.s32 $0xFFFFD800  }
0x18b: {  	[spmem:s2] =	stream.indirect.scatter.add.f32 [tilespmem:s16], [sflag:$0x2], $0x80, s9, s12, $0xb8;
	v63 =	vld [tilespmem:$0x0]  }
0x18c: {  	_ =	swait.ge [sflag:s10], $0x2800  }
0x18d: {  	[sflag:s10] =	ssyncset.done $0x0  }
0x18e: {  	s7 =	rddreg [dreg:$0x1b];
	[sflag:s10] =	ssyncadd.s32 $0xFFFFD800  }
0x18f: {  	[tilespmem:s13], [sflag:$0x1] =	stream.indirect.gather [hbm4b:s4+s12], $0x80, s7, s12, $0xb8;
	v63 =	vld [tilespmem:$0x0]  }
0x190: {  	s9 =	rddreg [dreg:$0x1c]  }
0x191: {  	[tilespmem:s14], [sflag:$0x1] =	stream.indirect.gather [hbm4b:s4+s12], $0x80, s9, s12, $0xb8;
	v63 =	vld [tilespmem:$0x0]  }
0x192: {  	s7 =	rddreg [dreg:$0x1d]  }
0x193: {  	[tilespmem:s15], [sflag:$0x1] =	stream.indirect.gather [hbm4b:s4+s12], $0x80, s7, s12, $0xb8;
	v63 =	vld [tilespmem:$0x0]  }
0x194: {  	s9 =	rddreg [dreg:$0x1e]  }
0x195: {  	[tilespmem:s16], [sflag:$0x1] =	stream.indirect.gather [hbm4b:s4+s12], $0x80, s9, s12, $0xb8;
	v63 =	vld [tilespmem:$0x0]  }
0x196: {  	_ =	swait.ge [sflag:s17], $0x2800  }
0x197: {  	[sflag:s17] =	ssyncset.done $0x0  }
0x198: {  	s9 =	rddreg [dreg:$0x1f];
	[sflag:s17] =	ssyncadd.s32 $0xFFFFD800  }
0x199: {  	[spmem:s2] =	stream.indirect.scatter.add.f32 [tilespmem:s13], [sflag:$0x2], $0x80, s9, s12, $0xb8;
	v63 =	vld [tilespmem:$0x0]  }
0x19a: {  	_ =	swait.ge [sflag:s10], $0x2800  }
0x19b: {  	[sflag:s10] =	ssyncset.done $0x0  }
0x19c: {  	[sflag:s10] =	ssyncadd.s32 $0xFFFFD800  }
0x19d: {  	_ =	swait.ge [sflag:s17], $0x2800  }
0x19e: {  	s9 =	sld [smem:$0x7F7]  }
0x19f: {  	[sflag:s17] =	ssyncset.done $0x0  }
0x1a0: {  	[sflag:s17] =	ssyncadd.s32 $0xFFFFD800  }
0x1a1: {  	[spmem:s2] =	stream.indirect.scatter.add.f32 [tilespmem:s14], [sflag:$0x2], $0x80, s9, s12, $0xb8;
	v63 =	vld [tilespmem:$0x0]  }
0x1a2: {  	_ =	swait.ge [sflag:s10], $0x2800  }
0x1a3: {  	[sflag:s10] =	ssyncset.done $0x0  }
0x1a4: {  	[sflag:s10] =	ssyncadd.s32 $0xFFFFD800  }
0x1a5: {  	_ =	swait.ge [sflag:s17], $0x2800  }
0x1a6: {  	s9 =	sld [smem:$0x7F8]  }
0x1a7: {  	[sflag:s17] =	ssyncset.done $0x0  }
0x1a8: {  	[sflag:s17] =	ssyncadd.s32 $0xFFFFD800  }
0x1a9: {  	[spmem:s2] =	stream.indirect.scatter.add.f32 [tilespmem:s15], [sflag:$0x2], $0x80, s9, s12, $0xb8;
	v63 =	vld [tilespmem:$0x0]  }
0x1aa: {  	_ =	swait.ge [sflag:s10], $0x2800  }
0x1ab: {  	[sflag:s10] =	ssyncset.done $0x0  }
0x1ac: {  	[sflag:s10] =	ssyncadd.s32 $0xFFFFD800  }
0x1ad: {  	_ =	swait.ge [sflag:s17], $0x2800  }
0x1ae: {  	s9 =	sld [smem:$0x7F9]  }
0x1af: {  	[sflag:s17] =	ssyncset.done $0x0  }
0x1b0: {  	[sflag:s17] =	ssyncadd.s32 $0xFFFFD800  }
0x1b1: {  	[spmem:s2] =	stream.indirect.scatter.add.f32 [tilespmem:s16], [sflag:$0x2], $0x80, s9, s12, $0xb8;
	v63 =	vld [tilespmem:$0x0]  }
0x1b2: {  	_ =	swait.ge [sflag:s10], $0x2800  }
0x1b3: {  	s7 =	sld [smem:$0x7FA]  }
0x1b4: {  	[sflag:s10] =	ssyncset.done $0x0  }
0x1b5: {  	s9 =	sld [smem:$0x7FB];
	[sflag:s10] =	ssyncadd.s32 $0xFFFFD800  }
0x1b6: {  	[tilespmem:s13], [sflag:$0x1] =	stream.indirect.gather [hbm4b:s4+s12], $0x80, s7, s12, $0xb8;
	v63 =	vld [tilespmem:$0x0]  }
0x1b7: {  	_ = 	snop  }
0x1b8: {  	[tilespmem:s14], [sflag:$0x1] =	stream.indirect.gather [hbm4b:s4+s12], $0x80, s9, s12, $0xb8;
	v63 =	vld [tilespmem:$0x0]  }
0x1b9: {  	_ = 	snop  }
0x1ba: {  	[tilespmem:s15], [sflag:$0x1] =	stream.indirect.gather [hbm4b:s4+s12], $0x80, s18, s12, $0xb8;
	v63 =	vld [tilespmem:$0x0]  }
0x1bb: {  	_ = 	snop  }
0x1bc: {  	[tilespmem:s16], [sflag:$0x1] =	stream.indirect.gather [hbm4b:s4+s12], $0x80, s19, s12, $0xb8;
	v63 =	vld [tilespmem:$0x0]  }
0x1bd: {  	_ =	swait.ge [sflag:s17], $0x2800  }
0x1be: {  	[sflag:s17] =	ssyncset.done $0x0  }
0x1bf: {  	[sflag:s17] =	ssyncadd.s32 $0xFFFFD800  }
0x1c0: {  	[spmem:s2] =	stream.indirect.scatter.add.f32 [tilespmem:s13], [sflag:$0x2], $0x80, s20, s12, $0xb8;
	v63 =	vld [tilespmem:$0x0]  }
0x1c1: {  	_ =	swait.ge [sflag:s10], $0x2800  }
0x1c2: {  	[sflag:s10] =	ssyncset.done $0x0  }
0x1c3: {  	[sflag:s10] =	ssyncadd.s32 $0xFFFFD800  }
0x1c4: {  	_ =	swait.ge [sflag:s17], $0x2800  }
0x1c5: {  	[sflag:s17] =	ssyncset.done $0x0  }
0x1c6: {  	[sflag:s17] =	ssyncadd.s32 $0xFFFFD800  }
0x1c7: {  	[spmem:s2] =	stream.indirect.scatter.add.f32 [tilespmem:s14], [sflag:$0x2], $0x80, s21, s12, $0xb8;
	v63 =	vld [tilespmem:$0x0]  }
0x1c8: {  	_ =	swait.ge [sflag:s10], $0x2800  }
0x1c9: {  	[sflag:s10] =	ssyncset.done $0x0  }
0x1ca: {  	[sflag:s10] =	ssyncadd.s32 $0xFFFFD800  }
0x1cb: {  	_ =	swait.ge [sflag:s17], $0x2800  }
0x1cc: {  	[sflag:s17] =	ssyncset.done $0x0  }
0x1cd: {  	[sflag:s17] =	ssyncadd.s32 $0xFFFFD800  }
0x1ce: {  	[spmem:s2] =	stream.indirect.scatter.add.f32 [tilespmem:s15], [sflag:$0x2], $0x80, s22, s12, $0xb8;
	v63 =	vld [tilespmem:$0x0]  }
0x1cf: {  	_ =	swait.ge [sflag:s10], $0x2800  }
0x1d0: {  	[sflag:s10] =	ssyncset.done $0x0  }
0x1d1: {  	[sflag:s10] =	ssyncadd.s32 $0xFFFFD800  }
0x1d2: {  	_ =	swait.ge [sflag:s17], $0x2800  }
0x1d3: {  	[sflag:s17] =	ssyncset.done $0x0  }
0x1d4: {  	[sflag:s17] =	ssyncadd.s32 $0xFFFFD800  }
0x1d5: {  	[spmem:s2] =	stream.indirect.scatter.add.f32 [tilespmem:s16], [sflag:$0x2], $0x80, s23, s12, $0xb8;
	v63 =	vld [tilespmem:$0x0]  }
0x1d6: {  	_ =	swait.ge [sflag:s10], $0x2800  }
0x1d7: {  	[sflag:s10] =	ssyncset.done $0x0  }
0x1d8: {  	[sflag:s10] =	ssyncadd.s32 $0xFFFFD800  }
0x1d9: {  	[tilespmem:s13], [sflag:$0x1] =	stream.indirect.gather [hbm4b:s4+s12], $0x80, s24, s12, $0xb8;
	v63 =	vld [tilespmem:$0x0]  }
0x1da: {  	_ = 	snop  }
0x1db: {  	[tilespmem:s14], [sflag:$0x1] =	stream.indirect.gather [hbm4b:s4+s12], $0x80, s25, s12, $0xb8;
	v63 =	vld [tilespmem:$0x0]  }
0x1dc: {  	_ = 	snop  }
0x1dd: {  	[tilespmem:s15], [sflag:$0x1] =	stream.indirect.gather [hbm4b:s4+s12], $0x80, s26, s12, $0xb8;
	v63 =	vld [tilespmem:$0x0]  }
0x1de: {  	_ = 	snop  }
0x1df: {  	[tilespmem:s16], [sflag:$0x1] =	stream.indirect.gather [hbm4b:s4+s12], $0x80, s28, s12, $0xb8;
	v63 =	vld [tilespmem:$0x0]  }
0x1e0: {  	_ =	swait.ge [sflag:s17], $0x2800  }
0x1e1: {  	[sflag:s17] =	ssyncset.done $0x0  }
0x1e2: {  	[sflag:s17] =	ssyncadd.s32 $0xFFFFD800  }
0x1e3: {  	[spmem:s2] =	stream.indirect.scatter.add.f32 [tilespmem:s13], [sflag:$0x2], $0x80, s29, s12, $0xb8;
	v63 =	vld [tilespmem:$0x0]  }
0x1e4: {  	_ =	swait.ge [sflag:s10], $0x2800  }
0x1e5: {  	[sflag:s10] =	ssyncset.done $0x0  }
0x1e6: {  	[sflag:s10] =	ssyncadd.s32 $0xFFFFD800  }
0x1e7: {  	_ =	swait.ge [sflag:s17], $0x2800  }
0x1e8: {  	[sflag:s17] =	ssyncset.done $0x0  }
0x1e9: {  	[sflag:s17] =	ssyncadd.s32 $0xFFFFD800  }
0x1ea: {  	[spmem:s2] =	stream.indirect.scatter.add.f32 [tilespmem:s14], [sflag:$0x2], $0x80, s30, s12, $0xb8;
	v63 =	vld [tilespmem:$0x0]  }
0x1eb: {  	_ =	swait.ge [sflag:s10], $0x2800  }
0x1ec: {  	[sflag:s10] =	ssyncset.done $0x0  }
0x1ed: {  	[sflag:s10] =	ssyncadd.s32 $0xFFFFD800  }
0x1ee: {  	_ =	swait.ge [sflag:s17], $0x2800  }
0x1ef: {  	[sflag:s17] =	ssyncset.done $0x0  }
0x1f0: {  	[sflag:s17] =	ssyncadd.s32 $0xFFFFD800  }
0x1f1: {  	[spmem:s2] =	stream.indirect.scatter.add.f32 [tilespmem:s15], [sflag:$0x2], $0x80, s31, s12, $0xb8;
	v63 =	vld [tilespmem:$0x0]  }
0x1f2: {  	_ =	swait.ge [sflag:s10], $0x2800  }
0x1f3: {  	[sflag:s10] =	ssyncset.done $0x0  }
0x1f4: {  	[sflag:s10] =	ssyncadd.s32 $0xFFFFD800  }
0x1f5: {  	_ =	swait.ge [sflag:s17], $0x2800  }
0x1f6: {  	[sflag:s17] =	ssyncset.done $0x0  }
0x1f7: {  	[sflag:s17] =	ssyncadd.s32 $0xFFFFD800  }
0x1f8: {  	[spmem:s2] =	stream.indirect.scatter.add.f32 [tilespmem:s16], [sflag:$0x2], $0x80, s1, s12, $0xb8;
	v63 =	vld [tilespmem:$0x0]  }
0x1f9: {  	_ =	swait.ge [sflag:s10], $0x2800  }
0x1fa: {  	[sflag:s10] =	ssyncset.done $0x0  }
0x1fb: {  	[sflag:s10] =	ssyncadd.s32 $0xFFFFD800  }
0x1fc: {  	[tilespmem:s13], [sflag:$0x1] =	stream.indirect.gather [hbm4b:s4+s12], $0x80, s0, s12, $0xb8;
	v63 =	vld [tilespmem:$0x0]  }
0x1fd: {  	p0 =	sne.s32 s6, $0x800;
	_ =	swait.ge [sflag:s17], $0x2800  }
.Ltmp0:
0x1fe: {  	[sflag:s17] =	ssyncset.done $0x0;
	(pc) =	sbr.rel @p0 .LBB2_2-.Ltmp0, $4  }
0x1ff: {  	[sflag:s17] =	ssyncadd.s32 $0xFFFFD800  }
0x200: {  	[spmem:s2] =	stream.indirect.scatter.add.f32 [tilespmem:s13], [sflag:$0x2], $0x80, s5, s12, $0xb8;
	v63 =	vld [tilespmem:$0x0]  }
0x201: {  	_ =	swait.ge [sflag:s10], $0x2800  }
0x202: {  	s6 =	sadd.s32 $0x200, s6;
	s9 =	rddreg [dreg:$0x4];
	[sflag:s10] =	ssyncset.done $0x0  }
0x203: {  	[sflag:s10] =	ssyncadd.s32 $0xFFFFD800;
	s6 =	sadd.s32 s8, s9  }
0x204: {  	[tilespmem:s3], [sflag:$0x2] =	stream.linear.gather [hbm4b:s6+s3], $0xC80, $0x38;
	v63 =	vld [tilespmem:$0x0]  }
0x205: {  	_ =	swait.ge [sflag:s10], $0xC80  }
0x206: {  	s7 =	rddreg [dreg:$0x3];
	[sflag:s10] =	ssyncset.done $0x0  }
0x207: {  	[sflag:s10] =	ssyncadd.s32 $0xFFFFF380;
	s6 =	sadd.s32 s8, s7  }
0x208: {  	[tilespmem:s11], [sflag:$0x2] =	stream.linear.gather [hbm4b:s6+s3], $0xC80, $0x38;
	v63 =	vld [tilespmem:$0x0]  }
0x209: {  	_ =	swait.ge [sflag:s10], $0xC80  }
0x20a: {  	[sflag:s10] =	ssyncset.done $0x0  }
0x20b: {  	[sflag:s10] =	ssyncadd.s32 $0xFFFFF380  }
0x20c: {  	[tilespmem:s13], [sflag:$0x1] =	stream.indirect.gather [hbm4b:s4+s12], $0x80, s3, s12, $0xb8;
	v63 =	vld [tilespmem:$0x0]  }
0x20d: {  	s8 =	rddreg [dreg:$0x5]  }
0x20e: {  	[tilespmem:s14], [sflag:$0x1] =	stream.indirect.gather [hbm4b:s4+s12], $0x80, s8, s12, $0xb8;
	v63 =	vld [tilespmem:$0x0]  }
0x20f: {  	s7 =	rddreg [dreg:$0x6]  }
0x210: {  	[tilespmem:s15], [sflag:$0x1] =	stream.indirect.gather [hbm4b:s4+s12], $0x80, s7, s12, $0xb8;
	v63 =	vld [tilespmem:$0x0]  }
0x211: {  	s9 =	rddreg [dreg:$0x7]  }
0x212: {  	[tilespmem:s16], [sflag:$0x1] =	stream.indirect.gather [hbm4b:s4+s12], $0x80, s9, s12, $0xb8;
	v63 =	vld [tilespmem:$0x0]  }
0x213: {  	_ =	swait.ge [sflag:s17], $0x2800  }
0x214: {  	[sflag:s17] =	ssyncset.done $0x0  }
0x215: {  	[sflag:s17] =	ssyncadd.s32 $0xFFFFD800  }
0x216: {  	[spmem:s2] =	stream.indirect.scatter.add.f32 [tilespmem:s13], [sflag:$0x2], $0x80, s11, s12, $0xb8;
	v63 =	vld [tilespmem:$0x0]  }
0x217: {  	_ =	swait.ge [sflag:s10], $0x2800  }
0x218: {  	[sflag:s10] =	ssyncset.done $0x0  }
0x219: {  	[sflag:s10] =	ssyncadd.s32 $0xFFFFD800  }
0x21a: {  	_ =	swait.ge [sflag:s17], $0x2800  }
0x21b: {  	[sflag:s17] =	ssyncset.done $0x0  }
0x21c: {  	s7 =	rddreg [dreg:$0x8];
	[sflag:s17] =	ssyncadd.s32 $0xFFFFD800  }
0x21d: {  	[spmem:s2] =	stream.indirect.scatter.add.f32 [tilespmem:s14], [sflag:$0x2], $0x80, s7, s12, $0xb8;
	v63 =	vld [tilespmem:$0x0]  }
0x21e: {  	_ =	swait.ge [sflag:s10], $0x2800  }
0x21f: {  	[sflag:s10] =	ssyncset.done $0x0  }
0x220: {  	[sflag:s10] =	ssyncadd.s32 $0xFFFFD800  }
0x221: {  	_ =	swait.ge [sflag:s17], $0x2800  }
0x222: {  	[sflag:s17] =	ssyncset.done $0x0  }
0x223: {  	s8 =	rddreg [dreg:$0x9];
	[sflag:s17] =	ssyncadd.s32 $0xFFFFD800  }
0x224: {  	[spmem:s2] =	stream.indirect.scatter.add.f32 [tilespmem:s15], [sflag:$0x2], $0x80, s8, s12, $0xb8;
	v63 =	vld [tilespmem:$0x0]  }
0x225: {  	_ =	swait.ge [sflag:s10], $0x2800  }
0x226: {  	[sflag:s10] =	ssyncset.done $0x0  }
0x227: {  	[sflag:s10] =	ssyncadd.s32 $0xFFFFD800  }
0x228: {  	_ =	swait.ge [sflag:s17], $0x2800  }
0x229: {  	[sflag:s17] =	ssyncset.done $0x0  }
0x22a: {  	s9 =	rddreg [dreg:$0xa];
	[sflag:s17] =	ssyncadd.s32 $0xFFFFD800  }
0x22b: {  	[spmem:s2] =	stream.indirect.scatter.add.f32 [tilespmem:s16], [sflag:$0x2], $0x80, s9, s12, $0xb8;
	v63 =	vld [tilespmem:$0x0]  }
0x22c: {  	_ =	swait.ge [sflag:s10], $0x2800  }
0x22d: {  	[sflag:s10] =	ssyncset.done $0x0  }
0x22e: {  	s7 =	rddreg [dreg:$0xb];
	[sflag:s10] =	ssyncadd.s32 $0xFFFFD800  }
0x22f: {  	[tilespmem:s13], [sflag:$0x1] =	stream.indirect.gather [hbm4b:s4+s12], $0x80, s7, s12, $0xb8;
	v63 =	vld [tilespmem:$0x0]  }
0x230: {  	s8 =	rddreg [dreg:$0xc]  }
0x231: {  	[tilespmem:s14], [sflag:$0x1] =	stream.indirect.gather [hbm4b:s4+s12], $0x80, s8, s12, $0xb8;
	v63 =	vld [tilespmem:$0x0]  }
0x232: {  	s9 =	rddreg [dreg:$0xd]  }
0x233: {  	[tilespmem:s15], [sflag:$0x1] =	stream.indirect.gather [hbm4b:s4+s12], $0x80, s9, s12, $0xb8;
	v63 =	vld [tilespmem:$0x0]  }
0x234: {  	s8 =	rddreg [dreg:$0xe]  }
0x235: {  	[tilespmem:s16], [sflag:$0x1] =	stream.indirect.gather [hbm4b:s4+s12], $0x80, s8, s12, $0xb8;
	v63 =	vld [tilespmem:$0x0]  }
0x236: {  	_ =	swait.ge [sflag:s17], $0x2800  }
0x237: {  	[sflag:s17] =	ssyncset.done $0x0  }
0x238: {  	s9 =	rddreg [dreg:$0xf];
	[sflag:s17] =	ssyncadd.s32 $0xFFFFD800  }
0x239: {  	[spmem:s2] =	stream.indirect.scatter.add.f32 [tilespmem:s13], [sflag:$0x2], $0x80, s9, s12, $0xb8;
	v63 =	vld [tilespmem:$0x0]  }
0x23a: {  	_ =	swait.ge [sflag:s10], $0x2800  }
0x23b: {  	[sflag:s10] =	ssyncset.done $0x0  }
0x23c: {  	[sflag:s10] =	ssyncadd.s32 $0xFFFFD800  }
0x23d: {  	_ =	swait.ge [sflag:s17], $0x2800  }
0x23e: {  	[sflag:s17] =	ssyncset.done $0x0  }
0x23f: {  	s7 =	rddreg [dreg:$0x10];
	[sflag:s17] =	ssyncadd.s32 $0xFFFFD800  }
0x240: {  	[spmem:s2] =	stream.indirect.scatter.add.f32 [tilespmem:s14], [sflag:$0x2], $0x80, s7, s12, $0xb8;
	v63 =	vld [tilespmem:$0x0]  }
0x241: {  	_ =	swait.ge [sflag:s10], $0x2800  }
0x242: {  	[sflag:s10] =	ssyncset.done $0x0  }
0x243: {  	[sflag:s10] =	ssyncadd.s32 $0xFFFFD800  }
0x244: {  	_ =	swait.ge [sflag:s17], $0x2800  }
0x245: {  	[sflag:s17] =	ssyncset.done $0x0  }
0x246: {  	s8 =	rddreg [dreg:$0x11];
	[sflag:s17] =	ssyncadd.s32 $0xFFFFD800  }
0x247: {  	[spmem:s2] =	stream.indirect.scatter.add.f32 [tilespmem:s15], [sflag:$0x2], $0x80, s8, s12, $0xb8;
	v63 =	vld [tilespmem:$0x0]  }
0x248: {  	_ =	swait.ge [sflag:s10], $0x2800  }
0x249: {  	[sflag:s10] =	ssyncset.done $0x0  }
0x24a: {  	[sflag:s10] =	ssyncadd.s32 $0xFFFFD800  }
0x24b: {  	_ =	swait.ge [sflag:s17], $0x2800  }
0x24c: {  	[sflag:s17] =	ssyncset.done $0x0  }
0x24d: {  	s9 =	rddreg [dreg:$0x12];
	[sflag:s17] =	ssyncadd.s32 $0xFFFFD800  }
0x24e: {  	[spmem:s2] =	stream.indirect.scatter.add.f32 [tilespmem:s16], [sflag:$0x2], $0x80, s9, s12, $0xb8;
	v63 =	vld [tilespmem:$0x0]  }
0x24f: {  	_ =	swait.ge [sflag:s10], $0x2800  }
0x250: {  	[sflag:s10] =	ssyncset.done $0x0  }
0x251: {  	s7 =	rddreg [dreg:$0x13];
	[sflag:s10] =	ssyncadd.s32 $0xFFFFD800  }
0x252: {  	[tilespmem:s13], [sflag:$0x1] =	stream.indirect.gather [hbm4b:s4+s12], $0x80, s7, s12, $0xb8;
	v63 =	vld [tilespmem:$0x0]  }
0x253: {  	s8 =	rddreg [dreg:$0x14]  }
0x254: {  	[tilespmem:s14], [sflag:$0x1] =	stream.indirect.gather [hbm4b:s4+s12], $0x80, s8, s12, $0xb8;
	v63 =	vld [tilespmem:$0x0]  }
0x255: {  	s9 =	rddreg [dreg:$0x15]  }
0x256: {  	[tilespmem:s15], [sflag:$0x1] =	stream.indirect.gather [hbm4b:s4+s12], $0x80, s9, s12, $0xb8;
	v63 =	vld [tilespmem:$0x0]  }
0x257: {  	s8 =	rddreg [dreg:$0x16]  }
0x258: {  	[tilespmem:s16], [sflag:$0x1] =	stream.indirect.gather [hbm4b:s4+s12], $0x80, s8, s12, $0xb8;
	v63 =	vld [tilespmem:$0x0]  }
0x259: {  	_ =	swait.ge [sflag:s17], $0x2800  }
0x25a: {  	[sflag:s17] =	ssyncset.done $0x0  }
0x25b: {  	s9 =	rddreg [dreg:$0x17];
	[sflag:s17] =	ssyncadd.s32 $0xFFFFD800  }
0x25c: {  	[spmem:s2] =	stream.indirect.scatter.add.f32 [tilespmem:s13], [sflag:$0x2], $0x80, s9, s12, $0xb8;
	v63 =	vld [tilespmem:$0x0]  }
0x25d: {  	_ =	swait.ge [sflag:s10], $0x2800  }
0x25e: {  	[sflag:s10] =	ssyncset.done $0x0  }
0x25f: {  	[sflag:s10] =	ssyncadd.s32 $0xFFFFD800  }
0x260: {  	_ =	swait.ge [sflag:s17], $0x2800  }
0x261: {  	[sflag:s17] =	ssyncset.done $0x0  }
0x262: {  	s7 =	rddreg [dreg:$0x18];
	[sflag:s17] =	ssyncadd.s32 $0xFFFFD800  }
0x263: {  	[spmem:s2] =	stream.indirect.scatter.add.f32 [tilespmem:s14], [sflag:$0x2], $0x80, s7, s12, $0xb8;
	v63 =	vld [tilespmem:$0x0]  }
0x264: {  	_ =	swait.ge [sflag:s10], $0x2800  }
0x265: {  	[sflag:s10] =	ssyncset.done $0x0  }
0x266: {  	[sflag:s10] =	ssyncadd.s32 $0xFFFFD800  }
0x267: {  	_ =	swait.ge [sflag:s17], $0x2800  }
0x268: {  	[sflag:s17] =	ssyncset.done $0x0  }
0x269: {  	s8 =	rddreg [dreg:$0x19];
	[sflag:s17] =	ssyncadd.s32 $0xFFFFD800  }
0x26a: {  	[spmem:s2] =	stream.indirect.scatter.add.f32 [tilespmem:s15], [sflag:$0x2], $0x80, s8, s12, $0xb8;
	v63 =	vld [tilespmem:$0x0]  }
0x26b: {  	_ =	swait.ge [sflag:s10], $0x2800  }
0x26c: {  	[sflag:s10] =	ssyncset.done $0x0  }
0x26d: {  	[sflag:s10] =	ssyncadd.s32 $0xFFFFD800  }
0x26e: {  	_ =	swait.ge [sflag:s17], $0x2800  }
0x26f: {  	[sflag:s17] =	ssyncset.done $0x0  }
0x270: {  	s9 =	rddreg [dreg:$0x1a];
	[sflag:s17] =	ssyncadd.s32 $0xFFFFD800  }
0x271: {  	[spmem:s2] =	stream.indirect.scatter.add.f32 [tilespmem:s16], [sflag:$0x2], $0x80, s9, s12, $0xb8;
	v63 =	vld [tilespmem:$0x0]  }
0x272: {  	_ =	swait.ge [sflag:s10], $0x2800  }
0x273: {  	[sflag:s10] =	ssyncset.done $0x0  }
0x274: {  	s7 =	rddreg [dreg:$0x1b];
	[sflag:s10] =	ssyncadd.s32 $0xFFFFD800  }
0x275: {  	[tilespmem:s13], [sflag:$0x1] =	stream.indirect.gather [hbm4b:s4+s12], $0x80, s7, s12, $0xb8;
	v63 =	vld [tilespmem:$0x0]  }
0x276: {  	s8 =	rddreg [dreg:$0x1c]  }
0x277: {  	[tilespmem:s14], [sflag:$0x1] =	stream.indirect.gather [hbm4b:s4+s12], $0x80, s8, s12, $0xb8;
	v63 =	vld [tilespmem:$0x0]  }
0x278: {  	s9 =	rddreg [dreg:$0x1d]  }
0x279: {  	[tilespmem:s15], [sflag:$0x1] =	stream.indirect.gather [hbm4b:s4+s12], $0x80, s9, s12, $0xb8;
	v63 =	vld [tilespmem:$0x0]  }
0x27a: {  	s8 =	rddreg [dreg:$0x1e]  }
0x27b: {  	[tilespmem:s16], [sflag:$0x1] =	stream.indirect.gather [hbm4b:s4+s12], $0x80, s8, s12, $0xb8;
	v63 =	vld [tilespmem:$0x0]  }
0x27c: {  	_ =	swait.ge [sflag:s17], $0x2800  }
0x27d: {  	[sflag:s17] =	ssyncset.done $0x0  }
0x27e: {  	s9 =	rddreg [dreg:$0x1f];
	[sflag:s17] =	ssyncadd.s32 $0xFFFFD800  }
0x27f: {  	[spmem:s2] =	stream.indirect.scatter.add.f32 [tilespmem:s13], [sflag:$0x2], $0x80, s9, s12, $0xb8;
	v63 =	vld [tilespmem:$0x0]  }
0x280: {  	_ =	swait.ge [sflag:s10], $0x2800  }
0x281: {  	[sflag:s10] =	ssyncset.done $0x0  }
0x282: {  	[sflag:s10] =	ssyncadd.s32 $0xFFFFD800  }
0x283: {  	_ =	swait.ge [sflag:s17], $0x2800  }
0x284: {  	s7 =	sld [smem:$0x7F7]  }
0x285: {  	[sflag:s17] =	ssyncset.done $0x0  }
0x286: {  	[sflag:s17] =	ssyncadd.s32 $0xFFFFD800  }
0x287: {  	[spmem:s2] =	stream.indirect.scatter.add.f32 [tilespmem:s14], [sflag:$0x2], $0x80, s7, s12, $0xb8;
	v63 =	vld [tilespmem:$0x0]  }
0x288: {  	_ =	swait.ge [sflag:s10], $0x2800  }
0x289: {  	[sflag:s10] =	ssyncset.done $0x0  }
0x28a: {  	[sflag:s10] =	ssyncadd.s32 $0xFFFFD800  }
0x28b: {  	_ =	swait.ge [sflag:s17], $0x2800  }
0x28c: {  	s8 =	sld [smem:$0x7F8]  }
0x28d: {  	[sflag:s17] =	ssyncset.done $0x0  }
0x28e: {  	[sflag:s17] =	ssyncadd.s32 $0xFFFFD800  }
0x28f: {  	[spmem:s2] =	stream.indirect.scatter.add.f32 [tilespmem:s15], [sflag:$0x2], $0x80, s8, s12, $0xb8;
	v63 =	vld [tilespmem:$0x0]  }
0x290: {  	_ =	swait.ge [sflag:s10], $0x2800  }
0x291: {  	[sflag:s10] =	ssyncset.done $0x0  }
0x292: {  	[sflag:s10] =	ssyncadd.s32 $0xFFFFD800  }
0x293: {  	_ =	swait.ge [sflag:s17], $0x2800  }
0x294: {  	s9 =	sld [smem:$0x7F9]  }
0x295: {  	[sflag:s17] =	ssyncset.done $0x0  }
0x296: {  	[sflag:s17] =	ssyncadd.s32 $0xFFFFD800  }
0x297: {  	[spmem:s2] =	stream.indirect.scatter.add.f32 [tilespmem:s16], [sflag:$0x2], $0x80, s9, s12, $0xb8;
	v63 =	vld [tilespmem:$0x0]  }
0x298: {  	_ =	swait.ge [sflag:s10], $0x2800  }
0x299: {  	s7 =	sld [smem:$0x7FA]  }
0x29a: {  	[sflag:s10] =	ssyncset.done $0x0  }
0x29b: {  	s8 =	sld [smem:$0x7FB];
	[sflag:s10] =	ssyncadd.s32 $0xFFFFD800  }
0x29c: {  	[tilespmem:s13], [sflag:$0x1] =	stream.indirect.gather [hbm4b:s4+s12], $0x80, s7, s12, $0xb8;
	v63 =	vld [tilespmem:$0x0]  }
0x29d: {  	_ = 	snop  }
0x29e: {  	[tilespmem:s14], [sflag:$0x1] =	stream.indirect.gather [hbm4b:s4+s12], $0x80, s8, s12, $0xb8;
	v63 =	vld [tilespmem:$0x0]  }
0x29f: {  	_ = 	snop  }
0x2a0: {  	[tilespmem:s15], [sflag:$0x1] =	stream.indirect.gather [hbm4b:s4+s12], $0x80, s18, s12, $0xb8;
	v63 =	vld [tilespmem:$0x0]  }
0x2a1: {  	_ = 	snop  }
0x2a2: {  	[tilespmem:s16], [sflag:$0x1] =	stream.indirect.gather [hbm4b:s4+s12], $0x80, s19, s12, $0xb8;
	v63 =	vld [tilespmem:$0x0]  }
0x2a3: {  	_ =	swait.ge [sflag:s17], $0x2800  }
0x2a4: {  	[sflag:s17] =	ssyncset.done $0x0  }
0x2a5: {  	[sflag:s17] =	ssyncadd.s32 $0xFFFFD800  }
0x2a6: {  	[spmem:s2] =	stream.indirect.scatter.add.f32 [tilespmem:s13], [sflag:$0x2], $0x80, s20, s12, $0xb8;
	v63 =	vld [tilespmem:$0x0]  }
0x2a7: {  	_ =	swait.ge [sflag:s10], $0x2800  }
0x2a8: {  	[sflag:s10] =	ssyncset.done $0x0  }
0x2a9: {  	[sflag:s10] =	ssyncadd.s32 $0xFFFFD800  }
0x2aa: {  	_ =	swait.ge [sflag:s17], $0x2800  }
0x2ab: {  	[sflag:s17] =	ssyncset.done $0x0  }
0x2ac: {  	[sflag:s17] =	ssyncadd.s32 $0xFFFFD800  }
0x2ad: {  	[spmem:s2] =	stream.indirect.scatter.add.f32 [tilespmem:s14], [sflag:$0x2], $0x80, s21, s12, $0xb8;
	v63 =	vld [tilespmem:$0x0]  }
0x2ae: {  	_ =	swait.ge [sflag:s10], $0x2800  }
0x2af: {  	[sflag:s10] =	ssyncset.done $0x0  }
0x2b0: {  	[sflag:s10] =	ssyncadd.s32 $0xFFFFD800  }
0x2b1: {  	_ =	swait.ge [sflag:s17], $0x2800  }
0x2b2: {  	[sflag:s17] =	ssyncset.done $0x0  }
0x2b3: {  	[sflag:s17] =	ssyncadd.s32 $0xFFFFD800  }
0x2b4: {  	[spmem:s2] =	stream.indirect.scatter.add.f32 [tilespmem:s15], [sflag:$0x2], $0x80, s22, s12, $0xb8;
	v63 =	vld [tilespmem:$0x0]  }
0x2b5: {  	_ =	swait.ge [sflag:s10], $0x2800  }
0x2b6: {  	[sflag:s10] =	ssyncset.done $0x0  }
0x2b7: {  	[sflag:s10] =	ssyncadd.s32 $0xFFFFD800  }
0x2b8: {  	_ =	swait.ge [sflag:s17], $0x2800  }
0x2b9: {  	[sflag:s17] =	ssyncset.done $0x0  }
0x2ba: {  	[sflag:s17] =	ssyncadd.s32 $0xFFFFD800  }
0x2bb: {  	[spmem:s2] =	stream.indirect.scatter.add.f32 [tilespmem:s16], [sflag:$0x2], $0x80, s23, s12, $0xb8;
	v63 =	vld [tilespmem:$0x0]  }
0x2bc: {  	_ =	swait.ge [sflag:s10], $0x2800  }
0x2bd: {  	[sflag:s10] =	ssyncset.done $0x0  }
0x2be: {  	[sflag:s10] =	ssyncadd.s32 $0xFFFFD800  }
0x2bf: {  	[tilespmem:s13], [sflag:$0x1] =	stream.indirect.gather [hbm4b:s4+s12], $0x80, s24, s12, $0xb8;
	v63 =	vld [tilespmem:$0x0]  }
0x2c0: {  	_ = 	snop  }
0x2c1: {  	[tilespmem:s14], [sflag:$0x1] =	stream.indirect.gather [hbm4b:s4+s12], $0x80, s25, s12, $0xb8;
	v63 =	vld [tilespmem:$0x0]  }
0x2c2: {  	_ = 	snop  }
0x2c3: {  	[tilespmem:s15], [sflag:$0x1] =	stream.indirect.gather [hbm4b:s4+s12], $0x80, s26, s12, $0xb8;
	v63 =	vld [tilespmem:$0x0]  }
0x2c4: {  	_ = 	snop  }
0x2c5: {  	[tilespmem:s16], [sflag:$0x1] =	stream.indirect.gather [hbm4b:s4+s12], $0x80, s28, s12, $0xb8;
	v63 =	vld [tilespmem:$0x0]  }
0x2c6: {  	_ =	swait.ge [sflag:s17], $0x2800  }
0x2c7: {  	[sflag:s17] =	ssyncset.done $0x0  }
0x2c8: {  	[sflag:s17] =	ssyncadd.s32 $0xFFFFD800  }
0x2c9: {  	[spmem:s2] =	stream.indirect.scatter.add.f32 [tilespmem:s13], [sflag:$0x2], $0x80, s29, s12, $0xb8;
	v63 =	vld [tilespmem:$0x0]  }
0x2ca: {  	_ =	swait.ge [sflag:s10], $0x2800  }
0x2cb: {  	[sflag:s10] =	ssyncset.done $0x0  }
0x2cc: {  	[sflag:s10] =	ssyncadd.s32 $0xFFFFD800  }
0x2cd: {  	_ =	swait.ge [sflag:s17], $0x2800  }
0x2ce: {  	[sflag:s17] =	ssyncset.done $0x0  }
0x2cf: {  	[sflag:s17] =	ssyncadd.s32 $0xFFFFD800  }
0x2d0: {  	[spmem:s2] =	stream.indirect.scatter.add.f32 [tilespmem:s14], [sflag:$0x2], $0x80, s30, s12, $0xb8;
	v63 =	vld [tilespmem:$0x0]  }
0x2d1: {  	_ =	swait.ge [sflag:s10], $0x2800  }
0x2d2: {  	[sflag:s10] =	ssyncset.done $0x0  }
0x2d3: {  	[sflag:s10] =	ssyncadd.s32 $0xFFFFD800  }
0x2d4: {  	_ =	swait.ge [sflag:s17], $0x2800  }
0x2d5: {  	[sflag:s17] =	ssyncset.done $0x0  }
0x2d6: {  	[sflag:s17] =	ssyncadd.s32 $0xFFFFD800  }
0x2d7: {  	[spmem:s2] =	stream.indirect.scatter.add.f32 [tilespmem:s15], [sflag:$0x2], $0x80, s31, s12, $0xb8;
	v63 =	vld [tilespmem:$0x0]  }
0x2d8: {  	_ =	swait.ge [sflag:s10], $0x2800  }
0x2d9: {  	[sflag:s10] =	ssyncset.done $0x0  }
0x2da: {  	[sflag:s10] =	ssyncadd.s32 $0xFFFFD800  }
0x2db: {  	_ =	swait.ge [sflag:s17], $0x2800  }
0x2dc: {  	[sflag:s17] =	ssyncset.done $0x0  }
0x2dd: {  	[sflag:s17] =	ssyncadd.s32 $0xFFFFD800  }
0x2de: {  	[spmem:s2] =	stream.indirect.scatter.add.f32 [tilespmem:s16], [sflag:$0x2], $0x80, s1, s12, $0xb8;
	v63 =	vld [tilespmem:$0x0]  }
0x2df: {  	_ =	swait.ge [sflag:s10], $0x2800  }
0x2e0: {  	[sflag:s10] =	ssyncset.done $0x0  }
0x2e1: {  	[sflag:s10] =	ssyncadd.s32 $0xFFFFD800  }
0x2e2: {  	[tilespmem:s13], [sflag:$0x1] =	stream.indirect.gather [hbm4b:s4+s12], $0x80, s0, s12, $0xb8;
	v63 =	vld [tilespmem:$0x0]  }
0x2e3: {  	_ =	swait.ge [sflag:s17], $0x2800  }
0x2e4: {  	[sflag:s17] =	ssyncset.done $0x0  }
0x2e5: {  	[sflag:s17] =	ssyncadd.s32 $0xFFFFD800  }
0x2e6: {  	[spmem:s2] =	stream.indirect.scatter.add.f32 [tilespmem:s13], [sflag:$0x2], $0x80, s5, s12, $0xb8;
	v63 =	vld [tilespmem:$0x0]  }
0x2e7: {  	_ =	swait.ge [sflag:s10], $0x2800  }
0x2e8: {  	[sflag:s10] =	ssyncset.done $0x0  }
0x2e9: {  	[sflag:s10] =	ssyncadd.s32 $0xFFFFD800  }
0x2ea: {  	[bflag:$0x0] =	sbarrier.arrive $0xFFFF  }
0x2eb: {  	s7 =	sld [smem:$0x7FC]  }
0x2ec: {  	s9 =	sld [smem:$0x7F5]  }
0x2ed: {  	s8 =	sld [smem:$0x7FD];
	_ =	sdelay $0x2  }
0x2ee: {  	[hbm:s9], [sflag:s7] =	dma.local [spmem:s8], $0x2800  }
0x2ef: {  	_ =	swait.ge [sflag:s10], $0x2800  }
0x2f0: {  	s6 =	sld [smem:$0x7F3];
	_ =	sdelay $0x2  }
0x2f1: {  	s9 =	sadd.s32 $0x1, s6;
	s6 =	sld [smem:$0x7F6];
	_ =	sdelay $0x2  }
0x2f2: {  	p0 =	sne.s32 s9, s6  }
.Ltmp1:
0x2f3: {  	_ = 	snop;
	(pc) =	sbr.rel @p0 .LBB2_1-.Ltmp1, $3  }
0x2f4: {  	_ =	sdelay $0x1  }
0x2f5: {  	[sflag:s10] =	ssyncset.done $0x0  }
0x2f6: {  	[sflag:s10] =	ssyncadd.s32 $0xFFFFD800  }
0x2f7: {  	_ =	sfence.sel $0x180000  }
0x2f8: {  	[bflag:$0x0] =	sbarrier.arrive $0xFFFF  }
0x2f9: {  	_ =	strace $0x90000050  }
0x2fa: {  	s0 =	stileid.u32;
	[bflag:$0x2] =	sbarrier.arrive $0xFFFF  }
0x2fb: {  	p0 =	sne.s32 s0, $0x0;
	s0 =	rddreg [dreg:$0x2]  }
0x2fc: {  	s0 =	sadd.s32 @!p0 $0x100000, s0  }
0x2fd: {  	[sflag:s0] =	ssyncadd.tile.s32 @!p0 $0x1;
	_ =	shalt  }
.Lfunc_end2:
_tile_overlayer_lowered:
.L_overlay_start_2:
0x2fe: {  	(tag) =	ssettag $0x2  }
0x2ff: {  	s0 =	rddreg [dreg:$0x0];
	s2 =	stileid.u32  }
0x300: {  	s1 =	rddreg [dreg:$0x1];
	p0 =	sne.s32 s2, $0x0  }
0x301: {  	s3 =	rddreg [dreg:$0x2];
	[bflag:$0x3] =	sbarrier.arrive $0xFFFF;
	s2 =	simm.s32 @!p0 $0x1C02  }
0x302: {  	[timem:s3], [sflag:s2] =	dma.local @!p0 [hbm:s0], s1  }
0x303: {  	s0 =	simm.s32 @!p0 $0x2  }
0x304: {  	_ =	swait.ge @!p0 [sflag:s0], s1  }
0x305: {  	s1 =	ssub.s32 @!p0 $0x0, s1;
	[sflag:s0] =	ssyncset.done @!p0 $0x0  }
0x306: {  	[sflag:s0] =	ssyncadd.s32 @!p0 s1  }
0x307: {  	[bflag:$0x3] =	sbarrier.arrive $0xFFFF  }
0x308: {  	_ =	shalt  }

// kernel: kernel.25.cloned.1.call-start
scs
__scs_entry_jumppad:
0x0: {  	(pc) =	sbr.rel $0x88, $3  }
0x1: {  	(tag) =	ssettag $0x0;
	lr =	simm.s32 $0x1  }
0x2: {  	[smem:$0x3F8F] =	sst lr;
	_ =	strace $0xD0000000  }
0x3: {  	_ = 	snop  }
0x4: {  	_ = 	snop  }
0x5: {  	_ = 	snop  }
0x6: {  	_ = 	snop  }
0x7: {  	_ = 	snop  }
__scs_overlays_trampoline_lowered:
0x8: {  	[smem:$0x3F9E] =	sst s0  }
0x9: {  	[smem:$0x3F9F] =	sst s1  }
0xa: {  	[smem:$0x3FA0] =	sst s2  }
0xb: {  	[smem:$0x3FA1] =	sst s3  }
0xc: {  	[smem:$0x3FA2] =	sst s4  }
0xd: {  	[smem:$0x3FA3] =	sst s5  }
0xe: {  	[smem:$0x3FA4] =	sst s6  }
0xf: {  	[smem:$0x3FA5] =	sst s7  }
0x10: {  	[smem:$0x3FA6] =	sst s8  }
0x11: {  	[smem:$0x3FA7] =	sst s9;
	s0 =	simm.s32 @!p0 $0x0  }
0x12: {  	s1 =	sld [smem:$0x3F8D];
	s0 =	simm.s32 @p0 $0x1  }
0x13: {  	[smem:$0x3FA8] =	sst s0;
	s0 =	simm.s32 @!p1 $0x0  }
0x14: {  	s2 =	sld [smem:$0x3F8C];
	s0 =	simm.s32 @p1 $0x1  }
0x15: {  	[smem:$0x3FA9] =	sst s0;
	s0 =	simm.s32 @!p2 $0x0  }
0x16: {  	s3 =	sld [smem:$0x3FDB];
	s0 =	simm.s32 @p2 $0x1  }
0x17: {  	s4 =	simm.s32 $0x1BF5;
	[smem:$0x3FAB] =	sst s0  }
0x18: {  	s0 =	sld [smem:$0x3F8E];
	_ =	swait.ge [sflag:s4], $0x0  }
0x19: {  	s7 =	sld [smem:$0x3F8F]  }
0x1a: {  	s8 =	sadd.s32 $0xFFFFE003, lr  }
0x1b: {  	s9 =	sadd.s32 $0xFFFFFEF7, lr;
	s5 =	simm.s32 $0xFFFFFFFF;
	p2 =	slt.u32 s8, $0xFFFFF086  }
0x1c: {  	p1 =	slt.u32 s9, $0xF7A;
	s5 =	simm.s32 @!p2 $0x0  }
0x1d: {  	s5 =	simm.s32 @p1 $0x1;
	p0 =	seq.s32 s7, s2  }
0x1e: {  	s7 =	smul.u32 @!p0 $0xF7A, s2;
	p2 =	seq.s32 @!p0 s5, $0x0  }
0x1f: {  	s9 =	smul.u32 $0xF7A, s1;
	s8 =	simm.s32 @!p0 $0x1BF5;
	p2 =	por !p2, p0  }
0x20: {  	[sflag:s8] =	ssyncset.s32 @!p0 $0xFFFFF086;
	s6 =	sadd.s32 @!p0 s3, s7;
	s7 =	simm.s32 @!p0 $0x108  }
0x21: {  	s3 =	sadd.s32 s3, s9;
	s6 =	sadd.s32 @!p0 $0x88, s6;
	s7 =	simm.s32 @p2 $0x1082  }
0x22: {  	[simem:s7], [sflag:s8] =	dma.local @!p0 [hbm:s6], $0xF7A  }
0x23: {  	s9 =	sor.u32 $0xD0000000, s2;
	s6 =	simm.s32 $0x108;
	_ =	swait.ge @!p0 [sflag:s8], $0x0  }
0x24: {  	s3 =	sadd.s32 $0x88, s3;
	s6 =	simm.s32 @!p1 $0x1082;
	[sflag:s4] =	ssyncset.s32 $0xFFFFF086  }
0x25: {  	[simem:s6], [sflag:s4] =	dma.local [hbm:s3], $0xF7A  }
0x26: {  	[smem:$0x3F8F] =	sst s1;
	(tag) =	ssettag s2;
	_ =	strace s9  }
0x27: {  	s1 =	sld [smem:$0x3F9F]  }
0x28: {  	s2 =	sld [smem:$0x3FA0]  }
0x29: {  	s4 =	sld [smem:$0x3FA2]  }
0x2a: {  	p0 =	seq.s32 s5, $0x0;
	s5 =	sld [smem:$0x3FA3]  }
0x2b: {  	s6 =	sld [smem:$0x3FA4]  }
0x2c: {  	s7 =	sld [smem:$0x3FA5]  }
0x2d: {  	s3 =	simm.s32 $0x108;
	s8 =	sld [smem:$0x3FA6]  }
0x2e: {  	s3 =	simm.s32 @!p0 $0x1082;
	s9 =	sld [smem:$0x3FA7]  }
0x2f: {  	lr =	sadd.s32 s0, s3;
	s0 =	sld [smem:$0x3F9E]  }
0x30: {  	s3 =	sld [smem:$0x3FA1]  }
0x31: {  	[smem:$0x3FAA] =	sst s10  }
0x32: {  	s10 =	sld [smem:$0x3FA8];
	_ =	sdelay $0x3  }
0x33: {  	p0 =	seq.s32 s10, $0x1;
	s10 =	sld [smem:$0x3FAA];
	_ =	sdelay $0x3  }
0x34: {  	[smem:$0x3FAA] =	sst s10  }
0x35: {  	s10 =	sld [smem:$0x3FA9];
	_ =	sdelay $0x3  }
0x36: {  	p1 =	seq.s32 s10, $0x1;
	s10 =	sld [smem:$0x3FAA];
	_ =	sdelay $0x3  }
0x37: {  	[smem:$0x3FAA] =	sst s10  }
0x38: {  	s10 =	sld [smem:$0x3FAB]  }
0x39: {  	_ = 	snop;
	(pc) =	sbr.ind lr, $3  }
0x3a: {  	_ = 	snop  }
0x3b: {  	_ = 	snop  }
0x3c: {  	p2 =	seq.s32 s10, $0x1;
	s10 =	sld [smem:$0x3FAA]  }
0x3d: {  	_ =	shalt  }
0x3e: {  	_ =	shalt  }
0x3f: {  	_ =	shalt  }
0x40: {  	_ =	shalt  }
0x41: {  	_ =	shalt  }
0x42: {  	_ =	shalt  }
0x43: {  	_ =	shalt  }
0x44: {  	_ =	shalt  }
0x45: {  	_ =	shalt  }
0x46: {  	_ =	shalt  }
0x47: {  	_ =	shalt  }
0x48: {  	_ =	shalt  }
0x49: {  	_ =	shalt  }
0x4a: {  	_ =	shalt  }
0x4b: {  	_ =	shalt  }
0x4c: {  	_ =	shalt  }
0x4d: {  	_ =	shalt  }
0x4e: {  	_ =	shalt  }
0x4f: {  	_ =	shalt  }
0x50: {  	_ =	shalt  }
0x51: {  	_ =	shalt  }
0x52: {  	_ =	shalt  }
0x53: {  	_ =	shalt  }
0x54: {  	_ =	shalt  }
0x55: {  	_ =	shalt  }
0x56: {  	_ =	shalt  }
0x57: {  	_ =	shalt  }
0x58: {  	_ =	shalt  }
0x59: {  	_ =	shalt  }
0x5a: {  	_ =	shalt  }
0x5b: {  	_ =	shalt  }
0x5c: {  	_ =	shalt  }
0x5d: {  	_ =	shalt  }
0x5e: {  	_ =	shalt  }
0x5f: {  	_ =	shalt  }
0x60: {  	_ =	shalt  }
0x61: {  	_ =	shalt  }
0x62: {  	_ =	shalt  }
0x63: {  	_ =	shalt  }
0x64: {  	_ =	shalt  }
0x65: {  	_ =	shalt  }
0x66: {  	_ =	shalt  }
0x67: {  	_ =	shalt  }
0x68: {  	_ =	shalt  }
0x69: {  	_ =	shalt  }
0x6a: {  	_ =	shalt  }
0x6b: {  	_ =	shalt  }
0x6c: {  	_ =	shalt  }
0x6d: {  	_ =	shalt  }
0x6e: {  	_ =	shalt  }
0x6f: {  	_ =	shalt  }
0x70: {  	_ =	shalt  }
0x71: {  	_ =	shalt  }
0x72: {  	_ =	shalt  }
0x73: {  	_ =	shalt  }
0x74: {  	_ =	shalt  }
0x75: {  	_ =	shalt  }
0x76: {  	_ =	shalt  }
0x77: {  	_ =	shalt  }
0x78: {  	_ =	shalt  }
0x79: {  	_ =	shalt  }
0x7a: {  	_ =	shalt  }
0x7b: {  	_ =	shalt  }
0x7c: {  	_ =	shalt  }
0x7d: {  	_ =	shalt  }
0x7e: {  	_ =	shalt  }
0x7f: {  	_ =	shalt  }
0x80: {  	_ =	shalt  }
0x81: {  	_ =	shalt  }
0x82: {  	_ =	shalt  }
0x83: {  	_ =	shalt  }
0x84: {  	_ =	shalt  }
0x85: {  	_ =	shalt  }
0x86: {  	_ =	shalt  }
0x87: {  	_ =	shalt  }
.Lfunc_end0:
.L_simem_size_0:
called_computation.4_lowered:
.L_overlay_start_0:
0x88: {  	s2 =	sld [smem:$0x3FD9]  }
0x89: {  	s3 =	sld [smem:$0x3FFE];
	_ =	sdelay $0x1  }
0x8a: {  	s1 =	srdreg.scid  }
0x8b: {  	s0 =	sand.u32 $0x1, s1  }
0x8c: {  	s16 =	sshll.u32 s0, $0xA;
	s2 =	sadd.s32 s3, s2  }
0x8d: {  	s2 =	sadd.s32 s2, s16  }
0x8e: {  	[smem:$0x3FB6] =	sst s2  }
0x8f: {  	_ = 	snop  }
0x90: {  	(tm) =	ssettm $0x1  }
0x91: {  	s17 =	sld [smem:$0x3FFB];
	_ =	sdelay $0x3  }
0x92: {  	_ =	strace s17  }
0x93: {  	s2 =	sld [smem:$0x3FFC];
	_ =	sdelay $0x3  }
0x94: {  	_ =	strace s2  }
0x95: {  	s2 =	sld [smem:$0x3FFD];
	_ =	sdelay $0x3  }
0x96: {  	_ =	strace s2  }
0x97: {  	_ =	strace $0x8FFFFFFF  }
0x98: {  	s18 =	sld [smem:$0x3FDB];
	_ =	sdelay $0x1  }
0x99: {  	s19 =	simm.s32 $_scs_section_size  }
0x9a: {  	s4 =	simm.s32 $_size__tile_overlayer_lowered;
	s5 =	simm.s32 $_tile_overlayer_lowered  }
0x9b: {  	s22 =	simm.s32 $0x1BFF;
	s21 =	sshll.u32 s5, $0x1;
	s2 =	sadd.s32 s19, s18  }
0x9c: {  	s6 =	simm.s32 $0x0;
	s20 =	sshll.u32 s4, $0x1;
	s4 =	sadd.s32 s21, s2  }
0x9d: {  	[timem:s6], [sflag:s22] =	dma.local [hbm:s4], s20  }
0x9e: {  	_ =	swait.ge [sflag:s22], s20  }
0x9f: {  	s3 =	ssub.s32 $0x0, s20;
	[sflag:s22] =	ssyncset.done $0x0  }
0xa0: {  	[sflag:s22] =	ssyncadd.s32 s3;
	_ =	sdelay $0x1  }
0xa1: {  	s23 =	simm.s32 $0x1B8B  }
0xa2: {  	_ =	swait.ge [sflag:s23], $0x1  }
0xa3: {  	[sflag:s23] =	ssyncset.done $0x0  }
0xa4: {  	s25 =	simm.s32 $0x1B8E;
	s24 =	sld [smem:$0x3FFE];
	[sflag:s23] =	ssyncadd.s32 $0xFFFFFFFF  }
0xa5: {  	s26 =	simm.s32 $execute0_lowered;
	[smem:$0x3FD2] =	sst s25  }
0xa6: {  	s4 =	sshll.u32 s26, $0x1;
	_ =	strace $0x80000052;
	[dreg:$0x1] =	wrdreg $0xFFFFFFFF  }
0xa7: {  	s28 =	simm.s32 $_size_execute0_lowered;
	s2 =	sadd.s32 s2, s4;
	[dreg:$0x0] =	wrdreg $0x0  }
0xa8: {  	s4 =	sshll.u32 s28, $0x1;
	[dreg:$0x2] =	wrdreg s2  }
0xa9: {  	[dreg:$0x3] =	wrdreg s4  }
0xaa: {  	[dreg:$0x4] =	wrdreg $0xC0  }
0xab: {  	_ =	task [dreg:s6], $0x5FFFF  }
0xac: {  	[dreg:$0x1] =	wrdreg $0xFFFFFFFF  }
0xad: {  	[dreg:$0x0] =	wrdreg $0x60  }
0xae: {  	[dreg:$0x2] =	wrdreg s24  }
0xaf: {  	[dreg:$0x3] =	wrdreg $0xC0000  }
0xb0: {  	[dreg:$0x4] =	wrdreg $0x9  }
0xb1: {  	_ =	task.clear_ibuf [dreg:s6], $0x5FFFF;
	_ =	strace $0x90000052  }
0xb2: {  	s29 =	simm.s32 $0x9;
	_ =	strace $0x80000054  }
0xb3: {  	_ =	swait.ge [sflag:s29], $0x1  }
0xb4: {  	[sflag:s29] =	ssyncadd.s32 $0xFFFFFFFF  }
0xb5: {  	_ =	strace $0x90000054  }
0xb6: {  	_ =	sfence  }
0xb7: {  	s30 =	sld [smem:$0x0];
	_ =	sdelay $0x2  }
0xb8: {  	s31 =	sshll.u32 s1, $0xD;
	s1 =	sshrl.u32 s1, $0x2  }
0xb9: {  	s3 =	sand.u32 $0x4000, s31;
	s1 =	sadd.s32 s1, s30  }
0xba: {  	s0 =	sor.u32 s3, s0;
	s1 =	sshll.u32 s1, $0x11  }
0xbb: {  	s0 =	sor.u32 s1, s0  }
0xbc: {  	s0 =	sadd.s32 $0x8F2B, s0  }
0xbd: {  	[sflag:s0] =	ssyncadd.remote.s32 $0x1  }
0xbe: {  	_ =	sfence.sel $0xFFFF  }
0xbf: {  	[dreg:$0x0] =	wrdreg $0xFFFFFFFF;
	(pc) =	sbr.abs _section_cstart, $3  }
0xc0: {  	[dreg:$0x1] =	wrdreg $0xFFFFFFFF  }
0xc1: {  	_ =	task.clear_ibuf [dreg:s6], $0x2FFFF;
	_ =	strace $0x9FFFFFFF  }
0xc2: {  	(tm) =	ssettm $0x7FFFFFFF  }
0xc3: {  	_ =	shalt  }
tec
execute0_lowered:
.L_overlay_start_1:
0x0: {  	(tag) =	ssettag $0x1  }
0x1: {  	s0 =	srdreg.scid;
	s8 =	stileid.u32  }
0x2: {  	s0 =	sand.u32 $0x1, s0;
	s3 =	smul.u32 $0x5000, s8  }
0x3: {  	s1 =	smul.u32 $0x50000, s0  }
0x4: {  	s5 =	rddreg [dreg:$0x0]  }
0x5: {  	s2 =	rddreg [dreg:$0x1];
	s1 =	sadd.s32 s3, s1;
	s3 =	simm.s32 $0x0  }
0x6: {  	s9 =	simm.s32 $0x80;
	[smem:$0x7FF] =	sst s3  }
0x7: {  	s10 =	simm.s32 $0x100;
	_ =	strace $0x80000053;
	[dreg:$0x5] =	wrdreg s9  }
0x8: {  	s11 =	simm.s32 $0x180;
	[dreg:$0x6] =	wrdreg s10  }
0x9: {  	s12 =	simm.s32 $0x1080;
	[dreg:$0x7] =	wrdreg s11  }
0xa: {  	s13 =	simm.s32 $0x1100;
	s14 =	simm.s32 $0x1180;
	[dreg:$0x8] =	wrdreg s12  }
0xb: {  	s15 =	simm.s32 $0x200;
	s16 =	simm.s32 $0x280;
	[dreg:$0x9] =	wrdreg s13  }
0xc: {  	s17 =	simm.s32 $0x300;
	s18 =	simm.s32 $0x380;
	[dreg:$0xa] =	wrdreg s14  }
0xd: {  	s19 =	simm.s32 $0x1200;
	s20 =	simm.s32 $0x1280;
	[dreg:$0xb] =	wrdreg s15  }
0xe: {  	s21 =	simm.s32 $0x1300;
	s22 =	simm.s32 $0x1380;
	[dreg:$0xc] =	wrdreg s16  }
0xf: {  	s24 =	simm.s32 $0x400;
	s26 =	simm.s32 $0x480;
	[dreg:$0xd] =	wrdreg s17  }
0x10: {  	s28 =	simm.s32 $0xB80;
	s29 =	simm.s32 $0x1A00;
	[dreg:$0xe] =	wrdreg s18  }
0x11: {  	s30 =	simm.s32 $0x1A80;
	s7 =	smul.u32 $0x14000, s8;
	[dreg:$0xf] =	wrdreg s19  }
0x12: {  	s31 =	simm.s32 $0x1B00;
	s6 =	smul.u32 $0x140000, s0;
	[dreg:$0x10] =	wrdreg s20  }
0x13: {  	s25 =	smul.u32 $0x50000, s8;
	s0 =	ssub.s32 $0x2, s0;
	[dreg:$0x11] =	wrdreg s21  }
0x14: {  	s23 =	sshrl.u32 s0, $0x1;
	s6 =	sadd.s32 s7, s6;
	[dreg:$0x12] =	wrdreg s22  }
0x15: {  	s0 =	ssub.s32 s0, s23;
	s23 =	simm.s32 $0x1700;
	[dreg:$0x13] =	wrdreg s24  }
0x16: {  	s1 =	sshrl.u32 s1, $0x3;
	s0 =	smax.u32 s0, $0x1;
	[dreg:$0x14] =	wrdreg s26  }
0x17: {  	s6 =	sshrl.u32 s6, $0x3;
	s1 =	sadd.s32 s1, s5;
	[smem:$0x7F6] =	sst s0  }
0x18: {  	s9 =	sadd.s32 $0x14E00, s5;
	s10 =	sshrl.u32 s25, $0x2;
	[smem:$0x7F8] =	sst s23  }
0x19: {  	s11 =	simm.s32 $0x580;
	s12 =	simm.s32 $0x1400;
	[smem:$0x7F4] =	sst s9  }
0x1a: {  	s13 =	sshll.u32 s8, $0x6;
	s14 =	simm.s32 $0x1480;
	[dreg:$0x16] =	wrdreg s11  }
0x1b: {  	s15 =	simm.s32 $0x1500;
	s16 =	simm.s32 $0x1580;
	[dreg:$0x17] =	wrdreg s12  }
0x1c: {  	s17 =	simm.s32 $0x600;
	s18 =	simm.s32 $0x680;
	[dreg:$0x18] =	wrdreg s14  }
0x1d: {  	s19 =	simm.s32 $0x700;
	s20 =	simm.s32 $0x780;
	[dreg:$0x19] =	wrdreg s15  }
0x1e: {  	s21 =	simm.s32 $0x1600;
	s22 =	simm.s32 $0x1680;
	[dreg:$0x1a] =	wrdreg s16  }
0x1f: {  	s24 =	simm.s32 $0x1780;
	s25 =	simm.s32 $0x800;
	[dreg:$0x1b] =	wrdreg s17  }
0x20: {  	s26 =	simm.s32 $0x880;
	s23 =	simm.s32 $0x1980;
	[dreg:$0x1c] =	wrdreg s18  }
0x21: {  	s0 =	simm.s32 $0xC00;
	s4 =	sadd.s32 $0x67600, s1;
	[dreg:$0x1d] =	wrdreg s19  }
0x22: {  	s1 =	sadd.s32 $0x7B600, s1;
	s9 =	simm.s32 $0x500;
	[dreg:$0x1e] =	wrdreg s20  }
0x23: {  	s7 =	sor.u32 $0x1C02, s13;
	s11 =	simm.s32 $0x1000;
	[dreg:$0x1f] =	wrdreg s21  }
0x24: {  	s12 =	simm.s32 $0x50;
	s13 =	simm.s32 $0x2000;
	[smem:$0x7F7] =	sst s22  }
0x25: {  	s14 =	simm.s32 $0x4800;
	s15 =	simm.s32 $0x7000;
	[smem:$0x7F9] =	sst s24  }
0x26: {  	s16 =	simm.s32 $0x9800;
	s17 =	simm.s32 $0x1;
	[smem:$0x7FA] =	sst s25  }
0x27: {  	[smem:$0x7FB] =	sst s26;
	s18 =	simm.s32 $0x900;
	s19 =	simm.s32 $0x980  }
0x28: {  	s20 =	simm.s32 $0x1800;
	s21 =	simm.s32 $0x1880;
	s22 =	simm.s32 $0x1900  }
0x29: {  	s24 =	simm.s32 $0xA00;
	s25 =	simm.s32 $0xA80;
	[dreg:$0x3] =	wrdreg s4  }
0x2a: {  	s26 =	simm.s32 $0xB00;
	[dreg:$0x4] =	wrdreg s1;
	s4 =	sadd.s32 $0x17600, s5  }
0x2b: {  	s5 =	sadd.s32 s6, s5;
	[dreg:$0x15] =	wrdreg s9;
	s6 =	sadd.s32 s10, s2  }
0x2c: {  	s10 =	simm.s32 $0x2;
	[smem:$0x7FC] =	sst s7;
	s5 =	sadd.s32 $0x8F600, s5  }
0x2d: {  	s1 =	simm.s32 $0x1B80;
	s8 =	sshrl.u32 s6, $0x3;
	[smem:$0x7F5] =	sst s5  }
0x2e: {  	s9 =	simm.s32 $0x0;
	s5 =	simm.s32 $0x1C00;
	[smem:$0x7FD] =	sst s8  }
.LBB2_1:
0x2f: {  	s6 =	sld [smem:$0x7F4];
	_ =	sdelay $0x1  }
0x30: {  	[smem:$0x7F3] =	sst s9  }
0x31: {  	[spmem:s8], [sflag:s7] =	dma.local [hbm:s6], $0x2800  }
0x32: {  	_ =	swait.ge [sflag:s10], $0x2800  }
0x33: {  	[sflag:s10] =	ssyncset.done $0x0  }
0x34: {  	[sflag:s10] =	ssyncadd.s32 $0xFFFFD800  }
0x35: {  	[bflag:$0x0] =	sbarrier.arrive $0xFFFF  }
0x36: {  	s9 =	rddreg [dreg:$0x4]  }
0x37: {  	s6 =	sadd.s32 $0x0, s9  }
0x38: {  	[tilespmem:s3], [sflag:$0x2] =	stream.linear.gather [hbm4b:s6+s3], $0xC80, $0x38;
	v63 =	vld [tilespmem:$0x0]  }
0x39: {  	_ =	swait.ge [sflag:s10], $0xC80  }
0x3a: {  	s7 =	rddreg [dreg:$0x3];
	[sflag:s10] =	ssyncset.done $0x0  }
0x3b: {  	[sflag:s10] =	ssyncadd.s32 $0xFFFFF380;
	s6 =	sadd.s32 $0x0, s7  }
0x3c: {  	[tilespmem:s11], [sflag:$0x2] =	stream.linear.gather [hbm4b:s6+s3], $0xC80, $0x38;
	v63 =	vld [tilespmem:$0x0]  }
0x3d: {  	_ =	swait.ge [sflag:s10], $0xC80  }
0x3e: {  	[sflag:s10] =	ssyncset.done $0x0  }
0x3f: {  	[sflag:s10] =	ssyncadd.s32 $0xFFFFF380  }
0x40: {  	[tilespmem:s13], [sflag:$0x1] =	stream.indirect.gather [hbm4b:s4+s12], $0x80, s3, s12, $0xb8;
	v63 =	vld [tilespmem:$0x0]  }
0x41: {  	s8 =	rddreg [dreg:$0x5]  }
0x42: {  	[tilespmem:s14], [sflag:$0x1] =	stream.indirect.gather [hbm4b:s4+s12], $0x80, s8, s12, $0xb8;
	v63 =	vld [tilespmem:$0x0]  }
0x43: {  	s9 =	rddreg [dreg:$0x6]  }
0x44: {  	[tilespmem:s15], [sflag:$0x1] =	stream.indirect.gather [hbm4b:s4+s12], $0x80, s9, s12, $0xb8;
	v63 =	vld [tilespmem:$0x0]  }
0x45: {  	s7 =	rddreg [dreg:$0x7]  }
0x46: {  	[tilespmem:s16], [sflag:$0x1] =	stream.indirect.gather [hbm4b:s4+s12], $0x80, s7, s12, $0xb8;
	v63 =	vld [tilespmem:$0x0]  }
0x47: {  	_ =	swait.ge [sflag:s17], $0x2800  }
0x48: {  	[sflag:s17] =	ssyncset.done $0x0  }
0x49: {  	[sflag:s17] =	ssyncadd.s32 $0xFFFFD800  }
0x4a: {  	[spmem:s2] =	stream.indirect.scatter.add.f32 [tilespmem:s13], [sflag:$0x2], $0x80, s11, s12, $0xb8;
	v63 =	vld [tilespmem:$0x0]  }
0x4b: {  	_ =	swait.ge [sflag:s10], $0x2800  }
0x4c: {  	[sflag:s10] =	ssyncset.done $0x0  }
0x4d: {  	[sflag:s10] =	ssyncadd.s32 $0xFFFFD800  }
0x4e: {  	_ =	swait.ge [sflag:s17], $0x2800  }
0x4f: {  	[sflag:s17] =	ssyncset.done $0x0  }
0x50: {  	s8 =	rddreg [dreg:$0x8];
	[sflag:s17] =	ssyncadd.s32 $0xFFFFD800  }
0x51: {  	[spmem:s2] =	stream.indirect.scatter.add.f32 [tilespmem:s14], [sflag:$0x2], $0x80, s8, s12, $0xb8;
	v63 =	vld [tilespmem:$0x0]  }
0x52: {  	_ =	swait.ge [sflag:s10], $0x2800  }
0x53: {  	[sflag:s10] =	ssyncset.done $0x0  }
0x54: {  	[sflag:s10] =	ssyncadd.s32 $0xFFFFD800  }
0x55: {  	_ =	swait.ge [sflag:s17], $0x2800  }
0x56: {  	[sflag:s17] =	ssyncset.done $0x0  }
0x57: {  	s9 =	rddreg [dreg:$0x9];
	[sflag:s17] =	ssyncadd.s32 $0xFFFFD800  }
0x58: {  	[spmem:s2] =	stream.indirect.scatter.add.f32 [tilespmem:s15], [sflag:$0x2], $0x80, s9, s12, $0xb8;
	v63 =	vld [tilespmem:$0x0]  }
0x59: {  	_ =	swait.ge [sflag:s10], $0x2800  }
0x5a: {  	[sflag:s10] =	ssyncset.done $0x0  }
0x5b: {  	[sflag:s10] =	ssyncadd.s32 $0xFFFFD800  }
0x5c: {  	_ =	swait.ge [sflag:s17], $0x2800  }
0x5d: {  	[sflag:s17] =	ssyncset.done $0x0  }
0x5e: {  	s7 =	rddreg [dreg:$0xa];
	[sflag:s17] =	ssyncadd.s32 $0xFFFFD800  }
0x5f: {  	[spmem:s2] =	stream.indirect.scatter.add.f32 [tilespmem:s16], [sflag:$0x2], $0x80, s7, s12, $0xb8;
	v63 =	vld [tilespmem:$0x0]  }
0x60: {  	_ =	swait.ge [sflag:s10], $0x2800  }
0x61: {  	[sflag:s10] =	ssyncset.done $0x0  }
0x62: {  	s8 =	rddreg [dreg:$0xb];
	[sflag:s10] =	ssyncadd.s32 $0xFFFFD800  }
0x63: {  	[tilespmem:s13], [sflag:$0x1] =	stream.indirect.gather [hbm4b:s4+s12], $0x80, s8, s12, $0xb8;
	v63 =	vld [tilespmem:$0x0]  }
0x64: {  	s9 =	rddreg [dreg:$0xc]  }
0x65: {  	[tilespmem:s14], [sflag:$0x1] =	stream.indirect.gather [hbm4b:s4+s12], $0x80, s9, s12, $0xb8;
	v63 =	vld [tilespmem:$0x0]  }
0x66: {  	s7 =	rddreg [dreg:$0xd]  }
0x67: {  	[tilespmem:s15], [sflag:$0x1] =	stream.indirect.gather [hbm4b:s4+s12], $0x80, s7, s12, $0xb8;
	v63 =	vld [tilespmem:$0x0]  }
0x68: {  	s9 =	rddreg [dreg:$0xe]  }
0x69: {  	[tilespmem:s16], [sflag:$0x1] =	stream.indirect.gather [hbm4b:s4+s12], $0x80, s9, s12, $0xb8;
	v63 =	vld [tilespmem:$0x0]  }
0x6a: {  	_ =	swait.ge [sflag:s17], $0x2800  }
0x6b: {  	[sflag:s17] =	ssyncset.done $0x0  }
0x6c: {  	s7 =	rddreg [dreg:$0xf];
	[sflag:s17] =	ssyncadd.s32 $0xFFFFD800  }
0x6d: {  	[spmem:s2] =	stream.indirect.scatter.add.f32 [tilespmem:s13], [sflag:$0x2], $0x80, s7, s12, $0xb8;
	v63 =	vld [tilespmem:$0x0]  }
0x6e: {  	_ =	swait.ge [sflag:s10], $0x2800  }
0x6f: {  	[sflag:s10] =	ssyncset.done $0x0  }
0x70: {  	[sflag:s10] =	ssyncadd.s32 $0xFFFFD800  }
0x71: {  	_ =	swait.ge [sflag:s17], $0x2800  }
0x72: {  	[sflag:s17] =	ssyncset.done $0x0  }
0x73: {  	s8 =	rddreg [dreg:$0x10];
	[sflag:s17] =	ssyncadd.s32 $0xFFFFD800  }
0x74: {  	[spmem:s2] =	stream.indirect.scatter.add.f32 [tilespmem:s14], [sflag:$0x2], $0x80, s8, s12, $0xb8;
	v63 =	vld [tilespmem:$0x0]  }
0x75: {  	_ =	swait.ge [sflag:s10], $0x2800  }
0x76: {  	[sflag:s10] =	ssyncset.done $0x0  }
0x77: {  	[sflag:s10] =	ssyncadd.s32 $0xFFFFD800  }
0x78: {  	_ =	swait.ge [sflag:s17], $0x2800  }
0x79: {  	[sflag:s17] =	ssyncset.done $0x0  }
0x7a: {  	s9 =	rddreg [dreg:$0x11];
	[sflag:s17] =	ssyncadd.s32 $0xFFFFD800  }
0x7b: {  	[spmem:s2] =	stream.indirect.scatter.add.f32 [tilespmem:s15], [sflag:$0x2], $0x80, s9, s12, $0xb8;
	v63 =	vld [tilespmem:$0x0]  }
0x7c: {  	_ =	swait.ge [sflag:s10], $0x2800  }
0x7d: {  	[sflag:s10] =	ssyncset.done $0x0  }
0x7e: {  	[sflag:s10] =	ssyncadd.s32 $0xFFFFD800  }
0x7f: {  	_ =	swait.ge [sflag:s17], $0x2800  }
0x80: {  	[sflag:s17] =	ssyncset.done $0x0  }
0x81: {  	s7 =	rddreg [dreg:$0x12];
	[sflag:s17] =	ssyncadd.s32 $0xFFFFD800  }
0x82: {  	[spmem:s2] =	stream.indirect.scatter.add.f32 [tilespmem:s16], [sflag:$0x2], $0x80, s7, s12, $0xb8;
	v63 =	vld [tilespmem:$0x0]  }
0x83: {  	_ =	swait.ge [sflag:s10], $0x2800  }
0x84: {  	[sflag:s10] =	ssyncset.done $0x0  }
0x85: {  	s8 =	rddreg [dreg:$0x13];
	[sflag:s10] =	ssyncadd.s32 $0xFFFFD800  }
0x86: {  	[tilespmem:s13], [sflag:$0x1] =	stream.indirect.gather [hbm4b:s4+s12], $0x80, s8, s12, $0xb8;
	v63 =	vld [tilespmem:$0x0]  }
0x87: {  	s9 =	rddreg [dreg:$0x14]  }
0x88: {  	[tilespmem:s14], [sflag:$0x1] =	stream.indirect.gather [hbm4b:s4+s12], $0x80, s9, s12, $0xb8;
	v63 =	vld [tilespmem:$0x0]  }
0x89: {  	s7 =	rddreg [dreg:$0x15]  }
0x8a: {  	[tilespmem:s15], [sflag:$0x1] =	stream.indirect.gather [hbm4b:s4+s12], $0x80, s7, s12, $0xb8;
	v63 =	vld [tilespmem:$0x0]  }
0x8b: {  	s9 =	rddreg [dreg:$0x16]  }
0x8c: {  	[tilespmem:s16], [sflag:$0x1] =	stream.indirect.gather [hbm4b:s4+s12], $0x80, s9, s12, $0xb8;
	v63 =	vld [tilespmem:$0x0]  }
0x8d: {  	_ =	swait.ge [sflag:s17], $0x2800  }
0x8e: {  	[sflag:s17] =	ssyncset.done $0x0  }
0x8f: {  	s7 =	rddreg [dreg:$0x17];
	[sflag:s17] =	ssyncadd.s32 $0xFFFFD800  }
0x90: {  	[spmem:s2] =	stream.indirect.scatter.add.f32 [tilespmem:s13], [sflag:$0x2], $0x80, s7, s12, $0xb8;
	v63 =	vld [tilespmem:$0x0]  }
0x91: {  	_ =	swait.ge [sflag:s10], $0x2800  }
0x92: {  	[sflag:s10] =	ssyncset.done $0x0  }
0x93: {  	[sflag:s10] =	ssyncadd.s32 $0xFFFFD800  }
0x94: {  	_ =	swait.ge [sflag:s17], $0x2800  }
0x95: {  	[sflag:s17] =	ssyncset.done $0x0  }
0x96: {  	s8 =	rddreg [dreg:$0x18];
	[sflag:s17] =	ssyncadd.s32 $0xFFFFD800  }
0x97: {  	[spmem:s2] =	stream.indirect.scatter.add.f32 [tilespmem:s14], [sflag:$0x2], $0x80, s8, s12, $0xb8;
	v63 =	vld [tilespmem:$0x0]  }
0x98: {  	_ =	swait.ge [sflag:s10], $0x2800  }
0x99: {  	[sflag:s10] =	ssyncset.done $0x0  }
0x9a: {  	[sflag:s10] =	ssyncadd.s32 $0xFFFFD800  }
0x9b: {  	_ =	swait.ge [sflag:s17], $0x2800  }
0x9c: {  	[sflag:s17] =	ssyncset.done $0x0  }
0x9d: {  	s9 =	rddreg [dreg:$0x19];
	[sflag:s17] =	ssyncadd.s32 $0xFFFFD800  }
0x9e: {  	[spmem:s2] =	stream.indirect.scatter.add.f32 [tilespmem:s15], [sflag:$0x2], $0x80, s9, s12, $0xb8;
	v63 =	vld [tilespmem:$0x0]  }
0x9f: {  	_ =	swait.ge [sflag:s10], $0x2800  }
0xa0: {  	[sflag:s10] =	ssyncset.done $0x0  }
0xa1: {  	[sflag:s10] =	ssyncadd.s32 $0xFFFFD800  }
0xa2: {  	_ =	swait.ge [sflag:s17], $0x2800  }
0xa3: {  	[sflag:s17] =	ssyncset.done $0x0  }
0xa4: {  	s7 =	rddreg [dreg:$0x1a];
	[sflag:s17] =	ssyncadd.s32 $0xFFFFD800  }
0xa5: {  	[spmem:s2] =	stream.indirect.scatter.add.f32 [tilespmem:s16], [sflag:$0x2], $0x80, s7, s12, $0xb8;
	v63 =	vld [tilespmem:$0x0]  }
0xa6: {  	_ =	swait.ge [sflag:s10], $0x2800  }
0xa7: {  	[sflag:s10] =	ssyncset.done $0x0  }
0xa8: {  	s8 =	rddreg [dreg:$0x1b];
	[sflag:s10] =	ssyncadd.s32 $0xFFFFD800  }
0xa9: {  	[tilespmem:s13], [sflag:$0x1] =	stream.indirect.gather [hbm4b:s4+s12], $0x80, s8, s12, $0xb8;
	v63 =	vld [tilespmem:$0x0]  }
0xaa: {  	s9 =	rddreg [dreg:$0x1c]  }
0xab: {  	[tilespmem:s14], [sflag:$0x1] =	stream.indirect.gather [hbm4b:s4+s12], $0x80, s9, s12, $0xb8;
	v63 =	vld [tilespmem:$0x0]  }
0xac: {  	s7 =	rddreg [dreg:$0x1d]  }
0xad: {  	[tilespmem:s15], [sflag:$0x1] =	stream.indirect.gather [hbm4b:s4+s12], $0x80, s7, s12, $0xb8;
	v63 =	vld [tilespmem:$0x0]  }
0xae: {  	s9 =	rddreg [dreg:$0x1e]  }
0xaf: {  	[tilespmem:s16], [sflag:$0x1] =	stream.indirect.gather [hbm4b:s4+s12], $0x80, s9, s12, $0xb8;
	v63 =	vld [tilespmem:$0x0]  }
0xb0: {  	_ =	swait.ge [sflag:s17], $0x2800  }
0xb1: {  	[sflag:s17] =	ssyncset.done $0x0  }
0xb2: {  	s7 =	rddreg [dreg:$0x1f];
	[sflag:s17] =	ssyncadd.s32 $0xFFFFD800  }
0xb3: {  	[spmem:s2] =	stream.indirect.scatter.add.f32 [tilespmem:s13], [sflag:$0x2], $0x80, s7, s12, $0xb8;
	v63 =	vld [tilespmem:$0x0]  }
0xb4: {  	_ =	swait.ge [sflag:s10], $0x2800  }
0xb5: {  	[sflag:s10] =	ssyncset.done $0x0  }
0xb6: {  	[sflag:s10] =	ssyncadd.s32 $0xFFFFD800  }
0xb7: {  	_ =	swait.ge [sflag:s17], $0x2800  }
0xb8: {  	s8 =	sld [smem:$0x7F7]  }
0xb9: {  	[sflag:s17] =	ssyncset.done $0x0  }
0xba: {  	[sflag:s17] =	ssyncadd.s32 $0xFFFFD800  }
0xbb: {  	[spmem:s2] =	stream.indirect.scatter.add.f32 [tilespmem:s14], [sflag:$0x2], $0x80, s8, s12, $0xb8;
	v63 =	vld [tilespmem:$0x0]  }
0xbc: {  	_ =	swait.ge [sflag:s10], $0x2800  }
0xbd: {  	[sflag:s10] =	ssyncset.done $0x0  }
0xbe: {  	[sflag:s10] =	ssyncadd.s32 $0xFFFFD800  }
0xbf: {  	_ =	swait.ge [sflag:s17], $0x2800  }
0xc0: {  	s9 =	sld [smem:$0x7F8]  }
0xc1: {  	[sflag:s17] =	ssyncset.done $0x0  }
0xc2: {  	[sflag:s17] =	ssyncadd.s32 $0xFFFFD800  }
0xc3: {  	[spmem:s2] =	stream.indirect.scatter.add.f32 [tilespmem:s15], [sflag:$0x2], $0x80, s9, s12, $0xb8;
	v63 =	vld [tilespmem:$0x0]  }
0xc4: {  	_ =	swait.ge [sflag:s10], $0x2800  }
0xc5: {  	[sflag:s10] =	ssyncset.done $0x0  }
0xc6: {  	[sflag:s10] =	ssyncadd.s32 $0xFFFFD800  }
0xc7: {  	_ =	swait.ge [sflag:s17], $0x2800  }
0xc8: {  	s7 =	sld [smem:$0x7F9]  }
0xc9: {  	[sflag:s17] =	ssyncset.done $0x0  }
0xca: {  	[sflag:s17] =	ssyncadd.s32 $0xFFFFD800  }
0xcb: {  	[spmem:s2] =	stream.indirect.scatter.add.f32 [tilespmem:s16], [sflag:$0x2], $0x80, s7, s12, $0xb8;
	v63 =	vld [tilespmem:$0x0]  }
0xcc: {  	_ =	swait.ge [sflag:s10], $0x2800  }
0xcd: {  	s8 =	sld [smem:$0x7FA]  }
0xce: {  	[sflag:s10] =	ssyncset.done $0x0  }
0xcf: {  	s9 =	sld [smem:$0x7FB];
	[sflag:s10] =	ssyncadd.s32 $0xFFFFD800  }
0xd0: {  	[tilespmem:s13], [sflag:$0x1] =	stream.indirect.gather [hbm4b:s4+s12], $0x80, s8, s12, $0xb8;
	v63 =	vld [tilespmem:$0x0]  }
0xd1: {  	_ = 	snop  }
0xd2: {  	[tilespmem:s14], [sflag:$0x1] =	stream.indirect.gather [hbm4b:s4+s12], $0x80, s9, s12, $0xb8;
	v63 =	vld [tilespmem:$0x0]  }
0xd3: {  	_ = 	snop  }
0xd4: {  	[tilespmem:s15], [sflag:$0x1] =	stream.indirect.gather [hbm4b:s4+s12], $0x80, s18, s12, $0xb8;
	v63 =	vld [tilespmem:$0x0]  }
0xd5: {  	_ = 	snop  }
0xd6: {  	[tilespmem:s16], [sflag:$0x1] =	stream.indirect.gather [hbm4b:s4+s12], $0x80, s19, s12, $0xb8;
	v63 =	vld [tilespmem:$0x0]  }
0xd7: {  	_ =	swait.ge [sflag:s17], $0x2800  }
0xd8: {  	[sflag:s17] =	ssyncset.done $0x0  }
0xd9: {  	[sflag:s17] =	ssyncadd.s32 $0xFFFFD800  }
0xda: {  	[spmem:s2] =	stream.indirect.scatter.add.f32 [tilespmem:s13], [sflag:$0x2], $0x80, s20, s12, $0xb8;
	v63 =	vld [tilespmem:$0x0]  }
0xdb: {  	_ =	swait.ge [sflag:s10], $0x2800  }
0xdc: {  	[sflag:s10] =	ssyncset.done $0x0  }
0xdd: {  	[sflag:s10] =	ssyncadd.s32 $0xFFFFD800  }
0xde: {  	_ =	swait.ge [sflag:s17], $0x2800  }
0xdf: {  	[sflag:s17] =	ssyncset.done $0x0  }
0xe0: {  	[sflag:s17] =	ssyncadd.s32 $0xFFFFD800  }
0xe1: {  	[spmem:s2] =	stream.indirect.scatter.add.f32 [tilespmem:s14], [sflag:$0x2], $0x80, s21, s12, $0xb8;
	v63 =	vld [tilespmem:$0x0]  }
0xe2: {  	_ =	swait.ge [sflag:s10], $0x2800  }
0xe3: {  	[sflag:s10] =	ssyncset.done $0x0  }
0xe4: {  	[sflag:s10] =	ssyncadd.s32 $0xFFFFD800  }
0xe5: {  	_ =	swait.ge [sflag:s17], $0x2800  }
0xe6: {  	[sflag:s17] =	ssyncset.done $0x0  }
0xe7: {  	[sflag:s17] =	ssyncadd.s32 $0xFFFFD800  }
0xe8: {  	[spmem:s2] =	stream.indirect.scatter.add.f32 [tilespmem:s15], [sflag:$0x2], $0x80, s22, s12, $0xb8;
	v63 =	vld [tilespmem:$0x0]  }
0xe9: {  	_ =	swait.ge [sflag:s10], $0x2800  }
0xea: {  	[sflag:s10] =	ssyncset.done $0x0  }
0xeb: {  	[sflag:s10] =	ssyncadd.s32 $0xFFFFD800  }
0xec: {  	_ =	swait.ge [sflag:s17], $0x2800  }
0xed: {  	[sflag:s17] =	ssyncset.done $0x0  }
0xee: {  	[sflag:s17] =	ssyncadd.s32 $0xFFFFD800  }
0xef: {  	[spmem:s2] =	stream.indirect.scatter.add.f32 [tilespmem:s16], [sflag:$0x2], $0x80, s23, s12, $0xb8;
	v63 =	vld [tilespmem:$0x0]  }
0xf0: {  	_ =	swait.ge [sflag:s10], $0x2800  }
0xf1: {  	[sflag:s10] =	ssyncset.done $0x0  }
0xf2: {  	[sflag:s10] =	ssyncadd.s32 $0xFFFFD800  }
0xf3: {  	[tilespmem:s13], [sflag:$0x1] =	stream.indirect.gather [hbm4b:s4+s12], $0x80, s24, s12, $0xb8;
	v63 =	vld [tilespmem:$0x0]  }
0xf4: {  	_ = 	snop  }
0xf5: {  	[tilespmem:s14], [sflag:$0x1] =	stream.indirect.gather [hbm4b:s4+s12], $0x80, s25, s12, $0xb8;
	v63 =	vld [tilespmem:$0x0]  }
0xf6: {  	_ = 	snop  }
0xf7: {  	[tilespmem:s15], [sflag:$0x1] =	stream.indirect.gather [hbm4b:s4+s12], $0x80, s26, s12, $0xb8;
	v63 =	vld [tilespmem:$0x0]  }
0xf8: {  	_ = 	snop  }
0xf9: {  	[tilespmem:s16], [sflag:$0x1] =	stream.indirect.gather [hbm4b:s4+s12], $0x80, s28, s12, $0xb8;
	v63 =	vld [tilespmem:$0x0]  }
0xfa: {  	_ =	swait.ge [sflag:s17], $0x2800  }
0xfb: {  	[sflag:s17] =	ssyncset.done $0x0  }
0xfc: {  	[sflag:s17] =	ssyncadd.s32 $0xFFFFD800  }
0xfd: {  	[spmem:s2] =	stream.indirect.scatter.add.f32 [tilespmem:s13], [sflag:$0x2], $0x80, s29, s12, $0xb8;
	v63 =	vld [tilespmem:$0x0]  }
0xfe: {  	_ =	swait.ge [sflag:s10], $0x2800  }
0xff: {  	[sflag:s10] =	ssyncset.done $0x0  }
0x100: {  	[sflag:s10] =	ssyncadd.s32 $0xFFFFD800  }
0x101: {  	_ =	swait.ge [sflag:s17], $0x2800  }
0x102: {  	[sflag:s17] =	ssyncset.done $0x0  }
0x103: {  	[sflag:s17] =	ssyncadd.s32 $0xFFFFD800  }
0x104: {  	[spmem:s2] =	stream.indirect.scatter.add.f32 [tilespmem:s14], [sflag:$0x2], $0x80, s30, s12, $0xb8;
	v63 =	vld [tilespmem:$0x0]  }
0x105: {  	_ =	swait.ge [sflag:s10], $0x2800  }
0x106: {  	[sflag:s10] =	ssyncset.done $0x0  }
0x107: {  	[sflag:s10] =	ssyncadd.s32 $0xFFFFD800  }
0x108: {  	_ =	swait.ge [sflag:s17], $0x2800  }
0x109: {  	[sflag:s17] =	ssyncset.done $0x0  }
0x10a: {  	[sflag:s17] =	ssyncadd.s32 $0xFFFFD800  }
0x10b: {  	[spmem:s2] =	stream.indirect.scatter.add.f32 [tilespmem:s15], [sflag:$0x2], $0x80, s31, s12, $0xb8;
	v63 =	vld [tilespmem:$0x0]  }
0x10c: {  	_ =	swait.ge [sflag:s10], $0x2800  }
0x10d: {  	[sflag:s10] =	ssyncset.done $0x0  }
0x10e: {  	[sflag:s10] =	ssyncadd.s32 $0xFFFFD800  }
0x10f: {  	_ =	swait.ge [sflag:s17], $0x2800  }
0x110: {  	[sflag:s17] =	ssyncset.done $0x0  }
0x111: {  	[sflag:s17] =	ssyncadd.s32 $0xFFFFD800  }
0x112: {  	[spmem:s2] =	stream.indirect.scatter.add.f32 [tilespmem:s16], [sflag:$0x2], $0x80, s1, s12, $0xb8;
	v63 =	vld [tilespmem:$0x0]  }
0x113: {  	_ =	swait.ge [sflag:s10], $0x2800  }
0x114: {  	[sflag:s10] =	ssyncset.done $0x0  }
0x115: {  	[sflag:s10] =	ssyncadd.s32 $0xFFFFD800  }
0x116: {  	[tilespmem:s13], [sflag:$0x1] =	stream.indirect.gather [hbm4b:s4+s12], $0x80, s0, s12, $0xb8;
	v63 =	vld [tilespmem:$0x0]  }
0x117: {  	_ =	swait.ge [sflag:s17], $0x2800  }
0x118: {  	[sflag:s17] =	ssyncset.done $0x0  }
0x119: {  	[sflag:s17] =	ssyncadd.s32 $0xFFFFD800  }
0x11a: {  	[spmem:s2] =	stream.indirect.scatter.add.f32 [tilespmem:s13], [sflag:$0x2], $0x80, s5, s12, $0xb8;
	v63 =	vld [tilespmem:$0x0]  }
0x11b: {  	s6 =	simm.s32 $0x400;
	_ =	swait.ge [sflag:s10], $0x2800  }
0x11c: {  	s8 =	simm.s32 $0x200;
	s9 =	rddreg [dreg:$0x4];
	[sflag:s10] =	ssyncset.done $0x0  }
.LBB2_2:
0x11d: {  	[sflag:s10] =	ssyncadd.s32 $0xFFFFD800;
	s9 =	sadd.s32 s8, s9  }
0x11e: {  	[tilespmem:s3], [sflag:$0x2] =	stream.linear.gather [hbm4b:s9+s3], $0xC80, $0x38;
	v63 =	vld [tilespmem:$0x0]  }
0x11f: {  	_ =	swait.ge [sflag:s10], $0xC80  }
0x120: {  	s9 =	rddreg [dreg:$0x3];
	[sflag:s10] =	ssyncset.done $0x0  }
0x121: {  	[sflag:s10] =	ssyncadd.s32 $0xFFFFF380;
	s9 =	sadd.s32 s8, s9  }
0x122: {  	[tilespmem:s11], [sflag:$0x2] =	stream.linear.gather [hbm4b:s9+s3], $0xC80, $0x38;
	v63 =	vld [tilespmem:$0x0]  }
0x123: {  	_ =	swait.ge [sflag:s10], $0xC80  }
0x124: {  	[sflag:s10] =	ssyncset.done $0x0  }
0x125: {  	s7 =	smov.u32 s6;
	[sflag:s10] =	ssyncadd.s32 $0xFFFFF380  }
0x126: {  	[tilespmem:s13], [sflag:$0x1] =	stream.indirect.gather [hbm4b:s4+s12], $0x80, s3, s12, $0xb8;
	v63 =	vld [tilespmem:$0x0]  }
0x127: {  	s8 =	smov.u32 s7;
	s7 =	rddreg [dreg:$0x5]  }
0x128: {  	[tilespmem:s14], [sflag:$0x1] =	stream.indirect.gather [hbm4b:s4+s12], $0x80, s7, s12, $0xb8;
	v63 =	vld [tilespmem:$0x0]  }
0x129: {  	s9 =	rddreg [dreg:$0x6]  }
0x12a: {  	[tilespmem:s15], [sflag:$0x1] =	stream.indirect.gather [hbm4b:s4+s12], $0x80, s9, s12, $0xb8;
	v63 =	vld [tilespmem:$0x0]  }
0x12b: {  	s7 =	rddreg [dreg:$0x7]  }
0x12c: {  	[tilespmem:s16], [sflag:$0x1] =	stream.indirect.gather [hbm4b:s4+s12], $0x80, s7, s12, $0xb8;
	v63 =	vld [tilespmem:$0x0]  }
0x12d: {  	_ =	swait.ge [sflag:s17], $0x2800  }
0x12e: {  	[sflag:s17] =	ssyncset.done $0x0  }
0x12f: {  	[sflag:s17] =	ssyncadd.s32 $0xFFFFD800  }
0x130: {  	[spmem:s2] =	stream.indirect.scatter.add.f32 [tilespmem:s13], [sflag:$0x2], $0x80, s11, s12, $0xb8;
	v63 =	vld [tilespmem:$0x0]  }
0x131: {  	_ =	swait.ge [sflag:s10], $0x2800  }
0x132: {  	[sflag:s10] =	ssyncset.done $0x0  }
0x133: {  	[sflag:s10] =	ssyncadd.s32 $0xFFFFD800  }
0x134: {  	_ =	swait.ge [sflag:s17], $0x2800  }
0x135: {  	[sflag:s17] =	ssyncset.done $0x0  }
0x136: {  	s9 =	rddreg [dreg:$0x8];
	[sflag:s17] =	ssyncadd.s32 $0xFFFFD800  }
0x137: {  	[spmem:s2] =	stream.indirect.scatter.add.f32 [tilespmem:s14], [sflag:$0x2], $0x80, s9, s12, $0xb8;
	v63 =	vld [tilespmem:$0x0]  }
0x138: {  	_ =	swait.ge [sflag:s10], $0x2800  }
0x139: {  	[sflag:s10] =	ssyncset.done $0x0  }
0x13a: {  	[sflag:s10] =	ssyncadd.s32 $0xFFFFD800  }
0x13b: {  	_ =	swait.ge [sflag:s17], $0x2800  }
0x13c: {  	[sflag:s17] =	ssyncset.done $0x0  }
0x13d: {  	s9 =	rddreg [dreg:$0x9];
	[sflag:s17] =	ssyncadd.s32 $0xFFFFD800  }
0x13e: {  	[spmem:s2] =	stream.indirect.scatter.add.f32 [tilespmem:s15], [sflag:$0x2], $0x80, s9, s12, $0xb8;
	v63 =	vld [tilespmem:$0x0]  }
0x13f: {  	_ =	swait.ge [sflag:s10], $0x2800  }
0x140: {  	[sflag:s10] =	ssyncset.done $0x0  }
0x141: {  	[sflag:s10] =	ssyncadd.s32 $0xFFFFD800  }
0x142: {  	_ =	swait.ge [sflag:s17], $0x2800  }
0x143: {  	[sflag:s17] =	ssyncset.done $0x0  }
0x144: {  	s9 =	rddreg [dreg:$0xa];
	[sflag:s17] =	ssyncadd.s32 $0xFFFFD800  }
0x145: {  	[spmem:s2] =	stream.indirect.scatter.add.f32 [tilespmem:s16], [sflag:$0x2], $0x80, s9, s12, $0xb8;
	v63 =	vld [tilespmem:$0x0]  }
0x146: {  	_ =	swait.ge [sflag:s10], $0x2800  }
0x147: {  	[sflag:s10] =	ssyncset.done $0x0  }
0x148: {  	s7 =	rddreg [dreg:$0xb];
	[sflag:s10] =	ssyncadd.s32 $0xFFFFD800  }
0x149: {  	[tilespmem:s13], [sflag:$0x1] =	stream.indirect.gather [hbm4b:s4+s12], $0x80, s7, s12, $0xb8;
	v63 =	vld [tilespmem:$0x0]  }
0x14a: {  	s9 =	rddreg [dreg:$0xc]  }
0x14b: {  	[tilespmem:s14], [sflag:$0x1] =	stream.indirect.gather [hbm4b:s4+s12], $0x80, s9, s12, $0xb8;
	v63 =	vld [tilespmem:$0x0]  }
0x14c: {  	s7 =	rddreg [dreg:$0xd]  }
0x14d: {  	[tilespmem:s15], [sflag:$0x1] =	stream.indirect.gather [hbm4b:s4+s12], $0x80, s7, s12, $0xb8;
	v63 =	vld [tilespmem:$0x0]  }
0x14e: {  	s9 =	rddreg [dreg:$0xe]  }
0x14f: {  	[tilespmem:s16], [sflag:$0x1] =	stream.indirect.gather [hbm4b:s4+s12], $0x80, s9, s12, $0xb8;
	v63 =	vld [tilespmem:$0x0]  }
0x150: {  	_ =	swait.ge [sflag:s17], $0x2800  }
0x151: {  	[sflag:s17] =	ssyncset.done $0x0  }
0x152: {  	s9 =	rddreg [dreg:$0xf];
	[sflag:s17] =	ssyncadd.s32 $0xFFFFD800  }
0x153: {  	[spmem:s2] =	stream.indirect.scatter.add.f32 [tilespmem:s13], [sflag:$0x2], $0x80, s9, s12, $0xb8;
	v63 =	vld [tilespmem:$0x0]  }
0x154: {  	_ =	swait.ge [sflag:s10], $0x2800  }
0x155: {  	[sflag:s10] =	ssyncset.done $0x0  }
0x156: {  	[sflag:s10] =	ssyncadd.s32 $0xFFFFD800  }
0x157: {  	_ =	swait.ge [sflag:s17], $0x2800  }
0x158: {  	[sflag:s17] =	ssyncset.done $0x0  }
0x159: {  	s9 =	rddreg [dreg:$0x10];
	[sflag:s17] =	ssyncadd.s32 $0xFFFFD800  }
0x15a: {  	[spmem:s2] =	stream.indirect.scatter.add.f32 [tilespmem:s14], [sflag:$0x2], $0x80, s9, s12, $0xb8;
	v63 =	vld [tilespmem:$0x0]  }
0x15b: {  	_ =	swait.ge [sflag:s10], $0x2800  }
0x15c: {  	[sflag:s10] =	ssyncset.done $0x0  }
0x15d: {  	[sflag:s10] =	ssyncadd.s32 $0xFFFFD800  }
0x15e: {  	_ =	swait.ge [sflag:s17], $0x2800  }
0x15f: {  	[sflag:s17] =	ssyncset.done $0x0  }
0x160: {  	s9 =	rddreg [dreg:$0x11];
	[sflag:s17] =	ssyncadd.s32 $0xFFFFD800  }
0x161: {  	[spmem:s2] =	stream.indirect.scatter.add.f32 [tilespmem:s15], [sflag:$0x2], $0x80, s9, s12, $0xb8;
	v63 =	vld [tilespmem:$0x0]  }
0x162: {  	_ =	swait.ge [sflag:s10], $0x2800  }
0x163: {  	[sflag:s10] =	ssyncset.done $0x0  }
0x164: {  	[sflag:s10] =	ssyncadd.s32 $0xFFFFD800  }
0x165: {  	_ =	swait.ge [sflag:s17], $0x2800  }
0x166: {  	[sflag:s17] =	ssyncset.done $0x0  }
0x167: {  	s9 =	rddreg [dreg:$0x12];
	[sflag:s17] =	ssyncadd.s32 $0xFFFFD800  }
0x168: {  	[spmem:s2] =	stream.indirect.scatter.add.f32 [tilespmem:s16], [sflag:$0x2], $0x80, s9, s12, $0xb8;
	v63 =	vld [tilespmem:$0x0]  }
0x169: {  	_ =	swait.ge [sflag:s10], $0x2800  }
0x16a: {  	[sflag:s10] =	ssyncset.done $0x0  }
0x16b: {  	s7 =	rddreg [dreg:$0x13];
	[sflag:s10] =	ssyncadd.s32 $0xFFFFD800  }
0x16c: {  	[tilespmem:s13], [sflag:$0x1] =	stream.indirect.gather [hbm4b:s4+s12], $0x80, s7, s12, $0xb8;
	v63 =	vld [tilespmem:$0x0]  }
0x16d: {  	s9 =	rddreg [dreg:$0x14]  }
0x16e: {  	[tilespmem:s14], [sflag:$0x1] =	stream.indirect.gather [hbm4b:s4+s12], $0x80, s9, s12, $0xb8;
	v63 =	vld [tilespmem:$0x0]  }
0x16f: {  	s7 =	rddreg [dreg:$0x15]  }
0x170: {  	[tilespmem:s15], [sflag:$0x1] =	stream.indirect.gather [hbm4b:s4+s12], $0x80, s7, s12, $0xb8;
	v63 =	vld [tilespmem:$0x0]  }
0x171: {  	s9 =	rddreg [dreg:$0x16]  }
0x172: {  	[tilespmem:s16], [sflag:$0x1] =	stream.indirect.gather [hbm4b:s4+s12], $0x80, s9, s12, $0xb8;
	v63 =	vld [tilespmem:$0x0]  }
0x173: {  	_ =	swait.ge [sflag:s17], $0x2800  }
0x174: {  	[sflag:s17] =	ssyncset.done $0x0  }
0x175: {  	s9 =	rddreg [dreg:$0x17];
	[sflag:s17] =	ssyncadd.s32 $0xFFFFD800  }
0x176: {  	[spmem:s2] =	stream.indirect.scatter.add.f32 [tilespmem:s13], [sflag:$0x2], $0x80, s9, s12, $0xb8;
	v63 =	vld [tilespmem:$0x0]  }
0x177: {  	_ =	swait.ge [sflag:s10], $0x2800  }
0x178: {  	[sflag:s10] =	ssyncset.done $0x0  }
0x179: {  	[sflag:s10] =	ssyncadd.s32 $0xFFFFD800  }
0x17a: {  	_ =	swait.ge [sflag:s17], $0x2800  }
0x17b: {  	[sflag:s17] =	ssyncset.done $0x0  }
0x17c: {  	s9 =	rddreg [dreg:$0x18];
	[sflag:s17] =	ssyncadd.s32 $0xFFFFD800  }
0x17d: {  	[spmem:s2] =	stream.indirect.scatter.add.f32 [tilespmem:s14], [sflag:$0x2], $0x80, s9, s12, $0xb8;
	v63 =	vld [tilespmem:$0x0]  }
0x17e: {  	_ =	swait.ge [sflag:s10], $0x2800  }
0x17f: {  	[sflag:s10] =	ssyncset.done $0x0  }
0x180: {  	[sflag:s10] =	ssyncadd.s32 $0xFFFFD800  }
0x181: {  	_ =	swait.ge [sflag:s17], $0x2800  }
0x182: {  	[sflag:s17] =	ssyncset.done $0x0  }
0x183: {  	s9 =	rddreg [dreg:$0x19];
	[sflag:s17] =	ssyncadd.s32 $0xFFFFD800  }
0x184: {  	[spmem:s2] =	stream.indirect.scatter.add.f32 [tilespmem:s15], [sflag:$0x2], $0x80, s9, s12, $0xb8;
	v63 =	vld [tilespmem:$0x0]  }
0x185: {  	_ =	swait.ge [sflag:s10], $0x2800  }
0x186: {  	[sflag:s10] =	ssyncset.done $0x0  }
0x187: {  	[sflag:s10] =	ssyncadd.s32 $0xFFFFD800  }
0x188: {  	_ =	swait.ge [sflag:s17], $0x2800  }
0x189: {  	[sflag:s17] =	ssyncset.done $0x0  }
0x18a: {  	s9 =	rddreg [dreg:$0x1a];
	[sflag:s17] =	ssyncadd.s32 $0xFFFFD800  }
0x18b: {  	[spmem:s2] =	stream.indirect.scatter.add.f32 [tilespmem:s16], [sflag:$0x2], $0x80, s9, s12, $0xb8;
	v63 =	vld [tilespmem:$0x0]  }
0x18c: {  	_ =	swait.ge [sflag:s10], $0x2800  }
0x18d: {  	[sflag:s10] =	ssyncset.done $0x0  }
0x18e: {  	s7 =	rddreg [dreg:$0x1b];
	[sflag:s10] =	ssyncadd.s32 $0xFFFFD800  }
0x18f: {  	[tilespmem:s13], [sflag:$0x1] =	stream.indirect.gather [hbm4b:s4+s12], $0x80, s7, s12, $0xb8;
	v63 =	vld [tilespmem:$0x0]  }
0x190: {  	s9 =	rddreg [dreg:$0x1c]  }
0x191: {  	[tilespmem:s14], [sflag:$0x1] =	stream.indirect.gather [hbm4b:s4+s12], $0x80, s9, s12, $0xb8;
	v63 =	vld [tilespmem:$0x0]  }
0x192: {  	s7 =	rddreg [dreg:$0x1d]  }
0x193: {  	[tilespmem:s15], [sflag:$0x1] =	stream.indirect.gather [hbm4b:s4+s12], $0x80, s7, s12, $0xb8;
	v63 =	vld [tilespmem:$0x0]  }
0x194: {  	s9 =	rddreg [dreg:$0x1e]  }
0x195: {  	[tilespmem:s16], [sflag:$0x1] =	stream.indirect.gather [hbm4b:s4+s12], $0x80, s9, s12, $0xb8;
	v63 =	vld [tilespmem:$0x0]  }
0x196: {  	_ =	swait.ge [sflag:s17], $0x2800  }
0x197: {  	[sflag:s17] =	ssyncset.done $0x0  }
0x198: {  	s9 =	rddreg [dreg:$0x1f];
	[sflag:s17] =	ssyncadd.s32 $0xFFFFD800  }
0x199: {  	[spmem:s2] =	stream.indirect.scatter.add.f32 [tilespmem:s13], [sflag:$0x2], $0x80, s9, s12, $0xb8;
	v63 =	vld [tilespmem:$0x0]  }
0x19a: {  	_ =	swait.ge [sflag:s10], $0x2800  }
0x19b: {  	[sflag:s10] =	ssyncset.done $0x0  }
0x19c: {  	[sflag:s10] =	ssyncadd.s32 $0xFFFFD800  }
0x19d: {  	_ =	swait.ge [sflag:s17], $0x2800  }
0x19e: {  	s9 =	sld [smem:$0x7F7]  }
0x19f: {  	[sflag:s17] =	ssyncset.done $0x0  }
0x1a0: {  	[sflag:s17] =	ssyncadd.s32 $0xFFFFD800  }
0x1a1: {  	[spmem:s2] =	stream.indirect.scatter.add.f32 [tilespmem:s14], [sflag:$0x2], $0x80, s9, s12, $0xb8;
	v63 =	vld [tilespmem:$0x0]  }
0x1a2: {  	_ =	swait.ge [sflag:s10], $0x2800  }
0x1a3: {  	[sflag:s10] =	ssyncset.done $0x0  }
0x1a4: {  	[sflag:s10] =	ssyncadd.s32 $0xFFFFD800  }
0x1a5: {  	_ =	swait.ge [sflag:s17], $0x2800  }
0x1a6: {  	s9 =	sld [smem:$0x7F8]  }
0x1a7: {  	[sflag:s17] =	ssyncset.done $0x0  }
0x1a8: {  	[sflag:s17] =	ssyncadd.s32 $0xFFFFD800  }
0x1a9: {  	[spmem:s2] =	stream.indirect.scatter.add.f32 [tilespmem:s15], [sflag:$0x2], $0x80, s9, s12, $0xb8;
	v63 =	vld [tilespmem:$0x0]  }
0x1aa: {  	_ =	swait.ge [sflag:s10], $0x2800  }
0x1ab: {  	[sflag:s10] =	ssyncset.done $0x0  }
0x1ac: {  	[sflag:s10] =	ssyncadd.s32 $0xFFFFD800  }
0x1ad: {  	_ =	swait.ge [sflag:s17], $0x2800  }
0x1ae: {  	s9 =	sld [smem:$0x7F9]  }
0x1af: {  	[sflag:s17] =	ssyncset.done $0x0  }
0x1b0: {  	[sflag:s17] =	ssyncadd.s32 $0xFFFFD800  }
0x1b1: {  	[spmem:s2] =	stream.indirect.scatter.add.f32 [tilespmem:s16], [sflag:$0x2], $0x80, s9, s12, $0xb8;
	v63 =	vld [tilespmem:$0x0]  }
0x1b2: {  	_ =	swait.ge [sflag:s10], $0x2800  }
0x1b3: {  	s7 =	sld [smem:$0x7FA]  }
0x1b4: {  	[sflag:s10] =	ssyncset.done $0x0  }
0x1b5: {  	s9 =	sld [smem:$0x7FB];
	[sflag:s10] =	ssyncadd.s32 $0xFFFFD800  }
0x1b6: {  	[tilespmem:s13], [sflag:$0x1] =	stream.indirect.gather [hbm4b:s4+s12], $0x80, s7, s12, $0xb8;
	v63 =	vld [tilespmem:$0x0]  }
0x1b7: {  	_ = 	snop  }
0x1b8: {  	[tilespmem:s14], [sflag:$0x1] =	stream.indirect.gather [hbm4b:s4+s12], $0x80, s9, s12, $0xb8;
	v63 =	vld [tilespmem:$0x0]  }
0x1b9: {  	_ = 	snop  }
0x1ba: {  	[tilespmem:s15], [sflag:$0x1] =	stream.indirect.gather [hbm4b:s4+s12], $0x80, s18, s12, $0xb8;
	v63 =	vld [tilespmem:$0x0]  }
0x1bb: {  	_ = 	snop  }
0x1bc: {  	[tilespmem:s16], [sflag:$0x1] =	stream.indirect.gather [hbm4b:s4+s12], $0x80, s19, s12, $0xb8;
	v63 =	vld [tilespmem:$0x0]  }
0x1bd: {  	_ =	swait.ge [sflag:s17], $0x2800  }
0x1be: {  	[sflag:s17] =	ssyncset.done $0x0  }
0x1bf: {  	[sflag:s17] =	ssyncadd.s32 $0xFFFFD800  }
0x1c0: {  	[spmem:s2] =	stream.indirect.scatter.add.f32 [tilespmem:s13], [sflag:$0x2], $0x80, s20, s12, $0xb8;
	v63 =	vld [tilespmem:$0x0]  }
0x1c1: {  	_ =	swait.ge [sflag:s10], $0x2800  }
0x1c2: {  	[sflag:s10] =	ssyncset.done $0x0  }
0x1c3: {  	[sflag:s10] =	ssyncadd.s32 $0xFFFFD800  }
0x1c4: {  	_ =	swait.ge [sflag:s17], $0x2800  }
0x1c5: {  	[sflag:s17] =	ssyncset.done $0x0  }
0x1c6: {  	[sflag:s17] =	ssyncadd.s32 $0xFFFFD800  }
0x1c7: {  	[spmem:s2] =	stream.indirect.scatter.add.f32 [tilespmem:s14], [sflag:$0x2], $0x80, s21, s12, $0xb8;
	v63 =	vld [tilespmem:$0x0]  }
0x1c8: {  	_ =	swait.ge [sflag:s10], $0x2800  }
0x1c9: {  	[sflag:s10] =	ssyncset.done $0x0  }
0x1ca: {  	[sflag:s10] =	ssyncadd.s32 $0xFFFFD800  }
0x1cb: {  	_ =	swait.ge [sflag:s17], $0x2800  }
0x1cc: {  	[sflag:s17] =	ssyncset.done $0x0  }
0x1cd: {  	[sflag:s17] =	ssyncadd.s32 $0xFFFFD800  }
0x1ce: {  	[spmem:s2] =	stream.indirect.scatter.add.f32 [tilespmem:s15], [sflag:$0x2], $0x80, s22, s12, $0xb8;
	v63 =	vld [tilespmem:$0x0]  }
0x1cf: {  	_ =	swait.ge [sflag:s10], $0x2800  }
0x1d0: {  	[sflag:s10] =	ssyncset.done $0x0  }
0x1d1: {  	[sflag:s10] =	ssyncadd.s32 $0xFFFFD800  }
0x1d2: {  	_ =	swait.ge [sflag:s17], $0x2800  }
0x1d3: {  	[sflag:s17] =	ssyncset.done $0x0  }
0x1d4: {  	[sflag:s17] =	ssyncadd.s32 $0xFFFFD800  }
0x1d5: {  	[spmem:s2] =	stream.indirect.scatter.add.f32 [tilespmem:s16], [sflag:$0x2], $0x80, s23, s12, $0xb8;
	v63 =	vld [tilespmem:$0x0]  }
0x1d6: {  	_ =	swait.ge [sflag:s10], $0x2800  }
0x1d7: {  	[sflag:s10] =	ssyncset.done $0x0  }
0x1d8: {  	[sflag:s10] =	ssyncadd.s32 $0xFFFFD800  }
0x1d9: {  	[tilespmem:s13], [sflag:$0x1] =	stream.indirect.gather [hbm4b:s4+s12], $0x80, s24, s12, $0xb8;
	v63 =	vld [tilespmem:$0x0]  }
0x1da: {  	_ = 	snop  }
0x1db: {  	[tilespmem:s14], [sflag:$0x1] =	stream.indirect.gather [hbm4b:s4+s12], $0x80, s25, s12, $0xb8;
	v63 =	vld [tilespmem:$0x0]  }
0x1dc: {  	_ = 	snop  }
0x1dd: {  	[tilespmem:s15], [sflag:$0x1] =	stream.indirect.gather [hbm4b:s4+s12], $0x80, s26, s12, $0xb8;
	v63 =	vld [tilespmem:$0x0]  }
0x1de: {  	_ = 	snop  }
0x1df: {  	[tilespmem:s16], [sflag:$0x1] =	stream.indirect.gather [hbm4b:s4+s12], $0x80, s28, s12, $0xb8;
	v63 =	vld [tilespmem:$0x0]  }
0x1e0: {  	_ =	swait.ge [sflag:s17], $0x2800  }
0x1e1: {  	[sflag:s17] =	ssyncset.done $0x0  }
0x1e2: {  	[sflag:s17] =	ssyncadd.s32 $0xFFFFD800  }
0x1e3: {  	[spmem:s2] =	stream.indirect.scatter.add.f32 [tilespmem:s13], [sflag:$0x2], $0x80, s29, s12, $0xb8;
	v63 =	vld [tilespmem:$0x0]  }
0x1e4: {  	_ =	swait.ge [sflag:s10], $0x2800  }
0x1e5: {  	[sflag:s10] =	ssyncset.done $0x0  }
0x1e6: {  	[sflag:s10] =	ssyncadd.s32 $0xFFFFD800  }
0x1e7: {  	_ =	swait.ge [sflag:s17], $0x2800  }
0x1e8: {  	[sflag:s17] =	ssyncset.done $0x0  }
0x1e9: {  	[sflag:s17] =	ssyncadd.s32 $0xFFFFD800  }
0x1ea: {  	[spmem:s2] =	stream.indirect.scatter.add.f32 [tilespmem:s14], [sflag:$0x2], $0x80, s30, s12, $0xb8;
	v63 =	vld [tilespmem:$0x0]  }
0x1eb: {  	_ =	swait.ge [sflag:s10], $0x2800  }
0x1ec: {  	[sflag:s10] =	ssyncset.done $0x0  }
0x1ed: {  	[sflag:s10] =	ssyncadd.s32 $0xFFFFD800  }
0x1ee: {  	_ =	swait.ge [sflag:s17], $0x2800  }
0x1ef: {  	[sflag:s17] =	ssyncset.done $0x0  }
0x1f0: {  	[sflag:s17] =	ssyncadd.s32 $0xFFFFD800  }
0x1f1: {  	[spmem:s2] =	stream.indirect.scatter.add.f32 [tilespmem:s15], [sflag:$0x2], $0x80, s31, s12, $0xb8;
	v63 =	vld [tilespmem:$0x0]  }
0x1f2: {  	_ =	swait.ge [sflag:s10], $0x2800  }
0x1f3: {  	[sflag:s10] =	ssyncset.done $0x0  }
0x1f4: {  	[sflag:s10] =	ssyncadd.s32 $0xFFFFD800  }
0x1f5: {  	_ =	swait.ge [sflag:s17], $0x2800  }
0x1f6: {  	[sflag:s17] =	ssyncset.done $0x0  }
0x1f7: {  	[sflag:s17] =	ssyncadd.s32 $0xFFFFD800  }
0x1f8: {  	[spmem:s2] =	stream.indirect.scatter.add.f32 [tilespmem:s16], [sflag:$0x2], $0x80, s1, s12, $0xb8;
	v63 =	vld [tilespmem:$0x0]  }
0x1f9: {  	_ =	swait.ge [sflag:s10], $0x2800  }
0x1fa: {  	[sflag:s10] =	ssyncset.done $0x0  }
0x1fb: {  	[sflag:s10] =	ssyncadd.s32 $0xFFFFD800  }
0x1fc: {  	[tilespmem:s13], [sflag:$0x1] =	stream.indirect.gather [hbm4b:s4+s12], $0x80, s0, s12, $0xb8;
	v63 =	vld [tilespmem:$0x0]  }
0x1fd: {  	p0 =	sne.s32 s6, $0x800;
	_ =	swait.ge [sflag:s17], $0x2800  }
.Ltmp0:
0x1fe: {  	[sflag:s17] =	ssyncset.done $0x0;
	(pc) =	sbr.rel @p0 .LBB2_2-.Ltmp0, $4  }
0x1ff: {  	[sflag:s17] =	ssyncadd.s32 $0xFFFFD800  }
0x200: {  	[spmem:s2] =	stream.indirect.scatter.add.f32 [tilespmem:s13], [sflag:$0x2], $0x80, s5, s12, $0xb8;
	v63 =	vld [tilespmem:$0x0]  }
0x201: {  	_ =	swait.ge [sflag:s10], $0x2800  }
0x202: {  	s6 =	sadd.s32 $0x200, s6;
	s9 =	rddreg [dreg:$0x4];
	[sflag:s10] =	ssyncset.done $0x0  }
0x203: {  	[sflag:s10] =	ssyncadd.s32 $0xFFFFD800;
	s6 =	sadd.s32 s8, s9  }
0x204: {  	[tilespmem:s3], [sflag:$0x2] =	stream.linear.gather [hbm4b:s6+s3], $0xC80, $0x38;
	v63 =	vld [tilespmem:$0x0]  }
0x205: {  	_ =	swait.ge [sflag:s10], $0xC80  }
0x206: {  	s7 =	rddreg [dreg:$0x3];
	[sflag:s10] =	ssyncset.done $0x0  }
0x207: {  	[sflag:s10] =	ssyncadd.s32 $0xFFFFF380;
	s6 =	sadd.s32 s8, s7  }
0x208: {  	[tilespmem:s11], [sflag:$0x2] =	stream.linear.gather [hbm4b:s6+s3], $0xC80, $0x38;
	v63 =	vld [tilespmem:$0x0]  }
0x209: {  	_ =	swait.ge [sflag:s10], $0xC80  }
0x20a: {  	[sflag:s10] =	ssyncset.done $0x0  }
0x20b: {  	[sflag:s10] =	ssyncadd.s32 $0xFFFFF380  }
0x20c: {  	[tilespmem:s13], [sflag:$0x1] =	stream.indirect.gather [hbm4b:s4+s12], $0x80, s3, s12, $0xb8;
	v63 =	vld [tilespmem:$0x0]  }
0x20d: {  	s8 =	rddreg [dreg:$0x5]  }
0x20e: {  	[tilespmem:s14], [sflag:$0x1] =	stream.indirect.gather [hbm4b:s4+s12], $0x80, s8, s12, $0xb8;
	v63 =	vld [tilespmem:$0x0]  }
0x20f: {  	s7 =	rddreg [dreg:$0x6]  }
0x210: {  	[tilespmem:s15], [sflag:$0x1] =	stream.indirect.gather [hbm4b:s4+s12], $0x80, s7, s12, $0xb8;
	v63 =	vld [tilespmem:$0x0]  }
0x211: {  	s9 =	rddreg [dreg:$0x7]  }
0x212: {  	[tilespmem:s16], [sflag:$0x1] =	stream.indirect.gather [hbm4b:s4+s12], $0x80, s9, s12, $0xb8;
	v63 =	vld [tilespmem:$0x0]  }
0x213: {  	_ =	swait.ge [sflag:s17], $0x2800  }
0x214: {  	[sflag:s17] =	ssyncset.done $0x0  }
0x215: {  	[sflag:s17] =	ssyncadd.s32 $0xFFFFD800  }
0x216: {  	[spmem:s2] =	stream.indirect.scatter.add.f32 [tilespmem:s13], [sflag:$0x2], $0x80, s11, s12, $0xb8;
	v63 =	vld [tilespmem:$0x0]  }
0x217: {  	_ =	swait.ge [sflag:s10], $0x2800  }
0x218: {  	[sflag:s10] =	ssyncset.done $0x0  }
0x219: {  	[sflag:s10] =	ssyncadd.s32 $0xFFFFD800  }
0x21a: {  	_ =	swait.ge [sflag:s17], $0x2800  }
0x21b: {  	[sflag:s17] =	ssyncset.done $0x0  }
0x21c: {  	s7 =	rddreg [dreg:$0x8];
	[sflag:s17] =	ssyncadd.s32 $0xFFFFD800  }
0x21d: {  	[spmem:s2] =	stream.indirect.scatter.add.f32 [tilespmem:s14], [sflag:$0x2], $0x80, s7, s12, $0xb8;
	v63 =	vld [tilespmem:$0x0]  }
0x21e: {  	_ =	swait.ge [sflag:s10], $0x2800  }
0x21f: {  	[sflag:s10] =	ssyncset.done $0x0  }
0x220: {  	[sflag:s10] =	ssyncadd.s32 $0xFFFFD800  }
0x221: {  	_ =	swait.ge [sflag:s17], $0x2800  }
0x222: {  	[sflag:s17] =	ssyncset.done $0x0  }
0x223: {  	s8 =	rddreg [dreg:$0x9];
	[sflag:s17] =	ssyncadd.s32 $0xFFFFD800  }
0x224: {  	[spmem:s2] =	stream.indirect.scatter.add.f32 [tilespmem:s15], [sflag:$0x2], $0x80, s8, s12, $0xb8;
	v63 =	vld [tilespmem:$0x0]  }
0x225: {  	_ =	swait.ge [sflag:s10], $0x2800  }
0x226: {  	[sflag:s10] =	ssyncset.done $0x0  }
0x227: {  	[sflag:s10] =	ssyncadd.s32 $0xFFFFD800  }
0x228: {  	_ =	swait.ge [sflag:s17], $0x2800  }
0x229: {  	[sflag:s17] =	ssyncset.done $0x0  }
0x22a: {  	s9 =	rddreg [dreg:$0xa];
	[sflag:s17] =	ssyncadd.s32 $0xFFFFD800  }
0x22b: {  	[spmem:s2] =	stream.indirect.scatter.add.f32 [tilespmem:s16], [sflag:$0x2], $0x80, s9, s12, $0xb8;
	v63 =	vld [tilespmem:$0x0]  }
0x22c: {  	_ =	swait.ge [sflag:s10], $0x2800  }
0x22d: {  	[sflag:s10] =	ssyncset.done $0x0  }
0x22e: {  	s7 =	rddreg [dreg:$0xb];
	[sflag:s10] =	ssyncadd.s32 $0xFFFFD800  }
0x22f: {  	[tilespmem:s13], [sflag:$0x1] =	stream.indirect.gather [hbm4b:s4+s12], $0x80, s7, s12, $0xb8;
	v63 =	vld [tilespmem:$0x0]  }
0x230: {  	s8 =	rddreg [dreg:$0xc]  }
0x231: {  	[tilespmem:s14], [sflag:$0x1] =	stream.indirect.gather [hbm4b:s4+s12], $0x80, s8, s12, $0xb8;
	v63 =	vld [tilespmem:$0x0]  }
0x232: {  	s9 =	rddreg [dreg:$0xd]  }
0x233: {  	[tilespmem:s15], [sflag:$0x1] =	stream.indirect.gather [hbm4b:s4+s12], $0x80, s9, s12, $0xb8;
	v63 =	vld [tilespmem:$0x0]  }
0x234: {  	s8 =	rddreg [dreg:$0xe]  }
0x235: {  	[tilespmem:s16], [sflag:$0x1] =	stream.indirect.gather [hbm4b:s4+s12], $0x80, s8, s12, $0xb8;
	v63 =	vld [tilespmem:$0x0]  }
0x236: {  	_ =	swait.ge [sflag:s17], $0x2800  }
0x237: {  	[sflag:s17] =	ssyncset.done $0x0  }
0x238: {  	s9 =	rddreg [dreg:$0xf];
	[sflag:s17] =	ssyncadd.s32 $0xFFFFD800  }
0x239: {  	[spmem:s2] =	stream.indirect.scatter.add.f32 [tilespmem:s13], [sflag:$0x2], $0x80, s9, s12, $0xb8;
	v63 =	vld [tilespmem:$0x0]  }
0x23a: {  	_ =	swait.ge [sflag:s10], $0x2800  }
0x23b: {  	[sflag:s10] =	ssyncset.done $0x0  }
0x23c: {  	[sflag:s10] =	ssyncadd.s32 $0xFFFFD800  }
0x23d: {  	_ =	swait.ge [sflag:s17], $0x2800  }
0x23e: {  	[sflag:s17] =	ssyncset.done $0x0  }
0x23f: {  	s7 =	rddreg [dreg:$0x10];
	[sflag:s17] =	ssyncadd.s32 $0xFFFFD800  }
0x240: {  	[spmem:s2] =	stream.indirect.scatter.add.f32 [tilespmem:s14], [sflag:$0x2], $0x80, s7, s12, $0xb8;
	v63 =	vld [tilespmem:$0x0]  }
0x241: {  	_ =	swait.ge [sflag:s10], $0x2800  }
0x242: {  	[sflag:s10] =	ssyncset.done $0x0  }
0x243: {  	[sflag:s10] =	ssyncadd.s32 $0xFFFFD800  }
0x244: {  	_ =	swait.ge [sflag:s17], $0x2800  }
0x245: {  	[sflag:s17] =	ssyncset.done $0x0  }
0x246: {  	s8 =	rddreg [dreg:$0x11];
	[sflag:s17] =	ssyncadd.s32 $0xFFFFD800  }
0x247: {  	[spmem:s2] =	stream.indirect.scatter.add.f32 [tilespmem:s15], [sflag:$0x2], $0x80, s8, s12, $0xb8;
	v63 =	vld [tilespmem:$0x0]  }
0x248: {  	_ =	swait.ge [sflag:s10], $0x2800  }
0x249: {  	[sflag:s10] =	ssyncset.done $0x0  }
0x24a: {  	[sflag:s10] =	ssyncadd.s32 $0xFFFFD800  }
0x24b: {  	_ =	swait.ge [sflag:s17], $0x2800  }
0x24c: {  	[sflag:s17] =	ssyncset.done $0x0  }
0x24d: {  	s9 =	rddreg [dreg:$0x12];
	[sflag:s17] =	ssyncadd.s32 $0xFFFFD800  }
0x24e: {  	[spmem:s2] =	stream.indirect.scatter.add.f32 [tilespmem:s16], [sflag:$0x2], $0x80, s9, s12, $0xb8;
	v63 =	vld [tilespmem:$0x0]  }
0x24f: {  	_ =	swait.ge [sflag:s10], $0x2800  }
0x250: {  	[sflag:s10] =	ssyncset.done $0x0  }
0x251: {  	s7 =	rddreg [dreg:$0x13];
	[sflag:s10] =	ssyncadd.s32 $0xFFFFD800  }
0x252: {  	[tilespmem:s13], [sflag:$0x1] =	stream.indirect.gather [hbm4b:s4+s12], $0x80, s7, s12, $0xb8;
	v63 =	vld [tilespmem:$0x0]  }
0x253: {  	s8 =	rddreg [dreg:$0x14]  }
0x254: {  	[tilespmem:s14], [sflag:$0x1] =	stream.indirect.gather [hbm4b:s4+s12], $0x80, s8, s12, $0xb8;
	v63 =	vld [tilespmem:$0x0]  }
0x255: {  	s9 =	rddreg [dreg:$0x15]  }
0x256: {  	[tilespmem:s15], [sflag:$0x1] =	stream.indirect.gather [hbm4b:s4+s12], $0x80, s9, s12, $0xb8;
	v63 =	vld [tilespmem:$0x0]  }
0x257: {  	s8 =	rddreg [dreg:$0x16]  }
0x258: {  	[tilespmem:s16], [sflag:$0x1] =	stream.indirect.gather [hbm4b:s4+s12], $0x80, s8, s12, $0xb8;
	v63 =	vld [tilespmem:$0x0]  }
0x259: {  	_ =	swait.ge [sflag:s17], $0x2800  }
0x25a: {  	[sflag:s17] =	ssyncset.done $0x0  }
0x25b: {  	s9 =	rddreg [dreg:$0x17];
	[sflag:s17] =	ssyncadd.s32 $0xFFFFD800  }
0x25c: {  	[spmem:s2] =	stream.indirect.scatter.add.f32 [tilespmem:s13], [sflag:$0x2], $0x80, s9, s12, $0xb8;
	v63 =	vld [tilespmem:$0x0]  }
0x25d: {  	_ =	swait.ge [sflag:s10], $0x2800  }
0x25e: {  	[sflag:s10] =	ssyncset.done $0x0  }
0x25f: {  	[sflag:s10] =	ssyncadd.s32 $0xFFFFD800  }
0x260: {  	_ =	swait.ge [sflag:s17], $0x2800  }
0x261: {  	[sflag:s17] =	ssyncset.done $0x0  }
0x262: {  	s7 =	rddreg [dreg:$0x18];
	[sflag:s17] =	ssyncadd.s32 $0xFFFFD800  }
0x263: {  	[spmem:s2] =	stream.indirect.scatter.add.f32 [tilespmem:s14], [sflag:$0x2], $0x80, s7, s12, $0xb8;
	v63 =	vld [tilespmem:$0x0]  }
0x264: {  	_ =	swait.ge [sflag:s10], $0x2800  }
0x265: {  	[sflag:s10] =	ssyncset.done $0x0  }
0x266: {  	[sflag:s10] =	ssyncadd.s32 $0xFFFFD800  }
0x267: {  	_ =	swait.ge [sflag:s17], $0x2800  }
0x268: {  	[sflag:s17] =	ssyncset.done $0x0  }
0x269: {  	s8 =	rddreg [dreg:$0x19];
	[sflag:s17] =	ssyncadd.s32 $0xFFFFD800  }
0x26a: {  	[spmem:s2] =	stream.indirect.scatter.add.f32 [tilespmem:s15], [sflag:$0x2], $0x80, s8, s12, $0xb8;
	v63 =	vld [tilespmem:$0x0]  }
0x26b: {  	_ =	swait.ge [sflag:s10], $0x2800  }
0x26c: {  	[sflag:s10] =	ssyncset.done $0x0  }
0x26d: {  	[sflag:s10] =	ssyncadd.s32 $0xFFFFD800  }
0x26e: {  	_ =	swait.ge [sflag:s17], $0x2800  }
0x26f: {  	[sflag:s17] =	ssyncset.done $0x0  }
0x270: {  	s9 =	rddreg [dreg:$0x1a];
	[sflag:s17] =	ssyncadd.s32 $0xFFFFD800  }
0x271: {  	[spmem:s2] =	stream.indirect.scatter.add.f32 [tilespmem:s16], [sflag:$0x2], $0x80, s9, s12, $0xb8;
	v63 =	vld [tilespmem:$0x0]  }
0x272: {  	_ =	swait.ge [sflag:s10], $0x2800  }
0x273: {  	[sflag:s10] =	ssyncset.done $0x0  }
0x274: {  	s7 =	rddreg [dreg:$0x1b];
	[sflag:s10] =	ssyncadd.s32 $0xFFFFD800  }
0x275: {  	[tilespmem:s13], [sflag:$0x1] =	stream.indirect.gather [hbm4b:s4+s12], $0x80, s7, s12, $0xb8;
	v63 =	vld [tilespmem:$0x0]  }
0x276: {  	s8 =	rddreg [dreg:$0x1c]  }
0x277: {  	[tilespmem:s14], [sflag:$0x1] =	stream.indirect.gather [hbm4b:s4+s12], $0x80, s8, s12, $0xb8;
	v63 =	vld [tilespmem:$0x0]  }
0x278: {  	s9 =	rddreg [dreg:$0x1d]  }
0x279: {  	[tilespmem:s15], [sflag:$0x1] =	stream.indirect.gather [hbm4b:s4+s12], $0x80, s9, s12, $0xb8;
	v63 =	vld [tilespmem:$0x0]  }
0x27a: {  	s8 =	rddreg [dreg:$0x1e]  }
0x27b: {  	[tilespmem:s16], [sflag:$0x1] =	stream.indirect.gather [hbm4b:s4+s12], $0x80, s8, s12, $0xb8;
	v63 =	vld [tilespmem:$0x0]  }
0x27c: {  	_ =	swait.ge [sflag:s17], $0x2800  }
0x27d: {  	[sflag:s17] =	ssyncset.done $0x0  }
0x27e: {  	s9 =	rddreg [dreg:$0x1f];
	[sflag:s17] =	ssyncadd.s32 $0xFFFFD800  }
0x27f: {  	[spmem:s2] =	stream.indirect.scatter.add.f32 [tilespmem:s13], [sflag:$0x2], $0x80, s9, s12, $0xb8;
	v63 =	vld [tilespmem:$0x0]  }
0x280: {  	_ =	swait.ge [sflag:s10], $0x2800  }
0x281: {  	[sflag:s10] =	ssyncset.done $0x0  }
0x282: {  	[sflag:s10] =	ssyncadd.s32 $0xFFFFD800  }
0x283: {  	_ =	swait.ge [sflag:s17], $0x2800  }
0x284: {  	s7 =	sld [smem:$0x7F7]  }
0x285: {  	[sflag:s17] =	ssyncset.done $0x0  }
0x286: {  	[sflag:s17] =	ssyncadd.s32 $0xFFFFD800  }
0x287: {  	[spmem:s2] =	stream.indirect.scatter.add.f32 [tilespmem:s14], [sflag:$0x2], $0x80, s7, s12, $0xb8;
	v63 =	vld [tilespmem:$0x0]  }
0x288: {  	_ =	swait.ge [sflag:s10], $0x2800  }
0x289: {  	[sflag:s10] =	ssyncset.done $0x0  }
0x28a: {  	[sflag:s10] =	ssyncadd.s32 $0xFFFFD800  }
0x28b: {  	_ =	swait.ge [sflag:s17], $0x2800  }
0x28c: {  	s8 =	sld [smem:$0x7F8]  }
0x28d: {  	[sflag:s17] =	ssyncset.done $0x0  }
0x28e: {  	[sflag:s17] =	ssyncadd.s32 $0xFFFFD800  }
0x28f: {  	[spmem:s2] =	stream.indirect.scatter.add.f32 [tilespmem:s15], [sflag:$0x2], $0x80, s8, s12, $0xb8;
	v63 =	vld [tilespmem:$0x0]  }
0x290: {  	_ =	swait.ge [sflag:s10], $0x2800  }
0x291: {  	[sflag:s10] =	ssyncset.done $0x0  }
0x292: {  	[sflag:s10] =	ssyncadd.s32 $0xFFFFD800  }
0x293: {  	_ =	swait.ge [sflag:s17], $0x2800  }
0x294: {  	s9 =	sld [smem:$0x7F9]  }
0x295: {  	[sflag:s17] =	ssyncset.done $0x0  }
0x296: {  	[sflag:s17] =	ssyncadd.s32 $0xFFFFD800  }
0x297: {  	[spmem:s2] =	stream.indirect.scatter.add.f32 [tilespmem:s16], [sflag:$0x2], $0x80, s9, s12, $0xb8;
	v63 =	vld [tilespmem:$0x0]  }
0x298: {  	_ =	swait.ge [sflag:s10], $0x2800  }
0x299: {  	s7 =	sld [smem:$0x7FA]  }
0x29a: {  	[sflag:s10] =	ssyncset.done $0x0  }
0x29b: {  	s8 =	sld [smem:$0x7FB];
	[sflag:s10] =	ssyncadd.s32 $0xFFFFD800  }
0x29c: {  	[tilespmem:s13], [sflag:$0x1] =	stream.indirect.gather [hbm4b:s4+s12], $0x80, s7, s12, $0xb8;
	v63 =	vld [tilespmem:$0x0]  }
0x29d: {  	_ = 	snop  }
0x29e: {  	[tilespmem:s14], [sflag:$0x1] =	stream.indirect.gather [hbm4b:s4+s12], $0x80, s8, s12, $0xb8;
	v63 =	vld [tilespmem:$0x0]  }
0x29f: {  	_ = 	snop  }
0x2a0: {  	[tilespmem:s15], [sflag:$0x1] =	stream.indirect.gather [hbm4b:s4+s12], $0x80, s18, s12, $0xb8;
	v63 =	vld [tilespmem:$0x0]  }
0x2a1: {  	_ = 	snop  }
0x2a2: {  	[tilespmem:s16], [sflag:$0x1] =	stream.indirect.gather [hbm4b:s4+s12], $0x80, s19, s12, $0xb8;
	v63 =	vld [tilespmem:$0x0]  }
0x2a3: {  	_ =	swait.ge [sflag:s17], $0x2800  }
0x2a4: {  	[sflag:s17] =	ssyncset.done $0x0  }
0x2a5: {  	[sflag:s17] =	ssyncadd.s32 $0xFFFFD800  }
0x2a6: {  	[spmem:s2] =	stream.indirect.scatter.add.f32 [tilespmem:s13], [sflag:$0x2], $0x80, s20, s12, $0xb8;
	v63 =	vld [tilespmem:$0x0]  }
0x2a7: {  	_ =	swait.ge [sflag:s10], $0x2800  }
0x2a8: {  	[sflag:s10] =	ssyncset.done $0x0  }
0x2a9: {  	[sflag:s10] =	ssyncadd.s32 $0xFFFFD800  }
0x2aa: {  	_ =	swait.ge [sflag:s17], $0x2800  }
0x2ab: {  	[sflag:s17] =	ssyncset.done $0x0  }
0x2ac: {  	[sflag:s17] =	ssyncadd.s32 $0xFFFFD800  }
0x2ad: {  	[spmem:s2] =	stream.indirect.scatter.add.f32 [tilespmem:s14], [sflag:$0x2], $0x80, s21, s12, $0xb8;
	v63 =	vld [tilespmem:$0x0]  }
0x2ae: {  	_ =	swait.ge [sflag:s10], $0x2800  }
0x2af: {  	[sflag:s10] =	ssyncset.done $0x0  }
0x2b0: {  	[sflag:s10] =	ssyncadd.s32 $0xFFFFD800  }
0x2b1: {  	_ =	swait.ge [sflag:s17], $0x2800  }
0x2b2: {  	[sflag:s17] =	ssyncset.done $0x0  }
0x2b3: {  	[sflag:s17] =	ssyncadd.s32 $0xFFFFD800  }
0x2b4: {  	[spmem:s2] =	stream.indirect.scatter.add.f32 [tilespmem:s15], [sflag:$0x2], $0x80, s22, s12, $0xb8;
	v63 =	vld [tilespmem:$0x0]  }
0x2b5: {  	_ =	swait.ge [sflag:s10], $0x2800  }
0x2b6: {  	[sflag:s10] =	ssyncset.done $0x0  }
0x2b7: {  	[sflag:s10] =	ssyncadd.s32 $0xFFFFD800  }
0x2b8: {  	_ =	swait.ge [sflag:s17], $0x2800  }
0x2b9: {  	[sflag:s17] =	ssyncset.done $0x0  }
0x2ba: {  	[sflag:s17] =	ssyncadd.s32 $0xFFFFD800  }
0x2bb: {  	[spmem:s2] =	stream.indirect.scatter.add.f32 [tilespmem:s16], [sflag:$0x2], $0x80, s23, s12, $0xb8;
	v63 =	vld [tilespmem:$0x0]  }
0x2bc: {  	_ =	swait.ge [sflag:s10], $0x2800  }
0x2bd: {  	[sflag:s10] =	ssyncset.done $0x0  }
0x2be: {  	[sflag:s10] =	ssyncadd.s32 $0xFFFFD800  }
0x2bf: {  	[tilespmem:s13], [sflag:$0x1] =	stream.indirect.gather [hbm4b:s4+s12], $0x80, s24, s12, $0xb8;
	v63 =	vld [tilespmem:$0x0]  }
0x2c0: {  	_ = 	snop  }
0x2c1: {  	[tilespmem:s14], [sflag:$0x1] =	stream.indirect.gather [hbm4b:s4+s12], $0x80, s25, s12, $0xb8;
	v63 =	vld [tilespmem:$0x0]  }
0x2c2: {  	_ = 	snop  }
0x2c3: {  	[tilespmem:s15], [sflag:$0x1] =	stream.indirect.gather [hbm4b:s4+s12], $0x80, s26, s12, $0xb8;
	v63 =	vld [tilespmem:$0x0]  }
0x2c4: {  	_ = 	snop  }
0x2c5: {  	[tilespmem:s16], [sflag:$0x1] =	stream.indirect.gather [hbm4b:s4+s12], $0x80, s28, s12, $0xb8;
	v63 =	vld [tilespmem:$0x0]  }
0x2c6: {  	_ =	swait.ge [sflag:s17], $0x2800  }
0x2c7: {  	[sflag:s17] =	ssyncset.done $0x0  }
0x2c8: {  	[sflag:s17] =	ssyncadd.s32 $0xFFFFD800  }
0x2c9: {  	[spmem:s2] =	stream.indirect.scatter.add.f32 [tilespmem:s13], [sflag:$0x2], $0x80, s29, s12, $0xb8;
	v63 =	vld [tilespmem:$0x0]  }
0x2ca: {  	_ =	swait.ge [sflag:s10], $0x2800  }
0x2cb: {  	[sflag:s10] =	ssyncset.done $0x0  }
0x2cc: {  	[sflag:s10] =	ssyncadd.s32 $0xFFFFD800  }
0x2cd: {  	_ =	swait.ge [sflag:s17], $0x2800  }
0x2ce: {  	[sflag:s17] =	ssyncset.done $0x0  }
0x2cf: {  	[sflag:s17] =	ssyncadd.s32 $0xFFFFD800  }
0x2d0: {  	[spmem:s2] =	stream.indirect.scatter.add.f32 [tilespmem:s14], [sflag:$0x2], $0x80, s30, s12, $0xb8;
	v63 =	vld [tilespmem:$0x0]  }
0x2d1: {  	_ =	swait.ge [sflag:s10], $0x2800  }
0x2d2: {  	[sflag:s10] =	ssyncset.done $0x0  }
0x2d3: {  	[sflag:s10] =	ssyncadd.s32 $0xFFFFD800  }
0x2d4: {  	_ =	swait.ge [sflag:s17], $0x2800  }
0x2d5: {  	[sflag:s17] =	ssyncset.done $0x0  }
0x2d6: {  	[sflag:s17] =	ssyncadd.s32 $0xFFFFD800  }
0x2d7: {  	[spmem:s2] =	stream.indirect.scatter.add.f32 [tilespmem:s15], [sflag:$0x2], $0x80, s31, s12, $0xb8;
	v63 =	vld [tilespmem:$0x0]  }
0x2d8: {  	_ =	swait.ge [sflag:s10], $0x2800  }
0x2d9: {  	[sflag:s10] =	ssyncset.done $0x0  }
0x2da: {  	[sflag:s10] =	ssyncadd.s32 $0xFFFFD800  }
0x2db: {  	_ =	swait.ge [sflag:s17], $0x2800  }
0x2dc: {  	[sflag:s17] =	ssyncset.done $0x0  }
0x2dd: {  	[sflag:s17] =	ssyncadd.s32 $0xFFFFD800  }
0x2de: {  	[spmem:s2] =	stream.indirect.scatter.add.f32 [tilespmem:s16], [sflag:$0x2], $0x80, s1, s12, $0xb8;
	v63 =	vld [tilespmem:$0x0]  }
0x2df: {  	_ =	swait.ge [sflag:s10], $0x2800  }
0x2e0: {  	[sflag:s10] =	ssyncset.done $0x0  }
0x2e1: {  	[sflag:s10] =	ssyncadd.s32 $0xFFFFD800  }
0x2e2: {  	[tilespmem:s13], [sflag:$0x1] =	stream.indirect.gather [hbm4b:s4+s12], $0x80, s0, s12, $0xb8;
	v63 =	vld [tilespmem:$0x0]  }
0x2e3: {  	_ =	swait.ge [sflag:s17], $0x2800  }
0x2e4: {  	[sflag:s17] =	ssyncset.done $0x0  }
0x2e5: {  	[sflag:s17] =	ssyncadd.s32 $0xFFFFD800  }
0x2e6: {  	[spmem:s2] =	stream.indirect.scatter.add.f32 [tilespmem:s13], [sflag:$0x2], $0x80, s5, s12, $0xb8;
	v63 =	vld [tilespmem:$0x0]  }
0x2e7: {  	_ =	swait.ge [sflag:s10], $0x2800  }
0x2e8: {  	[sflag:s10] =	ssyncset.done $0x0  }
0x2e9: {  	[sflag:s10] =	ssyncadd.s32 $0xFFFFD800  }
0x2ea: {  	[bflag:$0x0] =	sbarrier.arrive $0xFFFF  }
0x2eb: {  	s7 =	sld [smem:$0x7FC]  }
0x2ec: {  	s9 =	sld [smem:$0x7F5]  }
0x2ed: {  	s8 =	sld [smem:$0x7FD];
	_ =	sdelay $0x2  }
0x2ee: {  	[hbm:s9], [sflag:s7] =	dma.local [spmem:s8], $0x2800  }
0x2ef: {  	_ =	swait.ge [sflag:s10], $0x2800  }
0x2f0: {  	s6 =	sld [smem:$0x7F3];
	_ =	sdelay $0x2  }
0x2f1: {  	s9 =	sadd.s32 $0x1, s6;
	s6 =	sld [smem:$0x7F6];
	_ =	sdelay $0x2  }
0x2f2: {  	p0 =	sne.s32 s9, s6  }
.Ltmp1:
0x2f3: {  	_ = 	snop;
	(pc) =	sbr.rel @p0 .LBB2_1-.Ltmp1, $3  }
0x2f4: {  	_ =	sdelay $0x1  }
0x2f5: {  	[sflag:s10] =	ssyncset.done $0x0  }
0x2f6: {  	[sflag:s10] =	ssyncadd.s32 $0xFFFFD800  }
0x2f7: {  	_ =	sfence.sel $0x180000  }
0x2f8: {  	[bflag:$0x0] =	sbarrier.arrive $0xFFFF  }
0x2f9: {  	_ =	strace $0x90000053  }
0x2fa: {  	s0 =	stileid.u32;
	[bflag:$0x2] =	sbarrier.arrive $0xFFFF  }
0x2fb: {  	p0 =	sne.s32 s0, $0x0;
	s0 =	rddreg [dreg:$0x2]  }
0x2fc: {  	s0 =	sadd.s32 @!p0 $0x100000, s0  }
0x2fd: {  	[sflag:s0] =	ssyncadd.tile.s32 @!p0 $0x1;
	_ =	shalt  }
.Lfunc_end2:
_tile_overlayer_lowered:
.L_overlay_start_2:
0x2fe: {  	(tag) =	ssettag $0x2  }
0x2ff: {  	s0 =	rddreg [dreg:$0x0];
	s2 =	stileid.u32  }
0x300: {  	s1 =	rddreg [dreg:$0x1];
	p0 =	sne.s32 s2, $0x0  }
0x301: {  	s3 =	rddreg [dreg:$0x2];
	[bflag:$0x3] =	sbarrier.arrive $0xFFFF;
	s2 =	simm.s32 @!p0 $0x1C02  }
0x302: {  	[timem:s3], [sflag:s2] =	dma.local @!p0 [hbm:s0], s1  }
0x303: {  	s0 =	simm.s32 @!p0 $0x2  }
0x304: {  	_ =	swait.ge @!p0 [sflag:s0], s1  }
0x305: {  	s1 =	ssub.s32 @!p0 $0x0, s1;
	[sflag:s0] =	ssyncset.done @!p0 $0x0  }
0x306: {  	[sflag:s0] =	ssyncadd.s32 @!p0 s1  }
0x307: {  	[bflag:$0x3] =	sbarrier.arrive $0xFFFF  }
0x308: {  	_ =	shalt  }

</sc_bundles>
